<compile_context>
chip_gen: v7x
topology: tpu7x:2x2x1
jax: 0.10.2.dev20260603
libtpu: 0.0.44.dev20260713+nightly
codegen_flags: <defaults>
</compile_context>

<pallas_src>
import functools

import jax
import jax.numpy as jnp
from jax import lax
from jax.experimental import pallas as pl
from jax.experimental.pallas import tpu as pltpu
from jax.experimental.pallas import tpu_sc as plsc

SKU_D = 64
CAT_D = 32
EVT_D = 16
OUT_D = SKU_D + CAT_D + EVT_D
CAT_V = 1001
EVT_V = 11

NW = 32
BL = 128
L = 16
NDH = OUT_D // 8
SKU_DH = SKU_D // 8
CE_DH = NDH - SKU_DH


@functools.lru_cache(maxsize=None)
def _make_kernel(B: int, H: int):
    nbh = B // BL
    bh_per_w = nbh // NW
    assert nbh % NW == 0 and H % 2 == 0
    mesh = plsc.VectorSubcoreMesh(core_axis_name="c", subcore_axis_name="s")

    @functools.partial(
        pl.kernel,
        out_type=jax.ShapeDtypeStruct((H, NDH, nbh, 8, BL), jnp.float32),
        mesh=mesh,
        compiler_params=pltpu.CompilerParams(
            use_tc_tiling_on_sc=False, needs_layout_passes=False),
        scratch_types=[
            pltpu.VMEM((BL * H,), jnp.int32),
            pltpu.VMEM((BL * H,), jnp.int32),
            pltpu.VMEM((BL * H,), jnp.int32),
            pltpu.VMEM((BL,), jnp.int32),
            pltpu.VMEM((BL,), jnp.int32),
            pltpu.VMEM((BL, SKU_D), jnp.float32),
            pltpu.VMEM((BL, SKU_D), jnp.float32),
            pltpu.VMEM((NDH, 8, BL), jnp.float32),
            pltpu.VMEM((NDH, 8, BL), jnp.float32),
            pltpu.VMEM((CAT_V * CAT_D,), jnp.float32),
            pltpu.VMEM((EVT_V * EVT_D,), jnp.float32),
            pltpu.SemaphoreType.DMA,
            pltpu.SemaphoreType.DMA,
            pltpu.SemaphoreType.DMA,
            pltpu.SemaphoreType.DMA,
        ],
    )
    def k(sidx_h, cidx_h, eidx_h, sku_tab, cat_tab, evt_tab, out,
          sidx_v, cidx_v, eidx_v, gl0, gl1, sbuf0, sbuf1,
          frag0, frag1, cat_v, evt_v,
          gsem0, gsem1, osem0, osem1):
        gl = (gl0, gl1)
        sbuf = (sbuf0, sbuf1)
        frag = (frag0, frag1)
        gsem = (gsem0, gsem1)
        osem = (osem0, osem1)

        wid = lax.axis_index("s") * 2 + lax.axis_index("c")

        pltpu.sync_copy(cat_tab, cat_v)
        pltpu.sync_copy(evt_tab, evt_v)

        iota = lax.iota(jnp.int32, L)
        iotaH = iota * H
        rots = [(iota + d) & (L - 1) for d in range(L)]

        def build_glist(q, h):
            for g in range(BL // L):
                vec = plsc.load_gather(sidx_v, [iotaH + (g * L * H + h)])
                gl[q][pl.ds(g * L, L)] = vec

        def fire_gather(q):
            return pltpu.async_copy(sku_tab.at[gl[q]], sbuf[q], gsem[q])

        def drain_writes(q, bh):
            pltpu.make_async_copy(frag[q], out.at[0, :, bh], osem[q]).wait()

        @pl.loop(0, bh_per_w)
        def _(bh_i):
            bh = wid * bh_per_w + bh_i
            pltpu.sync_copy(sidx_h.at[pl.ds(bh * BL * H, BL * H)], sidx_v)
            pltpu.sync_copy(cidx_h.at[pl.ds(bh * BL * H, BL * H)], cidx_v)
            pltpu.sync_copy(eidx_h.at[pl.ds(bh * BL * H, BL * H)], eidx_v)

            build_glist(0, 0)
            fire_gather(0)

            @pl.loop(0, H, step=2)
            def _(h0):
                for p in range(2):
                    h = h0 + p

                    @pl.when(h < H - 1)
                    def _():
                        build_glist(1 - p, h + 1)
                        fire_gather(1 - p)

                    @pl.when(h0 >= 2)
                    def _():
                        drain_writes(p, bh)

                    pltpu.make_async_copy(
                        sku_tab.at[gl[p]], sbuf[p], gsem[p]).wait()

                    @pl.loop(0, BL // L)
                    def _(g):
                        lane_rows = iotaH + (g * L * H + h)
                        ci = plsc.load_gather(cidx_v, [lane_rows]) * CAT_D
                        ei = plsc.load_gather(eidx_v, [lane_rows]) * EVT_D
                        rows = iota + g * L
                        for f in range(CE_DH):
                            for dl in range(8):
                                col = f * 8 + dl
                                if col < CAT_D:
                                    vals = plsc.load_gather(cat_v, [ci + col])
                                else:
                                    vals = plsc.load_gather(
                                        evt_v, [ei + (col - CAT_D)])
                                frag[p][SKU_DH + f, dl,
                                        pl.ds(g * L, L)] = vals
                        for q in range(SKU_D // L):
                            for d in range(L):
                                c = rots[d] + (q * L)
                                vals = plsc.load_gather(sbuf[p], [rows, c])
                                plsc.store_scatter(
                                    frag[p], [c >> 3, c & 7, rows], vals)

                    pltpu.async_copy(frag[p], out.at[h, :, bh], osem[p])

            for p in range(2):
                drain_writes(p, bh)

    return k


def kernel(sku, category, event_type, sku_table, category_table, event_type_table):
    B, H = sku.shape
    sku_i = sku.reshape(B * H).astype(jnp.int32)
    cat_i = category.reshape(B * H).astype(jnp.int32)
    evt_i = event_type.reshape(B * H).astype(jnp.int32)
    out5 = _make_kernel(B, H)(
        sku_i, cat_i, evt_i,
        sku_table.astype(jnp.float32),
        category_table.reshape(CAT_V * CAT_D).astype(jnp.float32),
        event_type_table.reshape(EVT_V * EVT_D).astype(jnp.float32),
    )
    return jnp.transpose(out5, (2, 4, 0, 1, 3)).reshape(B, H, OUT_D)

# --- scband reference (transcript-rebuilt; emitter-appended) ---
"""Pipeline reference for scband-embedding-layer-23089744183811 (READ-ONLY COPY).

The authoritative reference and input builder live on the scoring server;
editing this copy changes nothing except your own understanding.
"""

import jax, jax.numpy as jnp
import numpy as np

SKU_EMBEDDING_DIM = 64
CATEGORY_EMBEDDING_DIM = 32
EVENT_TYPE_EMBEDDING_DIM = 16
SKU_VOCAB = 1000000
CATEGORY_VOCAB = 1000
EVENT_TYPE_VOCAB = 10
BATCH = 16384
HIST = 50


def setup_inputs(seed: int = 0) -> dict:
    key = jax.random.key(seed)
    k1, k2, k3, k4, k5, k6 = jax.random.split(key, 6)
    sku = jax.random.randint(k1, (BATCH, HIST), 0, SKU_VOCAB + 1, dtype=jnp.int64 if jax.config.jax_enable_x64 else jnp.int32)
    category = jax.random.randint(k2, (BATCH, HIST), 0, CATEGORY_VOCAB + 1, dtype=jnp.int64 if jax.config.jax_enable_x64 else jnp.int32)
    event_type = jax.random.randint(k3, (BATCH, HIST), 0, EVENT_TYPE_VOCAB + 1, dtype=jnp.int64 if jax.config.jax_enable_x64 else jnp.int32)
    sku_table = jax.random.normal(k4, (SKU_VOCAB + 1, SKU_EMBEDDING_DIM), dtype=jnp.float32)
    category_table = jax.random.normal(k5, (CATEGORY_VOCAB + 1, CATEGORY_EMBEDDING_DIM), dtype=jnp.float32)
    event_type_table = jax.random.normal(k6, (EVENT_TYPE_VOCAB + 1, EVENT_TYPE_EMBEDDING_DIM), dtype=jnp.float32)
    # padding_idx=0: zero out row 0 of each table (matches nn.Embedding padding_idx init)
    sku_table = sku_table.at[0].set(0.0)
    category_table = category_table.at[0].set(0.0)
    event_type_table = event_type_table.at[0].set(0.0)
    return {
        "sku": sku,
        "category": category,
        "event_type": event_type,
        "sku_table": sku_table,
        "category_table": category_table,
        "event_type_table": event_type_table,
    }


def reference(sku, category, event_type, sku_table, category_table, event_type_table):
    sku_emb = jnp.take(sku_table, sku, axis=0)
    category_emb = jnp.take(category_table, category, axis=0)
    event_type_emb = jnp.take(event_type_table, event_type, axis=0)
    return jnp.concatenate([sku_emb, category_emb, event_type_emb], axis=-1)

if __name__ == "__main__":
    import jax
    _d = setup_inputs()
    print(jax.jit(kernel)(*tuple(_d.values())))

</pallas_src>

<mosaic_0001>
#map = affine_map<(d0, d1) -> (0)>
#map1 = affine_map<(d0, d1) -> (0, 0)>
#map2 = affine_map<(d0, d1) -> (0, 0, 0, 0, 0)>
module attributes {stable_mosaic.version = 14 : i64} {
  func.func @k(%arg0: i32, %arg1: i32, %arg2: memref<819200xi32, #tpu.memory_space<hbm>>, %arg3: memref<819200xi32, #tpu.memory_space<hbm>>, %arg4: memref<819200xi32, #tpu.memory_space<hbm>>, %arg5: memref<1000001x64xf32, #tpu.memory_space<hbm>>, %arg6: memref<32032xf32, #tpu.memory_space<hbm>>, %arg7: memref<176xf32, #tpu.memory_space<hbm>>, %arg8: memref<50x14x128x8x128xf32, #tpu.memory_space<hbm>>, %arg9: memref<6400xi32, #tpu.memory_space<vmem>>, %arg10: memref<6400xi32, #tpu.memory_space<vmem>>, %arg11: memref<6400xi32, #tpu.memory_space<vmem>>, %arg12: memref<128xi32, #tpu.memory_space<vmem>>, %arg13: memref<128xi32, #tpu.memory_space<vmem>>, %arg14: memref<128x64xf32, #tpu.memory_space<vmem>>, %arg15: memref<128x64xf32, #tpu.memory_space<vmem>>, %arg16: memref<14x8x128xf32, #tpu.memory_space<vmem>>, %arg17: memref<14x8x128xf32, #tpu.memory_space<vmem>>, %arg18: memref<32032xf32, #tpu.memory_space<vmem>>, %arg19: memref<176xf32, #tpu.memory_space<vmem>>, %arg20: memref<!tpu.dma_semaphore, #tpu.memory_space<semaphore_mem>>, %arg21: memref<!tpu.dma_semaphore, #tpu.memory_space<semaphore_mem>>, %arg22: memref<!tpu.dma_semaphore, #tpu.memory_space<semaphore_mem>>, %arg23: memref<!tpu.dma_semaphore, #tpu.memory_space<semaphore_mem>>) attributes {dimension_semantics = [#tpu.dimension_semantics<core_parallel>, #tpu.dimension_semantics<subcore_parallel>], iteration_bounds = array<i64: 2, 16>, scalar_prefetch = 0 : i64, scratch_operands = 15 : i64, tpu.core_type = #tpu.core_type<sc_vector_subcore>, window_params = [{transform_indices = #map}, {transform_indices = #map}, {transform_indices = #map}, {transform_indices = #map1}, {transform_indices = #map}, {transform_indices = #map}, {transform_indices = #map2}]} {
    %mul3A = arith.constant 2 : i32
    %mul3A_0 = arith.muli %arg1, %mul3A : i32
    %add3A = arith.addi %mul3A_0, %arg0 : i32
    "tpu.region"() ({
      %run_scoped3A = tpu.sem_alloc : memref<!tpu.dma_semaphore, #tpu.memory_space<semaphore_mem>>
      tpu.enqueue_dma source(%arg6 : memref<32032xf32, #tpu.memory_space<hbm>>) target(%arg18 : memref<32032xf32, #tpu.memory_space<vmem>>) target_semaphore(%run_scoped3A : memref<!tpu.dma_semaphore, #tpu.memory_space<semaphore_mem>>)
      tpu.wait_dma2 semaphore(%run_scoped3A : memref<!tpu.dma_semaphore, #tpu.memory_space<semaphore_mem>>) src(%arg6 : memref<32032xf32, #tpu.memory_space<hbm>>) dst(%arg18 : memref<32032xf32, #tpu.memory_space<vmem>>)
      tpu.yield
    }) : () -> ()
    "tpu.region"() ({
      %run_scoped3A = tpu.sem_alloc : memref<!tpu.dma_semaphore, #tpu.memory_space<semaphore_mem>>
      tpu.enqueue_dma source(%arg7 : memref<176xf32, #tpu.memory_space<hbm>>) target(%arg19 : memref<176xf32, #tpu.memory_space<vmem>>) target_semaphore(%run_scoped3A : memref<!tpu.dma_semaphore, #tpu.memory_space<semaphore_mem>>)
      tpu.wait_dma2 semaphore(%run_scoped3A : memref<!tpu.dma_semaphore, #tpu.memory_space<semaphore_mem>>) src(%arg7 : memref<176xf32, #tpu.memory_space<hbm>>) dst(%arg19 : memref<176xf32, #tpu.memory_space<vmem>>)
      tpu.yield
    }) : () -> ()
    %iota3A = tpu.iota {dimensions = array<i32: 0>} : vector<16xi32>
    %mul3A_1 = arith.constant 50 : i32
    %mul3A_2 = vector.broadcast %mul3A_1 : i32 to vector<16xi32>
    %mul3A_3 = arith.muli %iota3A, %mul3A_2 : vector<16xi32>
    %add3A_4 = arith.constant 0 : i32
    %add3A_5 = vector.broadcast %add3A_4 : i32 to vector<16xi32>
    %add3A_6 = arith.addi %iota3A, %add3A_5 : vector<16xi32>
    %and3A = arith.constant 15 : i32
    %and3A_7 = vector.broadcast %and3A : i32 to vector<16xi32>
    %and3A_8 = arith.andi %add3A_6, %and3A_7 : vector<16xi32>
    %add3A_9 = arith.constant 1 : i32
    %add3A_10 = vector.broadcast %add3A_9 : i32 to vector<16xi32>
    %add3A_11 = arith.addi %iota3A, %add3A_10 : vector<16xi32>
    %and3A_12 = arith.constant 15 : i32
    %and3A_13 = vector.broadcast %and3A_12 : i32 to vector<16xi32>
    %and3A_14 = arith.andi %add3A_11, %and3A_13 : vector<16xi32>
    %add3A_15 = arith.constant 2 : i32
    %add3A_16 = vector.broadcast %add3A_15 : i32 to vector<16xi32>
    %add3A_17 = arith.addi %iota3A, %add3A_16 : vector<16xi32>
    %and3A_18 = arith.constant 15 : i32
    %and3A_19 = vector.broadcast %and3A_18 : i32 to vector<16xi32>
    %and3A_20 = arith.andi %add3A_17, %and3A_19 : vector<16xi32>
    %add3A_21 = arith.constant 3 : i32
    %add3A_22 = vector.broadcast %add3A_21 : i32 to vector<16xi32>
    %add3A_23 = arith.addi %iota3A, %add3A_22 : vector<16xi32>
    %and3A_24 = arith.constant 15 : i32
    %and3A_25 = vector.broadcast %and3A_24 : i32 to vector<16xi32>
    %and3A_26 = arith.andi %add3A_23, %and3A_25 : vector<16xi32>
    %add3A_27 = arith.constant 4 : i32
    %add3A_28 = vector.broadcast %add3A_27 : i32 to vector<16xi32>
    %add3A_29 = arith.addi %iota3A, %add3A_28 : vector<16xi32>
    %and3A_30 = arith.constant 15 : i32
    %and3A_31 = vector.broadcast %and3A_30 : i32 to vector<16xi32>
    %and3A_32 = arith.andi %add3A_29, %and3A_31 : vector<16xi32>
    %add3A_33 = arith.constant 5 : i32
    %add3A_34 = vector.broadcast %add3A_33 : i32 to vector<16xi32>
    %add3A_35 = arith.addi %iota3A, %add3A_34 : vector<16xi32>
    %and3A_36 = arith.constant 15 : i32
    %and3A_37 = vector.broadcast %and3A_36 : i32 to vector<16xi32>
    %and3A_38 = arith.andi %add3A_35, %and3A_37 : vector<16xi32>
    %add3A_39 = arith.constant 6 : i32
    %add3A_40 = vector.broadcast %add3A_39 : i32 to vector<16xi32>
    %add3A_41 = arith.addi %iota3A, %add3A_40 : vector<16xi32>
    %and3A_42 = arith.constant 15 : i32
    %and3A_43 = vector.broadcast %and3A_42 : i32 to vector<16xi32>
    %and3A_44 = arith.andi %add3A_41, %and3A_43 : vector<16xi32>
    %add3A_45 = arith.constant 7 : i32
    %add3A_46 = vector.broadcast %add3A_45 : i32 to vector<16xi32>
    %add3A_47 = arith.addi %iota3A, %add3A_46 : vector<16xi32>
    %and3A_48 = arith.constant 15 : i32
    %and3A_49 = vector.broadcast %and3A_48 : i32 to vector<16xi32>
    %and3A_50 = arith.andi %add3A_47, %and3A_49 : vector<16xi32>
    %add3A_51 = arith.constant 8 : i32
    %add3A_52 = vector.broadcast %add3A_51 : i32 to vector<16xi32>
    %add3A_53 = arith.addi %iota3A, %add3A_52 : vector<16xi32>
    %and3A_54 = arith.constant 15 : i32
    %and3A_55 = vector.broadcast %and3A_54 : i32 to vector<16xi32>
    %and3A_56 = arith.andi %add3A_53, %and3A_55 : vector<16xi32>
    %add3A_57 = arith.constant 9 : i32
    %add3A_58 = vector.broadcast %add3A_57 : i32 to vector<16xi32>
    %add3A_59 = arith.addi %iota3A, %add3A_58 : vector<16xi32>
    %and3A_60 = arith.constant 15 : i32
    %and3A_61 = vector.broadcast %and3A_60 : i32 to vector<16xi32>
    %and3A_62 = arith.andi %add3A_59, %and3A_61 : vector<16xi32>
    %add3A_63 = arith.constant 10 : i32
    %add3A_64 = vector.broadcast %add3A_63 : i32 to vector<16xi32>
    %add3A_65 = arith.addi %iota3A, %add3A_64 : vector<16xi32>
    %and3A_66 = arith.constant 15 : i32
    %and3A_67 = vector.broadcast %and3A_66 : i32 to vector<16xi32>
    %and3A_68 = arith.andi %add3A_65, %and3A_67 : vector<16xi32>
    %add3A_69 = arith.constant 11 : i32
    %add3A_70 = vector.broadcast %add3A_69 : i32 to vector<16xi32>
    %add3A_71 = arith.addi %iota3A, %add3A_70 : vector<16xi32>
    %and3A_72 = arith.constant 15 : i32
    %and3A_73 = vector.broadcast %and3A_72 : i32 to vector<16xi32>
    %and3A_74 = arith.andi %add3A_71, %and3A_73 : vector<16xi32>
    %add3A_75 = arith.constant 12 : i32
    %add3A_76 = vector.broadcast %add3A_75 : i32 to vector<16xi32>
    %add3A_77 = arith.addi %iota3A, %add3A_76 : vector<16xi32>
    %and3A_78 = arith.constant 15 : i32
    %and3A_79 = vector.broadcast %and3A_78 : i32 to vector<16xi32>
    %and3A_80 = arith.andi %add3A_77, %and3A_79 : vector<16xi32>
    %add3A_81 = arith.constant 13 : i32
    %add3A_82 = vector.broadcast %add3A_81 : i32 to vector<16xi32>
    %add3A_83 = arith.addi %iota3A, %add3A_82 : vector<16xi32>
    %and3A_84 = arith.constant 15 : i32
    %and3A_85 = vector.broadcast %and3A_84 : i32 to vector<16xi32>
    %and3A_86 = arith.andi %add3A_83, %and3A_85 : vector<16xi32>
    %add3A_87 = arith.constant 14 : i32
    %add3A_88 = vector.broadcast %add3A_87 : i32 to vector<16xi32>
    %add3A_89 = arith.addi %iota3A, %add3A_88 : vector<16xi32>
    %and3A_90 = arith.constant 15 : i32
    %and3A_91 = vector.broadcast %and3A_90 : i32 to vector<16xi32>
    %and3A_92 = arith.andi %add3A_89, %and3A_91 : vector<16xi32>
    %add3A_93 = arith.constant 15 : i32
    %add3A_94 = vector.broadcast %add3A_93 : i32 to vector<16xi32>
    %add3A_95 = arith.addi %iota3A, %add3A_94 : vector<16xi32>
    %and3A_96 = arith.constant 15 : i32
    %and3A_97 = vector.broadcast %and3A_96 : i32 to vector<16xi32>
    %and3A_98 = arith.andi %add3A_95, %and3A_97 : vector<16xi32>
    %scan3A = arith.constant 0 : i32
    %scan3A_99 = arith.constant 4 : i32
    %scan3A_100 = arith.addi %scan3A, %scan3A_99 : i32
    %scan3A_101 = arith.constant 1 : i32
    scf.for %scan3A_103 = %scan3A to %scan3A_100 step %scan3A_101  : i32 {
      %mul3A_104 = arith.constant 1 : i32
      %mul3A_105 = arith.muli %scan3A_103, %mul3A_104 : i32
      %add3A_106 = arith.constant 0 : i32
      %add3A_107 = arith.addi %add3A_106, %mul3A_105 : i32
      %mul3A_108 = arith.constant 4 : i32
      %mul3A_109 = arith.muli %add3A, %mul3A_108 : i32
      %add3A_110 = arith.addi %mul3A_109, %add3A_107 : i32
      %mul3A_111 = arith.constant 128 : i32
      %mul3A_112 = arith.muli %add3A_110, %mul3A_111 : i32
      %mul3A_113 = arith.constant 50 : i32
      %mul3A_114 = arith.muli %mul3A_112, %mul3A_113 : i32
      "tpu.region"() ({
        %run_scoped3A = tpu.sem_alloc : memref<!tpu.dma_semaphore, #tpu.memory_space<semaphore_mem>>
        %dma_start3A_197 = tpu.memref_slice %arg2[%mul3A_114] : memref<819200xi32, #tpu.memory_space<hbm>> -> memref<6400xi32, #tpu.memory_space<hbm>>
        %dma_start3A_198 = tpu.memref_slice %arg2[%mul3A_114] : memref<819200xi32, #tpu.memory_space<hbm>> -> memref<6400xi32, #tpu.memory_space<hbm>>
        tpu.enqueue_dma source(%dma_start3A_198 : memref<6400xi32, #tpu.memory_space<hbm>>) target(%arg9 : memref<6400xi32, #tpu.memory_space<vmem>>) target_semaphore(%run_scoped3A : memref<!tpu.dma_semaphore, #tpu.memory_space<semaphore_mem>>)
        %dma_wait3A_199 = tpu.memref_slice %arg2[%mul3A_114] : memref<819200xi32, #tpu.memory_space<hbm>> -> memref<6400xi32, #tpu.memory_space<hbm>>
        %dma_wait3A_200 = tpu.memref_slice %arg2[%mul3A_114] : memref<819200xi32, #tpu.memory_space<hbm>> -> memref<6400xi32, #tpu.memory_space<hbm>>
        tpu.wait_dma2 semaphore(%run_scoped3A : memref<!tpu.dma_semaphore, #tpu.memory_space<semaphore_mem>>) src(%dma_wait3A_200 : memref<6400xi32, #tpu.memory_space<hbm>>) dst(%arg9 : memref<6400xi32, #tpu.memory_space<vmem>>)
        tpu.yield
      }) : () -> ()
      %mul3A_115 = arith.constant 128 : i32
      %mul3A_116 = arith.muli %add3A_110, %mul3A_115 : i32
      %mul3A_117 = arith.constant 50 : i32
      %mul3A_118 = arith.muli %mul3A_116, %mul3A_117 : i32
      "tpu.region"() ({
        %run_scoped3A = tpu.sem_alloc : memref<!tpu.dma_semaphore, #tpu.memory_space<semaphore_mem>>
        %dma_start3A_197 = tpu.memref_slice %arg3[%mul3A_118] : memref<819200xi32, #tpu.memory_space<hbm>> -> memref<6400xi32, #tpu.memory_space<hbm>>
        %dma_start3A_198 = tpu.memref_slice %arg3[%mul3A_118] : memref<819200xi32, #tpu.memory_space<hbm>> -> memref<6400xi32, #tpu.memory_space<hbm>>
        tpu.enqueue_dma source(%dma_start3A_198 : memref<6400xi32, #tpu.memory_space<hbm>>) target(%arg10 : memref<6400xi32, #tpu.memory_space<vmem>>) target_semaphore(%run_scoped3A : memref<!tpu.dma_semaphore, #tpu.memory_space<semaphore_mem>>)
        %dma_wait3A_199 = tpu.memref_slice %arg3[%mul3A_118] : memref<819200xi32, #tpu.memory_space<hbm>> -> memref<6400xi32, #tpu.memory_space<hbm>>
        %dma_wait3A_200 = tpu.memref_slice %arg3[%mul3A_118] : memref<819200xi32, #tpu.memory_space<hbm>> -> memref<6400xi32, #tpu.memory_space<hbm>>
        tpu.wait_dma2 semaphore(%run_scoped3A : memref<!tpu.dma_semaphore, #tpu.memory_space<semaphore_mem>>) src(%dma_wait3A_200 : memref<6400xi32, #tpu.memory_space<hbm>>) dst(%arg10 : memref<6400xi32, #tpu.memory_space<vmem>>)
        tpu.yield
      }) : () -> ()
      %mul3A_119 = arith.constant 128 : i32
      %mul3A_120 = arith.muli %add3A_110, %mul3A_119 : i32
      %mul3A_121 = arith.constant 50 : i32
      %mul3A_122 = arith.muli %mul3A_120, %mul3A_121 : i32
      "tpu.region"() ({
        %run_scoped3A = tpu.sem_alloc : memref<!tpu.dma_semaphore, #tpu.memory_space<semaphore_mem>>
        %dma_start3A_197 = tpu.memref_slice %arg4[%mul3A_122] : memref<819200xi32, #tpu.memory_space<hbm>> -> memref<6400xi32, #tpu.memory_space<hbm>>
        %dma_start3A_198 = tpu.memref_slice %arg4[%mul3A_122] : memref<819200xi32, #tpu.memory_space<hbm>> -> memref<6400xi32, #tpu.memory_space<hbm>>
        tpu.enqueue_dma source(%dma_start3A_198 : memref<6400xi32, #tpu.memory_space<hbm>>) target(%arg11 : memref<6400xi32, #tpu.memory_space<vmem>>) target_semaphore(%run_scoped3A : memref<!tpu.dma_semaphore, #tpu.memory_space<semaphore_mem>>)
        %dma_wait3A_199 = tpu.memref_slice %arg4[%mul3A_122] : memref<819200xi32, #tpu.memory_space<hbm>> -> memref<6400xi32, #tpu.memory_space<hbm>>
        %dma_wait3A_200 = tpu.memref_slice %arg4[%mul3A_122] : memref<819200xi32, #tpu.memory_space<hbm>> -> memref<6400xi32, #tpu.memory_space<hbm>>
        tpu.wait_dma2 semaphore(%run_scoped3A : memref<!tpu.dma_semaphore, #tpu.memory_space<semaphore_mem>>) src(%dma_wait3A_200 : memref<6400xi32, #tpu.memory_space<hbm>>) dst(%arg11 : memref<6400xi32, #tpu.memory_space<vmem>>)
        tpu.yield
      }) : () -> ()
      %add3A_123 = arith.constant 0 : i32
      %add3A_124 = vector.broadcast %add3A_123 : i32 to vector<16xi32>
      %add3A_125 = arith.addi %mul3A_3, %add3A_124 : vector<16xi32>
      %gather3A = tpu.vector_load_idx %arg9[%add3A_125] : memref<6400xi32, #tpu.memory_space<vmem>>[vector<16xi32>], vector<16xi32>,
      %swap3A = arith.constant 0 : index
      %swap3A_126 = tpu.vector_load %arg12[%swap3A] {strides = array<i32>} : memref<128xi32, #tpu.memory_space<vmem>>, vector<16xi32>,
      tpu.vector_store %arg12[%swap3A], %gather3A {strides = array<i32>} : memref<128xi32, #tpu.memory_space<vmem>>, vector<16xi32>,
      %add3A_127 = arith.constant 800 : i32
      %add3A_128 = vector.broadcast %add3A_127 : i32 to vector<16xi32>
      %add3A_129 = arith.addi %mul3A_3, %add3A_128 : vector<16xi32>
      %gather3A_130 = tpu.vector_load_idx %arg9[%add3A_129] : memref<6400xi32, #tpu.memory_space<vmem>>[vector<16xi32>], vector<16xi32>,
      %swap3A_131 = arith.constant 16 : index
      %swap3A_132 = tpu.vector_load %arg12[%swap3A_131] {strides = array<i32>} : memref<128xi32, #tpu.memory_space<vmem>>, vector<16xi32>,
      tpu.vector_store %arg12[%swap3A_131], %gather3A_130 {strides = array<i32>} : memref<128xi32, #tpu.memory_space<vmem>>, vector<16xi32>,
      %add3A_133 = arith.constant 1600 : i32
      %add3A_134 = vector.broadcast %add3A_133 : i32 to vector<16xi32>
      %add3A_135 = arith.addi %mul3A_3, %add3A_134 : vector<16xi32>
      %gather3A_136 = tpu.vector_load_idx %arg9[%add3A_135] : memref<6400xi32, #tpu.memory_space<vmem>>[vector<16xi32>], vector<16xi32>,
      %swap3A_137 = arith.constant 32 : index
      %swap3A_138 = tpu.vector_load %arg12[%swap3A_137] {strides = array<i32>} : memref<128xi32, #tpu.memory_space<vmem>>, vector<16xi32>,
      tpu.vector_store %arg12[%swap3A_137], %gather3A_136 {strides = array<i32>} : memref<128xi32, #tpu.memory_space<vmem>>, vector<16xi32>,
      %add3A_139 = arith.constant 2400 : i32
      %add3A_140 = vector.broadcast %add3A_139 : i32 to vector<16xi32>
      %add3A_141 = arith.addi %mul3A_3, %add3A_140 : vector<16xi32>
      %gather3A_142 = tpu.vector_load_idx %arg9[%add3A_141] : memref<6400xi32, #tpu.memory_space<vmem>>[vector<16xi32>], vector<16xi32>,
      %swap3A_143 = arith.constant 48 : index
      %swap3A_144 = tpu.vector_load %arg12[%swap3A_143] {strides = array<i32>} : memref<128xi32, #tpu.memory_space<vmem>>, vector<16xi32>,
      tpu.vector_store %arg12[%swap3A_143], %gather3A_142 {strides = array<i32>} : memref<128xi32, #tpu.memory_space<vmem>>, vector<16xi32>,
      %add3A_145 = arith.constant 3200 : i32
      %add3A_146 = vector.broadcast %add3A_145 : i32 to vector<16xi32>
      %add3A_147 = arith.addi %mul3A_3, %add3A_146 : vector<16xi32>
      %gather3A_148 = tpu.vector_load_idx %arg9[%add3A_147] : memref<6400xi32, #tpu.memory_space<vmem>>[vector<16xi32>], vector<16xi32>,
      %swap3A_149 = arith.constant 64 : index
      %swap3A_150 = tpu.vector_load %arg12[%swap3A_149] {strides = array<i32>} : memref<128xi32, #tpu.memory_space<vmem>>, vector<16xi32>,
      tpu.vector_store %arg12[%swap3A_149], %gather3A_148 {strides = array<i32>} : memref<128xi32, #tpu.memory_space<vmem>>, vector<16xi32>,
      %add3A_151 = arith.constant 4000 : i32
      %add3A_152 = vector.broadcast %add3A_151 : i32 to vector<16xi32>
      %add3A_153 = arith.addi %mul3A_3, %add3A_152 : vector<16xi32>
      %gather3A_154 = tpu.vector_load_idx %arg9[%add3A_153] : memref<6400xi32, #tpu.memory_space<vmem>>[vector<16xi32>], vector<16xi32>,
      %swap3A_155 = arith.constant 80 : index
      %swap3A_156 = tpu.vector_load %arg12[%swap3A_155] {strides = array<i32>} : memref<128xi32, #tpu.memory_space<vmem>>, vector<16xi32>,
      tpu.vector_store %arg12[%swap3A_155], %gather3A_154 {strides = array<i32>} : memref<128xi32, #tpu.memory_space<vmem>>, vector<16xi32>,
      %add3A_157 = arith.constant 4800 : i32
      %add3A_158 = vector.broadcast %add3A_157 : i32 to vector<16xi32>
      %add3A_159 = arith.addi %mul3A_3, %add3A_158 : vector<16xi32>
      %gather3A_160 = tpu.vector_load_idx %arg9[%add3A_159] : memref<6400xi32, #tpu.memory_space<vmem>>[vector<16xi32>], vector<16xi32>,
      %swap3A_161 = arith.constant 96 : index
      %swap3A_162 = tpu.vector_load %arg12[%swap3A_161] {strides = array<i32>} : memref<128xi32, #tpu.memory_space<vmem>>, vector<16xi32>,
      tpu.vector_store %arg12[%swap3A_161], %gather3A_160 {strides = array<i32>} : memref<128xi32, #tpu.memory_space<vmem>>, vector<16xi32>,
      %add3A_163 = arith.constant 5600 : i32
      %add3A_164 = vector.broadcast %add3A_163 : i32 to vector<16xi32>
      %add3A_165 = arith.addi %mul3A_3, %add3A_164 : vector<16xi32>
      %gather3A_166 = tpu.vector_load_idx %arg9[%add3A_165] : memref<6400xi32, #tpu.memory_space<vmem>>[vector<16xi32>], vector<16xi32>,
      %swap3A_167 = arith.constant 112 : index
      %swap3A_168 = tpu.vector_load %arg12[%swap3A_167] {strides = array<i32>} : memref<128xi32, #tpu.memory_space<vmem>>, vector<16xi32>,
      tpu.vector_store %arg12[%swap3A_167], %gather3A_166 {strides = array<i32>} : memref<128xi32, #tpu.memory_space<vmem>>, vector<16xi32>,
      %dma_start3A = arith.constant 0 : i32
      %dma_start3A_169 = arith.constant 0 : i32
      %dma_start3A_170 = tpu.memref_slice %arg5[%dma_start3A, %dma_start3A_169] : memref<1000001x64xf32, #tpu.memory_space<hbm>> -> memref<1000001x64xf32, #tpu.memory_space<hbm>>
      tpu.enqueue_indirect_dma source(%dma_start3A_170 : memref<1000001x64xf32, #tpu.memory_space<hbm>>) target(%arg14 : memref<128x64xf32, #tpu.memory_space<vmem>>) offsets(%arg12 : memref<128xi32, #tpu.memory_space<vmem>>) semaphore(%arg20 : memref<!tpu.dma_semaphore, #tpu.memory_space<semaphore_mem>>)
      %scan3A_171 = arith.constant 0 : i32
      %scan3A_172 = arith.constant 25 : i32
      %scan3A_173 = arith.addi %scan3A_171, %scan3A_172 : i32
      %scan3A_174 = arith.constant 1 : i32
      scf.for %scan3A_197 = %scan3A_171 to %scan3A_173 step %scan3A_174  : i32 {
        %mul3A_198 = arith.constant 2 : i32
        %mul3A_199 = arith.muli %scan3A_197, %mul3A_198 : i32
        %add3A_200 = arith.constant 0 : i32
        %add3A_201 = arith.addi %add3A_200, %mul3A_199 : i32
        %add3A_202 = arith.constant 0 : i32
        %add3A_203 = arith.addi %add3A_201, %add3A_202 : i32
        %lt3A = arith.constant 49 : i32
        %lt3A_204 = arith.cmpi slt, %add3A_203, %lt3A : i32
        %convert_element_type3A = arith.extui %lt3A_204 : i1 to i32
        %cond3A = arith.constant 0 : i32
        %cond3A_205 = arith.cmpi ne, %convert_element_type3A, %cond3A : i32
        scf.if %cond3A_205 {
          %add3A_258 = arith.constant 1 : i32
          %add3A_259 = arith.addi %add3A_203, %add3A_258 : i32
          %add3A_260 = arith.constant 0 : i32
          %add3A_261 = arith.addi %add3A_260, %add3A_259 : i32
          %add3A_262 = vector.broadcast %add3A_261 : i32 to vector<16xi32>
          %add3A_263 = arith.addi %mul3A_3, %add3A_262 : vector<16xi32>
          %gather3A_264 = tpu.vector_load_idx %arg9[%add3A_263] : memref<6400xi32, #tpu.memory_space<vmem>>[vector<16xi32>], vector<16xi32>,
          %swap3A_265 = arith.constant 0 : index
          %swap3A_266 = tpu.vector_load %arg13[%swap3A_265] {strides = array<i32>} : memref<128xi32, #tpu.memory_space<vmem>>, vector<16xi32>,
          tpu.vector_store %arg13[%swap3A_265], %gather3A_264 {strides = array<i32>} : memref<128xi32, #tpu.memory_space<vmem>>, vector<16xi32>,
          %add3A_267 = arith.constant 800 : i32
          %add3A_268 = arith.addi %add3A_267, %add3A_259 : i32
          %add3A_269 = vector.broadcast %add3A_268 : i32 to vector<16xi32>
          %add3A_270 = arith.addi %mul3A_3, %add3A_269 : vector<16xi32>
          %gather3A_271 = tpu.vector_load_idx %arg9[%add3A_270] : memref<6400xi32, #tpu.memory_space<vmem>>[vector<16xi32>], vector<16xi32>,
          %swap3A_272 = arith.constant 16 : index
          %swap3A_273 = tpu.vector_load %arg13[%swap3A_272] {strides = array<i32>} : memref<128xi32, #tpu.memory_space<vmem>>, vector<16xi32>,
          tpu.vector_store %arg13[%swap3A_272], %gather3A_271 {strides = array<i32>} : memref<128xi32, #tpu.memory_space<vmem>>, vector<16xi32>,
          %add3A_274 = arith.constant 1600 : i32
          %add3A_275 = arith.addi %add3A_274, %add3A_259 : i32
          %add3A_276 = vector.broadcast %add3A_275 : i32 to vector<16xi32>
          %add3A_277 = arith.addi %mul3A_3, %add3A_276 : vector<16xi32>
          %gather3A_278 = tpu.vector_load_idx %arg9[%add3A_277] : memref<6400xi32, #tpu.memory_space<vmem>>[vector<16xi32>], vector<16xi32>,
          %swap3A_279 = arith.constant 32 : index
          %swap3A_280 = tpu.vector_load %arg13[%swap3A_279] {strides = array<i32>} : memref<128xi32, #tpu.memory_space<vmem>>, vector<16xi32>,
          tpu.vector_store %arg13[%swap3A_279], %gather3A_278 {strides = array<i32>} : memref<128xi32, #tpu.memory_space<vmem>>, vector<16xi32>,
          %add3A_281 = arith.constant 2400 : i32
          %add3A_282 = arith.addi %add3A_281, %add3A_259 : i32
          %add3A_283 = vector.broadcast %add3A_282 : i32 to vector<16xi32>
          %add3A_284 = arith.addi %mul3A_3, %add3A_283 : vector<16xi32>
          %gather3A_285 = tpu.vector_load_idx %arg9[%add3A_284] : memref<6400xi32, #tpu.memory_space<vmem>>[vector<16xi32>], vector<16xi32>,
          %swap3A_286 = arith.constant 48 : index
          %swap3A_287 = tpu.vector_load %arg13[%swap3A_286] {strides = array<i32>} : memref<128xi32, #tpu.memory_space<vmem>>, vector<16xi32>,
          tpu.vector_store %arg13[%swap3A_286], %gather3A_285 {strides = array<i32>} : memref<128xi32, #tpu.memory_space<vmem>>, vector<16xi32>,
          %add3A_288 = arith.constant 3200 : i32
          %add3A_289 = arith.addi %add3A_288, %add3A_259 : i32
          %add3A_290 = vector.broadcast %add3A_289 : i32 to vector<16xi32>
          %add3A_291 = arith.addi %mul3A_3, %add3A_290 : vector<16xi32>
          %gather3A_292 = tpu.vector_load_idx %arg9[%add3A_291] : memref<6400xi32, #tpu.memory_space<vmem>>[vector<16xi32>], vector<16xi32>,
          %swap3A_293 = arith.constant 64 : index
          %swap3A_294 = tpu.vector_load %arg13[%swap3A_293] {strides = array<i32>} : memref<128xi32, #tpu.memory_space<vmem>>, vector<16xi32>,
          tpu.vector_store %arg13[%swap3A_293], %gather3A_292 {strides = array<i32>} : memref<128xi32, #tpu.memory_space<vmem>>, vector<16xi32>,
          %add3A_295 = arith.constant 4000 : i32
          %add3A_296 = arith.addi %add3A_295, %add3A_259 : i32
          %add3A_297 = vector.broadcast %add3A_296 : i32 to vector<16xi32>
          %add3A_298 = arith.addi %mul3A_3, %add3A_297 : vector<16xi32>
          %gather3A_299 = tpu.vector_load_idx %arg9[%add3A_298] : memref<6400xi32, #tpu.memory_space<vmem>>[vector<16xi32>], vector<16xi32>,
          %swap3A_300 = arith.constant 80 : index
          %swap3A_301 = tpu.vector_load %arg13[%swap3A_300] {strides = array<i32>} : memref<128xi32, #tpu.memory_space<vmem>>, vector<16xi32>,
          tpu.vector_store %arg13[%swap3A_300], %gather3A_299 {strides = array<i32>} : memref<128xi32, #tpu.memory_space<vmem>>, vector<16xi32>,
          %add3A_302 = arith.constant 4800 : i32
          %add3A_303 = arith.addi %add3A_302, %add3A_259 : i32
          %add3A_304 = vector.broadcast %add3A_303 : i32 to vector<16xi32>
          %add3A_305 = arith.addi %mul3A_3, %add3A_304 : vector<16xi32>
          %gather3A_306 = tpu.vector_load_idx %arg9[%add3A_305] : memref<6400xi32, #tpu.memory_space<vmem>>[vector<16xi32>], vector<16xi32>,
          %swap3A_307 = arith.constant 96 : index
          %swap3A_308 = tpu.vector_load %arg13[%swap3A_307] {strides = array<i32>} : memref<128xi32, #tpu.memory_space<vmem>>, vector<16xi32>,
          tpu.vector_store %arg13[%swap3A_307], %gather3A_306 {strides = array<i32>} : memref<128xi32, #tpu.memory_space<vmem>>, vector<16xi32>,
          %add3A_309 = arith.constant 5600 : i32
          %add3A_310 = arith.addi %add3A_309, %add3A_259 : i32
          %add3A_311 = vector.broadcast %add3A_310 : i32 to vector<16xi32>
          %add3A_312 = arith.addi %mul3A_3, %add3A_311 : vector<16xi32>
          %gather3A_313 = tpu.vector_load_idx %arg9[%add3A_312] : memref<6400xi32, #tpu.memory_space<vmem>>[vector<16xi32>], vector<16xi32>,
          %swap3A_314 = arith.constant 112 : index
          %swap3A_315 = tpu.vector_load %arg13[%swap3A_314] {strides = array<i32>} : memref<128xi32, #tpu.memory_space<vmem>>, vector<16xi32>,
          tpu.vector_store %arg13[%swap3A_314], %gather3A_313 {strides = array<i32>} : memref<128xi32, #tpu.memory_space<vmem>>, vector<16xi32>,
          %dma_start3A_316 = arith.constant 0 : i32
          %dma_start3A_317 = arith.constant 0 : i32
          %dma_start3A_318 = tpu.memref_slice %arg5[%dma_start3A_316, %dma_start3A_317] : memref<1000001x64xf32, #tpu.memory_space<hbm>> -> memref<1000001x64xf32, #tpu.memory_space<hbm>>
          tpu.enqueue_indirect_dma source(%dma_start3A_318 : memref<1000001x64xf32, #tpu.memory_space<hbm>>) target(%arg15 : memref<128x64xf32, #tpu.memory_space<vmem>>) offsets(%arg13 : memref<128xi32, #tpu.memory_space<vmem>>) semaphore(%arg21 : memref<!tpu.dma_semaphore, #tpu.memory_space<semaphore_mem>>)
        } else {
        }
        %ge3A = arith.constant 2 : i32
        %ge3A_206 = arith.cmpi sge, %add3A_201, %ge3A : i32
        %convert_element_type3A_207 = arith.extui %ge3A_206 : i1 to i32
        %cond3A_208 = arith.constant 0 : i32
        %cond3A_209 = arith.cmpi ne, %convert_element_type3A_207, %cond3A_208 : i32
        scf.if %cond3A_209 {
          %dma_wait3A_258 = arith.constant 0 : i32
          %dma_wait3A_259 = arith.constant 0 : i32
          %dma_wait3A_260 = arith.constant 0 : i32
          %dma_wait3A_261 = arith.constant 0 : i32
          %dma_wait3A_262 = tpu.memref_slice %arg8[%dma_wait3A_258, %dma_wait3A_259, %add3A_110, %dma_wait3A_260, %dma_wait3A_261] : memref<50x14x128x8x128xf32, #tpu.memory_space<hbm>> -> memref<1x14x1x8x128xf32, #tpu.memory_space<hbm>>
          %dma_wait3A_263 = tpu.memref_squeeze %dma_wait3A_262 : memref<1x14x1x8x128xf32, #tpu.memory_space<hbm>> -> memref<14x8x128xf32, #tpu.memory_space<hbm>>
          %dma_wait3A_264 = arith.constant 0 : i32
          %dma_wait3A_265 = arith.constant 0 : i32
          %dma_wait3A_266 = arith.constant 0 : i32
          %dma_wait3A_267 = tpu.memref_slice %arg8[%dma_wait3A_258, %dma_wait3A_264, %add3A_110, %dma_wait3A_265, %dma_wait3A_266] : memref<50x14x128x8x128xf32, #tpu.memory_space<hbm>> -> memref<1x14x1x8x128xf32, #tpu.memory_space<hbm>>
          %dma_wait3A_268 = tpu.memref_squeeze %dma_wait3A_267 : memref<1x14x1x8x128xf32, #tpu.memory_space<hbm>> -> memref<14x8x128xf32, #tpu.memory_space<hbm>>
          tpu.wait_dma2 semaphore(%arg22 : memref<!tpu.dma_semaphore, #tpu.memory_space<semaphore_mem>>) src(%arg16 : memref<14x8x128xf32, #tpu.memory_space<vmem>>) dst(%dma_wait3A_268 : memref<14x8x128xf32, #tpu.memory_space<hbm>>)
        } else {
        }
        %dma_wait3A_210 = arith.constant 0 : i32
        %dma_wait3A_211 = arith.constant 0 : i32
        %dma_wait3A_212 = tpu.memref_slice %arg5[%dma_wait3A_210, %dma_wait3A_211] : memref<1000001x64xf32, #tpu.memory_space<hbm>> -> memref<1000001x64xf32, #tpu.memory_space<hbm>>
        tpu.wait_indirect_dma semaphore(%arg20 : memref<!tpu.dma_semaphore, #tpu.memory_space<semaphore_mem>>) src(%dma_wait3A_212 : memref<1000001x64xf32, #tpu.memory_space<hbm>>) dst(%arg14 : memref<128x64xf32, #tpu.memory_space<vmem>>)
        %scan3A_213 = arith.constant 0 : i32
        %scan3A_214 = arith.constant 8 : i32
        %scan3A_215 = arith.addi %scan3A_213, %scan3A_214 : i32
        %scan3A_216 = arith.constant 1 : i32
        scf.for %scan3A_258 = %scan3A_213 to %scan3A_215 step %scan3A_216  : i32 {
          %mul3A_259 = arith.constant 1 : i32
          %mul3A_260 = arith.muli %scan3A_258, %mul3A_259 : i32
          %add3A_261 = arith.constant 0 : i32
          %add3A_262 = arith.addi %add3A_261, %mul3A_260 : i32
          %mul3A_263 = arith.constant 16 : i32
          %mul3A_264 = arith.muli %add3A_262, %mul3A_263 : i32
          %mul3A_265 = arith.constant 50 : i32
          %mul3A_266 = arith.muli %mul3A_264, %mul3A_265 : i32
          %add3A_267 = arith.addi %mul3A_266, %add3A_203 : i32
          %add3A_268 = vector.broadcast %add3A_267 : i32 to vector<16xi32>
          %add3A_269 = arith.addi %mul3A_3, %add3A_268 : vector<16xi32>
          %gather3A_270 = tpu.vector_load_idx %arg10[%add3A_269] : memref<6400xi32, #tpu.memory_space<vmem>>[vector<16xi32>], vector<16xi32>,
          %mul3A_271 = arith.constant 32 : i32
          %mul3A_272 = vector.broadcast %mul3A_271 : i32 to vector<16xi32>
          %mul3A_273 = arith.muli %gather3A_270, %mul3A_272 : vector<16xi32>
          %gather3A_274 = tpu.vector_load_idx %arg11[%add3A_269] : memref<6400xi32, #tpu.memory_space<vmem>>[vector<16xi32>], vector<16xi32>,
          %mul3A_275 = arith.constant 16 : i32
          %mul3A_276 = vector.broadcast %mul3A_275 : i32 to vector<16xi32>
          %mul3A_277 = arith.muli %gather3A_274, %mul3A_276 : vector<16xi32>
          %mul3A_278 = arith.constant 16 : i32
          %mul3A_279 = arith.muli %add3A_262, %mul3A_278 : i32
          %add3A_280 = vector.broadcast %mul3A_279 : i32 to vector<16xi32>
          %add3A_281 = arith.addi %iota3A, %add3A_280 : vector<16xi32>
          %add3A_282 = arith.constant 0 : i32
          %add3A_283 = vector.broadcast %add3A_282 : i32 to vector<16xi32>
          %add3A_284 = arith.addi %mul3A_273, %add3A_283 : vector<16xi32>
          %gather3A_285 = tpu.vector_load_idx %arg18[%add3A_284] : memref<32032xf32, #tpu.memory_space<vmem>>[vector<16xi32>], vector<16xf32>,
          %mul3A_286 = arith.constant 16 : i32
          %mul3A_287 = arith.muli %add3A_262, %mul3A_286 : i32
          %swap3A_288 = arith.constant 8 : i32
          %swap3A_289 = arith.constant 0 : i32
          %swap3A_290 = arith.index_cast %swap3A_288 : i32 to index
          %swap3A_291 = arith.index_cast %swap3A_289 : i32 to index
          %swap3A_292 = arith.index_cast %mul3A_287 : i32 to index
          %swap3A_293 = tpu.vector_load %arg16[%swap3A_290, %swap3A_291, %swap3A_292] {strides = array<i32>} : memref<14x8x128xf32, #tpu.memory_space<vmem>>, vector<16xf32>,
          tpu.vector_store %arg16[%swap3A_290, %swap3A_291, %swap3A_292], %gather3A_285 {strides = array<i32>} : memref<14x8x128xf32, #tpu.memory_space<vmem>>, vector<16xf32>,
          %add3A_294 = arith.constant 1 : i32
          %add3A_295 = vector.broadcast %add3A_294 : i32 to vector<16xi32>
          %add3A_296 = arith.addi %mul3A_273, %add3A_295 : vector<16xi32>
          %gather3A_297 = tpu.vector_load_idx %arg18[%add3A_296] : memref<32032xf32, #tpu.memory_space<vmem>>[vector<16xi32>], vector<16xf32>,
          %mul3A_298 = arith.constant 16 : i32
          %mul3A_299 = arith.muli %add3A_262, %mul3A_298 : i32
          %swap3A_300 = arith.constant 8 : i32
          %swap3A_301 = arith.constant 1 : i32
          %swap3A_302 = arith.index_cast %swap3A_300 : i32 to index
          %swap3A_303 = arith.index_cast %swap3A_301 : i32 to index
          %swap3A_304 = arith.index_cast %mul3A_299 : i32 to index
          %swap3A_305 = tpu.vector_load %arg16[%swap3A_302, %swap3A_303, %swap3A_304] {strides = array<i32>} : memref<14x8x128xf32, #tpu.memory_space<vmem>>, vector<16xf32>,
          tpu.vector_store %arg16[%swap3A_302, %swap3A_303, %swap3A_304], %gather3A_297 {strides = array<i32>} : memref<14x8x128xf32, #tpu.memory_space<vmem>>, vector<16xf32>,
          %add3A_306 = arith.constant 2 : i32
          %add3A_307 = vector.broadcast %add3A_306 : i32 to vector<16xi32>
          %add3A_308 = arith.addi %mul3A_273, %add3A_307 : vector<16xi32>
          %gather3A_309 = tpu.vector_load_idx %arg18[%add3A_308] : memref<32032xf32, #tpu.memory_space<vmem>>[vector<16xi32>], vector<16xf32>,
          %mul3A_310 = arith.constant 16 : i32
          %mul3A_311 = arith.muli %add3A_262, %mul3A_310 : i32
          %swap3A_312 = arith.constant 8 : i32
          %swap3A_313 = arith.constant 2 : i32
          %swap3A_314 = arith.index_cast %swap3A_312 : i32 to index
          %swap3A_315 = arith.index_cast %swap3A_313 : i32 to index
          %swap3A_316 = arith.index_cast %mul3A_311 : i32 to index
          %swap3A_317 = tpu.vector_load %arg16[%swap3A_314, %swap3A_315, %swap3A_316] {strides = array<i32>} : memref<14x8x128xf32, #tpu.memory_space<vmem>>, vector<16xf32>,
          tpu.vector_store %arg16[%swap3A_314, %swap3A_315, %swap3A_316], %gather3A_309 {strides = array<i32>} : memref<14x8x128xf32, #tpu.memory_space<vmem>>, vector<16xf32>,
          %add3A_318 = arith.constant 3 : i32
          %add3A_319 = vector.broadcast %add3A_318 : i32 to vector<16xi32>
          %add3A_320 = arith.addi %mul3A_273, %add3A_319 : vector<16xi32>
          %gather3A_321 = tpu.vector_load_idx %arg18[%add3A_320] : memref<32032xf32, #tpu.memory_space<vmem>>[vector<16xi32>], vector<16xf32>,
          %mul3A_322 = arith.constant 16 : i32
          %mul3A_323 = arith.muli %add3A_262, %mul3A_322 : i32
          %swap3A_324 = arith.constant 8 : i32
          %swap3A_325 = arith.constant 3 : i32
          %swap3A_326 = arith.index_cast %swap3A_324 : i32 to index
          %swap3A_327 = arith.index_cast %swap3A_325 : i32 to index
          %swap3A_328 = arith.index_cast %mul3A_323 : i32 to index
          %swap3A_329 = tpu.vector_load %arg16[%swap3A_326, %swap3A_327, %swap3A_328] {strides = array<i32>} : memref<14x8x128xf32, #tpu.memory_space<vmem>>, vector<16xf32>,
          tpu.vector_store %arg16[%swap3A_326, %swap3A_327, %swap3A_328], %gather3A_321 {strides = array<i32>} : memref<14x8x128xf32, #tpu.memory_space<vmem>>, vector<16xf32>,
          %add3A_330 = arith.constant 4 : i32
          %add3A_331 = vector.broadcast %add3A_330 : i32 to vector<16xi32>
          %add3A_332 = arith.addi %mul3A_273, %add3A_331 : vector<16xi32>
          %gather3A_333 = tpu.vector_load_idx %arg18[%add3A_332] : memref<32032xf32, #tpu.memory_space<vmem>>[vector<16xi32>], vector<16xf32>,
          %mul3A_334 = arith.constant 16 : i32
          %mul3A_335 = arith.muli %add3A_262, %mul3A_334 : i32
          %swap3A_336 = arith.constant 8 : i32
          %swap3A_337 = arith.constant 4 : i32
          %swap3A_338 = arith.index_cast %swap3A_336 : i32 to index
          %swap3A_339 = arith.index_cast %swap3A_337 : i32 to index
          %swap3A_340 = arith.index_cast %mul3A_335 : i32 to index
          %swap3A_341 = tpu.vector_load %arg16[%swap3A_338, %swap3A_339, %swap3A_340] {strides = array<i32>} : memref<14x8x128xf32, #tpu.memory_space<vmem>>, vector<16xf32>,
          tpu.vector_store %arg16[%swap3A_338, %swap3A_339, %swap3A_340], %gather3A_333 {strides = array<i32>} : memref<14x8x128xf32, #tpu.memory_space<vmem>>, vector<16xf32>,
          %add3A_342 = arith.constant 5 : i32
          %add3A_343 = vector.broadcast %add3A_342 : i32 to vector<16xi32>
          %add3A_344 = arith.addi %mul3A_273, %add3A_343 : vector<16xi32>
          %gather3A_345 = tpu.vector_load_idx %arg18[%add3A_344] : memref<32032xf32, #tpu.memory_space<vmem>>[vector<16xi32>], vector<16xf32>,
          %mul3A_346 = arith.constant 16 : i32
          %mul3A_347 = arith.muli %add3A_262, %mul3A_346 : i32
          %swap3A_348 = arith.constant 8 : i32
          %swap3A_349 = arith.constant 5 : i32
          %swap3A_350 = arith.index_cast %swap3A_348 : i32 to index
          %swap3A_351 = arith.index_cast %swap3A_349 : i32 to index
          %swap3A_352 = arith.index_cast %mul3A_347 : i32 to index
          %swap3A_353 = tpu.vector_load %arg16[%swap3A_350, %swap3A_351, %swap3A_352] {strides = array<i32>} : memref<14x8x128xf32, #tpu.memory_space<vmem>>, vector<16xf32>,
          tpu.vector_store %arg16[%swap3A_350, %swap3A_351, %swap3A_352], %gather3A_345 {strides = array<i32>} : memref<14x8x128xf32, #tpu.memory_space<vmem>>, vector<16xf32>,
          %add3A_354 = arith.constant 6 : i32
          %add3A_355 = vector.broadcast %add3A_354 : i32 to vector<16xi32>
          %add3A_356 = arith.addi %mul3A_273, %add3A_355 : vector<16xi32>
          %gather3A_357 = tpu.vector_load_idx %arg18[%add3A_356] : memref<32032xf32, #tpu.memory_space<vmem>>[vector<16xi32>], vector<16xf32>,
          %mul3A_358 = arith.constant 16 : i32
          %mul3A_359 = arith.muli %add3A_262, %mul3A_358 : i32
          %swap3A_360 = arith.constant 8 : i32
          %swap3A_361 = arith.constant 6 : i32
          %swap3A_362 = arith.index_cast %swap3A_360 : i32 to index
          %swap3A_363 = arith.index_cast %swap3A_361 : i32 to index
          %swap3A_364 = arith.index_cast %mul3A_359 : i32 to index
          %swap3A_365 = tpu.vector_load %arg16[%swap3A_362, %swap3A_363, %swap3A_364] {strides = array<i32>} : memref<14x8x128xf32, #tpu.memory_space<vmem>>, vector<16xf32>,
          tpu.vector_store %arg16[%swap3A_362, %swap3A_363, %swap3A_364], %gather3A_357 {strides = array<i32>} : memref<14x8x128xf32, #tpu.memory_space<vmem>>, vector<16xf32>,
          %add3A_366 = arith.constant 7 : i32
          %add3A_367 = vector.broadcast %add3A_366 : i32 to vector<16xi32>
          %add3A_368 = arith.addi %mul3A_273, %add3A_367 : vector<16xi32>
          %gather3A_369 = tpu.vector_load_idx %arg18[%add3A_368] : memref<32032xf32, #tpu.memory_space<vmem>>[vector<16xi32>], vector<16xf32>,
          %mul3A_370 = arith.constant 16 : i32
          %mul3A_371 = arith.muli %add3A_262, %mul3A_370 : i32
          %swap3A_372 = arith.constant 8 : i32
          %swap3A_373 = arith.constant 7 : i32
          %swap3A_374 = arith.index_cast %swap3A_372 : i32 to index
          %swap3A_375 = arith.index_cast %swap3A_373 : i32 to index
          %swap3A_376 = arith.index_cast %mul3A_371 : i32 to index
          %swap3A_377 = tpu.vector_load %arg16[%swap3A_374, %swap3A_375, %swap3A_376] {strides = array<i32>} : memref<14x8x128xf32, #tpu.memory_space<vmem>>, vector<16xf32>,
          tpu.vector_store %arg16[%swap3A_374, %swap3A_375, %swap3A_376], %gather3A_369 {strides = array<i32>} : memref<14x8x128xf32, #tpu.memory_space<vmem>>, vector<16xf32>,
          %add3A_378 = arith.constant 8 : i32
          %add3A_379 = vector.broadcast %add3A_378 : i32 to vector<16xi32>
          %add3A_380 = arith.addi %mul3A_273, %add3A_379 : vector<16xi32>
          %gather3A_381 = tpu.vector_load_idx %arg18[%add3A_380] : memref<32032xf32, #tpu.memory_space<vmem>>[vector<16xi32>], vector<16xf32>,
          %mul3A_382 = arith.constant 16 : i32
          %mul3A_383 = arith.muli %add3A_262, %mul3A_382 : i32
          %swap3A_384 = arith.constant 9 : i32
          %swap3A_385 = arith.constant 0 : i32
          %swap3A_386 = arith.index_cast %swap3A_384 : i32 to index
          %swap3A_387 = arith.index_cast %swap3A_385 : i32 to index
          %swap3A_388 = arith.index_cast %mul3A_383 : i32 to index
          %swap3A_389 = tpu.vector_load %arg16[%swap3A_386, %swap3A_387, %swap3A_388] {strides = array<i32>} : memref<14x8x128xf32, #tpu.memory_space<vmem>>, vector<16xf32>,
          tpu.vector_store %arg16[%swap3A_386, %swap3A_387, %swap3A_388], %gather3A_381 {strides = array<i32>} : memref<14x8x128xf32, #tpu.memory_space<vmem>>, vector<16xf32>,
          %add3A_390 = arith.constant 9 : i32
          %add3A_391 = vector.broadcast %add3A_390 : i32 to vector<16xi32>
          %add3A_392 = arith.addi %mul3A_273, %add3A_391 : vector<16xi32>
          %gather3A_393 = tpu.vector_load_idx %arg18[%add3A_392] : memref<32032xf32, #tpu.memory_space<vmem>>[vector<16xi32>], vector<16xf32>,
          %mul3A_394 = arith.constant 16 : i32
          %mul3A_395 = arith.muli %add3A_262, %mul3A_394 : i32
          %swap3A_396 = arith.constant 9 : i32
          %swap3A_397 = arith.constant 1 : i32
          %swap3A_398 = arith.index_cast %swap3A_396 : i32 to index
          %swap3A_399 = arith.index_cast %swap3A_397 : i32 to index
          %swap3A_400 = arith.index_cast %mul3A_395 : i32 to index
          %swap3A_401 = tpu.vector_load %arg16[%swap3A_398, %swap3A_399, %swap3A_400] {strides = array<i32>} : memref<14x8x128xf32, #tpu.memory_space<vmem>>, vector<16xf32>,
          tpu.vector_store %arg16[%swap3A_398, %swap3A_399, %swap3A_400], %gather3A_393 {strides = array<i32>} : memref<14x8x128xf32, #tpu.memory_space<vmem>>, vector<16xf32>,
          %add3A_402 = arith.constant 10 : i32
          %add3A_403 = vector.broadcast %add3A_402 : i32 to vector<16xi32>
          %add3A_404 = arith.addi %mul3A_273, %add3A_403 : vector<16xi32>
          %gather3A_405 = tpu.vector_load_idx %arg18[%add3A_404] : memref<32032xf32, #tpu.memory_space<vmem>>[vector<16xi32>], vector<16xf32>,
          %mul3A_406 = arith.constant 16 : i32
          %mul3A_407 = arith.muli %add3A_262, %mul3A_406 : i32
          %swap3A_408 = arith.constant 9 : i32
          %swap3A_409 = arith.constant 2 : i32
          %swap3A_410 = arith.index_cast %swap3A_408 : i32 to index
          %swap3A_411 = arith.index_cast %swap3A_409 : i32 to index
          %swap3A_412 = arith.index_cast %mul3A_407 : i32 to index
          %swap3A_413 = tpu.vector_load %arg16[%swap3A_410, %swap3A_411, %swap3A_412] {strides = array<i32>} : memref<14x8x128xf32, #tpu.memory_space<vmem>>, vector<16xf32>,
          tpu.vector_store %arg16[%swap3A_410, %swap3A_411, %swap3A_412], %gather3A_405 {strides = array<i32>} : memref<14x8x128xf32, #tpu.memory_space<vmem>>, vector<16xf32>,
          %add3A_414 = arith.constant 11 : i32
          %add3A_415 = vector.broadcast %add3A_414 : i32 to vector<16xi32>
          %add3A_416 = arith.addi %mul3A_273, %add3A_415 : vector<16xi32>
          %gather3A_417 = tpu.vector_load_idx %arg18[%add3A_416] : memref<32032xf32, #tpu.memory_space<vmem>>[vector<16xi32>], vector<16xf32>,
          %mul3A_418 = arith.constant 16 : i32
          %mul3A_419 = arith.muli %add3A_262, %mul3A_418 : i32
          %swap3A_420 = arith.constant 9 : i32
          %swap3A_421 = arith.constant 3 : i32
          %swap3A_422 = arith.index_cast %swap3A_420 : i32 to index
          %swap3A_423 = arith.index_cast %swap3A_421 : i32 to index
          %swap3A_424 = arith.index_cast %mul3A_419 : i32 to index
          %swap3A_425 = tpu.vector_load %arg16[%swap3A_422, %swap3A_423, %swap3A_424] {strides = array<i32>} : memref<14x8x128xf32, #tpu.memory_space<vmem>>, vector<16xf32>,
          tpu.vector_store %arg16[%swap3A_422, %swap3A_423, %swap3A_424], %gather3A_417 {strides = array<i32>} : memref<14x8x128xf32, #tpu.memory_space<vmem>>, vector<16xf32>,
          %add3A_426 = arith.constant 12 : i32
          %add3A_427 = vector.broadcast %add3A_426 : i32 to vector<16xi32>
          %add3A_428 = arith.addi %mul3A_273, %add3A_427 : vector<16xi32>
          %gather3A_429 = tpu.vector_load_idx %arg18[%add3A_428] : memref<32032xf32, #tpu.memory_space<vmem>>[vector<16xi32>], vector<16xf32>,
          %mul3A_430 = arith.constant 16 : i32
          %mul3A_431 = arith.muli %add3A_262, %mul3A_430 : i32
          %swap3A_432 = arith.constant 9 : i32
          %swap3A_433 = arith.constant 4 : i32
          %swap3A_434 = arith.index_cast %swap3A_432 : i32 to index
          %swap3A_435 = arith.index_cast %swap3A_433 : i32 to index
          %swap3A_436 = arith.index_cast %mul3A_431 : i32 to index
          %swap3A_437 = tpu.vector_load %arg16[%swap3A_434, %swap3A_435, %swap3A_436] {strides = array<i32>} : memref<14x8x128xf32, #tpu.memory_space<vmem>>, vector<16xf32>,
          tpu.vector_store %arg16[%swap3A_434, %swap3A_435, %swap3A_436], %gather3A_429 {strides = array<i32>} : memref<14x8x128xf32, #tpu.memory_space<vmem>>, vector<16xf32>,
          %add3A_438 = arith.constant 13 : i32
          %add3A_439 = vector.broadcast %add3A_438 : i32 to vector<16xi32>
          %add3A_440 = arith.addi %mul3A_273, %add3A_439 : vector<16xi32>
          %gather3A_441 = tpu.vector_load_idx %arg18[%add3A_440] : memref<32032xf32, #tpu.memory_space<vmem>>[vector<16xi32>], vector<16xf32>,
          %mul3A_442 = arith.constant 16 : i32
          %mul3A_443 = arith.muli %add3A_262, %mul3A_442 : i32
          %swap3A_444 = arith.constant 9 : i32
          %swap3A_445 = arith.constant 5 : i32
          %swap3A_446 = arith.index_cast %swap3A_444 : i32 to index
          %swap3A_447 = arith.index_cast %swap3A_445 : i32 to index
          %swap3A_448 = arith.index_cast %mul3A_443 : i32 to index
          %swap3A_449 = tpu.vector_load %arg16[%swap3A_446, %swap3A_447, %swap3A_448] {strides = array<i32>} : memref<14x8x128xf32, #tpu.memory_space<vmem>>, vector<16xf32>,
          tpu.vector_store %arg16[%swap3A_446, %swap3A_447, %swap3A_448], %gather3A_441 {strides = array<i32>} : memref<14x8x128xf32, #tpu.memory_space<vmem>>, vector<16xf32>,
          %add3A_450 = arith.constant 14 : i32
          %add3A_451 = vector.broadcast %add3A_450 : i32 to vector<16xi32>
          %add3A_452 = arith.addi %mul3A_273, %add3A_451 : vector<16xi32>
          %gather3A_453 = tpu.vector_load_idx %arg18[%add3A_452] : memref<32032xf32, #tpu.memory_space<vmem>>[vector<16xi32>], vector<16xf32>,
          %mul3A_454 = arith.constant 16 : i32
          %mul3A_455 = arith.muli %add3A_262, %mul3A_454 : i32
          %swap3A_456 = arith.constant 9 : i32
          %swap3A_457 = arith.constant 6 : i32
          %swap3A_458 = arith.index_cast %swap3A_456 : i32 to index
          %swap3A_459 = arith.index_cast %swap3A_457 : i32 to index
          %swap3A_460 = arith.index_cast %mul3A_455 : i32 to index
          %swap3A_461 = tpu.vector_load %arg16[%swap3A_458, %swap3A_459, %swap3A_460] {strides = array<i32>} : memref<14x8x128xf32, #tpu.memory_space<vmem>>, vector<16xf32>,
          tpu.vector_store %arg16[%swap3A_458, %swap3A_459, %swap3A_460], %gather3A_453 {strides = array<i32>} : memref<14x8x128xf32, #tpu.memory_space<vmem>>, vector<16xf32>,
          %add3A_462 = arith.constant 15 : i32
          %add3A_463 = vector.broadcast %add3A_462 : i32 to vector<16xi32>
          %add3A_464 = arith.addi %mul3A_273, %add3A_463 : vector<16xi32>
          %gather3A_465 = tpu.vector_load_idx %arg18[%add3A_464] : memref<32032xf32, #tpu.memory_space<vmem>>[vector<16xi32>], vector<16xf32>,
          %mul3A_466 = arith.constant 16 : i32
          %mul3A_467 = arith.muli %add3A_262, %mul3A_466 : i32
          %swap3A_468 = arith.constant 9 : i32
          %swap3A_469 = arith.constant 7 : i32
          %swap3A_470 = arith.index_cast %swap3A_468 : i32 to index
          %swap3A_471 = arith.index_cast %swap3A_469 : i32 to index
          %swap3A_472 = arith.index_cast %mul3A_467 : i32 to index
          %swap3A_473 = tpu.vector_load %arg16[%swap3A_470, %swap3A_471, %swap3A_472] {strides = array<i32>} : memref<14x8x128xf32, #tpu.memory_space<vmem>>, vector<16xf32>,
          tpu.vector_store %arg16[%swap3A_470, %swap3A_471, %swap3A_472], %gather3A_465 {strides = array<i32>} : memref<14x8x128xf32, #tpu.memory_space<vmem>>, vector<16xf32>,
          %add3A_474 = arith.constant 16 : i32
          %add3A_475 = vector.broadcast %add3A_474 : i32 to vector<16xi32>
          %add3A_476 = arith.addi %mul3A_273, %add3A_475 : vector<16xi32>
          %gather3A_477 = tpu.vector_load_idx %arg18[%add3A_476] : memref<32032xf32, #tpu.memory_space<vmem>>[vector<16xi32>], vector<16xf32>,
          %mul3A_478 = arith.constant 16 : i32
          %mul3A_479 = arith.muli %add3A_262, %mul3A_478 : i32
          %swap3A_480 = arith.constant 10 : i32
          %swap3A_481 = arith.constant 0 : i32
          %swap3A_482 = arith.index_cast %swap3A_480 : i32 to index
          %swap3A_483 = arith.index_cast %swap3A_481 : i32 to index
          %swap3A_484 = arith.index_cast %mul3A_479 : i32 to index
          %swap3A_485 = tpu.vector_load %arg16[%swap3A_482, %swap3A_483, %swap3A_484] {strides = array<i32>} : memref<14x8x128xf32, #tpu.memory_space<vmem>>, vector<16xf32>,
          tpu.vector_store %arg16[%swap3A_482, %swap3A_483, %swap3A_484], %gather3A_477 {strides = array<i32>} : memref<14x8x128xf32, #tpu.memory_space<vmem>>, vector<16xf32>,
          %add3A_486 = arith.constant 17 : i32
          %add3A_487 = vector.broadcast %add3A_486 : i32 to vector<16xi32>
          %add3A_488 = arith.addi %mul3A_273, %add3A_487 : vector<16xi32>
          %gather3A_489 = tpu.vector_load_idx %arg18[%add3A_488] : memref<32032xf32, #tpu.memory_space<vmem>>[vector<16xi32>], vector<16xf32>,
          %mul3A_490 = arith.constant 16 : i32
          %mul3A_491 = arith.muli %add3A_262, %mul3A_490 : i32
          %swap3A_492 = arith.constant 10 : i32
          %swap3A_493 = arith.constant 1 : i32
          %swap3A_494 = arith.index_cast %swap3A_492 : i32 to index
          %swap3A_495 = arith.index_cast %swap3A_493 : i32 to index
          %swap3A_496 = arith.index_cast %mul3A_491 : i32 to index
          %swap3A_497 = tpu.vector_load %arg16[%swap3A_494, %swap3A_495, %swap3A_496] {strides = array<i32>} : memref<14x8x128xf32, #tpu.memory_space<vmem>>, vector<16xf32>,
          tpu.vector_store %arg16[%swap3A_494, %swap3A_495, %swap3A_496], %gather3A_489 {strides = array<i32>} : memref<14x8x128xf32, #tpu.memory_space<vmem>>, vector<16xf32>,
          %add3A_498 = arith.constant 18 : i32
          %add3A_499 = vector.broadcast %add3A_498 : i32 to vector<16xi32>
          %add3A_500 = arith.addi %mul3A_273, %add3A_499 : vector<16xi32>
          %gather3A_501 = tpu.vector_load_idx %arg18[%add3A_500] : memref<32032xf32, #tpu.memory_space<vmem>>[vector<16xi32>], vector<16xf32>,
          %mul3A_502 = arith.constant 16 : i32
          %mul3A_503 = arith.muli %add3A_262, %mul3A_502 : i32
          %swap3A_504 = arith.constant 10 : i32
          %swap3A_505 = arith.constant 2 : i32
          %swap3A_506 = arith.index_cast %swap3A_504 : i32 to index
          %swap3A_507 = arith.index_cast %swap3A_505 : i32 to index
          %swap3A_508 = arith.index_cast %mul3A_503 : i32 to index
          %swap3A_509 = tpu.vector_load %arg16[%swap3A_506, %swap3A_507, %swap3A_508] {strides = array<i32>} : memref<14x8x128xf32, #tpu.memory_space<vmem>>, vector<16xf32>,
          tpu.vector_store %arg16[%swap3A_506, %swap3A_507, %swap3A_508], %gather3A_501 {strides = array<i32>} : memref<14x8x128xf32, #tpu.memory_space<vmem>>, vector<16xf32>,
          %add3A_510 = arith.constant 19 : i32
          %add3A_511 = vector.broadcast %add3A_510 : i32 to vector<16xi32>
          %add3A_512 = arith.addi %mul3A_273, %add3A_511 : vector<16xi32>
          %gather3A_513 = tpu.vector_load_idx %arg18[%add3A_512] : memref<32032xf32, #tpu.memory_space<vmem>>[vector<16xi32>], vector<16xf32>,
          %mul3A_514 = arith.constant 16 : i32
          %mul3A_515 = arith.muli %add3A_262, %mul3A_514 : i32
          %swap3A_516 = arith.constant 10 : i32
          %swap3A_517 = arith.constant 3 : i32
          %swap3A_518 = arith.index_cast %swap3A_516 : i32 to index
          %swap3A_519 = arith.index_cast %swap3A_517 : i32 to index
          %swap3A_520 = arith.index_cast %mul3A_515 : i32 to index
          %swap3A_521 = tpu.vector_load %arg16[%swap3A_518, %swap3A_519, %swap3A_520] {strides = array<i32>} : memref<14x8x128xf32, #tpu.memory_space<vmem>>, vector<16xf32>,
          tpu.vector_store %arg16[%swap3A_518, %swap3A_519, %swap3A_520], %gather3A_513 {strides = array<i32>} : memref<14x8x128xf32, #tpu.memory_space<vmem>>, vector<16xf32>,
          %add3A_522 = arith.constant 20 : i32
          %add3A_523 = vector.broadcast %add3A_522 : i32 to vector<16xi32>
          %add3A_524 = arith.addi %mul3A_273, %add3A_523 : vector<16xi32>
          %gather3A_525 = tpu.vector_load_idx %arg18[%add3A_524] : memref<32032xf32, #tpu.memory_space<vmem>>[vector<16xi32>], vector<16xf32>,
          %mul3A_526 = arith.constant 16 : i32
          %mul3A_527 = arith.muli %add3A_262, %mul3A_526 : i32
          %swap3A_528 = arith.constant 10 : i32
          %swap3A_529 = arith.constant 4 : i32
          %swap3A_530 = arith.index_cast %swap3A_528 : i32 to index
          %swap3A_531 = arith.index_cast %swap3A_529 : i32 to index
          %swap3A_532 = arith.index_cast %mul3A_527 : i32 to index
          %swap3A_533 = tpu.vector_load %arg16[%swap3A_530, %swap3A_531, %swap3A_532] {strides = array<i32>} : memref<14x8x128xf32, #tpu.memory_space<vmem>>, vector<16xf32>,
          tpu.vector_store %arg16[%swap3A_530, %swap3A_531, %swap3A_532], %gather3A_525 {strides = array<i32>} : memref<14x8x128xf32, #tpu.memory_space<vmem>>, vector<16xf32>,
          %add3A_534 = arith.constant 21 : i32
          %add3A_535 = vector.broadcast %add3A_534 : i32 to vector<16xi32>
          %add3A_536 = arith.addi %mul3A_273, %add3A_535 : vector<16xi32>
          %gather3A_537 = tpu.vector_load_idx %arg18[%add3A_536] : memref<32032xf32, #tpu.memory_space<vmem>>[vector<16xi32>], vector<16xf32>,
          %mul3A_538 = arith.constant 16 : i32
          %mul3A_539 = arith.muli %add3A_262, %mul3A_538 : i32
          %swap3A_540 = arith.constant 10 : i32
          %swap3A_541 = arith.constant 5 : i32
          %swap3A_542 = arith.index_cast %swap3A_540 : i32 to index
          %swap3A_543 = arith.index_cast %swap3A_541 : i32 to index
          %swap3A_544 = arith.index_cast %mul3A_539 : i32 to index
          %swap3A_545 = tpu.vector_load %arg16[%swap3A_542, %swap3A_543, %swap3A_544] {strides = array<i32>} : memref<14x8x128xf32, #tpu.memory_space<vmem>>, vector<16xf32>,
          tpu.vector_store %arg16[%swap3A_542, %swap3A_543, %swap3A_544], %gather3A_537 {strides = array<i32>} : memref<14x8x128xf32, #tpu.memory_space<vmem>>, vector<16xf32>,
          %add3A_546 = arith.constant 22 : i32
          %add3A_547 = vector.broadcast %add3A_546 : i32 to vector<16xi32>
          %add3A_548 = arith.addi %mul3A_273, %add3A_547 : vector<16xi32>
          %gather3A_549 = tpu.vector_load_idx %arg18[%add3A_548] : memref<32032xf32, #tpu.memory_space<vmem>>[vector<16xi32>], vector<16xf32>,
          %mul3A_550 = arith.constant 16 : i32
          %mul3A_551 = arith.muli %add3A_262, %mul3A_550 : i32
          %swap3A_552 = arith.constant 10 : i32
          %swap3A_553 = arith.constant 6 : i32
          %swap3A_554 = arith.index_cast %swap3A_552 : i32 to index
          %swap3A_555 = arith.index_cast %swap3A_553 : i32 to index
          %swap3A_556 = arith.index_cast %mul3A_551 : i32 to index
          %swap3A_557 = tpu.vector_load %arg16[%swap3A_554, %swap3A_555, %swap3A_556] {strides = array<i32>} : memref<14x8x128xf32, #tpu.memory_space<vmem>>, vector<16xf32>,
          tpu.vector_store %arg16[%swap3A_554, %swap3A_555, %swap3A_556], %gather3A_549 {strides = array<i32>} : memref<14x8x128xf32, #tpu.memory_space<vmem>>, vector<16xf32>,
          %add3A_558 = arith.constant 23 : i32
          %add3A_559 = vector.broadcast %add3A_558 : i32 to vector<16xi32>
          %add3A_560 = arith.addi %mul3A_273, %add3A_559 : vector<16xi32>
          %gather3A_561 = tpu.vector_load_idx %arg18[%add3A_560] : memref<32032xf32, #tpu.memory_space<vmem>>[vector<16xi32>], vector<16xf32>,
          %mul3A_562 = arith.constant 16 : i32
          %mul3A_563 = arith.muli %add3A_262, %mul3A_562 : i32
          %swap3A_564 = arith.constant 10 : i32
          %swap3A_565 = arith.constant 7 : i32
          %swap3A_566 = arith.index_cast %swap3A_564 : i32 to index
          %swap3A_567 = arith.index_cast %swap3A_565 : i32 to index
          %swap3A_568 = arith.index_cast %mul3A_563 : i32 to index
          %swap3A_569 = tpu.vector_load %arg16[%swap3A_566, %swap3A_567, %swap3A_568] {strides = array<i32>} : memref<14x8x128xf32, #tpu.memory_space<vmem>>, vector<16xf32>,
          tpu.vector_store %arg16[%swap3A_566, %swap3A_567, %swap3A_568], %gather3A_561 {strides = array<i32>} : memref<14x8x128xf32, #tpu.memory_space<vmem>>, vector<16xf32>,
          %add3A_570 = arith.constant 24 : i32
          %add3A_571 = vector.broadcast %add3A_570 : i32 to vector<16xi32>
          %add3A_572 = arith.addi %mul3A_273, %add3A_571 : vector<16xi32>
          %gather3A_573 = tpu.vector_load_idx %arg18[%add3A_572] : memref<32032xf32, #tpu.memory_space<vmem>>[vector<16xi32>], vector<16xf32>,
          %mul3A_574 = arith.constant 16 : i32
          %mul3A_575 = arith.muli %add3A_262, %mul3A_574 : i32
          %swap3A_576 = arith.constant 11 : i32
          %swap3A_577 = arith.constant 0 : i32
          %swap3A_578 = arith.index_cast %swap3A_576 : i32 to index
          %swap3A_579 = arith.index_cast %swap3A_577 : i32 to index
          %swap3A_580 = arith.index_cast %mul3A_575 : i32 to index
          %swap3A_581 = tpu.vector_load %arg16[%swap3A_578, %swap3A_579, %swap3A_580] {strides = array<i32>} : memref<14x8x128xf32, #tpu.memory_space<vmem>>, vector<16xf32>,
          tpu.vector_store %arg16[%swap3A_578, %swap3A_579, %swap3A_580], %gather3A_573 {strides = array<i32>} : memref<14x8x128xf32, #tpu.memory_space<vmem>>, vector<16xf32>,
          %add3A_582 = arith.constant 25 : i32
          %add3A_583 = vector.broadcast %add3A_582 : i32 to vector<16xi32>
          %add3A_584 = arith.addi %mul3A_273, %add3A_583 : vector<16xi32>
          %gather3A_585 = tpu.vector_load_idx %arg18[%add3A_584] : memref<32032xf32, #tpu.memory_space<vmem>>[vector<16xi32>], vector<16xf32>,
          %mul3A_586 = arith.constant 16 : i32
          %mul3A_587 = arith.muli %add3A_262, %mul3A_586 : i32
          %swap3A_588 = arith.constant 11 : i32
          %swap3A_589 = arith.constant 1 : i32
          %swap3A_590 = arith.index_cast %swap3A_588 : i32 to index
          %swap3A_591 = arith.index_cast %swap3A_589 : i32 to index
          %swap3A_592 = arith.index_cast %mul3A_587 : i32 to index
          %swap3A_593 = tpu.vector_load %arg16[%swap3A_590, %swap3A_591, %swap3A_592] {strides = array<i32>} : memref<14x8x128xf32, #tpu.memory_space<vmem>>, vector<16xf32>,
          tpu.vector_store %arg16[%swap3A_590, %swap3A_591, %swap3A_592], %gather3A_585 {strides = array<i32>} : memref<14x8x128xf32, #tpu.memory_space<vmem>>, vector<16xf32>,
          %add3A_594 = arith.constant 26 : i32
          %add3A_595 = vector.broadcast %add3A_594 : i32 to vector<16xi32>
          %add3A_596 = arith.addi %mul3A_273, %add3A_595 : vector<16xi32>
          %gather3A_597 = tpu.vector_load_idx %arg18[%add3A_596] : memref<32032xf32, #tpu.memory_space<vmem>>[vector<16xi32>], vector<16xf32>,
          %mul3A_598 = arith.constant 16 : i32
          %mul3A_599 = arith.muli %add3A_262, %mul3A_598 : i32
          %swap3A_600 = arith.constant 11 : i32
          %swap3A_601 = arith.constant 2 : i32
          %swap3A_602 = arith.index_cast %swap3A_600 : i32 to index
          %swap3A_603 = arith.index_cast %swap3A_601 : i32 to index
          %swap3A_604 = arith.index_cast %mul3A_599 : i32 to index
          %swap3A_605 = tpu.vector_load %arg16[%swap3A_602, %swap3A_603, %swap3A_604] {strides = array<i32>} : memref<14x8x128xf32, #tpu.memory_space<vmem>>, vector<16xf32>,
          tpu.vector_store %arg16[%swap3A_602, %swap3A_603, %swap3A_604], %gather3A_597 {strides = array<i32>} : memref<14x8x128xf32, #tpu.memory_space<vmem>>, vector<16xf32>,
          %add3A_606 = arith.constant 27 : i32
          %add3A_607 = vector.broadcast %add3A_606 : i32 to vector<16xi32>
          %add3A_608 = arith.addi %mul3A_273, %add3A_607 : vector<16xi32>
          %gather3A_609 = tpu.vector_load_idx %arg18[%add3A_608] : memref<32032xf32, #tpu.memory_space<vmem>>[vector<16xi32>], vector<16xf32>,
          %mul3A_610 = arith.constant 16 : i32
          %mul3A_611 = arith.muli %add3A_262, %mul3A_610 : i32
          %swap3A_612 = arith.constant 11 : i32
          %swap3A_613 = arith.constant 3 : i32
          %swap3A_614 = arith.index_cast %swap3A_612 : i32 to index
          %swap3A_615 = arith.index_cast %swap3A_613 : i32 to index
          %swap3A_616 = arith.index_cast %mul3A_611 : i32 to index
          %swap3A_617 = tpu.vector_load %arg16[%swap3A_614, %swap3A_615, %swap3A_616] {strides = array<i32>} : memref<14x8x128xf32, #tpu.memory_space<vmem>>, vector<16xf32>,
          tpu.vector_store %arg16[%swap3A_614, %swap3A_615, %swap3A_616], %gather3A_609 {strides = array<i32>} : memref<14x8x128xf32, #tpu.memory_space<vmem>>, vector<16xf32>,
          %add3A_618 = arith.constant 28 : i32
          %add3A_619 = vector.broadcast %add3A_618 : i32 to vector<16xi32>
          %add3A_620 = arith.addi %mul3A_273, %add3A_619 : vector<16xi32>
          %gather3A_621 = tpu.vector_load_idx %arg18[%add3A_620] : memref<32032xf32, #tpu.memory_space<vmem>>[vector<16xi32>], vector<16xf32>,
          %mul3A_622 = arith.constant 16 : i32
          %mul3A_623 = arith.muli %add3A_262, %mul3A_622 : i32
          %swap3A_624 = arith.constant 11 : i32
          %swap3A_625 = arith.constant 4 : i32
          %swap3A_626 = arith.index_cast %swap3A_624 : i32 to index
          %swap3A_627 = arith.index_cast %swap3A_625 : i32 to index
          %swap3A_628 = arith.index_cast %mul3A_623 : i32 to index
          %swap3A_629 = tpu.vector_load %arg16[%swap3A_626, %swap3A_627, %swap3A_628] {strides = array<i32>} : memref<14x8x128xf32, #tpu.memory_space<vmem>>, vector<16xf32>,
          tpu.vector_store %arg16[%swap3A_626, %swap3A_627, %swap3A_628], %gather3A_621 {strides = array<i32>} : memref<14x8x128xf32, #tpu.memory_space<vmem>>, vector<16xf32>,
          %add3A_630 = arith.constant 29 : i32
          %add3A_631 = vector.broadcast %add3A_630 : i32 to vector<16xi32>
          %add3A_632 = arith.addi %mul3A_273, %add3A_631 : vector<16xi32>
          %gather3A_633 = tpu.vector_load_idx %arg18[%add3A_632] : memref<32032xf32, #tpu.memory_space<vmem>>[vector<16xi32>], vector<16xf32>,
          %mul3A_634 = arith.constant 16 : i32
          %mul3A_635 = arith.muli %add3A_262, %mul3A_634 : i32
          %swap3A_636 = arith.constant 11 : i32
          %swap3A_637 = arith.constant 5 : i32
          %swap3A_638 = arith.index_cast %swap3A_636 : i32 to index
          %swap3A_639 = arith.index_cast %swap3A_637 : i32 to index
          %swap3A_640 = arith.index_cast %mul3A_635 : i32 to index
          %swap3A_641 = tpu.vector_load %arg16[%swap3A_638, %swap3A_639, %swap3A_640] {strides = array<i32>} : memref<14x8x128xf32, #tpu.memory_space<vmem>>, vector<16xf32>,
          tpu.vector_store %arg16[%swap3A_638, %swap3A_639, %swap3A_640], %gather3A_633 {strides = array<i32>} : memref<14x8x128xf32, #tpu.memory_space<vmem>>, vector<16xf32>,
          %add3A_642 = arith.constant 30 : i32
          %add3A_643 = vector.broadcast %add3A_642 : i32 to vector<16xi32>
          %add3A_644 = arith.addi %mul3A_273, %add3A_643 : vector<16xi32>
          %gather3A_645 = tpu.vector_load_idx %arg18[%add3A_644] : memref<32032xf32, #tpu.memory_space<vmem>>[vector<16xi32>], vector<16xf32>,
          %mul3A_646 = arith.constant 16 : i32
          %mul3A_647 = arith.muli %add3A_262, %mul3A_646 : i32
          %swap3A_648 = arith.constant 11 : i32
          %swap3A_649 = arith.constant 6 : i32
          %swap3A_650 = arith.index_cast %swap3A_648 : i32 to index
          %swap3A_651 = arith.index_cast %swap3A_649 : i32 to index
          %swap3A_652 = arith.index_cast %mul3A_647 : i32 to index
          %swap3A_653 = tpu.vector_load %arg16[%swap3A_650, %swap3A_651, %swap3A_652] {strides = array<i32>} : memref<14x8x128xf32, #tpu.memory_space<vmem>>, vector<16xf32>,
          tpu.vector_store %arg16[%swap3A_650, %swap3A_651, %swap3A_652], %gather3A_645 {strides = array<i32>} : memref<14x8x128xf32, #tpu.memory_space<vmem>>, vector<16xf32>,
          %add3A_654 = arith.constant 31 : i32
          %add3A_655 = vector.broadcast %add3A_654 : i32 to vector<16xi32>
          %add3A_656 = arith.addi %mul3A_273, %add3A_655 : vector<16xi32>
          %gather3A_657 = tpu.vector_load_idx %arg18[%add3A_656] : memref<32032xf32, #tpu.memory_space<vmem>>[vector<16xi32>], vector<16xf32>,
          %mul3A_658 = arith.constant 16 : i32
          %mul3A_659 = arith.muli %add3A_262, %mul3A_658 : i32
          %swap3A_660 = arith.constant 11 : i32
          %swap3A_661 = arith.constant 7 : i32
          %swap3A_662 = arith.index_cast %swap3A_660 : i32 to index
          %swap3A_663 = arith.index_cast %swap3A_661 : i32 to index
          %swap3A_664 = arith.index_cast %mul3A_659 : i32 to index
          %swap3A_665 = tpu.vector_load %arg16[%swap3A_662, %swap3A_663, %swap3A_664] {strides = array<i32>} : memref<14x8x128xf32, #tpu.memory_space<vmem>>, vector<16xf32>,
          tpu.vector_store %arg16[%swap3A_662, %swap3A_663, %swap3A_664], %gather3A_657 {strides = array<i32>} : memref<14x8x128xf32, #tpu.memory_space<vmem>>, vector<16xf32>,
          %add3A_666 = arith.constant 0 : i32
          %add3A_667 = vector.broadcast %add3A_666 : i32 to vector<16xi32>
          %add3A_668 = arith.addi %mul3A_277, %add3A_667 : vector<16xi32>
          %gather3A_669 = tpu.vector_load_idx %arg19[%add3A_668] : memref<176xf32, #tpu.memory_space<vmem>>[vector<16xi32>], vector<16xf32>,
          %mul3A_670 = arith.constant 16 : i32
          %mul3A_671 = arith.muli %add3A_262, %mul3A_670 : i32
          %swap3A_672 = arith.constant 12 : i32
          %swap3A_673 = arith.constant 0 : i32
          %swap3A_674 = arith.index_cast %swap3A_672 : i32 to index
          %swap3A_675 = arith.index_cast %swap3A_673 : i32 to index
          %swap3A_676 = arith.index_cast %mul3A_671 : i32 to index
          %swap3A_677 = tpu.vector_load %arg16[%swap3A_674, %swap3A_675, %swap3A_676] {strides = array<i32>} : memref<14x8x128xf32, #tpu.memory_space<vmem>>, vector<16xf32>,
          tpu.vector_store %arg16[%swap3A_674, %swap3A_675, %swap3A_676], %gather3A_669 {strides = array<i32>} : memref<14x8x128xf32, #tpu.memory_space<vmem>>, vector<16xf32>,
          %add3A_678 = arith.constant 1 : i32
          %add3A_679 = vector.broadcast %add3A_678 : i32 to vector<16xi32>
          %add3A_680 = arith.addi %mul3A_277, %add3A_679 : vector<16xi32>
          %gather3A_681 = tpu.vector_load_idx %arg19[%add3A_680] : memref<176xf32, #tpu.memory_space<vmem>>[vector<16xi32>], vector<16xf32>,
          %mul3A_682 = arith.constant 16 : i32
          %mul3A_683 = arith.muli %add3A_262, %mul3A_682 : i32
          %swap3A_684 = arith.constant 12 : i32
          %swap3A_685 = arith.constant 1 : i32
          %swap3A_686 = arith.index_cast %swap3A_684 : i32 to index
          %swap3A_687 = arith.index_cast %swap3A_685 : i32 to index
          %swap3A_688 = arith.index_cast %mul3A_683 : i32 to index
          %swap3A_689 = tpu.vector_load %arg16[%swap3A_686, %swap3A_687, %swap3A_688] {strides = array<i32>} : memref<14x8x128xf32, #tpu.memory_space<vmem>>, vector<16xf32>,
          tpu.vector_store %arg16[%swap3A_686, %swap3A_687, %swap3A_688], %gather3A_681 {strides = array<i32>} : memref<14x8x128xf32, #tpu.memory_space<vmem>>, vector<16xf32>,
          %add3A_690 = arith.constant 2 : i32
          %add3A_691 = vector.broadcast %add3A_690 : i32 to vector<16xi32>
          %add3A_692 = arith.addi %mul3A_277, %add3A_691 : vector<16xi32>
          %gather3A_693 = tpu.vector_load_idx %arg19[%add3A_692] : memref<176xf32, #tpu.memory_space<vmem>>[vector<16xi32>], vector<16xf32>,
          %mul3A_694 = arith.constant 16 : i32
          %mul3A_695 = arith.muli %add3A_262, %mul3A_694 : i32
          %swap3A_696 = arith.constant 12 : i32
          %swap3A_697 = arith.constant 2 : i32
          %swap3A_698 = arith.index_cast %swap3A_696 : i32 to index
          %swap3A_699 = arith.index_cast %swap3A_697 : i32 to index
          %swap3A_700 = arith.index_cast %mul3A_695 : i32 to index
          %swap3A_701 = tpu.vector_load %arg16[%swap3A_698, %swap3A_699, %swap3A_700] {strides = array<i32>} : memref<14x8x128xf32, #tpu.memory_space<vmem>>, vector<16xf32>,
          tpu.vector_store %arg16[%swap3A_698, %swap3A_699, %swap3A_700], %gather3A_693 {strides = array<i32>} : memref<14x8x128xf32, #tpu.memory_space<vmem>>, vector<16xf32>,
          %add3A_702 = arith.constant 3 : i32
          %add3A_703 = vector.broadcast %add3A_702 : i32 to vector<16xi32>
          %add3A_704 = arith.addi %mul3A_277, %add3A_703 : vector<16xi32>
          %gather3A_705 = tpu.vector_load_idx %arg19[%add3A_704] : memref<176xf32, #tpu.memory_space<vmem>>[vector<16xi32>], vector<16xf32>,
          %mul3A_706 = arith.constant 16 : i32
          %mul3A_707 = arith.muli %add3A_262, %mul3A_706 : i32
          %swap3A_708 = arith.constant 12 : i32
          %swap3A_709 = arith.constant 3 : i32
          %swap3A_710 = arith.index_cast %swap3A_708 : i32 to index
          %swap3A_711 = arith.index_cast %swap3A_709 : i32 to index
          %swap3A_712 = arith.index_cast %mul3A_707 : i32 to index
          %swap3A_713 = tpu.vector_load %arg16[%swap3A_710, %swap3A_711, %swap3A_712] {strides = array<i32>} : memref<14x8x128xf32, #tpu.memory_space<vmem>>, vector<16xf32>,
          tpu.vector_store %arg16[%swap3A_710, %swap3A_711, %swap3A_712], %gather3A_705 {strides = array<i32>} : memref<14x8x128xf32, #tpu.memory_space<vmem>>, vector<16xf32>,
          %add3A_714 = arith.constant 4 : i32
          %add3A_715 = vector.broadcast %add3A_714 : i32 to vector<16xi32>
          %add3A_716 = arith.addi %mul3A_277, %add3A_715 : vector<16xi32>
          %gather3A_717 = tpu.vector_load_idx %arg19[%add3A_716] : memref<176xf32, #tpu.memory_space<vmem>>[vector<16xi32>], vector<16xf32>,
          %mul3A_718 = arith.constant 16 : i32
          %mul3A_719 = arith.muli %add3A_262, %mul3A_718 : i32
          %swap3A_720 = arith.constant 12 : i32
          %swap3A_721 = arith.constant 4 : i32
          %swap3A_722 = arith.index_cast %swap3A_720 : i32 to index
          %swap3A_723 = arith.index_cast %swap3A_721 : i32 to index
          %swap3A_724 = arith.index_cast %mul3A_719 : i32 to index
          %swap3A_725 = tpu.vector_load %arg16[%swap3A_722, %swap3A_723, %swap3A_724] {strides = array<i32>} : memref<14x8x128xf32, #tpu.memory_space<vmem>>, vector<16xf32>,
          tpu.vector_store %arg16[%swap3A_722, %swap3A_723, %swap3A_724], %gather3A_717 {strides = array<i32>} : memref<14x8x128xf32, #tpu.memory_space<vmem>>, vector<16xf32>,
          %add3A_726 = arith.constant 5 : i32
          %add3A_727 = vector.broadcast %add3A_726 : i32 to vector<16xi32>
          %add3A_728 = arith.addi %mul3A_277, %add3A_727 : vector<16xi32>
          %gather3A_729 = tpu.vector_load_idx %arg19[%add3A_728] : memref<176xf32, #tpu.memory_space<vmem>>[vector<16xi32>], vector<16xf32>,
          %mul3A_730 = arith.constant 16 : i32
          %mul3A_731 = arith.muli %add3A_262, %mul3A_730 : i32
          %swap3A_732 = arith.constant 12 : i32
          %swap3A_733 = arith.constant 5 : i32
          %swap3A_734 = arith.index_cast %swap3A_732 : i32 to index
          %swap3A_735 = arith.index_cast %swap3A_733 : i32 to index
          %swap3A_736 = arith.index_cast %mul3A_731 : i32 to index
          %swap3A_737 = tpu.vector_load %arg16[%swap3A_734, %swap3A_735, %swap3A_736] {strides = array<i32>} : memref<14x8x128xf32, #tpu.memory_space<vmem>>, vector<16xf32>,
          tpu.vector_store %arg16[%swap3A_734, %swap3A_735, %swap3A_736], %gather3A_729 {strides = array<i32>} : memref<14x8x128xf32, #tpu.memory_space<vmem>>, vector<16xf32>,
          %add3A_738 = arith.constant 6 : i32
          %add3A_739 = vector.broadcast %add3A_738 : i32 to vector<16xi32>
          %add3A_740 = arith.addi %mul3A_277, %add3A_739 : vector<16xi32>
          %gather3A_741 = tpu.vector_load_idx %arg19[%add3A_740] : memref<176xf32, #tpu.memory_space<vmem>>[vector<16xi32>], vector<16xf32>,
          %mul3A_742 = arith.constant 16 : i32
          %mul3A_743 = arith.muli %add3A_262, %mul3A_742 : i32
          %swap3A_744 = arith.constant 12 : i32
          %swap3A_745 = arith.constant 6 : i32
          %swap3A_746 = arith.index_cast %swap3A_744 : i32 to index
          %swap3A_747 = arith.index_cast %swap3A_745 : i32 to index
          %swap3A_748 = arith.index_cast %mul3A_743 : i32 to index
          %swap3A_749 = tpu.vector_load %arg16[%swap3A_746, %swap3A_747, %swap3A_748] {strides = array<i32>} : memref<14x8x128xf32, #tpu.memory_space<vmem>>, vector<16xf32>,
          tpu.vector_store %arg16[%swap3A_746, %swap3A_747, %swap3A_748], %gather3A_741 {strides = array<i32>} : memref<14x8x128xf32, #tpu.memory_space<vmem>>, vector<16xf32>,
          %add3A_750 = arith.constant 7 : i32
          %add3A_751 = vector.broadcast %add3A_750 : i32 to vector<16xi32>
          %add3A_752 = arith.addi %mul3A_277, %add3A_751 : vector<16xi32>
          %gather3A_753 = tpu.vector_load_idx %arg19[%add3A_752] : memref<176xf32, #tpu.memory_space<vmem>>[vector<16xi32>], vector<16xf32>,
          %mul3A_754 = arith.constant 16 : i32
          %mul3A_755 = arith.muli %add3A_262, %mul3A_754 : i32
          %swap3A_756 = arith.constant 12 : i32
          %swap3A_757 = arith.constant 7 : i32
          %swap3A_758 = arith.index_cast %swap3A_756 : i32 to index
          %swap3A_759 = arith.index_cast %swap3A_757 : i32 to index
          %swap3A_760 = arith.index_cast %mul3A_755 : i32 to index
          %swap3A_761 = tpu.vector_load %arg16[%swap3A_758, %swap3A_759, %swap3A_760] {strides = array<i32>} : memref<14x8x128xf32, #tpu.memory_space<vmem>>, vector<16xf32>,
          tpu.vector_store %arg16[%swap3A_758, %swap3A_759, %swap3A_760], %gather3A_753 {strides = array<i32>} : memref<14x8x128xf32, #tpu.memory_space<vmem>>, vector<16xf32>,
          %add3A_762 = arith.constant 8 : i32
          %add3A_763 = vector.broadcast %add3A_762 : i32 to vector<16xi32>
          %add3A_764 = arith.addi %mul3A_277, %add3A_763 : vector<16xi32>
          %gather3A_765 = tpu.vector_load_idx %arg19[%add3A_764] : memref<176xf32, #tpu.memory_space<vmem>>[vector<16xi32>], vector<16xf32>,
          %mul3A_766 = arith.constant 16 : i32
          %mul3A_767 = arith.muli %add3A_262, %mul3A_766 : i32
          %swap3A_768 = arith.constant 13 : i32
          %swap3A_769 = arith.constant 0 : i32
          %swap3A_770 = arith.index_cast %swap3A_768 : i32 to index
          %swap3A_771 = arith.index_cast %swap3A_769 : i32 to index
          %swap3A_772 = arith.index_cast %mul3A_767 : i32 to index
          %swap3A_773 = tpu.vector_load %arg16[%swap3A_770, %swap3A_771, %swap3A_772] {strides = array<i32>} : memref<14x8x128xf32, #tpu.memory_space<vmem>>, vector<16xf32>,
          tpu.vector_store %arg16[%swap3A_770, %swap3A_771, %swap3A_772], %gather3A_765 {strides = array<i32>} : memref<14x8x128xf32, #tpu.memory_space<vmem>>, vector<16xf32>,
          %add3A_774 = arith.constant 9 : i32
          %add3A_775 = vector.broadcast %add3A_774 : i32 to vector<16xi32>
          %add3A_776 = arith.addi %mul3A_277, %add3A_775 : vector<16xi32>
          %gather3A_777 = tpu.vector_load_idx %arg19[%add3A_776] : memref<176xf32, #tpu.memory_space<vmem>>[vector<16xi32>], vector<16xf32>,
          %mul3A_778 = arith.constant 16 : i32
          %mul3A_779 = arith.muli %add3A_262, %mul3A_778 : i32
          %swap3A_780 = arith.constant 13 : i32
          %swap3A_781 = arith.constant 1 : i32
          %swap3A_782 = arith.index_cast %swap3A_780 : i32 to index
          %swap3A_783 = arith.index_cast %swap3A_781 : i32 to index
          %swap3A_784 = arith.index_cast %mul3A_779 : i32 to index
          %swap3A_785 = tpu.vector_load %arg16[%swap3A_782, %swap3A_783, %swap3A_784] {strides = array<i32>} : memref<14x8x128xf32, #tpu.memory_space<vmem>>, vector<16xf32>,
          tpu.vector_store %arg16[%swap3A_782, %swap3A_783, %swap3A_784], %gather3A_777 {strides = array<i32>} : memref<14x8x128xf32, #tpu.memory_space<vmem>>, vector<16xf32>,
          %add3A_786 = arith.constant 10 : i32
          %add3A_787 = vector.broadcast %add3A_786 : i32 to vector<16xi32>
          %add3A_788 = arith.addi %mul3A_277, %add3A_787 : vector<16xi32>
          %gather3A_789 = tpu.vector_load_idx %arg19[%add3A_788] : memref<176xf32, #tpu.memory_space<vmem>>[vector<16xi32>], vector<16xf32>,
          %mul3A_790 = arith.constant 16 : i32
          %mul3A_791 = arith.muli %add3A_262, %mul3A_790 : i32
          %swap3A_792 = arith.constant 13 : i32
          %swap3A_793 = arith.constant 2 : i32
          %swap3A_794 = arith.index_cast %swap3A_792 : i32 to index
          %swap3A_795 = arith.index_cast %swap3A_793 : i32 to index
          %swap3A_796 = arith.index_cast %mul3A_791 : i32 to index
          %swap3A_797 = tpu.vector_load %arg16[%swap3A_794, %swap3A_795, %swap3A_796] {strides = array<i32>} : memref<14x8x128xf32, #tpu.memory_space<vmem>>, vector<16xf32>,
          tpu.vector_store %arg16[%swap3A_794, %swap3A_795, %swap3A_796], %gather3A_789 {strides = array<i32>} : memref<14x8x128xf32, #tpu.memory_space<vmem>>, vector<16xf32>,
          %add3A_798 = arith.constant 11 : i32
          %add3A_799 = vector.broadcast %add3A_798 : i32 to vector<16xi32>
          %add3A_800 = arith.addi %mul3A_277, %add3A_799 : vector<16xi32>
          %gather3A_801 = tpu.vector_load_idx %arg19[%add3A_800] : memref<176xf32, #tpu.memory_space<vmem>>[vector<16xi32>], vector<16xf32>,
          %mul3A_802 = arith.constant 16 : i32
          %mul3A_803 = arith.muli %add3A_262, %mul3A_802 : i32
          %swap3A_804 = arith.constant 13 : i32
          %swap3A_805 = arith.constant 3 : i32
          %swap3A_806 = arith.index_cast %swap3A_804 : i32 to index
          %swap3A_807 = arith.index_cast %swap3A_805 : i32 to index
          %swap3A_808 = arith.index_cast %mul3A_803 : i32 to index
          %swap3A_809 = tpu.vector_load %arg16[%swap3A_806, %swap3A_807, %swap3A_808] {strides = array<i32>} : memref<14x8x128xf32, #tpu.memory_space<vmem>>, vector<16xf32>,
          tpu.vector_store %arg16[%swap3A_806, %swap3A_807, %swap3A_808], %gather3A_801 {strides = array<i32>} : memref<14x8x128xf32, #tpu.memory_space<vmem>>, vector<16xf32>,
          %add3A_810 = arith.constant 12 : i32
          %add3A_811 = vector.broadcast %add3A_810 : i32 to vector<16xi32>
          %add3A_812 = arith.addi %mul3A_277, %add3A_811 : vector<16xi32>
          %gather3A_813 = tpu.vector_load_idx %arg19[%add3A_812] : memref<176xf32, #tpu.memory_space<vmem>>[vector<16xi32>], vector<16xf32>,
          %mul3A_814 = arith.constant 16 : i32
          %mul3A_815 = arith.muli %add3A_262, %mul3A_814 : i32
          %swap3A_816 = arith.constant 13 : i32
          %swap3A_817 = arith.constant 4 : i32
          %swap3A_818 = arith.index_cast %swap3A_816 : i32 to index
          %swap3A_819 = arith.index_cast %swap3A_817 : i32 to index
          %swap3A_820 = arith.index_cast %mul3A_815 : i32 to index
          %swap3A_821 = tpu.vector_load %arg16[%swap3A_818, %swap3A_819, %swap3A_820] {strides = array<i32>} : memref<14x8x128xf32, #tpu.memory_space<vmem>>, vector<16xf32>,
          tpu.vector_store %arg16[%swap3A_818, %swap3A_819, %swap3A_820], %gather3A_813 {strides = array<i32>} : memref<14x8x128xf32, #tpu.memory_space<vmem>>, vector<16xf32>,
          %add3A_822 = arith.constant 13 : i32
          %add3A_823 = vector.broadcast %add3A_822 : i32 to vector<16xi32>
          %add3A_824 = arith.addi %mul3A_277, %add3A_823 : vector<16xi32>
          %gather3A_825 = tpu.vector_load_idx %arg19[%add3A_824] : memref<176xf32, #tpu.memory_space<vmem>>[vector<16xi32>], vector<16xf32>,
          %mul3A_826 = arith.constant 16 : i32
          %mul3A_827 = arith.muli %add3A_262, %mul3A_826 : i32
          %swap3A_828 = arith.constant 13 : i32
          %swap3A_829 = arith.constant 5 : i32
          %swap3A_830 = arith.index_cast %swap3A_828 : i32 to index
          %swap3A_831 = arith.index_cast %swap3A_829 : i32 to index
          %swap3A_832 = arith.index_cast %mul3A_827 : i32 to index
          %swap3A_833 = tpu.vector_load %arg16[%swap3A_830, %swap3A_831, %swap3A_832] {strides = array<i32>} : memref<14x8x128xf32, #tpu.memory_space<vmem>>, vector<16xf32>,
          tpu.vector_store %arg16[%swap3A_830, %swap3A_831, %swap3A_832], %gather3A_825 {strides = array<i32>} : memref<14x8x128xf32, #tpu.memory_space<vmem>>, vector<16xf32>,
          %add3A_834 = arith.constant 14 : i32
          %add3A_835 = vector.broadcast %add3A_834 : i32 to vector<16xi32>
          %add3A_836 = arith.addi %mul3A_277, %add3A_835 : vector<16xi32>
          %gather3A_837 = tpu.vector_load_idx %arg19[%add3A_836] : memref<176xf32, #tpu.memory_space<vmem>>[vector<16xi32>], vector<16xf32>,
          %mul3A_838 = arith.constant 16 : i32
          %mul3A_839 = arith.muli %add3A_262, %mul3A_838 : i32
          %swap3A_840 = arith.constant 13 : i32
          %swap3A_841 = arith.constant 6 : i32
          %swap3A_842 = arith.index_cast %swap3A_840 : i32 to index
          %swap3A_843 = arith.index_cast %swap3A_841 : i32 to index
          %swap3A_844 = arith.index_cast %mul3A_839 : i32 to index
          %swap3A_845 = tpu.vector_load %arg16[%swap3A_842, %swap3A_843, %swap3A_844] {strides = array<i32>} : memref<14x8x128xf32, #tpu.memory_space<vmem>>, vector<16xf32>,
          tpu.vector_store %arg16[%swap3A_842, %swap3A_843, %swap3A_844], %gather3A_837 {strides = array<i32>} : memref<14x8x128xf32, #tpu.memory_space<vmem>>, vector<16xf32>,
          %add3A_846 = arith.constant 15 : i32
          %add3A_847 = vector.broadcast %add3A_846 : i32 to vector<16xi32>
          %add3A_848 = arith.addi %mul3A_277, %add3A_847 : vector<16xi32>
          %gather3A_849 = tpu.vector_load_idx %arg19[%add3A_848] : memref<176xf32, #tpu.memory_space<vmem>>[vector<16xi32>], vector<16xf32>,
          %mul3A_850 = arith.constant 16 : i32
          %mul3A_851 = arith.muli %add3A_262, %mul3A_850 : i32
          %swap3A_852 = arith.constant 13 : i32
          %swap3A_853 = arith.constant 7 : i32
          %swap3A_854 = arith.index_cast %swap3A_852 : i32 to index
          %swap3A_855 = arith.index_cast %swap3A_853 : i32 to index
          %swap3A_856 = arith.index_cast %mul3A_851 : i32 to index
          %swap3A_857 = tpu.vector_load %arg16[%swap3A_854, %swap3A_855, %swap3A_856] {strides = array<i32>} : memref<14x8x128xf32, #tpu.memory_space<vmem>>, vector<16xf32>,
          tpu.vector_store %arg16[%swap3A_854, %swap3A_855, %swap3A_856], %gather3A_849 {strides = array<i32>} : memref<14x8x128xf32, #tpu.memory_space<vmem>>, vector<16xf32>,
          %add3A_858 = arith.constant 0 : i32
          %add3A_859 = vector.broadcast %add3A_858 : i32 to vector<16xi32>
          %add3A_860 = arith.addi %and3A_8, %add3A_859 : vector<16xi32>
          %gather3A_861 = tpu.vector_load_idx %arg14[%add3A_281, %add3A_860] : memref<128x64xf32, #tpu.memory_space<vmem>>[vector<16xi32>, vector<16xi32>], vector<16xf32>,
          %shift_right_arithmetic3A = arith.constant 3 : i32
          %shift_right_arithmetic3A_862 = vector.broadcast %shift_right_arithmetic3A : i32 to vector<16xi32>
          %shift_right_arithmetic3A_863 = arith.shrsi %add3A_860, %shift_right_arithmetic3A_862 : vector<16xi32>
          %and3A_864 = arith.constant 7 : i32
          %and3A_865 = vector.broadcast %and3A_864 : i32 to vector<16xi32>
          %and3A_866 = arith.andi %add3A_860, %and3A_865 : vector<16xi32>
          tpu.vector_store_idx %arg16[%shift_right_arithmetic3A_863, %and3A_866, %add3A_281], %gather3A_861 : memref<14x8x128xf32, #tpu.memory_space<vmem>>[vector<16xi32>, vector<16xi32>, vector<16xi32>], vector<16xf32>,
          %add3A_867 = arith.constant 0 : i32
          %add3A_868 = vector.broadcast %add3A_867 : i32 to vector<16xi32>
          %add3A_869 = arith.addi %and3A_14, %add3A_868 : vector<16xi32>
          %gather3A_870 = tpu.vector_load_idx %arg14[%add3A_281, %add3A_869] : memref<128x64xf32, #tpu.memory_space<vmem>>[vector<16xi32>, vector<16xi32>], vector<16xf32>,
          %shift_right_arithmetic3A_871 = arith.constant 3 : i32
          %shift_right_arithmetic3A_872 = vector.broadcast %shift_right_arithmetic3A_871 : i32 to vector<16xi32>
          %shift_right_arithmetic3A_873 = arith.shrsi %add3A_869, %shift_right_arithmetic3A_872 : vector<16xi32>
          %and3A_874 = arith.constant 7 : i32
          %and3A_875 = vector.broadcast %and3A_874 : i32 to vector<16xi32>
          %and3A_876 = arith.andi %add3A_869, %and3A_875 : vector<16xi32>
          tpu.vector_store_idx %arg16[%shift_right_arithmetic3A_873, %and3A_876, %add3A_281], %gather3A_870 : memref<14x8x128xf32, #tpu.memory_space<vmem>>[vector<16xi32>, vector<16xi32>, vector<16xi32>], vector<16xf32>,
          %add3A_877 = arith.constant 0 : i32
          %add3A_878 = vector.broadcast %add3A_877 : i32 to vector<16xi32>
          %add3A_879 = arith.addi %and3A_20, %add3A_878 : vector<16xi32>
          %gather3A_880 = tpu.vector_load_idx %arg14[%add3A_281, %add3A_879] : memref<128x64xf32, #tpu.memory_space<vmem>>[vector<16xi32>, vector<16xi32>], vector<16xf32>,
          %shift_right_arithmetic3A_881 = arith.constant 3 : i32
          %shift_right_arithmetic3A_882 = vector.broadcast %shift_right_arithmetic3A_881 : i32 to vector<16xi32>
          %shift_right_arithmetic3A_883 = arith.shrsi %add3A_879, %shift_right_arithmetic3A_882 : vector<16xi32>
          %and3A_884 = arith.constant 7 : i32
          %and3A_885 = vector.broadcast %and3A_884 : i32 to vector<16xi32>
          %and3A_886 = arith.andi %add3A_879, %and3A_885 : vector<16xi32>
          tpu.vector_store_idx %arg16[%shift_right_arithmetic3A_883, %and3A_886, %add3A_281], %gather3A_880 : memref<14x8x128xf32, #tpu.memory_space<vmem>>[vector<16xi32>, vector<16xi32>, vector<16xi32>], vector<16xf32>,
          %add3A_887 = arith.constant 0 : i32
          %add3A_888 = vector.broadcast %add3A_887 : i32 to vector<16xi32>
          %add3A_889 = arith.addi %and3A_26, %add3A_888 : vector<16xi32>
          %gather3A_890 = tpu.vector_load_idx %arg14[%add3A_281, %add3A_889] : memref<128x64xf32, #tpu.memory_space<vmem>>[vector<16xi32>, vector<16xi32>], vector<16xf32>,
          %shift_right_arithmetic3A_891 = arith.constant 3 : i32
          %shift_right_arithmetic3A_892 = vector.broadcast %shift_right_arithmetic3A_891 : i32 to vector<16xi32>
          %shift_right_arithmetic3A_893 = arith.shrsi %add3A_889, %shift_right_arithmetic3A_892 : vector<16xi32>
          %and3A_894 = arith.constant 7 : i32
          %and3A_895 = vector.broadcast %and3A_894 : i32 to vector<16xi32>
          %and3A_896 = arith.andi %add3A_889, %and3A_895 : vector<16xi32>
          tpu.vector_store_idx %arg16[%shift_right_arithmetic3A_893, %and3A_896, %add3A_281], %gather3A_890 : memref<14x8x128xf32, #tpu.memory_space<vmem>>[vector<16xi32>, vector<16xi32>, vector<16xi32>], vector<16xf32>,
          %add3A_897 = arith.constant 0 : i32
          %add3A_898 = vector.broadcast %add3A_897 : i32 to vector<16xi32>
          %add3A_899 = arith.addi %and3A_32, %add3A_898 : vector<16xi32>
          %gather3A_900 = tpu.vector_load_idx %arg14[%add3A_281, %add3A_899] : memref<128x64xf32, #tpu.memory_space<vmem>>[vector<16xi32>, vector<16xi32>], vector<16xf32>,
          %shift_right_arithmetic3A_901 = arith.constant 3 : i32
          %shift_right_arithmetic3A_902 = vector.broadcast %shift_right_arithmetic3A_901 : i32 to vector<16xi32>
          %shift_right_arithmetic3A_903 = arith.shrsi %add3A_899, %shift_right_arithmetic3A_902 : vector<16xi32>
          %and3A_904 = arith.constant 7 : i32
          %and3A_905 = vector.broadcast %and3A_904 : i32 to vector<16xi32>
          %and3A_906 = arith.andi %add3A_899, %and3A_905 : vector<16xi32>
          tpu.vector_store_idx %arg16[%shift_right_arithmetic3A_903, %and3A_906, %add3A_281], %gather3A_900 : memref<14x8x128xf32, #tpu.memory_space<vmem>>[vector<16xi32>, vector<16xi32>, vector<16xi32>], vector<16xf32>,
          %add3A_907 = arith.constant 0 : i32
          %add3A_908 = vector.broadcast %add3A_907 : i32 to vector<16xi32>
          %add3A_909 = arith.addi %and3A_38, %add3A_908 : vector<16xi32>
          %gather3A_910 = tpu.vector_load_idx %arg14[%add3A_281, %add3A_909] : memref<128x64xf32, #tpu.memory_space<vmem>>[vector<16xi32>, vector<16xi32>], vector<16xf32>,
          %shift_right_arithmetic3A_911 = arith.constant 3 : i32
          %shift_right_arithmetic3A_912 = vector.broadcast %shift_right_arithmetic3A_911 : i32 to vector<16xi32>
          %shift_right_arithmetic3A_913 = arith.shrsi %add3A_909, %shift_right_arithmetic3A_912 : vector<16xi32>
          %and3A_914 = arith.constant 7 : i32
          %and3A_915 = vector.broadcast %and3A_914 : i32 to vector<16xi32>
          %and3A_916 = arith.andi %add3A_909, %and3A_915 : vector<16xi32>
          tpu.vector_store_idx %arg16[%shift_right_arithmetic3A_913, %and3A_916, %add3A_281], %gather3A_910 : memref<14x8x128xf32, #tpu.memory_space<vmem>>[vector<16xi32>, vector<16xi32>, vector<16xi32>], vector<16xf32>,
          %add3A_917 = arith.constant 0 : i32
          %add3A_918 = vector.broadcast %add3A_917 : i32 to vector<16xi32>
          %add3A_919 = arith.addi %and3A_44, %add3A_918 : vector<16xi32>
          %gather3A_920 = tpu.vector_load_idx %arg14[%add3A_281, %add3A_919] : memref<128x64xf32, #tpu.memory_space<vmem>>[vector<16xi32>, vector<16xi32>], vector<16xf32>,
          %shift_right_arithmetic3A_921 = arith.constant 3 : i32
          %shift_right_arithmetic3A_922 = vector.broadcast %shift_right_arithmetic3A_921 : i32 to vector<16xi32>
          %shift_right_arithmetic3A_923 = arith.shrsi %add3A_919, %shift_right_arithmetic3A_922 : vector<16xi32>
          %and3A_924 = arith.constant 7 : i32
          %and3A_925 = vector.broadcast %and3A_924 : i32 to vector<16xi32>
          %and3A_926 = arith.andi %add3A_919, %and3A_925 : vector<16xi32>
          tpu.vector_store_idx %arg16[%shift_right_arithmetic3A_923, %and3A_926, %add3A_281], %gather3A_920 : memref<14x8x128xf32, #tpu.memory_space<vmem>>[vector<16xi32>, vector<16xi32>, vector<16xi32>], vector<16xf32>,
          %add3A_927 = arith.constant 0 : i32
          %add3A_928 = vector.broadcast %add3A_927 : i32 to vector<16xi32>
          %add3A_929 = arith.addi %and3A_50, %add3A_928 : vector<16xi32>
          %gather3A_930 = tpu.vector_load_idx %arg14[%add3A_281, %add3A_929] : memref<128x64xf32, #tpu.memory_space<vmem>>[vector<16xi32>, vector<16xi32>], vector<16xf32>,
          %shift_right_arithmetic3A_931 = arith.constant 3 : i32
          %shift_right_arithmetic3A_932 = vector.broadcast %shift_right_arithmetic3A_931 : i32 to vector<16xi32>
          %shift_right_arithmetic3A_933 = arith.shrsi %add3A_929, %shift_right_arithmetic3A_932 : vector<16xi32>
          %and3A_934 = arith.constant 7 : i32
          %and3A_935 = vector.broadcast %and3A_934 : i32 to vector<16xi32>
          %and3A_936 = arith.andi %add3A_929, %and3A_935 : vector<16xi32>
          tpu.vector_store_idx %arg16[%shift_right_arithmetic3A_933, %and3A_936, %add3A_281], %gather3A_930 : memref<14x8x128xf32, #tpu.memory_space<vmem>>[vector<16xi32>, vector<16xi32>, vector<16xi32>], vector<16xf32>,
          %add3A_937 = arith.constant 0 : i32
          %add3A_938 = vector.broadcast %add3A_937 : i32 to vector<16xi32>
          %add3A_939 = arith.addi %and3A_56, %add3A_938 : vector<16xi32>
          %gather3A_940 = tpu.vector_load_idx %arg14[%add3A_281, %add3A_939] : memref<128x64xf32, #tpu.memory_space<vmem>>[vector<16xi32>, vector<16xi32>], vector<16xf32>,
          %shift_right_arithmetic3A_941 = arith.constant 3 : i32
          %shift_right_arithmetic3A_942 = vector.broadcast %shift_right_arithmetic3A_941 : i32 to vector<16xi32>
          %shift_right_arithmetic3A_943 = arith.shrsi %add3A_939, %shift_right_arithmetic3A_942 : vector<16xi32>
          %and3A_944 = arith.constant 7 : i32
          %and3A_945 = vector.broadcast %and3A_944 : i32 to vector<16xi32>
          %and3A_946 = arith.andi %add3A_939, %and3A_945 : vector<16xi32>
          tpu.vector_store_idx %arg16[%shift_right_arithmetic3A_943, %and3A_946, %add3A_281], %gather3A_940 : memref<14x8x128xf32, #tpu.memory_space<vmem>>[vector<16xi32>, vector<16xi32>, vector<16xi32>], vector<16xf32>,
          %add3A_947 = arith.constant 0 : i32
          %add3A_948 = vector.broadcast %add3A_947 : i32 to vector<16xi32>
          %add3A_949 = arith.addi %and3A_62, %add3A_948 : vector<16xi32>
          %gather3A_950 = tpu.vector_load_idx %arg14[%add3A_281, %add3A_949] : memref<128x64xf32, #tpu.memory_space<vmem>>[vector<16xi32>, vector<16xi32>], vector<16xf32>,
          %shift_right_arithmetic3A_951 = arith.constant 3 : i32
          %shift_right_arithmetic3A_952 = vector.broadcast %shift_right_arithmetic3A_951 : i32 to vector<16xi32>
          %shift_right_arithmetic3A_953 = arith.shrsi %add3A_949, %shift_right_arithmetic3A_952 : vector<16xi32>
          %and3A_954 = arith.constant 7 : i32
          %and3A_955 = vector.broadcast %and3A_954 : i32 to vector<16xi32>
          %and3A_956 = arith.andi %add3A_949, %and3A_955 : vector<16xi32>
          tpu.vector_store_idx %arg16[%shift_right_arithmetic3A_953, %and3A_956, %add3A_281], %gather3A_950 : memref<14x8x128xf32, #tpu.memory_space<vmem>>[vector<16xi32>, vector<16xi32>, vector<16xi32>], vector<16xf32>,
          %add3A_957 = arith.constant 0 : i32
          %add3A_958 = vector.broadcast %add3A_957 : i32 to vector<16xi32>
          %add3A_959 = arith.addi %and3A_68, %add3A_958 : vector<16xi32>
          %gather3A_960 = tpu.vector_load_idx %arg14[%add3A_281, %add3A_959] : memref<128x64xf32, #tpu.memory_space<vmem>>[vector<16xi32>, vector<16xi32>], vector<16xf32>,
          %shift_right_arithmetic3A_961 = arith.constant 3 : i32
          %shift_right_arithmetic3A_962 = vector.broadcast %shift_right_arithmetic3A_961 : i32 to vector<16xi32>
          %shift_right_arithmetic3A_963 = arith.shrsi %add3A_959, %shift_right_arithmetic3A_962 : vector<16xi32>
          %and3A_964 = arith.constant 7 : i32
          %and3A_965 = vector.broadcast %and3A_964 : i32 to vector<16xi32>
          %and3A_966 = arith.andi %add3A_959, %and3A_965 : vector<16xi32>
          tpu.vector_store_idx %arg16[%shift_right_arithmetic3A_963, %and3A_966, %add3A_281], %gather3A_960 : memref<14x8x128xf32, #tpu.memory_space<vmem>>[vector<16xi32>, vector<16xi32>, vector<16xi32>], vector<16xf32>,
          %add3A_967 = arith.constant 0 : i32
          %add3A_968 = vector.broadcast %add3A_967 : i32 to vector<16xi32>
          %add3A_969 = arith.addi %and3A_74, %add3A_968 : vector<16xi32>
          %gather3A_970 = tpu.vector_load_idx %arg14[%add3A_281, %add3A_969] : memref<128x64xf32, #tpu.memory_space<vmem>>[vector<16xi32>, vector<16xi32>], vector<16xf32>,
          %shift_right_arithmetic3A_971 = arith.constant 3 : i32
          %shift_right_arithmetic3A_972 = vector.broadcast %shift_right_arithmetic3A_971 : i32 to vector<16xi32>
          %shift_right_arithmetic3A_973 = arith.shrsi %add3A_969, %shift_right_arithmetic3A_972 : vector<16xi32>
          %and3A_974 = arith.constant 7 : i32
          %and3A_975 = vector.broadcast %and3A_974 : i32 to vector<16xi32>
          %and3A_976 = arith.andi %add3A_969, %and3A_975 : vector<16xi32>
          tpu.vector_store_idx %arg16[%shift_right_arithmetic3A_973, %and3A_976, %add3A_281], %gather3A_970 : memref<14x8x128xf32, #tpu.memory_space<vmem>>[vector<16xi32>, vector<16xi32>, vector<16xi32>], vector<16xf32>,
          %add3A_977 = arith.constant 0 : i32
          %add3A_978 = vector.broadcast %add3A_977 : i32 to vector<16xi32>
          %add3A_979 = arith.addi %and3A_80, %add3A_978 : vector<16xi32>
          %gather3A_980 = tpu.vector_load_idx %arg14[%add3A_281, %add3A_979] : memref<128x64xf32, #tpu.memory_space<vmem>>[vector<16xi32>, vector<16xi32>], vector<16xf32>,
          %shift_right_arithmetic3A_981 = arith.constant 3 : i32
          %shift_right_arithmetic3A_982 = vector.broadcast %shift_right_arithmetic3A_981 : i32 to vector<16xi32>
          %shift_right_arithmetic3A_983 = arith.shrsi %add3A_979, %shift_right_arithmetic3A_982 : vector<16xi32>
          %and3A_984 = arith.constant 7 : i32
          %and3A_985 = vector.broadcast %and3A_984 : i32 to vector<16xi32>
          %and3A_986 = arith.andi %add3A_979, %and3A_985 : vector<16xi32>
          tpu.vector_store_idx %arg16[%shift_right_arithmetic3A_983, %and3A_986, %add3A_281], %gather3A_980 : memref<14x8x128xf32, #tpu.memory_space<vmem>>[vector<16xi32>, vector<16xi32>, vector<16xi32>], vector<16xf32>,
          %add3A_987 = arith.constant 0 : i32
          %add3A_988 = vector.broadcast %add3A_987 : i32 to vector<16xi32>
          %add3A_989 = arith.addi %and3A_86, %add3A_988 : vector<16xi32>
          %gather3A_990 = tpu.vector_load_idx %arg14[%add3A_281, %add3A_989] : memref<128x64xf32, #tpu.memory_space<vmem>>[vector<16xi32>, vector<16xi32>], vector<16xf32>,
          %shift_right_arithmetic3A_991 = arith.constant 3 : i32
          %shift_right_arithmetic3A_992 = vector.broadcast %shift_right_arithmetic3A_991 : i32 to vector<16xi32>
          %shift_right_arithmetic3A_993 = arith.shrsi %add3A_989, %shift_right_arithmetic3A_992 : vector<16xi32>
          %and3A_994 = arith.constant 7 : i32
          %and3A_995 = vector.broadcast %and3A_994 : i32 to vector<16xi32>
          %and3A_996 = arith.andi %add3A_989, %and3A_995 : vector<16xi32>
          tpu.vector_store_idx %arg16[%shift_right_arithmetic3A_993, %and3A_996, %add3A_281], %gather3A_990 : memref<14x8x128xf32, #tpu.memory_space<vmem>>[vector<16xi32>, vector<16xi32>, vector<16xi32>], vector<16xf32>,
          %add3A_997 = arith.constant 0 : i32
          %add3A_998 = vector.broadcast %add3A_997 : i32 to vector<16xi32>
          %add3A_999 = arith.addi %and3A_92, %add3A_998 : vector<16xi32>
          %gather3A_1000 = tpu.vector_load_idx %arg14[%add3A_281, %add3A_999] : memref<128x64xf32, #tpu.memory_space<vmem>>[vector<16xi32>, vector<16xi32>], vector<16xf32>,
          %shift_right_arithmetic3A_1001 = arith.constant 3 : i32
          %shift_right_arithmetic3A_1002 = vector.broadcast %shift_right_arithmetic3A_1001 : i32 to vector<16xi32>
          %shift_right_arithmetic3A_1003 = arith.shrsi %add3A_999, %shift_right_arithmetic3A_1002 : vector<16xi32>
          %and3A_1004 = arith.constant 7 : i32
          %and3A_1005 = vector.broadcast %and3A_1004 : i32 to vector<16xi32>
          %and3A_1006 = arith.andi %add3A_999, %and3A_1005 : vector<16xi32>
          tpu.vector_store_idx %arg16[%shift_right_arithmetic3A_1003, %and3A_1006, %add3A_281], %gather3A_1000 : memref<14x8x128xf32, #tpu.memory_space<vmem>>[vector<16xi32>, vector<16xi32>, vector<16xi32>], vector<16xf32>,
          %add3A_1007 = arith.constant 0 : i32
          %add3A_1008 = vector.broadcast %add3A_1007 : i32 to vector<16xi32>
          %add3A_1009 = arith.addi %and3A_98, %add3A_1008 : vector<16xi32>
          %gather3A_1010 = tpu.vector_load_idx %arg14[%add3A_281, %add3A_1009] : memref<128x64xf32, #tpu.memory_space<vmem>>[vector<16xi32>, vector<16xi32>], vector<16xf32>,
          %shift_right_arithmetic3A_1011 = arith.constant 3 : i32
          %shift_right_arithmetic3A_1012 = vector.broadcast %shift_right_arithmetic3A_1011 : i32 to vector<16xi32>
          %shift_right_arithmetic3A_1013 = arith.shrsi %add3A_1009, %shift_right_arithmetic3A_1012 : vector<16xi32>
          %and3A_1014 = arith.constant 7 : i32
          %and3A_1015 = vector.broadcast %and3A_1014 : i32 to vector<16xi32>
          %and3A_1016 = arith.andi %add3A_1009, %and3A_1015 : vector<16xi32>
          tpu.vector_store_idx %arg16[%shift_right_arithmetic3A_1013, %and3A_1016, %add3A_281], %gather3A_1010 : memref<14x8x128xf32, #tpu.memory_space<vmem>>[vector<16xi32>, vector<16xi32>, vector<16xi32>], vector<16xf32>,
          %add3A_1017 = arith.constant 16 : i32
          %add3A_1018 = vector.broadcast %add3A_1017 : i32 to vector<16xi32>
          %add3A_1019 = arith.addi %and3A_8, %add3A_1018 : vector<16xi32>
          %gather3A_1020 = tpu.vector_load_idx %arg14[%add3A_281, %add3A_1019] : memref<128x64xf32, #tpu.memory_space<vmem>>[vector<16xi32>, vector<16xi32>], vector<16xf32>,
          %shift_right_arithmetic3A_1021 = arith.constant 3 : i32
          %shift_right_arithmetic3A_1022 = vector.broadcast %shift_right_arithmetic3A_1021 : i32 to vector<16xi32>
          %shift_right_arithmetic3A_1023 = arith.shrsi %add3A_1019, %shift_right_arithmetic3A_1022 : vector<16xi32>
          %and3A_1024 = arith.constant 7 : i32
          %and3A_1025 = vector.broadcast %and3A_1024 : i32 to vector<16xi32>
          %and3A_1026 = arith.andi %add3A_1019, %and3A_1025 : vector<16xi32>
          tpu.vector_store_idx %arg16[%shift_right_arithmetic3A_1023, %and3A_1026, %add3A_281], %gather3A_1020 : memref<14x8x128xf32, #tpu.memory_space<vmem>>[vector<16xi32>, vector<16xi32>, vector<16xi32>], vector<16xf32>,
          %add3A_1027 = arith.constant 16 : i32
          %add3A_1028 = vector.broadcast %add3A_1027 : i32 to vector<16xi32>
          %add3A_1029 = arith.addi %and3A_14, %add3A_1028 : vector<16xi32>
          %gather3A_1030 = tpu.vector_load_idx %arg14[%add3A_281, %add3A_1029] : memref<128x64xf32, #tpu.memory_space<vmem>>[vector<16xi32>, vector<16xi32>], vector<16xf32>,
          %shift_right_arithmetic3A_1031 = arith.constant 3 : i32
          %shift_right_arithmetic3A_1032 = vector.broadcast %shift_right_arithmetic3A_1031 : i32 to vector<16xi32>
          %shift_right_arithmetic3A_1033 = arith.shrsi %add3A_1029, %shift_right_arithmetic3A_1032 : vector<16xi32>
          %and3A_1034 = arith.constant 7 : i32
          %and3A_1035 = vector.broadcast %and3A_1034 : i32 to vector<16xi32>
          %and3A_1036 = arith.andi %add3A_1029, %and3A_1035 : vector<16xi32>
          tpu.vector_store_idx %arg16[%shift_right_arithmetic3A_1033, %and3A_1036, %add3A_281], %gather3A_1030 : memref<14x8x128xf32, #tpu.memory_space<vmem>>[vector<16xi32>, vector<16xi32>, vector<16xi32>], vector<16xf32>,
          %add3A_1037 = arith.constant 16 : i32
          %add3A_1038 = vector.broadcast %add3A_1037 : i32 to vector<16xi32>
          %add3A_1039 = arith.addi %and3A_20, %add3A_1038 : vector<16xi32>
          %gather3A_1040 = tpu.vector_load_idx %arg14[%add3A_281, %add3A_1039] : memref<128x64xf32, #tpu.memory_space<vmem>>[vector<16xi32>, vector<16xi32>], vector<16xf32>,
          %shift_right_arithmetic3A_1041 = arith.constant 3 : i32
          %shift_right_arithmetic3A_1042 = vector.broadcast %shift_right_arithmetic3A_1041 : i32 to vector<16xi32>
          %shift_right_arithmetic3A_1043 = arith.shrsi %add3A_1039, %shift_right_arithmetic3A_1042 : vector<16xi32>
          %and3A_1044 = arith.constant 7 : i32
          %and3A_1045 = vector.broadcast %and3A_1044 : i32 to vector<16xi32>
          %and3A_1046 = arith.andi %add3A_1039, %and3A_1045 : vector<16xi32>
          tpu.vector_store_idx %arg16[%shift_right_arithmetic3A_1043, %and3A_1046, %add3A_281], %gather3A_1040 : memref<14x8x128xf32, #tpu.memory_space<vmem>>[vector<16xi32>, vector<16xi32>, vector<16xi32>], vector<16xf32>,
          %add3A_1047 = arith.constant 16 : i32
          %add3A_1048 = vector.broadcast %add3A_1047 : i32 to vector<16xi32>
          %add3A_1049 = arith.addi %and3A_26, %add3A_1048 : vector<16xi32>
          %gather3A_1050 = tpu.vector_load_idx %arg14[%add3A_281, %add3A_1049] : memref<128x64xf32, #tpu.memory_space<vmem>>[vector<16xi32>, vector<16xi32>], vector<16xf32>,
          %shift_right_arithmetic3A_1051 = arith.constant 3 : i32
          %shift_right_arithmetic3A_1052 = vector.broadcast %shift_right_arithmetic3A_1051 : i32 to vector<16xi32>
          %shift_right_arithmetic3A_1053 = arith.shrsi %add3A_1049, %shift_right_arithmetic3A_1052 : vector<16xi32>
          %and3A_1054 = arith.constant 7 : i32
          %and3A_1055 = vector.broadcast %and3A_1054 : i32 to vector<16xi32>
          %and3A_1056 = arith.andi %add3A_1049, %and3A_1055 : vector<16xi32>
          tpu.vector_store_idx %arg16[%shift_right_arithmetic3A_1053, %and3A_1056, %add3A_281], %gather3A_1050 : memref<14x8x128xf32, #tpu.memory_space<vmem>>[vector<16xi32>, vector<16xi32>, vector<16xi32>], vector<16xf32>,
          %add3A_1057 = arith.constant 16 : i32
          %add3A_1058 = vector.broadcast %add3A_1057 : i32 to vector<16xi32>
          %add3A_1059 = arith.addi %and3A_32, %add3A_1058 : vector<16xi32>
          %gather3A_1060 = tpu.vector_load_idx %arg14[%add3A_281, %add3A_1059] : memref<128x64xf32, #tpu.memory_space<vmem>>[vector<16xi32>, vector<16xi32>], vector<16xf32>,
          %shift_right_arithmetic3A_1061 = arith.constant 3 : i32
          %shift_right_arithmetic3A_1062 = vector.broadcast %shift_right_arithmetic3A_1061 : i32 to vector<16xi32>
          %shift_right_arithmetic3A_1063 = arith.shrsi %add3A_1059, %shift_right_arithmetic3A_1062 : vector<16xi32>
          %and3A_1064 = arith.constant 7 : i32
          %and3A_1065 = vector.broadcast %and3A_1064 : i32 to vector<16xi32>
          %and3A_1066 = arith.andi %add3A_1059, %and3A_1065 : vector<16xi32>
          tpu.vector_store_idx %arg16[%shift_right_arithmetic3A_1063, %and3A_1066, %add3A_281], %gather3A_1060 : memref<14x8x128xf32, #tpu.memory_space<vmem>>[vector<16xi32>, vector<16xi32>, vector<16xi32>], vector<16xf32>,
          %add3A_1067 = arith.constant 16 : i32
          %add3A_1068 = vector.broadcast %add3A_1067 : i32 to vector<16xi32>
          %add3A_1069 = arith.addi %and3A_38, %add3A_1068 : vector<16xi32>
          %gather3A_1070 = tpu.vector_load_idx %arg14[%add3A_281, %add3A_1069] : memref<128x64xf32, #tpu.memory_space<vmem>>[vector<16xi32>, vector<16xi32>], vector<16xf32>,
          %shift_right_arithmetic3A_1071 = arith.constant 3 : i32
          %shift_right_arithmetic3A_1072 = vector.broadcast %shift_right_arithmetic3A_1071 : i32 to vector<16xi32>
          %shift_right_arithmetic3A_1073 = arith.shrsi %add3A_1069, %shift_right_arithmetic3A_1072 : vector<16xi32>
          %and3A_1074 = arith.constant 7 : i32
          %and3A_1075 = vector.broadcast %and3A_1074 : i32 to vector<16xi32>
          %and3A_1076 = arith.andi %add3A_1069, %and3A_1075 : vector<16xi32>
          tpu.vector_store_idx %arg16[%shift_right_arithmetic3A_1073, %and3A_1076, %add3A_281], %gather3A_1070 : memref<14x8x128xf32, #tpu.memory_space<vmem>>[vector<16xi32>, vector<16xi32>, vector<16xi32>], vector<16xf32>,
          %add3A_1077 = arith.constant 16 : i32
          %add3A_1078 = vector.broadcast %add3A_1077 : i32 to vector<16xi32>
          %add3A_1079 = arith.addi %and3A_44, %add3A_1078 : vector<16xi32>
          %gather3A_1080 = tpu.vector_load_idx %arg14[%add3A_281, %add3A_1079] : memref<128x64xf32, #tpu.memory_space<vmem>>[vector<16xi32>, vector<16xi32>], vector<16xf32>,
          %shift_right_arithmetic3A_1081 = arith.constant 3 : i32
          %shift_right_arithmetic3A_1082 = vector.broadcast %shift_right_arithmetic3A_1081 : i32 to vector<16xi32>
          %shift_right_arithmetic3A_1083 = arith.shrsi %add3A_1079, %shift_right_arithmetic3A_1082 : vector<16xi32>
          %and3A_1084 = arith.constant 7 : i32
          %and3A_1085 = vector.broadcast %and3A_1084 : i32 to vector<16xi32>
          %and3A_1086 = arith.andi %add3A_1079, %and3A_1085 : vector<16xi32>
          tpu.vector_store_idx %arg16[%shift_right_arithmetic3A_1083, %and3A_1086, %add3A_281], %gather3A_1080 : memref<14x8x128xf32, #tpu.memory_space<vmem>>[vector<16xi32>, vector<16xi32>, vector<16xi32>], vector<16xf32>,
          %add3A_1087 = arith.constant 16 : i32
          %add3A_1088 = vector.broadcast %add3A_1087 : i32 to vector<16xi32>
          %add3A_1089 = arith.addi %and3A_50, %add3A_1088 : vector<16xi32>
          %gather3A_1090 = tpu.vector_load_idx %arg14[%add3A_281, %add3A_1089] : memref<128x64xf32, #tpu.memory_space<vmem>>[vector<16xi32>, vector<16xi32>], vector<16xf32>,
          %shift_right_arithmetic3A_1091 = arith.constant 3 : i32
          %shift_right_arithmetic3A_1092 = vector.broadcast %shift_right_arithmetic3A_1091 : i32 to vector<16xi32>
          %shift_right_arithmetic3A_1093 = arith.shrsi %add3A_1089, %shift_right_arithmetic3A_1092 : vector<16xi32>
          %and3A_1094 = arith.constant 7 : i32
          %and3A_1095 = vector.broadcast %and3A_1094 : i32 to vector<16xi32>
          %and3A_1096 = arith.andi %add3A_1089, %and3A_1095 : vector<16xi32>
          tpu.vector_store_idx %arg16[%shift_right_arithmetic3A_1093, %and3A_1096, %add3A_281], %gather3A_1090 : memref<14x8x128xf32, #tpu.memory_space<vmem>>[vector<16xi32>, vector<16xi32>, vector<16xi32>], vector<16xf32>,
          %add3A_1097 = arith.constant 16 : i32
          %add3A_1098 = vector.broadcast %add3A_1097 : i32 to vector<16xi32>
          %add3A_1099 = arith.addi %and3A_56, %add3A_1098 : vector<16xi32>
          %gather3A_1100 = tpu.vector_load_idx %arg14[%add3A_281, %add3A_1099] : memref<128x64xf32, #tpu.memory_space<vmem>>[vector<16xi32>, vector<16xi32>], vector<16xf32>,
          %shift_right_arithmetic3A_1101 = arith.constant 3 : i32
          %shift_right_arithmetic3A_1102 = vector.broadcast %shift_right_arithmetic3A_1101 : i32 to vector<16xi32>
          %shift_right_arithmetic3A_1103 = arith.shrsi %add3A_1099, %shift_right_arithmetic3A_1102 : vector<16xi32>
          %and3A_1104 = arith.constant 7 : i32
          %and3A_1105 = vector.broadcast %and3A_1104 : i32 to vector<16xi32>
          %and3A_1106 = arith.andi %add3A_1099, %and3A_1105 : vector<16xi32>
          tpu.vector_store_idx %arg16[%shift_right_arithmetic3A_1103, %and3A_1106, %add3A_281], %gather3A_1100 : memref<14x8x128xf32, #tpu.memory_space<vmem>>[vector<16xi32>, vector<16xi32>, vector<16xi32>], vector<16xf32>,
          %add3A_1107 = arith.constant 16 : i32
          %add3A_1108 = vector.broadcast %add3A_1107 : i32 to vector<16xi32>
          %add3A_1109 = arith.addi %and3A_62, %add3A_1108 : vector<16xi32>
          %gather3A_1110 = tpu.vector_load_idx %arg14[%add3A_281, %add3A_1109] : memref<128x64xf32, #tpu.memory_space<vmem>>[vector<16xi32>, vector<16xi32>], vector<16xf32>,
          %shift_right_arithmetic3A_1111 = arith.constant 3 : i32
          %shift_right_arithmetic3A_1112 = vector.broadcast %shift_right_arithmetic3A_1111 : i32 to vector<16xi32>
          %shift_right_arithmetic3A_1113 = arith.shrsi %add3A_1109, %shift_right_arithmetic3A_1112 : vector<16xi32>
          %and3A_1114 = arith.constant 7 : i32
          %and3A_1115 = vector.broadcast %and3A_1114 : i32 to vector<16xi32>
          %and3A_1116 = arith.andi %add3A_1109, %and3A_1115 : vector<16xi32>
          tpu.vector_store_idx %arg16[%shift_right_arithmetic3A_1113, %and3A_1116, %add3A_281], %gather3A_1110 : memref<14x8x128xf32, #tpu.memory_space<vmem>>[vector<16xi32>, vector<16xi32>, vector<16xi32>], vector<16xf32>,
          %add3A_1117 = arith.constant 16 : i32
          %add3A_1118 = vector.broadcast %add3A_1117 : i32 to vector<16xi32>
          %add3A_1119 = arith.addi %and3A_68, %add3A_1118 : vector<16xi32>
          %gather3A_1120 = tpu.vector_load_idx %arg14[%add3A_281, %add3A_1119] : memref<128x64xf32, #tpu.memory_space<vmem>>[vector<16xi32>, vector<16xi32>], vector<16xf32>,
          %shift_right_arithmetic3A_1121 = arith.constant 3 : i32
          %shift_right_arithmetic3A_1122 = vector.broadcast %shift_right_arithmetic3A_1121 : i32 to vector<16xi32>
          %shift_right_arithmetic3A_1123 = arith.shrsi %add3A_1119, %shift_right_arithmetic3A_1122 : vector<16xi32>
          %and3A_1124 = arith.constant 7 : i32
          %and3A_1125 = vector.broadcast %and3A_1124 : i32 to vector<16xi32>
          %and3A_1126 = arith.andi %add3A_1119, %and3A_1125 : vector<16xi32>
          tpu.vector_store_idx %arg16[%shift_right_arithmetic3A_1123, %and3A_1126, %add3A_281], %gather3A_1120 : memref<14x8x128xf32, #tpu.memory_space<vmem>>[vector<16xi32>, vector<16xi32>, vector<16xi32>], vector<16xf32>,
          %add3A_1127 = arith.constant 16 : i32
          %add3A_1128 = vector.broadcast %add3A_1127 : i32 to vector<16xi32>
          %add3A_1129 = arith.addi %and3A_74, %add3A_1128 : vector<16xi32>
          %gather3A_1130 = tpu.vector_load_idx %arg14[%add3A_281, %add3A_1129] : memref<128x64xf32, #tpu.memory_space<vmem>>[vector<16xi32>, vector<16xi32>], vector<16xf32>,
          %shift_right_arithmetic3A_1131 = arith.constant 3 : i32
          %shift_right_arithmetic3A_1132 = vector.broadcast %shift_right_arithmetic3A_1131 : i32 to vector<16xi32>
          %shift_right_arithmetic3A_1133 = arith.shrsi %add3A_1129, %shift_right_arithmetic3A_1132 : vector<16xi32>
          %and3A_1134 = arith.constant 7 : i32
          %and3A_1135 = vector.broadcast %and3A_1134 : i32 to vector<16xi32>
          %and3A_1136 = arith.andi %add3A_1129, %and3A_1135 : vector<16xi32>
          tpu.vector_store_idx %arg16[%shift_right_arithmetic3A_1133, %and3A_1136, %add3A_281], %gather3A_1130 : memref<14x8x128xf32, #tpu.memory_space<vmem>>[vector<16xi32>, vector<16xi32>, vector<16xi32>], vector<16xf32>,
          %add3A_1137 = arith.constant 16 : i32
          %add3A_1138 = vector.broadcast %add3A_1137 : i32 to vector<16xi32>
          %add3A_1139 = arith.addi %and3A_80, %add3A_1138 : vector<16xi32>
          %gather3A_1140 = tpu.vector_load_idx %arg14[%add3A_281, %add3A_1139] : memref<128x64xf32, #tpu.memory_space<vmem>>[vector<16xi32>, vector<16xi32>], vector<16xf32>,
          %shift_right_arithmetic3A_1141 = arith.constant 3 : i32
          %shift_right_arithmetic3A_1142 = vector.broadcast %shift_right_arithmetic3A_1141 : i32 to vector<16xi32>
          %shift_right_arithmetic3A_1143 = arith.shrsi %add3A_1139, %shift_right_arithmetic3A_1142 : vector<16xi32>
          %and3A_1144 = arith.constant 7 : i32
          %and3A_1145 = vector.broadcast %and3A_1144 : i32 to vector<16xi32>
          %and3A_1146 = arith.andi %add3A_1139, %and3A_1145 : vector<16xi32>
          tpu.vector_store_idx %arg16[%shift_right_arithmetic3A_1143, %and3A_1146, %add3A_281], %gather3A_1140 : memref<14x8x128xf32, #tpu.memory_space<vmem>>[vector<16xi32>, vector<16xi32>, vector<16xi32>], vector<16xf32>,
          %add3A_1147 = arith.constant 16 : i32
          %add3A_1148 = vector.broadcast %add3A_1147 : i32 to vector<16xi32>
          %add3A_1149 = arith.addi %and3A_86, %add3A_1148 : vector<16xi32>
          %gather3A_1150 = tpu.vector_load_idx %arg14[%add3A_281, %add3A_1149] : memref<128x64xf32, #tpu.memory_space<vmem>>[vector<16xi32>, vector<16xi32>], vector<16xf32>,
          %shift_right_arithmetic3A_1151 = arith.constant 3 : i32
          %shift_right_arithmetic3A_1152 = vector.broadcast %shift_right_arithmetic3A_1151 : i32 to vector<16xi32>
          %shift_right_arithmetic3A_1153 = arith.shrsi %add3A_1149, %shift_right_arithmetic3A_1152 : vector<16xi32>
          %and3A_1154 = arith.constant 7 : i32
          %and3A_1155 = vector.broadcast %and3A_1154 : i32 to vector<16xi32>
          %and3A_1156 = arith.andi %add3A_1149, %and3A_1155 : vector<16xi32>
          tpu.vector_store_idx %arg16[%shift_right_arithmetic3A_1153, %and3A_1156, %add3A_281], %gather3A_1150 : memref<14x8x128xf32, #tpu.memory_space<vmem>>[vector<16xi32>, vector<16xi32>, vector<16xi32>], vector<16xf32>,
          %add3A_1157 = arith.constant 16 : i32
          %add3A_1158 = vector.broadcast %add3A_1157 : i32 to vector<16xi32>
          %add3A_1159 = arith.addi %and3A_92, %add3A_1158 : vector<16xi32>
          %gather3A_1160 = tpu.vector_load_idx %arg14[%add3A_281, %add3A_1159] : memref<128x64xf32, #tpu.memory_space<vmem>>[vector<16xi32>, vector<16xi32>], vector<16xf32>,
          %shift_right_arithmetic3A_1161 = arith.constant 3 : i32
          %shift_right_arithmetic3A_1162 = vector.broadcast %shift_right_arithmetic3A_1161 : i32 to vector<16xi32>
          %shift_right_arithmetic3A_1163 = arith.shrsi %add3A_1159, %shift_right_arithmetic3A_1162 : vector<16xi32>
          %and3A_1164 = arith.constant 7 : i32
          %and3A_1165 = vector.broadcast %and3A_1164 : i32 to vector<16xi32>
          %and3A_1166 = arith.andi %add3A_1159, %and3A_1165 : vector<16xi32>
          tpu.vector_store_idx %arg16[%shift_right_arithmetic3A_1163, %and3A_1166, %add3A_281], %gather3A_1160 : memref<14x8x128xf32, #tpu.memory_space<vmem>>[vector<16xi32>, vector<16xi32>, vector<16xi32>], vector<16xf32>,
          %add3A_1167 = arith.constant 16 : i32
          %add3A_1168 = vector.broadcast %add3A_1167 : i32 to vector<16xi32>
          %add3A_1169 = arith.addi %and3A_98, %add3A_1168 : vector<16xi32>
          %gather3A_1170 = tpu.vector_load_idx %arg14[%add3A_281, %add3A_1169] : memref<128x64xf32, #tpu.memory_space<vmem>>[vector<16xi32>, vector<16xi32>], vector<16xf32>,
          %shift_right_arithmetic3A_1171 = arith.constant 3 : i32
          %shift_right_arithmetic3A_1172 = vector.broadcast %shift_right_arithmetic3A_1171 : i32 to vector<16xi32>
          %shift_right_arithmetic3A_1173 = arith.shrsi %add3A_1169, %shift_right_arithmetic3A_1172 : vector<16xi32>
          %and3A_1174 = arith.constant 7 : i32
          %and3A_1175 = vector.broadcast %and3A_1174 : i32 to vector<16xi32>
          %and3A_1176 = arith.andi %add3A_1169, %and3A_1175 : vector<16xi32>
          tpu.vector_store_idx %arg16[%shift_right_arithmetic3A_1173, %and3A_1176, %add3A_281], %gather3A_1170 : memref<14x8x128xf32, #tpu.memory_space<vmem>>[vector<16xi32>, vector<16xi32>, vector<16xi32>], vector<16xf32>,
          %add3A_1177 = arith.constant 32 : i32
          %add3A_1178 = vector.broadcast %add3A_1177 : i32 to vector<16xi32>
          %add3A_1179 = arith.addi %and3A_8, %add3A_1178 : vector<16xi32>
          %gather3A_1180 = tpu.vector_load_idx %arg14[%add3A_281, %add3A_1179] : memref<128x64xf32, #tpu.memory_space<vmem>>[vector<16xi32>, vector<16xi32>], vector<16xf32>,
          %shift_right_arithmetic3A_1181 = arith.constant 3 : i32
          %shift_right_arithmetic3A_1182 = vector.broadcast %shift_right_arithmetic3A_1181 : i32 to vector<16xi32>
          %shift_right_arithmetic3A_1183 = arith.shrsi %add3A_1179, %shift_right_arithmetic3A_1182 : vector<16xi32>
          %and3A_1184 = arith.constant 7 : i32
          %and3A_1185 = vector.broadcast %and3A_1184 : i32 to vector<16xi32>
          %and3A_1186 = arith.andi %add3A_1179, %and3A_1185 : vector<16xi32>
          tpu.vector_store_idx %arg16[%shift_right_arithmetic3A_1183, %and3A_1186, %add3A_281], %gather3A_1180 : memref<14x8x128xf32, #tpu.memory_space<vmem>>[vector<16xi32>, vector<16xi32>, vector<16xi32>], vector<16xf32>,
          %add3A_1187 = arith.constant 32 : i32
          %add3A_1188 = vector.broadcast %add3A_1187 : i32 to vector<16xi32>
          %add3A_1189 = arith.addi %and3A_14, %add3A_1188 : vector<16xi32>
          %gather3A_1190 = tpu.vector_load_idx %arg14[%add3A_281, %add3A_1189] : memref<128x64xf32, #tpu.memory_space<vmem>>[vector<16xi32>, vector<16xi32>], vector<16xf32>,
          %shift_right_arithmetic3A_1191 = arith.constant 3 : i32
          %shift_right_arithmetic3A_1192 = vector.broadcast %shift_right_arithmetic3A_1191 : i32 to vector<16xi32>
          %shift_right_arithmetic3A_1193 = arith.shrsi %add3A_1189, %shift_right_arithmetic3A_1192 : vector<16xi32>
          %and3A_1194 = arith.constant 7 : i32
          %and3A_1195 = vector.broadcast %and3A_1194 : i32 to vector<16xi32>
          %and3A_1196 = arith.andi %add3A_1189, %and3A_1195 : vector<16xi32>
          tpu.vector_store_idx %arg16[%shift_right_arithmetic3A_1193, %and3A_1196, %add3A_281], %gather3A_1190 : memref<14x8x128xf32, #tpu.memory_space<vmem>>[vector<16xi32>, vector<16xi32>, vector<16xi32>], vector<16xf32>,
          %add3A_1197 = arith.constant 32 : i32
          %add3A_1198 = vector.broadcast %add3A_1197 : i32 to vector<16xi32>
          %add3A_1199 = arith.addi %and3A_20, %add3A_1198 : vector<16xi32>
          %gather3A_1200 = tpu.vector_load_idx %arg14[%add3A_281, %add3A_1199] : memref<128x64xf32, #tpu.memory_space<vmem>>[vector<16xi32>, vector<16xi32>], vector<16xf32>,
          %shift_right_arithmetic3A_1201 = arith.constant 3 : i32
          %shift_right_arithmetic3A_1202 = vector.broadcast %shift_right_arithmetic3A_1201 : i32 to vector<16xi32>
          %shift_right_arithmetic3A_1203 = arith.shrsi %add3A_1199, %shift_right_arithmetic3A_1202 : vector<16xi32>
          %and3A_1204 = arith.constant 7 : i32
          %and3A_1205 = vector.broadcast %and3A_1204 : i32 to vector<16xi32>
          %and3A_1206 = arith.andi %add3A_1199, %and3A_1205 : vector<16xi32>
          tpu.vector_store_idx %arg16[%shift_right_arithmetic3A_1203, %and3A_1206, %add3A_281], %gather3A_1200 : memref<14x8x128xf32, #tpu.memory_space<vmem>>[vector<16xi32>, vector<16xi32>, vector<16xi32>], vector<16xf32>,
          %add3A_1207 = arith.constant 32 : i32
          %add3A_1208 = vector.broadcast %add3A_1207 : i32 to vector<16xi32>
          %add3A_1209 = arith.addi %and3A_26, %add3A_1208 : vector<16xi32>
          %gather3A_1210 = tpu.vector_load_idx %arg14[%add3A_281, %add3A_1209] : memref<128x64xf32, #tpu.memory_space<vmem>>[vector<16xi32>, vector<16xi32>], vector<16xf32>,
          %shift_right_arithmetic3A_1211 = arith.constant 3 : i32
          %shift_right_arithmetic3A_1212 = vector.broadcast %shift_right_arithmetic3A_1211 : i32 to vector<16xi32>
          %shift_right_arithmetic3A_1213 = arith.shrsi %add3A_1209, %shift_right_arithmetic3A_1212 : vector<16xi32>
          %and3A_1214 = arith.constant 7 : i32
          %and3A_1215 = vector.broadcast %and3A_1214 : i32 to vector<16xi32>
          %and3A_1216 = arith.andi %add3A_1209, %and3A_1215 : vector<16xi32>
          tpu.vector_store_idx %arg16[%shift_right_arithmetic3A_1213, %and3A_1216, %add3A_281], %gather3A_1210 : memref<14x8x128xf32, #tpu.memory_space<vmem>>[vector<16xi32>, vector<16xi32>, vector<16xi32>], vector<16xf32>,
          %add3A_1217 = arith.constant 32 : i32
          %add3A_1218 = vector.broadcast %add3A_1217 : i32 to vector<16xi32>
          %add3A_1219 = arith.addi %and3A_32, %add3A_1218 : vector<16xi32>
          %gather3A_1220 = tpu.vector_load_idx %arg14[%add3A_281, %add3A_1219] : memref<128x64xf32, #tpu.memory_space<vmem>>[vector<16xi32>, vector<16xi32>], vector<16xf32>,
          %shift_right_arithmetic3A_1221 = arith.constant 3 : i32
          %shift_right_arithmetic3A_1222 = vector.broadcast %shift_right_arithmetic3A_1221 : i32 to vector<16xi32>
          %shift_right_arithmetic3A_1223 = arith.shrsi %add3A_1219, %shift_right_arithmetic3A_1222 : vector<16xi32>
          %and3A_1224 = arith.constant 7 : i32
          %and3A_1225 = vector.broadcast %and3A_1224 : i32 to vector<16xi32>
          %and3A_1226 = arith.andi %add3A_1219, %and3A_1225 : vector<16xi32>
          tpu.vector_store_idx %arg16[%shift_right_arithmetic3A_1223, %and3A_1226, %add3A_281], %gather3A_1220 : memref<14x8x128xf32, #tpu.memory_space<vmem>>[vector<16xi32>, vector<16xi32>, vector<16xi32>], vector<16xf32>,
          %add3A_1227 = arith.constant 32 : i32
          %add3A_1228 = vector.broadcast %add3A_1227 : i32 to vector<16xi32>
          %add3A_1229 = arith.addi %and3A_38, %add3A_1228 : vector<16xi32>
          %gather3A_1230 = tpu.vector_load_idx %arg14[%add3A_281, %add3A_1229] : memref<128x64xf32, #tpu.memory_space<vmem>>[vector<16xi32>, vector<16xi32>], vector<16xf32>,
          %shift_right_arithmetic3A_1231 = arith.constant 3 : i32
          %shift_right_arithmetic3A_1232 = vector.broadcast %shift_right_arithmetic3A_1231 : i32 to vector<16xi32>
          %shift_right_arithmetic3A_1233 = arith.shrsi %add3A_1229, %shift_right_arithmetic3A_1232 : vector<16xi32>
          %and3A_1234 = arith.constant 7 : i32
          %and3A_1235 = vector.broadcast %and3A_1234 : i32 to vector<16xi32>
          %and3A_1236 = arith.andi %add3A_1229, %and3A_1235 : vector<16xi32>
          tpu.vector_store_idx %arg16[%shift_right_arithmetic3A_1233, %and3A_1236, %add3A_281], %gather3A_1230 : memref<14x8x128xf32, #tpu.memory_space<vmem>>[vector<16xi32>, vector<16xi32>, vector<16xi32>], vector<16xf32>,
          %add3A_1237 = arith.constant 32 : i32
          %add3A_1238 = vector.broadcast %add3A_1237 : i32 to vector<16xi32>
          %add3A_1239 = arith.addi %and3A_44, %add3A_1238 : vector<16xi32>
          %gather3A_1240 = tpu.vector_load_idx %arg14[%add3A_281, %add3A_1239] : memref<128x64xf32, #tpu.memory_space<vmem>>[vector<16xi32>, vector<16xi32>], vector<16xf32>,
          %shift_right_arithmetic3A_1241 = arith.constant 3 : i32
          %shift_right_arithmetic3A_1242 = vector.broadcast %shift_right_arithmetic3A_1241 : i32 to vector<16xi32>
          %shift_right_arithmetic3A_1243 = arith.shrsi %add3A_1239, %shift_right_arithmetic3A_1242 : vector<16xi32>
          %and3A_1244 = arith.constant 7 : i32
          %and3A_1245 = vector.broadcast %and3A_1244 : i32 to vector<16xi32>
          %and3A_1246 = arith.andi %add3A_1239, %and3A_1245 : vector<16xi32>
          tpu.vector_store_idx %arg16[%shift_right_arithmetic3A_1243, %and3A_1246, %add3A_281], %gather3A_1240 : memref<14x8x128xf32, #tpu.memory_space<vmem>>[vector<16xi32>, vector<16xi32>, vector<16xi32>], vector<16xf32>,
          %add3A_1247 = arith.constant 32 : i32
          %add3A_1248 = vector.broadcast %add3A_1247 : i32 to vector<16xi32>
          %add3A_1249 = arith.addi %and3A_50, %add3A_1248 : vector<16xi32>
          %gather3A_1250 = tpu.vector_load_idx %arg14[%add3A_281, %add3A_1249] : memref<128x64xf32, #tpu.memory_space<vmem>>[vector<16xi32>, vector<16xi32>], vector<16xf32>,
          %shift_right_arithmetic3A_1251 = arith.constant 3 : i32
          %shift_right_arithmetic3A_1252 = vector.broadcast %shift_right_arithmetic3A_1251 : i32 to vector<16xi32>
          %shift_right_arithmetic3A_1253 = arith.shrsi %add3A_1249, %shift_right_arithmetic3A_1252 : vector<16xi32>
          %and3A_1254 = arith.constant 7 : i32
          %and3A_1255 = vector.broadcast %and3A_1254 : i32 to vector<16xi32>
          %and3A_1256 = arith.andi %add3A_1249, %and3A_1255 : vector<16xi32>
          tpu.vector_store_idx %arg16[%shift_right_arithmetic3A_1253, %and3A_1256, %add3A_281], %gather3A_1250 : memref<14x8x128xf32, #tpu.memory_space<vmem>>[vector<16xi32>, vector<16xi32>, vector<16xi32>], vector<16xf32>,
          %add3A_1257 = arith.constant 32 : i32
          %add3A_1258 = vector.broadcast %add3A_1257 : i32 to vector<16xi32>
          %add3A_1259 = arith.addi %and3A_56, %add3A_1258 : vector<16xi32>
          %gather3A_1260 = tpu.vector_load_idx %arg14[%add3A_281, %add3A_1259] : memref<128x64xf32, #tpu.memory_space<vmem>>[vector<16xi32>, vector<16xi32>], vector<16xf32>,
          %shift_right_arithmetic3A_1261 = arith.constant 3 : i32
          %shift_right_arithmetic3A_1262 = vector.broadcast %shift_right_arithmetic3A_1261 : i32 to vector<16xi32>
          %shift_right_arithmetic3A_1263 = arith.shrsi %add3A_1259, %shift_right_arithmetic3A_1262 : vector<16xi32>
          %and3A_1264 = arith.constant 7 : i32
          %and3A_1265 = vector.broadcast %and3A_1264 : i32 to vector<16xi32>
          %and3A_1266 = arith.andi %add3A_1259, %and3A_1265 : vector<16xi32>
          tpu.vector_store_idx %arg16[%shift_right_arithmetic3A_1263, %and3A_1266, %add3A_281], %gather3A_1260 : memref<14x8x128xf32, #tpu.memory_space<vmem>>[vector<16xi32>, vector<16xi32>, vector<16xi32>], vector<16xf32>,
          %add3A_1267 = arith.constant 32 : i32
          %add3A_1268 = vector.broadcast %add3A_1267 : i32 to vector<16xi32>
          %add3A_1269 = arith.addi %and3A_62, %add3A_1268 : vector<16xi32>
          %gather3A_1270 = tpu.vector_load_idx %arg14[%add3A_281, %add3A_1269] : memref<128x64xf32, #tpu.memory_space<vmem>>[vector<16xi32>, vector<16xi32>], vector<16xf32>,
          %shift_right_arithmetic3A_1271 = arith.constant 3 : i32
          %shift_right_arithmetic3A_1272 = vector.broadcast %shift_right_arithmetic3A_1271 : i32 to vector<16xi32>
          %shift_right_arithmetic3A_1273 = arith.shrsi %add3A_1269, %shift_right_arithmetic3A_1272 : vector<16xi32>
          %and3A_1274 = arith.constant 7 : i32
          %and3A_1275 = vector.broadcast %and3A_1274 : i32 to vector<16xi32>
          %and3A_1276 = arith.andi %add3A_1269, %and3A_1275 : vector<16xi32>
          tpu.vector_store_idx %arg16[%shift_right_arithmetic3A_1273, %and3A_1276, %add3A_281], %gather3A_1270 : memref<14x8x128xf32, #tpu.memory_space<vmem>>[vector<16xi32>, vector<16xi32>, vector<16xi32>], vector<16xf32>,
          %add3A_1277 = arith.constant 32 : i32
          %add3A_1278 = vector.broadcast %add3A_1277 : i32 to vector<16xi32>
          %add3A_1279 = arith.addi %and3A_68, %add3A_1278 : vector<16xi32>
          %gather3A_1280 = tpu.vector_load_idx %arg14[%add3A_281, %add3A_1279] : memref<128x64xf32, #tpu.memory_space<vmem>>[vector<16xi32>, vector<16xi32>], vector<16xf32>,
          %shift_right_arithmetic3A_1281 = arith.constant 3 : i32
          %shift_right_arithmetic3A_1282 = vector.broadcast %shift_right_arithmetic3A_1281 : i32 to vector<16xi32>
          %shift_right_arithmetic3A_1283 = arith.shrsi %add3A_1279, %shift_right_arithmetic3A_1282 : vector<16xi32>
          %and3A_1284 = arith.constant 7 : i32
          %and3A_1285 = vector.broadcast %and3A_1284 : i32 to vector<16xi32>
          %and3A_1286 = arith.andi %add3A_1279, %and3A_1285 : vector<16xi32>
          tpu.vector_store_idx %arg16[%shift_right_arithmetic3A_1283, %and3A_1286, %add3A_281], %gather3A_1280 : memref<14x8x128xf32, #tpu.memory_space<vmem>>[vector<16xi32>, vector<16xi32>, vector<16xi32>], vector<16xf32>,
          %add3A_1287 = arith.constant 32 : i32
          %add3A_1288 = vector.broadcast %add3A_1287 : i32 to vector<16xi32>
          %add3A_1289 = arith.addi %and3A_74, %add3A_1288 : vector<16xi32>
          %gather3A_1290 = tpu.vector_load_idx %arg14[%add3A_281, %add3A_1289] : memref<128x64xf32, #tpu.memory_space<vmem>>[vector<16xi32>, vector<16xi32>], vector<16xf32>,
          %shift_right_arithmetic3A_1291 = arith.constant 3 : i32
          %shift_right_arithmetic3A_1292 = vector.broadcast %shift_right_arithmetic3A_1291 : i32 to vector<16xi32>
          %shift_right_arithmetic3A_1293 = arith.shrsi %add3A_1289, %shift_right_arithmetic3A_1292 : vector<16xi32>
          %and3A_1294 = arith.constant 7 : i32
          %and3A_1295 = vector.broadcast %and3A_1294 : i32 to vector<16xi32>
          %and3A_1296 = arith.andi %add3A_1289, %and3A_1295 : vector<16xi32>
          tpu.vector_store_idx %arg16[%shift_right_arithmetic3A_1293, %and3A_1296, %add3A_281], %gather3A_1290 : memref<14x8x128xf32, #tpu.memory_space<vmem>>[vector<16xi32>, vector<16xi32>, vector<16xi32>], vector<16xf32>,
          %add3A_1297 = arith.constant 32 : i32
          %add3A_1298 = vector.broadcast %add3A_1297 : i32 to vector<16xi32>
          %add3A_1299 = arith.addi %and3A_80, %add3A_1298 : vector<16xi32>
          %gather3A_1300 = tpu.vector_load_idx %arg14[%add3A_281, %add3A_1299] : memref<128x64xf32, #tpu.memory_space<vmem>>[vector<16xi32>, vector<16xi32>], vector<16xf32>,
          %shift_right_arithmetic3A_1301 = arith.constant 3 : i32
          %shift_right_arithmetic3A_1302 = vector.broadcast %shift_right_arithmetic3A_1301 : i32 to vector<16xi32>
          %shift_right_arithmetic3A_1303 = arith.shrsi %add3A_1299, %shift_right_arithmetic3A_1302 : vector<16xi32>
          %and3A_1304 = arith.constant 7 : i32
          %and3A_1305 = vector.broadcast %and3A_1304 : i32 to vector<16xi32>
          %and3A_1306 = arith.andi %add3A_1299, %and3A_1305 : vector<16xi32>
          tpu.vector_store_idx %arg16[%shift_right_arithmetic3A_1303, %and3A_1306, %add3A_281], %gather3A_1300 : memref<14x8x128xf32, #tpu.memory_space<vmem>>[vector<16xi32>, vector<16xi32>, vector<16xi32>], vector<16xf32>,
          %add3A_1307 = arith.constant 32 : i32
          %add3A_1308 = vector.broadcast %add3A_1307 : i32 to vector<16xi32>
          %add3A_1309 = arith.addi %and3A_86, %add3A_1308 : vector<16xi32>
          %gather3A_1310 = tpu.vector_load_idx %arg14[%add3A_281, %add3A_1309] : memref<128x64xf32, #tpu.memory_space<vmem>>[vector<16xi32>, vector<16xi32>], vector<16xf32>,
          %shift_right_arithmetic3A_1311 = arith.constant 3 : i32
          %shift_right_arithmetic3A_1312 = vector.broadcast %shift_right_arithmetic3A_1311 : i32 to vector<16xi32>
          %shift_right_arithmetic3A_1313 = arith.shrsi %add3A_1309, %shift_right_arithmetic3A_1312 : vector<16xi32>
          %and3A_1314 = arith.constant 7 : i32
          %and3A_1315 = vector.broadcast %and3A_1314 : i32 to vector<16xi32>
          %and3A_1316 = arith.andi %add3A_1309, %and3A_1315 : vector<16xi32>
          tpu.vector_store_idx %arg16[%shift_right_arithmetic3A_1313, %and3A_1316, %add3A_281], %gather3A_1310 : memref<14x8x128xf32, #tpu.memory_space<vmem>>[vector<16xi32>, vector<16xi32>, vector<16xi32>], vector<16xf32>,
          %add3A_1317 = arith.constant 32 : i32
          %add3A_1318 = vector.broadcast %add3A_1317 : i32 to vector<16xi32>
          %add3A_1319 = arith.addi %and3A_92, %add3A_1318 : vector<16xi32>
          %gather3A_1320 = tpu.vector_load_idx %arg14[%add3A_281, %add3A_1319] : memref<128x64xf32, #tpu.memory_space<vmem>>[vector<16xi32>, vector<16xi32>], vector<16xf32>,
          %shift_right_arithmetic3A_1321 = arith.constant 3 : i32
          %shift_right_arithmetic3A_1322 = vector.broadcast %shift_right_arithmetic3A_1321 : i32 to vector<16xi32>
          %shift_right_arithmetic3A_1323 = arith.shrsi %add3A_1319, %shift_right_arithmetic3A_1322 : vector<16xi32>
          %and3A_1324 = arith.constant 7 : i32
          %and3A_1325 = vector.broadcast %and3A_1324 : i32 to vector<16xi32>
          %and3A_1326 = arith.andi %add3A_1319, %and3A_1325 : vector<16xi32>
          tpu.vector_store_idx %arg16[%shift_right_arithmetic3A_1323, %and3A_1326, %add3A_281], %gather3A_1320 : memref<14x8x128xf32, #tpu.memory_space<vmem>>[vector<16xi32>, vector<16xi32>, vector<16xi32>], vector<16xf32>,
          %add3A_1327 = arith.constant 32 : i32
          %add3A_1328 = vector.broadcast %add3A_1327 : i32 to vector<16xi32>
          %add3A_1329 = arith.addi %and3A_98, %add3A_1328 : vector<16xi32>
          %gather3A_1330 = tpu.vector_load_idx %arg14[%add3A_281, %add3A_1329] : memref<128x64xf32, #tpu.memory_space<vmem>>[vector<16xi32>, vector<16xi32>], vector<16xf32>,
          %shift_right_arithmetic3A_1331 = arith.constant 3 : i32
          %shift_right_arithmetic3A_1332 = vector.broadcast %shift_right_arithmetic3A_1331 : i32 to vector<16xi32>
          %shift_right_arithmetic3A_1333 = arith.shrsi %add3A_1329, %shift_right_arithmetic3A_1332 : vector<16xi32>
          %and3A_1334 = arith.constant 7 : i32
          %and3A_1335 = vector.broadcast %and3A_1334 : i32 to vector<16xi32>
          %and3A_1336 = arith.andi %add3A_1329, %and3A_1335 : vector<16xi32>
          tpu.vector_store_idx %arg16[%shift_right_arithmetic3A_1333, %and3A_1336, %add3A_281], %gather3A_1330 : memref<14x8x128xf32, #tpu.memory_space<vmem>>[vector<16xi32>, vector<16xi32>, vector<16xi32>], vector<16xf32>,
          %add3A_1337 = arith.constant 48 : i32
          %add3A_1338 = vector.broadcast %add3A_1337 : i32 to vector<16xi32>
          %add3A_1339 = arith.addi %and3A_8, %add3A_1338 : vector<16xi32>
          %gather3A_1340 = tpu.vector_load_idx %arg14[%add3A_281, %add3A_1339] : memref<128x64xf32, #tpu.memory_space<vmem>>[vector<16xi32>, vector<16xi32>], vector<16xf32>,
          %shift_right_arithmetic3A_1341 = arith.constant 3 : i32
          %shift_right_arithmetic3A_1342 = vector.broadcast %shift_right_arithmetic3A_1341 : i32 to vector<16xi32>
          %shift_right_arithmetic3A_1343 = arith.shrsi %add3A_1339, %shift_right_arithmetic3A_1342 : vector<16xi32>
          %and3A_1344 = arith.constant 7 : i32
          %and3A_1345 = vector.broadcast %and3A_1344 : i32 to vector<16xi32>
          %and3A_1346 = arith.andi %add3A_1339, %and3A_1345 : vector<16xi32>
          tpu.vector_store_idx %arg16[%shift_right_arithmetic3A_1343, %and3A_1346, %add3A_281], %gather3A_1340 : memref<14x8x128xf32, #tpu.memory_space<vmem>>[vector<16xi32>, vector<16xi32>, vector<16xi32>], vector<16xf32>,
          %add3A_1347 = arith.constant 48 : i32
          %add3A_1348 = vector.broadcast %add3A_1347 : i32 to vector<16xi32>
          %add3A_1349 = arith.addi %and3A_14, %add3A_1348 : vector<16xi32>
          %gather3A_1350 = tpu.vector_load_idx %arg14[%add3A_281, %add3A_1349] : memref<128x64xf32, #tpu.memory_space<vmem>>[vector<16xi32>, vector<16xi32>], vector<16xf32>,
          %shift_right_arithmetic3A_1351 = arith.constant 3 : i32
          %shift_right_arithmetic3A_1352 = vector.broadcast %shift_right_arithmetic3A_1351 : i32 to vector<16xi32>
          %shift_right_arithmetic3A_1353 = arith.shrsi %add3A_1349, %shift_right_arithmetic3A_1352 : vector<16xi32>
          %and3A_1354 = arith.constant 7 : i32
          %and3A_1355 = vector.broadcast %and3A_1354 : i32 to vector<16xi32>
          %and3A_1356 = arith.andi %add3A_1349, %and3A_1355 : vector<16xi32>
          tpu.vector_store_idx %arg16[%shift_right_arithmetic3A_1353, %and3A_1356, %add3A_281], %gather3A_1350 : memref<14x8x128xf32, #tpu.memory_space<vmem>>[vector<16xi32>, vector<16xi32>, vector<16xi32>], vector<16xf32>,
          %add3A_1357 = arith.constant 48 : i32
          %add3A_1358 = vector.broadcast %add3A_1357 : i32 to vector<16xi32>
          %add3A_1359 = arith.addi %and3A_20, %add3A_1358 : vector<16xi32>
          %gather3A_1360 = tpu.vector_load_idx %arg14[%add3A_281, %add3A_1359] : memref<128x64xf32, #tpu.memory_space<vmem>>[vector<16xi32>, vector<16xi32>], vector<16xf32>,
          %shift_right_arithmetic3A_1361 = arith.constant 3 : i32
          %shift_right_arithmetic3A_1362 = vector.broadcast %shift_right_arithmetic3A_1361 : i32 to vector<16xi32>
          %shift_right_arithmetic3A_1363 = arith.shrsi %add3A_1359, %shift_right_arithmetic3A_1362 : vector<16xi32>
          %and3A_1364 = arith.constant 7 : i32
          %and3A_1365 = vector.broadcast %and3A_1364 : i32 to vector<16xi32>
          %and3A_1366 = arith.andi %add3A_1359, %and3A_1365 : vector<16xi32>
          tpu.vector_store_idx %arg16[%shift_right_arithmetic3A_1363, %and3A_1366, %add3A_281], %gather3A_1360 : memref<14x8x128xf32, #tpu.memory_space<vmem>>[vector<16xi32>, vector<16xi32>, vector<16xi32>], vector<16xf32>,
          %add3A_1367 = arith.constant 48 : i32
          %add3A_1368 = vector.broadcast %add3A_1367 : i32 to vector<16xi32>
          %add3A_1369 = arith.addi %and3A_26, %add3A_1368 : vector<16xi32>
          %gather3A_1370 = tpu.vector_load_idx %arg14[%add3A_281, %add3A_1369] : memref<128x64xf32, #tpu.memory_space<vmem>>[vector<16xi32>, vector<16xi32>], vector<16xf32>,
          %shift_right_arithmetic3A_1371 = arith.constant 3 : i32
          %shift_right_arithmetic3A_1372 = vector.broadcast %shift_right_arithmetic3A_1371 : i32 to vector<16xi32>
          %shift_right_arithmetic3A_1373 = arith.shrsi %add3A_1369, %shift_right_arithmetic3A_1372 : vector<16xi32>
          %and3A_1374 = arith.constant 7 : i32
          %and3A_1375 = vector.broadcast %and3A_1374 : i32 to vector<16xi32>
          %and3A_1376 = arith.andi %add3A_1369, %and3A_1375 : vector<16xi32>
          tpu.vector_store_idx %arg16[%shift_right_arithmetic3A_1373, %and3A_1376, %add3A_281], %gather3A_1370 : memref<14x8x128xf32, #tpu.memory_space<vmem>>[vector<16xi32>, vector<16xi32>, vector<16xi32>], vector<16xf32>,
          %add3A_1377 = arith.constant 48 : i32
          %add3A_1378 = vector.broadcast %add3A_1377 : i32 to vector<16xi32>
          %add3A_1379 = arith.addi %and3A_32, %add3A_1378 : vector<16xi32>
          %gather3A_1380 = tpu.vector_load_idx %arg14[%add3A_281, %add3A_1379] : memref<128x64xf32, #tpu.memory_space<vmem>>[vector<16xi32>, vector<16xi32>], vector<16xf32>,
          %shift_right_arithmetic3A_1381 = arith.constant 3 : i32
          %shift_right_arithmetic3A_1382 = vector.broadcast %shift_right_arithmetic3A_1381 : i32 to vector<16xi32>
          %shift_right_arithmetic3A_1383 = arith.shrsi %add3A_1379, %shift_right_arithmetic3A_1382 : vector<16xi32>
          %and3A_1384 = arith.constant 7 : i32
          %and3A_1385 = vector.broadcast %and3A_1384 : i32 to vector<16xi32>
          %and3A_1386 = arith.andi %add3A_1379, %and3A_1385 : vector<16xi32>
          tpu.vector_store_idx %arg16[%shift_right_arithmetic3A_1383, %and3A_1386, %add3A_281], %gather3A_1380 : memref<14x8x128xf32, #tpu.memory_space<vmem>>[vector<16xi32>, vector<16xi32>, vector<16xi32>], vector<16xf32>,
          %add3A_1387 = arith.constant 48 : i32
          %add3A_1388 = vector.broadcast %add3A_1387 : i32 to vector<16xi32>
          %add3A_1389 = arith.addi %and3A_38, %add3A_1388 : vector<16xi32>
          %gather3A_1390 = tpu.vector_load_idx %arg14[%add3A_281, %add3A_1389] : memref<128x64xf32, #tpu.memory_space<vmem>>[vector<16xi32>, vector<16xi32>], vector<16xf32>,
          %shift_right_arithmetic3A_1391 = arith.constant 3 : i32
          %shift_right_arithmetic3A_1392 = vector.broadcast %shift_right_arithmetic3A_1391 : i32 to vector<16xi32>
          %shift_right_arithmetic3A_1393 = arith.shrsi %add3A_1389, %shift_right_arithmetic3A_1392 : vector<16xi32>
          %and3A_1394 = arith.constant 7 : i32
          %and3A_1395 = vector.broadcast %and3A_1394 : i32 to vector<16xi32>
          %and3A_1396 = arith.andi %add3A_1389, %and3A_1395 : vector<16xi32>
          tpu.vector_store_idx %arg16[%shift_right_arithmetic3A_1393, %and3A_1396, %add3A_281], %gather3A_1390 : memref<14x8x128xf32, #tpu.memory_space<vmem>>[vector<16xi32>, vector<16xi32>, vector<16xi32>], vector<16xf32>,
          %add3A_1397 = arith.constant 48 : i32
          %add3A_1398 = vector.broadcast %add3A_1397 : i32 to vector<16xi32>
          %add3A_1399 = arith.addi %and3A_44, %add3A_1398 : vector<16xi32>
          %gather3A_1400 = tpu.vector_load_idx %arg14[%add3A_281, %add3A_1399] : memref<128x64xf32, #tpu.memory_space<vmem>>[vector<16xi32>, vector<16xi32>], vector<16xf32>,
          %shift_right_arithmetic3A_1401 = arith.constant 3 : i32
          %shift_right_arithmetic3A_1402 = vector.broadcast %shift_right_arithmetic3A_1401 : i32 to vector<16xi32>
          %shift_right_arithmetic3A_1403 = arith.shrsi %add3A_1399, %shift_right_arithmetic3A_1402 : vector<16xi32>
          %and3A_1404 = arith.constant 7 : i32
          %and3A_1405 = vector.broadcast %and3A_1404 : i32 to vector<16xi32>
          %and3A_1406 = arith.andi %add3A_1399, %and3A_1405 : vector<16xi32>
          tpu.vector_store_idx %arg16[%shift_right_arithmetic3A_1403, %and3A_1406, %add3A_281], %gather3A_1400 : memref<14x8x128xf32, #tpu.memory_space<vmem>>[vector<16xi32>, vector<16xi32>, vector<16xi32>], vector<16xf32>,
          %add3A_1407 = arith.constant 48 : i32
          %add3A_1408 = vector.broadcast %add3A_1407 : i32 to vector<16xi32>
          %add3A_1409 = arith.addi %and3A_50, %add3A_1408 : vector<16xi32>
          %gather3A_1410 = tpu.vector_load_idx %arg14[%add3A_281, %add3A_1409] : memref<128x64xf32, #tpu.memory_space<vmem>>[vector<16xi32>, vector<16xi32>], vector<16xf32>,
          %shift_right_arithmetic3A_1411 = arith.constant 3 : i32
          %shift_right_arithmetic3A_1412 = vector.broadcast %shift_right_arithmetic3A_1411 : i32 to vector<16xi32>
          %shift_right_arithmetic3A_1413 = arith.shrsi %add3A_1409, %shift_right_arithmetic3A_1412 : vector<16xi32>
          %and3A_1414 = arith.constant 7 : i32
          %and3A_1415 = vector.broadcast %and3A_1414 : i32 to vector<16xi32>
          %and3A_1416 = arith.andi %add3A_1409, %and3A_1415 : vector<16xi32>
          tpu.vector_store_idx %arg16[%shift_right_arithmetic3A_1413, %and3A_1416, %add3A_281], %gather3A_1410 : memref<14x8x128xf32, #tpu.memory_space<vmem>>[vector<16xi32>, vector<16xi32>, vector<16xi32>], vector<16xf32>,
          %add3A_1417 = arith.constant 48 : i32
          %add3A_1418 = vector.broadcast %add3A_1417 : i32 to vector<16xi32>
          %add3A_1419 = arith.addi %and3A_56, %add3A_1418 : vector<16xi32>
          %gather3A_1420 = tpu.vector_load_idx %arg14[%add3A_281, %add3A_1419] : memref<128x64xf32, #tpu.memory_space<vmem>>[vector<16xi32>, vector<16xi32>], vector<16xf32>,
          %shift_right_arithmetic3A_1421 = arith.constant 3 : i32
          %shift_right_arithmetic3A_1422 = vector.broadcast %shift_right_arithmetic3A_1421 : i32 to vector<16xi32>
          %shift_right_arithmetic3A_1423 = arith.shrsi %add3A_1419, %shift_right_arithmetic3A_1422 : vector<16xi32>
          %and3A_1424 = arith.constant 7 : i32
          %and3A_1425 = vector.broadcast %and3A_1424 : i32 to vector<16xi32>
          %and3A_1426 = arith.andi %add3A_1419, %and3A_1425 : vector<16xi32>
          tpu.vector_store_idx %arg16[%shift_right_arithmetic3A_1423, %and3A_1426, %add3A_281], %gather3A_1420 : memref<14x8x128xf32, #tpu.memory_space<vmem>>[vector<16xi32>, vector<16xi32>, vector<16xi32>], vector<16xf32>,
          %add3A_1427 = arith.constant 48 : i32
          %add3A_1428 = vector.broadcast %add3A_1427 : i32 to vector<16xi32>
          %add3A_1429 = arith.addi %and3A_62, %add3A_1428 : vector<16xi32>
          %gather3A_1430 = tpu.vector_load_idx %arg14[%add3A_281, %add3A_1429] : memref<128x64xf32, #tpu.memory_space<vmem>>[vector<16xi32>, vector<16xi32>], vector<16xf32>,
          %shift_right_arithmetic3A_1431 = arith.constant 3 : i32
          %shift_right_arithmetic3A_1432 = vector.broadcast %shift_right_arithmetic3A_1431 : i32 to vector<16xi32>
          %shift_right_arithmetic3A_1433 = arith.shrsi %add3A_1429, %shift_right_arithmetic3A_1432 : vector<16xi32>
          %and3A_1434 = arith.constant 7 : i32
          %and3A_1435 = vector.broadcast %and3A_1434 : i32 to vector<16xi32>
          %and3A_1436 = arith.andi %add3A_1429, %and3A_1435 : vector<16xi32>
          tpu.vector_store_idx %arg16[%shift_right_arithmetic3A_1433, %and3A_1436, %add3A_281], %gather3A_1430 : memref<14x8x128xf32, #tpu.memory_space<vmem>>[vector<16xi32>, vector<16xi32>, vector<16xi32>], vector<16xf32>,
          %add3A_1437 = arith.constant 48 : i32
          %add3A_1438 = vector.broadcast %add3A_1437 : i32 to vector<16xi32>
          %add3A_1439 = arith.addi %and3A_68, %add3A_1438 : vector<16xi32>
          %gather3A_1440 = tpu.vector_load_idx %arg14[%add3A_281, %add3A_1439] : memref<128x64xf32, #tpu.memory_space<vmem>>[vector<16xi32>, vector<16xi32>], vector<16xf32>,
          %shift_right_arithmetic3A_1441 = arith.constant 3 : i32
          %shift_right_arithmetic3A_1442 = vector.broadcast %shift_right_arithmetic3A_1441 : i32 to vector<16xi32>
          %shift_right_arithmetic3A_1443 = arith.shrsi %add3A_1439, %shift_right_arithmetic3A_1442 : vector<16xi32>
          %and3A_1444 = arith.constant 7 : i32
          %and3A_1445 = vector.broadcast %and3A_1444 : i32 to vector<16xi32>
          %and3A_1446 = arith.andi %add3A_1439, %and3A_1445 : vector<16xi32>
          tpu.vector_store_idx %arg16[%shift_right_arithmetic3A_1443, %and3A_1446, %add3A_281], %gather3A_1440 : memref<14x8x128xf32, #tpu.memory_space<vmem>>[vector<16xi32>, vector<16xi32>, vector<16xi32>], vector<16xf32>,
          %add3A_1447 = arith.constant 48 : i32
          %add3A_1448 = vector.broadcast %add3A_1447 : i32 to vector<16xi32>
          %add3A_1449 = arith.addi %and3A_74, %add3A_1448 : vector<16xi32>
          %gather3A_1450 = tpu.vector_load_idx %arg14[%add3A_281, %add3A_1449] : memref<128x64xf32, #tpu.memory_space<vmem>>[vector<16xi32>, vector<16xi32>], vector<16xf32>,
          %shift_right_arithmetic3A_1451 = arith.constant 3 : i32
          %shift_right_arithmetic3A_1452 = vector.broadcast %shift_right_arithmetic3A_1451 : i32 to vector<16xi32>
          %shift_right_arithmetic3A_1453 = arith.shrsi %add3A_1449, %shift_right_arithmetic3A_1452 : vector<16xi32>
          %and3A_1454 = arith.constant 7 : i32
          %and3A_1455 = vector.broadcast %and3A_1454 : i32 to vector<16xi32>
          %and3A_1456 = arith.andi %add3A_1449, %and3A_1455 : vector<16xi32>
          tpu.vector_store_idx %arg16[%shift_right_arithmetic3A_1453, %and3A_1456, %add3A_281], %gather3A_1450 : memref<14x8x128xf32, #tpu.memory_space<vmem>>[vector<16xi32>, vector<16xi32>, vector<16xi32>], vector<16xf32>,
          %add3A_1457 = arith.constant 48 : i32
          %add3A_1458 = vector.broadcast %add3A_1457 : i32 to vector<16xi32>
          %add3A_1459 = arith.addi %and3A_80, %add3A_1458 : vector<16xi32>
          %gather3A_1460 = tpu.vector_load_idx %arg14[%add3A_281, %add3A_1459] : memref<128x64xf32, #tpu.memory_space<vmem>>[vector<16xi32>, vector<16xi32>], vector<16xf32>,
          %shift_right_arithmetic3A_1461 = arith.constant 3 : i32
          %shift_right_arithmetic3A_1462 = vector.broadcast %shift_right_arithmetic3A_1461 : i32 to vector<16xi32>
          %shift_right_arithmetic3A_1463 = arith.shrsi %add3A_1459, %shift_right_arithmetic3A_1462 : vector<16xi32>
          %and3A_1464 = arith.constant 7 : i32
          %and3A_1465 = vector.broadcast %and3A_1464 : i32 to vector<16xi32>
          %and3A_1466 = arith.andi %add3A_1459, %and3A_1465 : vector<16xi32>
          tpu.vector_store_idx %arg16[%shift_right_arithmetic3A_1463, %and3A_1466, %add3A_281], %gather3A_1460 : memref<14x8x128xf32, #tpu.memory_space<vmem>>[vector<16xi32>, vector<16xi32>, vector<16xi32>], vector<16xf32>,
          %add3A_1467 = arith.constant 48 : i32
          %add3A_1468 = vector.broadcast %add3A_1467 : i32 to vector<16xi32>
          %add3A_1469 = arith.addi %and3A_86, %add3A_1468 : vector<16xi32>
          %gather3A_1470 = tpu.vector_load_idx %arg14[%add3A_281, %add3A_1469] : memref<128x64xf32, #tpu.memory_space<vmem>>[vector<16xi32>, vector<16xi32>], vector<16xf32>,
          %shift_right_arithmetic3A_1471 = arith.constant 3 : i32
          %shift_right_arithmetic3A_1472 = vector.broadcast %shift_right_arithmetic3A_1471 : i32 to vector<16xi32>
          %shift_right_arithmetic3A_1473 = arith.shrsi %add3A_1469, %shift_right_arithmetic3A_1472 : vector<16xi32>
          %and3A_1474 = arith.constant 7 : i32
          %and3A_1475 = vector.broadcast %and3A_1474 : i32 to vector<16xi32>
          %and3A_1476 = arith.andi %add3A_1469, %and3A_1475 : vector<16xi32>
          tpu.vector_store_idx %arg16[%shift_right_arithmetic3A_1473, %and3A_1476, %add3A_281], %gather3A_1470 : memref<14x8x128xf32, #tpu.memory_space<vmem>>[vector<16xi32>, vector<16xi32>, vector<16xi32>], vector<16xf32>,
          %add3A_1477 = arith.constant 48 : i32
          %add3A_1478 = vector.broadcast %add3A_1477 : i32 to vector<16xi32>
          %add3A_1479 = arith.addi %and3A_92, %add3A_1478 : vector<16xi32>
          %gather3A_1480 = tpu.vector_load_idx %arg14[%add3A_281, %add3A_1479] : memref<128x64xf32, #tpu.memory_space<vmem>>[vector<16xi32>, vector<16xi32>], vector<16xf32>,
          %shift_right_arithmetic3A_1481 = arith.constant 3 : i32
          %shift_right_arithmetic3A_1482 = vector.broadcast %shift_right_arithmetic3A_1481 : i32 to vector<16xi32>
          %shift_right_arithmetic3A_1483 = arith.shrsi %add3A_1479, %shift_right_arithmetic3A_1482 : vector<16xi32>
          %and3A_1484 = arith.constant 7 : i32
          %and3A_1485 = vector.broadcast %and3A_1484 : i32 to vector<16xi32>
          %and3A_1486 = arith.andi %add3A_1479, %and3A_1485 : vector<16xi32>
          tpu.vector_store_idx %arg16[%shift_right_arithmetic3A_1483, %and3A_1486, %add3A_281], %gather3A_1480 : memref<14x8x128xf32, #tpu.memory_space<vmem>>[vector<16xi32>, vector<16xi32>, vector<16xi32>], vector<16xf32>,
          %add3A_1487 = arith.constant 48 : i32
          %add3A_1488 = vector.broadcast %add3A_1487 : i32 to vector<16xi32>
          %add3A_1489 = arith.addi %and3A_98, %add3A_1488 : vector<16xi32>
          %gather3A_1490 = tpu.vector_load_idx %arg14[%add3A_281, %add3A_1489] : memref<128x64xf32, #tpu.memory_space<vmem>>[vector<16xi32>, vector<16xi32>], vector<16xf32>,
          %shift_right_arithmetic3A_1491 = arith.constant 3 : i32
          %shift_right_arithmetic3A_1492 = vector.broadcast %shift_right_arithmetic3A_1491 : i32 to vector<16xi32>
          %shift_right_arithmetic3A_1493 = arith.shrsi %add3A_1489, %shift_right_arithmetic3A_1492 : vector<16xi32>
          %and3A_1494 = arith.constant 7 : i32
          %and3A_1495 = vector.broadcast %and3A_1494 : i32 to vector<16xi32>
          %and3A_1496 = arith.andi %add3A_1489, %and3A_1495 : vector<16xi32>
          tpu.vector_store_idx %arg16[%shift_right_arithmetic3A_1493, %and3A_1496, %add3A_281], %gather3A_1490 : memref<14x8x128xf32, #tpu.memory_space<vmem>>[vector<16xi32>, vector<16xi32>, vector<16xi32>], vector<16xf32>,
        }
        %scan3A_217 = arith.constant 8 : i32
        %dma_start3A_218 = arith.constant 0 : i32
        %dma_start3A_219 = arith.constant 0 : i32
        %dma_start3A_220 = arith.constant 0 : i32
        %dma_start3A_221 = tpu.memref_slice %arg8[%add3A_203, %dma_start3A_218, %add3A_110, %dma_start3A_219, %dma_start3A_220] : memref<50x14x128x8x128xf32, #tpu.memory_space<hbm>> -> memref<1x14x1x8x128xf32, #tpu.memory_space<hbm>>
        %dma_start3A_222 = tpu.memref_squeeze %dma_start3A_221 : memref<1x14x1x8x128xf32, #tpu.memory_space<hbm>> -> memref<14x8x128xf32, #tpu.memory_space<hbm>>
        %dma_start3A_223 = arith.constant 0 : i32
        %dma_start3A_224 = arith.constant 0 : i32
        %dma_start3A_225 = arith.constant 0 : i32
        %dma_start3A_226 = tpu.memref_slice %arg8[%add3A_203, %dma_start3A_223, %add3A_110, %dma_start3A_224, %dma_start3A_225] : memref<50x14x128x8x128xf32, #tpu.memory_space<hbm>> -> memref<1x14x1x8x128xf32, #tpu.memory_space<hbm>>
        %dma_start3A_227 = tpu.memref_squeeze %dma_start3A_226 : memref<1x14x1x8x128xf32, #tpu.memory_space<hbm>> -> memref<14x8x128xf32, #tpu.memory_space<hbm>>
        tpu.enqueue_dma source(%arg16 : memref<14x8x128xf32, #tpu.memory_space<vmem>>) target(%dma_start3A_227 : memref<14x8x128xf32, #tpu.memory_space<hbm>>) target_semaphore(%arg22 : memref<!tpu.dma_semaphore, #tpu.memory_space<semaphore_mem>>)
        %add3A_228 = arith.constant 1 : i32
        %add3A_229 = arith.addi %add3A_201, %add3A_228 : i32
        %lt3A_230 = arith.constant 49 : i32
        %lt3A_231 = arith.cmpi slt, %add3A_229, %lt3A_230 : i32
        %convert_element_type3A_232 = arith.extui %lt3A_231 : i1 to i32
        %cond3A_233 = arith.constant 0 : i32
        %cond3A_234 = arith.cmpi ne, %convert_element_type3A_232, %cond3A_233 : i32
        scf.if %cond3A_234 {
          %add3A_258 = arith.constant 1 : i32
          %add3A_259 = arith.addi %add3A_229, %add3A_258 : i32
          %add3A_260 = arith.constant 0 : i32
          %add3A_261 = arith.addi %add3A_260, %add3A_259 : i32
          %add3A_262 = vector.broadcast %add3A_261 : i32 to vector<16xi32>
          %add3A_263 = arith.addi %mul3A_3, %add3A_262 : vector<16xi32>
          %gather3A_264 = tpu.vector_load_idx %arg9[%add3A_263] : memref<6400xi32, #tpu.memory_space<vmem>>[vector<16xi32>], vector<16xi32>,
          %swap3A_265 = arith.constant 0 : index
          %swap3A_266 = tpu.vector_load %arg12[%swap3A_265] {strides = array<i32>} : memref<128xi32, #tpu.memory_space<vmem>>, vector<16xi32>,
          tpu.vector_store %arg12[%swap3A_265], %gather3A_264 {strides = array<i32>} : memref<128xi32, #tpu.memory_space<vmem>>, vector<16xi32>,
          %add3A_267 = arith.constant 800 : i32
          %add3A_268 = arith.addi %add3A_267, %add3A_259 : i32
          %add3A_269 = vector.broadcast %add3A_268 : i32 to vector<16xi32>
          %add3A_270 = arith.addi %mul3A_3, %add3A_269 : vector<16xi32>
          %gather3A_271 = tpu.vector_load_idx %arg9[%add3A_270] : memref<6400xi32, #tpu.memory_space<vmem>>[vector<16xi32>], vector<16xi32>,
          %swap3A_272 = arith.constant 16 : index
          %swap3A_273 = tpu.vector_load %arg12[%swap3A_272] {strides = array<i32>} : memref<128xi32, #tpu.memory_space<vmem>>, vector<16xi32>,
          tpu.vector_store %arg12[%swap3A_272], %gather3A_271 {strides = array<i32>} : memref<128xi32, #tpu.memory_space<vmem>>, vector<16xi32>,
          %add3A_274 = arith.constant 1600 : i32
          %add3A_275 = arith.addi %add3A_274, %add3A_259 : i32
          %add3A_276 = vector.broadcast %add3A_275 : i32 to vector<16xi32>
          %add3A_277 = arith.addi %mul3A_3, %add3A_276 : vector<16xi32>
          %gather3A_278 = tpu.vector_load_idx %arg9[%add3A_277] : memref<6400xi32, #tpu.memory_space<vmem>>[vector<16xi32>], vector<16xi32>,
          %swap3A_279 = arith.constant 32 : index
          %swap3A_280 = tpu.vector_load %arg12[%swap3A_279] {strides = array<i32>} : memref<128xi32, #tpu.memory_space<vmem>>, vector<16xi32>,
          tpu.vector_store %arg12[%swap3A_279], %gather3A_278 {strides = array<i32>} : memref<128xi32, #tpu.memory_space<vmem>>, vector<16xi32>,
          %add3A_281 = arith.constant 2400 : i32
          %add3A_282 = arith.addi %add3A_281, %add3A_259 : i32
          %add3A_283 = vector.broadcast %add3A_282 : i32 to vector<16xi32>
          %add3A_284 = arith.addi %mul3A_3, %add3A_283 : vector<16xi32>
          %gather3A_285 = tpu.vector_load_idx %arg9[%add3A_284] : memref<6400xi32, #tpu.memory_space<vmem>>[vector<16xi32>], vector<16xi32>,
          %swap3A_286 = arith.constant 48 : index
          %swap3A_287 = tpu.vector_load %arg12[%swap3A_286] {strides = array<i32>} : memref<128xi32, #tpu.memory_space<vmem>>, vector<16xi32>,
          tpu.vector_store %arg12[%swap3A_286], %gather3A_285 {strides = array<i32>} : memref<128xi32, #tpu.memory_space<vmem>>, vector<16xi32>,
          %add3A_288 = arith.constant 3200 : i32
          %add3A_289 = arith.addi %add3A_288, %add3A_259 : i32
          %add3A_290 = vector.broadcast %add3A_289 : i32 to vector<16xi32>
          %add3A_291 = arith.addi %mul3A_3, %add3A_290 : vector<16xi32>
          %gather3A_292 = tpu.vector_load_idx %arg9[%add3A_291] : memref<6400xi32, #tpu.memory_space<vmem>>[vector<16xi32>], vector<16xi32>,
          %swap3A_293 = arith.constant 64 : index
          %swap3A_294 = tpu.vector_load %arg12[%swap3A_293] {strides = array<i32>} : memref<128xi32, #tpu.memory_space<vmem>>, vector<16xi32>,
          tpu.vector_store %arg12[%swap3A_293], %gather3A_292 {strides = array<i32>} : memref<128xi32, #tpu.memory_space<vmem>>, vector<16xi32>,
          %add3A_295 = arith.constant 4000 : i32
          %add3A_296 = arith.addi %add3A_295, %add3A_259 : i32
          %add3A_297 = vector.broadcast %add3A_296 : i32 to vector<16xi32>
          %add3A_298 = arith.addi %mul3A_3, %add3A_297 : vector<16xi32>
          %gather3A_299 = tpu.vector_load_idx %arg9[%add3A_298] : memref<6400xi32, #tpu.memory_space<vmem>>[vector<16xi32>], vector<16xi32>,
          %swap3A_300 = arith.constant 80 : index
          %swap3A_301 = tpu.vector_load %arg12[%swap3A_300] {strides = array<i32>} : memref<128xi32, #tpu.memory_space<vmem>>, vector<16xi32>,
          tpu.vector_store %arg12[%swap3A_300], %gather3A_299 {strides = array<i32>} : memref<128xi32, #tpu.memory_space<vmem>>, vector<16xi32>,
          %add3A_302 = arith.constant 4800 : i32
          %add3A_303 = arith.addi %add3A_302, %add3A_259 : i32
          %add3A_304 = vector.broadcast %add3A_303 : i32 to vector<16xi32>
          %add3A_305 = arith.addi %mul3A_3, %add3A_304 : vector<16xi32>
          %gather3A_306 = tpu.vector_load_idx %arg9[%add3A_305] : memref<6400xi32, #tpu.memory_space<vmem>>[vector<16xi32>], vector<16xi32>,
          %swap3A_307 = arith.constant 96 : index
          %swap3A_308 = tpu.vector_load %arg12[%swap3A_307] {strides = array<i32>} : memref<128xi32, #tpu.memory_space<vmem>>, vector<16xi32>,
          tpu.vector_store %arg12[%swap3A_307], %gather3A_306 {strides = array<i32>} : memref<128xi32, #tpu.memory_space<vmem>>, vector<16xi32>,
          %add3A_309 = arith.constant 5600 : i32
          %add3A_310 = arith.addi %add3A_309, %add3A_259 : i32
          %add3A_311 = vector.broadcast %add3A_310 : i32 to vector<16xi32>
          %add3A_312 = arith.addi %mul3A_3, %add3A_311 : vector<16xi32>
          %gather3A_313 = tpu.vector_load_idx %arg9[%add3A_312] : memref<6400xi32, #tpu.memory_space<vmem>>[vector<16xi32>], vector<16xi32>,
          %swap3A_314 = arith.constant 112 : index
          %swap3A_315 = tpu.vector_load %arg12[%swap3A_314] {strides = array<i32>} : memref<128xi32, #tpu.memory_space<vmem>>, vector<16xi32>,
          tpu.vector_store %arg12[%swap3A_314], %gather3A_313 {strides = array<i32>} : memref<128xi32, #tpu.memory_space<vmem>>, vector<16xi32>,
          %dma_start3A_316 = arith.constant 0 : i32
          %dma_start3A_317 = arith.constant 0 : i32
          %dma_start3A_318 = tpu.memref_slice %arg5[%dma_start3A_316, %dma_start3A_317] : memref<1000001x64xf32, #tpu.memory_space<hbm>> -> memref<1000001x64xf32, #tpu.memory_space<hbm>>
          tpu.enqueue_indirect_dma source(%dma_start3A_318 : memref<1000001x64xf32, #tpu.memory_space<hbm>>) target(%arg14 : memref<128x64xf32, #tpu.memory_space<vmem>>) offsets(%arg12 : memref<128xi32, #tpu.memory_space<vmem>>) semaphore(%arg20 : memref<!tpu.dma_semaphore, #tpu.memory_space<semaphore_mem>>)
        } else {
        }
        %ge3A_235 = arith.constant 2 : i32
        %ge3A_236 = arith.cmpi sge, %add3A_201, %ge3A_235 : i32
        %convert_element_type3A_237 = arith.extui %ge3A_236 : i1 to i32
        %cond3A_238 = arith.constant 0 : i32
        %cond3A_239 = arith.cmpi ne, %convert_element_type3A_237, %cond3A_238 : i32
        scf.if %cond3A_239 {
          %dma_wait3A_258 = arith.constant 0 : i32
          %dma_wait3A_259 = arith.constant 0 : i32
          %dma_wait3A_260 = arith.constant 0 : i32
          %dma_wait3A_261 = arith.constant 0 : i32
          %dma_wait3A_262 = tpu.memref_slice %arg8[%dma_wait3A_258, %dma_wait3A_259, %add3A_110, %dma_wait3A_260, %dma_wait3A_261] : memref<50x14x128x8x128xf32, #tpu.memory_space<hbm>> -> memref<1x14x1x8x128xf32, #tpu.memory_space<hbm>>
          %dma_wait3A_263 = tpu.memref_squeeze %dma_wait3A_262 : memref<1x14x1x8x128xf32, #tpu.memory_space<hbm>> -> memref<14x8x128xf32, #tpu.memory_space<hbm>>
          %dma_wait3A_264 = arith.constant 0 : i32
          %dma_wait3A_265 = arith.constant 0 : i32
          %dma_wait3A_266 = arith.constant 0 : i32
          %dma_wait3A_267 = tpu.memref_slice %arg8[%dma_wait3A_258, %dma_wait3A_264, %add3A_110, %dma_wait3A_265, %dma_wait3A_266] : memref<50x14x128x8x128xf32, #tpu.memory_space<hbm>> -> memref<1x14x1x8x128xf32, #tpu.memory_space<hbm>>
          %dma_wait3A_268 = tpu.memref_squeeze %dma_wait3A_267 : memref<1x14x1x8x128xf32, #tpu.memory_space<hbm>> -> memref<14x8x128xf32, #tpu.memory_space<hbm>>
          tpu.wait_dma2 semaphore(%arg23 : memref<!tpu.dma_semaphore, #tpu.memory_space<semaphore_mem>>) src(%arg17 : memref<14x8x128xf32, #tpu.memory_space<vmem>>) dst(%dma_wait3A_268 : memref<14x8x128xf32, #tpu.memory_space<hbm>>)
        } else {
        }
        %dma_wait3A_240 = arith.constant 0 : i32
        %dma_wait3A_241 = arith.constant 0 : i32
        %dma_wait3A_242 = tpu.memref_slice %arg5[%dma_wait3A_240, %dma_wait3A_241] : memref<1000001x64xf32, #tpu.memory_space<hbm>> -> memref<1000001x64xf32, #tpu.memory_space<hbm>>
        tpu.wait_indirect_dma semaphore(%arg21 : memref<!tpu.dma_semaphore, #tpu.memory_space<semaphore_mem>>) src(%dma_wait3A_242 : memref<1000001x64xf32, #tpu.memory_space<hbm>>) dst(%arg15 : memref<128x64xf32, #tpu.memory_space<vmem>>)
        %scan3A_243 = arith.constant 0 : i32
        %scan3A_244 = arith.constant 8 : i32
        %scan3A_245 = arith.addi %scan3A_243, %scan3A_244 : i32
        %scan3A_246 = arith.constant 1 : i32
        scf.for %scan3A_258 = %scan3A_243 to %scan3A_245 step %scan3A_246  : i32 {
          %mul3A_259 = arith.constant 1 : i32
          %mul3A_260 = arith.muli %scan3A_258, %mul3A_259 : i32
          %add3A_261 = arith.constant 0 : i32
          %add3A_262 = arith.addi %add3A_261, %mul3A_260 : i32
          %mul3A_263 = arith.constant 16 : i32
          %mul3A_264 = arith.muli %add3A_262, %mul3A_263 : i32
          %mul3A_265 = arith.constant 50 : i32
          %mul3A_266 = arith.muli %mul3A_264, %mul3A_265 : i32
          %add3A_267 = arith.addi %mul3A_266, %add3A_229 : i32
          %add3A_268 = vector.broadcast %add3A_267 : i32 to vector<16xi32>
          %add3A_269 = arith.addi %mul3A_3, %add3A_268 : vector<16xi32>
          %gather3A_270 = tpu.vector_load_idx %arg10[%add3A_269] : memref<6400xi32, #tpu.memory_space<vmem>>[vector<16xi32>], vector<16xi32>,
          %mul3A_271 = arith.constant 32 : i32
          %mul3A_272 = vector.broadcast %mul3A_271 : i32 to vector<16xi32>
          %mul3A_273 = arith.muli %gather3A_270, %mul3A_272 : vector<16xi32>
          %gather3A_274 = tpu.vector_load_idx %arg11[%add3A_269] : memref<6400xi32, #tpu.memory_space<vmem>>[vector<16xi32>], vector<16xi32>,
          %mul3A_275 = arith.constant 16 : i32
          %mul3A_276 = vector.broadcast %mul3A_275 : i32 to vector<16xi32>
          %mul3A_277 = arith.muli %gather3A_274, %mul3A_276 : vector<16xi32>
          %mul3A_278 = arith.constant 16 : i32
          %mul3A_279 = arith.muli %add3A_262, %mul3A_278 : i32
          %add3A_280 = vector.broadcast %mul3A_279 : i32 to vector<16xi32>
          %add3A_281 = arith.addi %iota3A, %add3A_280 : vector<16xi32>
          %add3A_282 = arith.constant 0 : i32
          %add3A_283 = vector.broadcast %add3A_282 : i32 to vector<16xi32>
          %add3A_284 = arith.addi %mul3A_273, %add3A_283 : vector<16xi32>
          %gather3A_285 = tpu.vector_load_idx %arg18[%add3A_284] : memref<32032xf32, #tpu.memory_space<vmem>>[vector<16xi32>], vector<16xf32>,
          %mul3A_286 = arith.constant 16 : i32
          %mul3A_287 = arith.muli %add3A_262, %mul3A_286 : i32
          %swap3A_288 = arith.constant 8 : i32
          %swap3A_289 = arith.constant 0 : i32
          %swap3A_290 = arith.index_cast %swap3A_288 : i32 to index
          %swap3A_291 = arith.index_cast %swap3A_289 : i32 to index
          %swap3A_292 = arith.index_cast %mul3A_287 : i32 to index
          %swap3A_293 = tpu.vector_load %arg17[%swap3A_290, %swap3A_291, %swap3A_292] {strides = array<i32>} : memref<14x8x128xf32, #tpu.memory_space<vmem>>, vector<16xf32>,
          tpu.vector_store %arg17[%swap3A_290, %swap3A_291, %swap3A_292], %gather3A_285 {strides = array<i32>} : memref<14x8x128xf32, #tpu.memory_space<vmem>>, vector<16xf32>,
          %add3A_294 = arith.constant 1 : i32
          %add3A_295 = vector.broadcast %add3A_294 : i32 to vector<16xi32>
          %add3A_296 = arith.addi %mul3A_273, %add3A_295 : vector<16xi32>
          %gather3A_297 = tpu.vector_load_idx %arg18[%add3A_296] : memref<32032xf32, #tpu.memory_space<vmem>>[vector<16xi32>], vector<16xf32>,
          %mul3A_298 = arith.constant 16 : i32
          %mul3A_299 = arith.muli %add3A_262, %mul3A_298 : i32
          %swap3A_300 = arith.constant 8 : i32
          %swap3A_301 = arith.constant 1 : i32
          %swap3A_302 = arith.index_cast %swap3A_300 : i32 to index
          %swap3A_303 = arith.index_cast %swap3A_301 : i32 to index
          %swap3A_304 = arith.index_cast %mul3A_299 : i32 to index
          %swap3A_305 = tpu.vector_load %arg17[%swap3A_302, %swap3A_303, %swap3A_304] {strides = array<i32>} : memref<14x8x128xf32, #tpu.memory_space<vmem>>, vector<16xf32>,
          tpu.vector_store %arg17[%swap3A_302, %swap3A_303, %swap3A_304], %gather3A_297 {strides = array<i32>} : memref<14x8x128xf32, #tpu.memory_space<vmem>>, vector<16xf32>,
          %add3A_306 = arith.constant 2 : i32
          %add3A_307 = vector.broadcast %add3A_306 : i32 to vector<16xi32>
          %add3A_308 = arith.addi %mul3A_273, %add3A_307 : vector<16xi32>
          %gather3A_309 = tpu.vector_load_idx %arg18[%add3A_308] : memref<32032xf32, #tpu.memory_space<vmem>>[vector<16xi32>], vector<16xf32>,
          %mul3A_310 = arith.constant 16 : i32
          %mul3A_311 = arith.muli %add3A_262, %mul3A_310 : i32
          %swap3A_312 = arith.constant 8 : i32
          %swap3A_313 = arith.constant 2 : i32
          %swap3A_314 = arith.index_cast %swap3A_312 : i32 to index
          %swap3A_315 = arith.index_cast %swap3A_313 : i32 to index
          %swap3A_316 = arith.index_cast %mul3A_311 : i32 to index
          %swap3A_317 = tpu.vector_load %arg17[%swap3A_314, %swap3A_315, %swap3A_316] {strides = array<i32>} : memref<14x8x128xf32, #tpu.memory_space<vmem>>, vector<16xf32>,
          tpu.vector_store %arg17[%swap3A_314, %swap3A_315, %swap3A_316], %gather3A_309 {strides = array<i32>} : memref<14x8x128xf32, #tpu.memory_space<vmem>>, vector<16xf32>,
          %add3A_318 = arith.constant 3 : i32
          %add3A_319 = vector.broadcast %add3A_318 : i32 to vector<16xi32>
          %add3A_320 = arith.addi %mul3A_273, %add3A_319 : vector<16xi32>
          %gather3A_321 = tpu.vector_load_idx %arg18[%add3A_320] : memref<32032xf32, #tpu.memory_space<vmem>>[vector<16xi32>], vector<16xf32>,
          %mul3A_322 = arith.constant 16 : i32
          %mul3A_323 = arith.muli %add3A_262, %mul3A_322 : i32
          %swap3A_324 = arith.constant 8 : i32
          %swap3A_325 = arith.constant 3 : i32
          %swap3A_326 = arith.index_cast %swap3A_324 : i32 to index
          %swap3A_327 = arith.index_cast %swap3A_325 : i32 to index
          %swap3A_328 = arith.index_cast %mul3A_323 : i32 to index
          %swap3A_329 = tpu.vector_load %arg17[%swap3A_326, %swap3A_327, %swap3A_328] {strides = array<i32>} : memref<14x8x128xf32, #tpu.memory_space<vmem>>, vector<16xf32>,
          tpu.vector_store %arg17[%swap3A_326, %swap3A_327, %swap3A_328], %gather3A_321 {strides = array<i32>} : memref<14x8x128xf32, #tpu.memory_space<vmem>>, vector<16xf32>,
          %add3A_330 = arith.constant 4 : i32
          %add3A_331 = vector.broadcast %add3A_330 : i32 to vector<16xi32>
          %add3A_332 = arith.addi %mul3A_273, %add3A_331 : vector<16xi32>
          %gather3A_333 = tpu.vector_load_idx %arg18[%add3A_332] : memref<32032xf32, #tpu.memory_space<vmem>>[vector<16xi32>], vector<16xf32>,
          %mul3A_334 = arith.constant 16 : i32
          %mul3A_335 = arith.muli %add3A_262, %mul3A_334 : i32
          %swap3A_336 = arith.constant 8 : i32
          %swap3A_337 = arith.constant 4 : i32
          %swap3A_338 = arith.index_cast %swap3A_336 : i32 to index
          %swap3A_339 = arith.index_cast %swap3A_337 : i32 to index
          %swap3A_340 = arith.index_cast %mul3A_335 : i32 to index
          %swap3A_341 = tpu.vector_load %arg17[%swap3A_338, %swap3A_339, %swap3A_340] {strides = array<i32>} : memref<14x8x128xf32, #tpu.memory_space<vmem>>, vector<16xf32>,
          tpu.vector_store %arg17[%swap3A_338, %swap3A_339, %swap3A_340], %gather3A_333 {strides = array<i32>} : memref<14x8x128xf32, #tpu.memory_space<vmem>>, vector<16xf32>,
          %add3A_342 = arith.constant 5 : i32
          %add3A_343 = vector.broadcast %add3A_342 : i32 to vector<16xi32>
          %add3A_344 = arith.addi %mul3A_273, %add3A_343 : vector<16xi32>
          %gather3A_345 = tpu.vector_load_idx %arg18[%add3A_344] : memref<32032xf32, #tpu.memory_space<vmem>>[vector<16xi32>], vector<16xf32>,
          %mul3A_346 = arith.constant 16 : i32
          %mul3A_347 = arith.muli %add3A_262, %mul3A_346 : i32
          %swap3A_348 = arith.constant 8 : i32
          %swap3A_349 = arith.constant 5 : i32
          %swap3A_350 = arith.index_cast %swap3A_348 : i32 to index
          %swap3A_351 = arith.index_cast %swap3A_349 : i32 to index
          %swap3A_352 = arith.index_cast %mul3A_347 : i32 to index
          %swap3A_353 = tpu.vector_load %arg17[%swap3A_350, %swap3A_351, %swap3A_352] {strides = array<i32>} : memref<14x8x128xf32, #tpu.memory_space<vmem>>, vector<16xf32>,
          tpu.vector_store %arg17[%swap3A_350, %swap3A_351, %swap3A_352], %gather3A_345 {strides = array<i32>} : memref<14x8x128xf32, #tpu.memory_space<vmem>>, vector<16xf32>,
          %add3A_354 = arith.constant 6 : i32
          %add3A_355 = vector.broadcast %add3A_354 : i32 to vector<16xi32>
          %add3A_356 = arith.addi %mul3A_273, %add3A_355 : vector<16xi32>
          %gather3A_357 = tpu.vector_load_idx %arg18[%add3A_356] : memref<32032xf32, #tpu.memory_space<vmem>>[vector<16xi32>], vector<16xf32>,
          %mul3A_358 = arith.constant 16 : i32
          %mul3A_359 = arith.muli %add3A_262, %mul3A_358 : i32
          %swap3A_360 = arith.constant 8 : i32
          %swap3A_361 = arith.constant 6 : i32
          %swap3A_362 = arith.index_cast %swap3A_360 : i32 to index
          %swap3A_363 = arith.index_cast %swap3A_361 : i32 to index
          %swap3A_364 = arith.index_cast %mul3A_359 : i32 to index
          %swap3A_365 = tpu.vector_load %arg17[%swap3A_362, %swap3A_363, %swap3A_364] {strides = array<i32>} : memref<14x8x128xf32, #tpu.memory_space<vmem>>, vector<16xf32>,
          tpu.vector_store %arg17[%swap3A_362, %swap3A_363, %swap3A_364], %gather3A_357 {strides = array<i32>} : memref<14x8x128xf32, #tpu.memory_space<vmem>>, vector<16xf32>,
          %add3A_366 = arith.constant 7 : i32
          %add3A_367 = vector.broadcast %add3A_366 : i32 to vector<16xi32>
          %add3A_368 = arith.addi %mul3A_273, %add3A_367 : vector<16xi32>
          %gather3A_369 = tpu.vector_load_idx %arg18[%add3A_368] : memref<32032xf32, #tpu.memory_space<vmem>>[vector<16xi32>], vector<16xf32>,
          %mul3A_370 = arith.constant 16 : i32
          %mul3A_371 = arith.muli %add3A_262, %mul3A_370 : i32
          %swap3A_372 = arith.constant 8 : i32
          %swap3A_373 = arith.constant 7 : i32
          %swap3A_374 = arith.index_cast %swap3A_372 : i32 to index
          %swap3A_375 = arith.index_cast %swap3A_373 : i32 to index
          %swap3A_376 = arith.index_cast %mul3A_371 : i32 to index
          %swap3A_377 = tpu.vector_load %arg17[%swap3A_374, %swap3A_375, %swap3A_376] {strides = array<i32>} : memref<14x8x128xf32, #tpu.memory_space<vmem>>, vector<16xf32>,
          tpu.vector_store %arg17[%swap3A_374, %swap3A_375, %swap3A_376], %gather3A_369 {strides = array<i32>} : memref<14x8x128xf32, #tpu.memory_space<vmem>>, vector<16xf32>,
          %add3A_378 = arith.constant 8 : i32
          %add3A_379 = vector.broadcast %add3A_378 : i32 to vector<16xi32>
          %add3A_380 = arith.addi %mul3A_273, %add3A_379 : vector<16xi32>
          %gather3A_381 = tpu.vector_load_idx %arg18[%add3A_380] : memref<32032xf32, #tpu.memory_space<vmem>>[vector<16xi32>], vector<16xf32>,
          %mul3A_382 = arith.constant 16 : i32
          %mul3A_383 = arith.muli %add3A_262, %mul3A_382 : i32
          %swap3A_384 = arith.constant 9 : i32
          %swap3A_385 = arith.constant 0 : i32
          %swap3A_386 = arith.index_cast %swap3A_384 : i32 to index
          %swap3A_387 = arith.index_cast %swap3A_385 : i32 to index
          %swap3A_388 = arith.index_cast %mul3A_383 : i32 to index
          %swap3A_389 = tpu.vector_load %arg17[%swap3A_386, %swap3A_387, %swap3A_388] {strides = array<i32>} : memref<14x8x128xf32, #tpu.memory_space<vmem>>, vector<16xf32>,
          tpu.vector_store %arg17[%swap3A_386, %swap3A_387, %swap3A_388], %gather3A_381 {strides = array<i32>} : memref<14x8x128xf32, #tpu.memory_space<vmem>>, vector<16xf32>,
          %add3A_390 = arith.constant 9 : i32
          %add3A_391 = vector.broadcast %add3A_390 : i32 to vector<16xi32>
          %add3A_392 = arith.addi %mul3A_273, %add3A_391 : vector<16xi32>
          %gather3A_393 = tpu.vector_load_idx %arg18[%add3A_392] : memref<32032xf32, #tpu.memory_space<vmem>>[vector<16xi32>], vector<16xf32>,
          %mul3A_394 = arith.constant 16 : i32
          %mul3A_395 = arith.muli %add3A_262, %mul3A_394 : i32
          %swap3A_396 = arith.constant 9 : i32
          %swap3A_397 = arith.constant 1 : i32
          %swap3A_398 = arith.index_cast %swap3A_396 : i32 to index
          %swap3A_399 = arith.index_cast %swap3A_397 : i32 to index
          %swap3A_400 = arith.index_cast %mul3A_395 : i32 to index
          %swap3A_401 = tpu.vector_load %arg17[%swap3A_398, %swap3A_399, %swap3A_400] {strides = array<i32>} : memref<14x8x128xf32, #tpu.memory_space<vmem>>, vector<16xf32>,
          tpu.vector_store %arg17[%swap3A_398, %swap3A_399, %swap3A_400], %gather3A_393 {strides = array<i32>} : memref<14x8x128xf32, #tpu.memory_space<vmem>>, vector<16xf32>,
          %add3A_402 = arith.constant 10 : i32
          %add3A_403 = vector.broadcast %add3A_402 : i32 to vector<16xi32>
          %add3A_404 = arith.addi %mul3A_273, %add3A_403 : vector<16xi32>
          %gather3A_405 = tpu.vector_load_idx %arg18[%add3A_404] : memref<32032xf32, #tpu.memory_space<vmem>>[vector<16xi32>], vector<16xf32>,
          %mul3A_406 = arith.constant 16 : i32
          %mul3A_407 = arith.muli %add3A_262, %mul3A_406 : i32
          %swap3A_408 = arith.constant 9 : i32
          %swap3A_409 = arith.constant 2 : i32
          %swap3A_410 = arith.index_cast %swap3A_408 : i32 to index
          %swap3A_411 = arith.index_cast %swap3A_409 : i32 to index
          %swap3A_412 = arith.index_cast %mul3A_407 : i32 to index
          %swap3A_413 = tpu.vector_load %arg17[%swap3A_410, %swap3A_411, %swap3A_412] {strides = array<i32>} : memref<14x8x128xf32, #tpu.memory_space<vmem>>, vector<16xf32>,
          tpu.vector_store %arg17[%swap3A_410, %swap3A_411, %swap3A_412], %gather3A_405 {strides = array<i32>} : memref<14x8x128xf32, #tpu.memory_space<vmem>>, vector<16xf32>,
          %add3A_414 = arith.constant 11 : i32
          %add3A_415 = vector.broadcast %add3A_414 : i32 to vector<16xi32>
          %add3A_416 = arith.addi %mul3A_273, %add3A_415 : vector<16xi32>
          %gather3A_417 = tpu.vector_load_idx %arg18[%add3A_416] : memref<32032xf32, #tpu.memory_space<vmem>>[vector<16xi32>], vector<16xf32>,
          %mul3A_418 = arith.constant 16 : i32
          %mul3A_419 = arith.muli %add3A_262, %mul3A_418 : i32
          %swap3A_420 = arith.constant 9 : i32
          %swap3A_421 = arith.constant 3 : i32
          %swap3A_422 = arith.index_cast %swap3A_420 : i32 to index
          %swap3A_423 = arith.index_cast %swap3A_421 : i32 to index
          %swap3A_424 = arith.index_cast %mul3A_419 : i32 to index
          %swap3A_425 = tpu.vector_load %arg17[%swap3A_422, %swap3A_423, %swap3A_424] {strides = array<i32>} : memref<14x8x128xf32, #tpu.memory_space<vmem>>, vector<16xf32>,
          tpu.vector_store %arg17[%swap3A_422, %swap3A_423, %swap3A_424], %gather3A_417 {strides = array<i32>} : memref<14x8x128xf32, #tpu.memory_space<vmem>>, vector<16xf32>,
          %add3A_426 = arith.constant 12 : i32
          %add3A_427 = vector.broadcast %add3A_426 : i32 to vector<16xi32>
          %add3A_428 = arith.addi %mul3A_273, %add3A_427 : vector<16xi32>
          %gather3A_429 = tpu.vector_load_idx %arg18[%add3A_428] : memref<32032xf32, #tpu.memory_space<vmem>>[vector<16xi32>], vector<16xf32>,
          %mul3A_430 = arith.constant 16 : i32
          %mul3A_431 = arith.muli %add3A_262, %mul3A_430 : i32
          %swap3A_432 = arith.constant 9 : i32
          %swap3A_433 = arith.constant 4 : i32
          %swap3A_434 = arith.index_cast %swap3A_432 : i32 to index
          %swap3A_435 = arith.index_cast %swap3A_433 : i32 to index
          %swap3A_436 = arith.index_cast %mul3A_431 : i32 to index
          %swap3A_437 = tpu.vector_load %arg17[%swap3A_434, %swap3A_435, %swap3A_436] {strides = array<i32>} : memref<14x8x128xf32, #tpu.memory_space<vmem>>, vector<16xf32>,
          tpu.vector_store %arg17[%swap3A_434, %swap3A_435, %swap3A_436], %gather3A_429 {strides = array<i32>} : memref<14x8x128xf32, #tpu.memory_space<vmem>>, vector<16xf32>,
          %add3A_438 = arith.constant 13 : i32
          %add3A_439 = vector.broadcast %add3A_438 : i32 to vector<16xi32>
          %add3A_440 = arith.addi %mul3A_273, %add3A_439 : vector<16xi32>
          %gather3A_441 = tpu.vector_load_idx %arg18[%add3A_440] : memref<32032xf32, #tpu.memory_space<vmem>>[vector<16xi32>], vector<16xf32>,
          %mul3A_442 = arith.constant 16 : i32
          %mul3A_443 = arith.muli %add3A_262, %mul3A_442 : i32
          %swap3A_444 = arith.constant 9 : i32
          %swap3A_445 = arith.constant 5 : i32
          %swap3A_446 = arith.index_cast %swap3A_444 : i32 to index
          %swap3A_447 = arith.index_cast %swap3A_445 : i32 to index
          %swap3A_448 = arith.index_cast %mul3A_443 : i32 to index
          %swap3A_449 = tpu.vector_load %arg17[%swap3A_446, %swap3A_447, %swap3A_448] {strides = array<i32>} : memref<14x8x128xf32, #tpu.memory_space<vmem>>, vector<16xf32>,
          tpu.vector_store %arg17[%swap3A_446, %swap3A_447, %swap3A_448], %gather3A_441 {strides = array<i32>} : memref<14x8x128xf32, #tpu.memory_space<vmem>>, vector<16xf32>,
          %add3A_450 = arith.constant 14 : i32
          %add3A_451 = vector.broadcast %add3A_450 : i32 to vector<16xi32>
          %add3A_452 = arith.addi %mul3A_273, %add3A_451 : vector<16xi32>
          %gather3A_453 = tpu.vector_load_idx %arg18[%add3A_452] : memref<32032xf32, #tpu.memory_space<vmem>>[vector<16xi32>], vector<16xf32>,
          %mul3A_454 = arith.constant 16 : i32
          %mul3A_455 = arith.muli %add3A_262, %mul3A_454 : i32
          %swap3A_456 = arith.constant 9 : i32
          %swap3A_457 = arith.constant 6 : i32
          %swap3A_458 = arith.index_cast %swap3A_456 : i32 to index
          %swap3A_459 = arith.index_cast %swap3A_457 : i32 to index
          %swap3A_460 = arith.index_cast %mul3A_455 : i32 to index
          %swap3A_461 = tpu.vector_load %arg17[%swap3A_458, %swap3A_459, %swap3A_460] {strides = array<i32>} : memref<14x8x128xf32, #tpu.memory_space<vmem>>, vector<16xf32>,
          tpu.vector_store %arg17[%swap3A_458, %swap3A_459, %swap3A_460], %gather3A_453 {strides = array<i32>} : memref<14x8x128xf32, #tpu.memory_space<vmem>>, vector<16xf32>,
          %add3A_462 = arith.constant 15 : i32
          %add3A_463 = vector.broadcast %add3A_462 : i32 to vector<16xi32>
          %add3A_464 = arith.addi %mul3A_273, %add3A_463 : vector<16xi32>
          %gather3A_465 = tpu.vector_load_idx %arg18[%add3A_464] : memref<32032xf32, #tpu.memory_space<vmem>>[vector<16xi32>], vector<16xf32>,
          %mul3A_466 = arith.constant 16 : i32
          %mul3A_467 = arith.muli %add3A_262, %mul3A_466 : i32
          %swap3A_468 = arith.constant 9 : i32
          %swap3A_469 = arith.constant 7 : i32
          %swap3A_470 = arith.index_cast %swap3A_468 : i32 to index
          %swap3A_471 = arith.index_cast %swap3A_469 : i32 to index
          %swap3A_472 = arith.index_cast %mul3A_467 : i32 to index
          %swap3A_473 = tpu.vector_load %arg17[%swap3A_470, %swap3A_471, %swap3A_472] {strides = array<i32>} : memref<14x8x128xf32, #tpu.memory_space<vmem>>, vector<16xf32>,
          tpu.vector_store %arg17[%swap3A_470, %swap3A_471, %swap3A_472], %gather3A_465 {strides = array<i32>} : memref<14x8x128xf32, #tpu.memory_space<vmem>>, vector<16xf32>,
          %add3A_474 = arith.constant 16 : i32
          %add3A_475 = vector.broadcast %add3A_474 : i32 to vector<16xi32>
          %add3A_476 = arith.addi %mul3A_273, %add3A_475 : vector<16xi32>
          %gather3A_477 = tpu.vector_load_idx %arg18[%add3A_476] : memref<32032xf32, #tpu.memory_space<vmem>>[vector<16xi32>], vector<16xf32>,
          %mul3A_478 = arith.constant 16 : i32
          %mul3A_479 = arith.muli %add3A_262, %mul3A_478 : i32
          %swap3A_480 = arith.constant 10 : i32
          %swap3A_481 = arith.constant 0 : i32
          %swap3A_482 = arith.index_cast %swap3A_480 : i32 to index
          %swap3A_483 = arith.index_cast %swap3A_481 : i32 to index
          %swap3A_484 = arith.index_cast %mul3A_479 : i32 to index
          %swap3A_485 = tpu.vector_load %arg17[%swap3A_482, %swap3A_483, %swap3A_484] {strides = array<i32>} : memref<14x8x128xf32, #tpu.memory_space<vmem>>, vector<16xf32>,
          tpu.vector_store %arg17[%swap3A_482, %swap3A_483, %swap3A_484], %gather3A_477 {strides = array<i32>} : memref<14x8x128xf32, #tpu.memory_space<vmem>>, vector<16xf32>,
          %add3A_486 = arith.constant 17 : i32
          %add3A_487 = vector.broadcast %add3A_486 : i32 to vector<16xi32>
          %add3A_488 = arith.addi %mul3A_273, %add3A_487 : vector<16xi32>
          %gather3A_489 = tpu.vector_load_idx %arg18[%add3A_488] : memref<32032xf32, #tpu.memory_space<vmem>>[vector<16xi32>], vector<16xf32>,
          %mul3A_490 = arith.constant 16 : i32
          %mul3A_491 = arith.muli %add3A_262, %mul3A_490 : i32
          %swap3A_492 = arith.constant 10 : i32
          %swap3A_493 = arith.constant 1 : i32
          %swap3A_494 = arith.index_cast %swap3A_492 : i32 to index
          %swap3A_495 = arith.index_cast %swap3A_493 : i32 to index
          %swap3A_496 = arith.index_cast %mul3A_491 : i32 to index
          %swap3A_497 = tpu.vector_load %arg17[%swap3A_494, %swap3A_495, %swap3A_496] {strides = array<i32>} : memref<14x8x128xf32, #tpu.memory_space<vmem>>, vector<16xf32>,
          tpu.vector_store %arg17[%swap3A_494, %swap3A_495, %swap3A_496], %gather3A_489 {strides = array<i32>} : memref<14x8x128xf32, #tpu.memory_space<vmem>>, vector<16xf32>,
          %add3A_498 = arith.constant 18 : i32
          %add3A_499 = vector.broadcast %add3A_498 : i32 to vector<16xi32>
          %add3A_500 = arith.addi %mul3A_273, %add3A_499 : vector<16xi32>
          %gather3A_501 = tpu.vector_load_idx %arg18[%add3A_500] : memref<32032xf32, #tpu.memory_space<vmem>>[vector<16xi32>], vector<16xf32>,
          %mul3A_502 = arith.constant 16 : i32
          %mul3A_503 = arith.muli %add3A_262, %mul3A_502 : i32
          %swap3A_504 = arith.constant 10 : i32
          %swap3A_505 = arith.constant 2 : i32
          %swap3A_506 = arith.index_cast %swap3A_504 : i32 to index
          %swap3A_507 = arith.index_cast %swap3A_505 : i32 to index
          %swap3A_508 = arith.index_cast %mul3A_503 : i32 to index
          %swap3A_509 = tpu.vector_load %arg17[%swap3A_506, %swap3A_507, %swap3A_508] {strides = array<i32>} : memref<14x8x128xf32, #tpu.memory_space<vmem>>, vector<16xf32>,
          tpu.vector_store %arg17[%swap3A_506, %swap3A_507, %swap3A_508], %gather3A_501 {strides = array<i32>} : memref<14x8x128xf32, #tpu.memory_space<vmem>>, vector<16xf32>,
          %add3A_510 = arith.constant 19 : i32
          %add3A_511 = vector.broadcast %add3A_510 : i32 to vector<16xi32>
          %add3A_512 = arith.addi %mul3A_273, %add3A_511 : vector<16xi32>
          %gather3A_513 = tpu.vector_load_idx %arg18[%add3A_512] : memref<32032xf32, #tpu.memory_space<vmem>>[vector<16xi32>], vector<16xf32>,
          %mul3A_514 = arith.constant 16 : i32
          %mul3A_515 = arith.muli %add3A_262, %mul3A_514 : i32
          %swap3A_516 = arith.constant 10 : i32
          %swap3A_517 = arith.constant 3 : i32
          %swap3A_518 = arith.index_cast %swap3A_516 : i32 to index
          %swap3A_519 = arith.index_cast %swap3A_517 : i32 to index
          %swap3A_520 = arith.index_cast %mul3A_515 : i32 to index
          %swap3A_521 = tpu.vector_load %arg17[%swap3A_518, %swap3A_519, %swap3A_520] {strides = array<i32>} : memref<14x8x128xf32, #tpu.memory_space<vmem>>, vector<16xf32>,
          tpu.vector_store %arg17[%swap3A_518, %swap3A_519, %swap3A_520], %gather3A_513 {strides = array<i32>} : memref<14x8x128xf32, #tpu.memory_space<vmem>>, vector<16xf32>,
          %add3A_522 = arith.constant 20 : i32
          %add3A_523 = vector.broadcast %add3A_522 : i32 to vector<16xi32>
          %add3A_524 = arith.addi %mul3A_273, %add3A_523 : vector<16xi32>
          %gather3A_525 = tpu.vector_load_idx %arg18[%add3A_524] : memref<32032xf32, #tpu.memory_space<vmem>>[vector<16xi32>], vector<16xf32>,
          %mul3A_526 = arith.constant 16 : i32
          %mul3A_527 = arith.muli %add3A_262, %mul3A_526 : i32
          %swap3A_528 = arith.constant 10 : i32
          %swap3A_529 = arith.constant 4 : i32
          %swap3A_530 = arith.index_cast %swap3A_528 : i32 to index
          %swap3A_531 = arith.index_cast %swap3A_529 : i32 to index
          %swap3A_532 = arith.index_cast %mul3A_527 : i32 to index
          %swap3A_533 = tpu.vector_load %arg17[%swap3A_530, %swap3A_531, %swap3A_532] {strides = array<i32>} : memref<14x8x128xf32, #tpu.memory_space<vmem>>, vector<16xf32>,
          tpu.vector_store %arg17[%swap3A_530, %swap3A_531, %swap3A_532], %gather3A_525 {strides = array<i32>} : memref<14x8x128xf32, #tpu.memory_space<vmem>>, vector<16xf32>,
          %add3A_534 = arith.constant 21 : i32
          %add3A_535 = vector.broadcast %add3A_534 : i32 to vector<16xi32>
          %add3A_536 = arith.addi %mul3A_273, %add3A_535 : vector<16xi32>
          %gather3A_537 = tpu.vector_load_idx %arg18[%add3A_536] : memref<32032xf32, #tpu.memory_space<vmem>>[vector<16xi32>], vector<16xf32>,
          %mul3A_538 = arith.constant 16 : i32
          %mul3A_539 = arith.muli %add3A_262, %mul3A_538 : i32
          %swap3A_540 = arith.constant 10 : i32
          %swap3A_541 = arith.constant 5 : i32
          %swap3A_542 = arith.index_cast %swap3A_540 : i32 to index
          %swap3A_543 = arith.index_cast %swap3A_541 : i32 to index
          %swap3A_544 = arith.index_cast %mul3A_539 : i32 to index
          %swap3A_545 = tpu.vector_load %arg17[%swap3A_542, %swap3A_543, %swap3A_544] {strides = array<i32>} : memref<14x8x128xf32, #tpu.memory_space<vmem>>, vector<16xf32>,
          tpu.vector_store %arg17[%swap3A_542, %swap3A_543, %swap3A_544], %gather3A_537 {strides = array<i32>} : memref<14x8x128xf32, #tpu.memory_space<vmem>>, vector<16xf32>,
          %add3A_546 = arith.constant 22 : i32
          %add3A_547 = vector.broadcast %add3A_546 : i32 to vector<16xi32>
          %add3A_548 = arith.addi %mul3A_273, %add3A_547 : vector<16xi32>
          %gather3A_549 = tpu.vector_load_idx %arg18[%add3A_548] : memref<32032xf32, #tpu.memory_space<vmem>>[vector<16xi32>], vector<16xf32>,
          %mul3A_550 = arith.constant 16 : i32
          %mul3A_551 = arith.muli %add3A_262, %mul3A_550 : i32
          %swap3A_552 = arith.constant 10 : i32
          %swap3A_553 = arith.constant 6 : i32
          %swap3A_554 = arith.index_cast %swap3A_552 : i32 to index
          %swap3A_555 = arith.index_cast %swap3A_553 : i32 to index
          %swap3A_556 = arith.index_cast %mul3A_551 : i32 to index
          %swap3A_557 = tpu.vector_load %arg17[%swap3A_554, %swap3A_555, %swap3A_556] {strides = array<i32>} : memref<14x8x128xf32, #tpu.memory_space<vmem>>, vector<16xf32>,
          tpu.vector_store %arg17[%swap3A_554, %swap3A_555, %swap3A_556], %gather3A_549 {strides = array<i32>} : memref<14x8x128xf32, #tpu.memory_space<vmem>>, vector<16xf32>,
          %add3A_558 = arith.constant 23 : i32
          %add3A_559 = vector.broadcast %add3A_558 : i32 to vector<16xi32>
          %add3A_560 = arith.addi %mul3A_273, %add3A_559 : vector<16xi32>
          %gather3A_561 = tpu.vector_load_idx %arg18[%add3A_560] : memref<32032xf32, #tpu.memory_space<vmem>>[vector<16xi32>], vector<16xf32>,
          %mul3A_562 = arith.constant 16 : i32
          %mul3A_563 = arith.muli %add3A_262, %mul3A_562 : i32
          %swap3A_564 = arith.constant 10 : i32
          %swap3A_565 = arith.constant 7 : i32
          %swap3A_566 = arith.index_cast %swap3A_564 : i32 to index
          %swap3A_567 = arith.index_cast %swap3A_565 : i32 to index
          %swap3A_568 = arith.index_cast %mul3A_563 : i32 to index
          %swap3A_569 = tpu.vector_load %arg17[%swap3A_566, %swap3A_567, %swap3A_568] {strides = array<i32>} : memref<14x8x128xf32, #tpu.memory_space<vmem>>, vector<16xf32>,
          tpu.vector_store %arg17[%swap3A_566, %swap3A_567, %swap3A_568], %gather3A_561 {strides = array<i32>} : memref<14x8x128xf32, #tpu.memory_space<vmem>>, vector<16xf32>,
          %add3A_570 = arith.constant 24 : i32
          %add3A_571 = vector.broadcast %add3A_570 : i32 to vector<16xi32>
          %add3A_572 = arith.addi %mul3A_273, %add3A_571 : vector<16xi32>
          %gather3A_573 = tpu.vector_load_idx %arg18[%add3A_572] : memref<32032xf32, #tpu.memory_space<vmem>>[vector<16xi32>], vector<16xf32>,
          %mul3A_574 = arith.constant 16 : i32
          %mul3A_575 = arith.muli %add3A_262, %mul3A_574 : i32
          %swap3A_576 = arith.constant 11 : i32
          %swap3A_577 = arith.constant 0 : i32
          %swap3A_578 = arith.index_cast %swap3A_576 : i32 to index
          %swap3A_579 = arith.index_cast %swap3A_577 : i32 to index
          %swap3A_580 = arith.index_cast %mul3A_575 : i32 to index
          %swap3A_581 = tpu.vector_load %arg17[%swap3A_578, %swap3A_579, %swap3A_580] {strides = array<i32>} : memref<14x8x128xf32, #tpu.memory_space<vmem>>, vector<16xf32>,
          tpu.vector_store %arg17[%swap3A_578, %swap3A_579, %swap3A_580], %gather3A_573 {strides = array<i32>} : memref<14x8x128xf32, #tpu.memory_space<vmem>>, vector<16xf32>,
          %add3A_582 = arith.constant 25 : i32
          %add3A_583 = vector.broadcast %add3A_582 : i32 to vector<16xi32>
          %add3A_584 = arith.addi %mul3A_273, %add3A_583 : vector<16xi32>
          %gather3A_585 = tpu.vector_load_idx %arg18[%add3A_584] : memref<32032xf32, #tpu.memory_space<vmem>>[vector<16xi32>], vector<16xf32>,
          %mul3A_586 = arith.constant 16 : i32
          %mul3A_587 = arith.muli %add3A_262, %mul3A_586 : i32
          %swap3A_588 = arith.constant 11 : i32
          %swap3A_589 = arith.constant 1 : i32
          %swap3A_590 = arith.index_cast %swap3A_588 : i32 to index
          %swap3A_591 = arith.index_cast %swap3A_589 : i32 to index
          %swap3A_592 = arith.index_cast %mul3A_587 : i32 to index
          %swap3A_593 = tpu.vector_load %arg17[%swap3A_590, %swap3A_591, %swap3A_592] {strides = array<i32>} : memref<14x8x128xf32, #tpu.memory_space<vmem>>, vector<16xf32>,
          tpu.vector_store %arg17[%swap3A_590, %swap3A_591, %swap3A_592], %gather3A_585 {strides = array<i32>} : memref<14x8x128xf32, #tpu.memory_space<vmem>>, vector<16xf32>,
          %add3A_594 = arith.constant 26 : i32
          %add3A_595 = vector.broadcast %add3A_594 : i32 to vector<16xi32>
          %add3A_596 = arith.addi %mul3A_273, %add3A_595 : vector<16xi32>
          %gather3A_597 = tpu.vector_load_idx %arg18[%add3A_596] : memref<32032xf32, #tpu.memory_space<vmem>>[vector<16xi32>], vector<16xf32>,
          %mul3A_598 = arith.constant 16 : i32
          %mul3A_599 = arith.muli %add3A_262, %mul3A_598 : i32
          %swap3A_600 = arith.constant 11 : i32
          %swap3A_601 = arith.constant 2 : i32
          %swap3A_602 = arith.index_cast %swap3A_600 : i32 to index
          %swap3A_603 = arith.index_cast %swap3A_601 : i32 to index
          %swap3A_604 = arith.index_cast %mul3A_599 : i32 to index
          %swap3A_605 = tpu.vector_load %arg17[%swap3A_602, %swap3A_603, %swap3A_604] {strides = array<i32>} : memref<14x8x128xf32, #tpu.memory_space<vmem>>, vector<16xf32>,
          tpu.vector_store %arg17[%swap3A_602, %swap3A_603, %swap3A_604], %gather3A_597 {strides = array<i32>} : memref<14x8x128xf32, #tpu.memory_space<vmem>>, vector<16xf32>,
          %add3A_606 = arith.constant 27 : i32
          %add3A_607 = vector.broadcast %add3A_606 : i32 to vector<16xi32>
          %add3A_608 = arith.addi %mul3A_273, %add3A_607 : vector<16xi32>
          %gather3A_609 = tpu.vector_load_idx %arg18[%add3A_608] : memref<32032xf32, #tpu.memory_space<vmem>>[vector<16xi32>], vector<16xf32>,
          %mul3A_610 = arith.constant 16 : i32
          %mul3A_611 = arith.muli %add3A_262, %mul3A_610 : i32
          %swap3A_612 = arith.constant 11 : i32
          %swap3A_613 = arith.constant 3 : i32
          %swap3A_614 = arith.index_cast %swap3A_612 : i32 to index
          %swap3A_615 = arith.index_cast %swap3A_613 : i32 to index
          %swap3A_616 = arith.index_cast %mul3A_611 : i32 to index
          %swap3A_617 = tpu.vector_load %arg17[%swap3A_614, %swap3A_615, %swap3A_616] {strides = array<i32>} : memref<14x8x128xf32, #tpu.memory_space<vmem>>, vector<16xf32>,
          tpu.vector_store %arg17[%swap3A_614, %swap3A_615, %swap3A_616], %gather3A_609 {strides = array<i32>} : memref<14x8x128xf32, #tpu.memory_space<vmem>>, vector<16xf32>,
          %add3A_618 = arith.constant 28 : i32
          %add3A_619 = vector.broadcast %add3A_618 : i32 to vector<16xi32>
          %add3A_620 = arith.addi %mul3A_273, %add3A_619 : vector<16xi32>
          %gather3A_621 = tpu.vector_load_idx %arg18[%add3A_620] : memref<32032xf32, #tpu.memory_space<vmem>>[vector<16xi32>], vector<16xf32>,
          %mul3A_622 = arith.constant 16 : i32
          %mul3A_623 = arith.muli %add3A_262, %mul3A_622 : i32
          %swap3A_624 = arith.constant 11 : i32
          %swap3A_625 = arith.constant 4 : i32
          %swap3A_626 = arith.index_cast %swap3A_624 : i32 to index
          %swap3A_627 = arith.index_cast %swap3A_625 : i32 to index
          %swap3A_628 = arith.index_cast %mul3A_623 : i32 to index
          %swap3A_629 = tpu.vector_load %arg17[%swap3A_626, %swap3A_627, %swap3A_628] {strides = array<i32>} : memref<14x8x128xf32, #tpu.memory_space<vmem>>, vector<16xf32>,
          tpu.vector_store %arg17[%swap3A_626, %swap3A_627, %swap3A_628], %gather3A_621 {strides = array<i32>} : memref<14x8x128xf32, #tpu.memory_space<vmem>>, vector<16xf32>,
          %add3A_630 = arith.constant 29 : i32
          %add3A_631 = vector.broadcast %add3A_630 : i32 to vector<16xi32>
          %add3A_632 = arith.addi %mul3A_273, %add3A_631 : vector<16xi32>
          %gather3A_633 = tpu.vector_load_idx %arg18[%add3A_632] : memref<32032xf32, #tpu.memory_space<vmem>>[vector<16xi32>], vector<16xf32>,
          %mul3A_634 = arith.constant 16 : i32
          %mul3A_635 = arith.muli %add3A_262, %mul3A_634 : i32
          %swap3A_636 = arith.constant 11 : i32
          %swap3A_637 = arith.constant 5 : i32
          %swap3A_638 = arith.index_cast %swap3A_636 : i32 to index
          %swap3A_639 = arith.index_cast %swap3A_637 : i32 to index
          %swap3A_640 = arith.index_cast %mul3A_635 : i32 to index
          %swap3A_641 = tpu.vector_load %arg17[%swap3A_638, %swap3A_639, %swap3A_640] {strides = array<i32>} : memref<14x8x128xf32, #tpu.memory_space<vmem>>, vector<16xf32>,
          tpu.vector_store %arg17[%swap3A_638, %swap3A_639, %swap3A_640], %gather3A_633 {strides = array<i32>} : memref<14x8x128xf32, #tpu.memory_space<vmem>>, vector<16xf32>,
          %add3A_642 = arith.constant 30 : i32
          %add3A_643 = vector.broadcast %add3A_642 : i32 to vector<16xi32>
          %add3A_644 = arith.addi %mul3A_273, %add3A_643 : vector<16xi32>
          %gather3A_645 = tpu.vector_load_idx %arg18[%add3A_644] : memref<32032xf32, #tpu.memory_space<vmem>>[vector<16xi32>], vector<16xf32>,
          %mul3A_646 = arith.constant 16 : i32
          %mul3A_647 = arith.muli %add3A_262, %mul3A_646 : i32
          %swap3A_648 = arith.constant 11 : i32
          %swap3A_649 = arith.constant 6 : i32
          %swap3A_650 = arith.index_cast %swap3A_648 : i32 to index
          %swap3A_651 = arith.index_cast %swap3A_649 : i32 to index
          %swap3A_652 = arith.index_cast %mul3A_647 : i32 to index
          %swap3A_653 = tpu.vector_load %arg17[%swap3A_650, %swap3A_651, %swap3A_652] {strides = array<i32>} : memref<14x8x128xf32, #tpu.memory_space<vmem>>, vector<16xf32>,
          tpu.vector_store %arg17[%swap3A_650, %swap3A_651, %swap3A_652], %gather3A_645 {strides = array<i32>} : memref<14x8x128xf32, #tpu.memory_space<vmem>>, vector<16xf32>,
          %add3A_654 = arith.constant 31 : i32
          %add3A_655 = vector.broadcast %add3A_654 : i32 to vector<16xi32>
          %add3A_656 = arith.addi %mul3A_273, %add3A_655 : vector<16xi32>
          %gather3A_657 = tpu.vector_load_idx %arg18[%add3A_656] : memref<32032xf32, #tpu.memory_space<vmem>>[vector<16xi32>], vector<16xf32>,
          %mul3A_658 = arith.constant 16 : i32
          %mul3A_659 = arith.muli %add3A_262, %mul3A_658 : i32
          %swap3A_660 = arith.constant 11 : i32
          %swap3A_661 = arith.constant 7 : i32
          %swap3A_662 = arith.index_cast %swap3A_660 : i32 to index
          %swap3A_663 = arith.index_cast %swap3A_661 : i32 to index
          %swap3A_664 = arith.index_cast %mul3A_659 : i32 to index
          %swap3A_665 = tpu.vector_load %arg17[%swap3A_662, %swap3A_663, %swap3A_664] {strides = array<i32>} : memref<14x8x128xf32, #tpu.memory_space<vmem>>, vector<16xf32>,
          tpu.vector_store %arg17[%swap3A_662, %swap3A_663, %swap3A_664], %gather3A_657 {strides = array<i32>} : memref<14x8x128xf32, #tpu.memory_space<vmem>>, vector<16xf32>,
          %add3A_666 = arith.constant 0 : i32
          %add3A_667 = vector.broadcast %add3A_666 : i32 to vector<16xi32>
          %add3A_668 = arith.addi %mul3A_277, %add3A_667 : vector<16xi32>
          %gather3A_669 = tpu.vector_load_idx %arg19[%add3A_668] : memref<176xf32, #tpu.memory_space<vmem>>[vector<16xi32>], vector<16xf32>,
          %mul3A_670 = arith.constant 16 : i32
          %mul3A_671 = arith.muli %add3A_262, %mul3A_670 : i32
          %swap3A_672 = arith.constant 12 : i32
          %swap3A_673 = arith.constant 0 : i32
          %swap3A_674 = arith.index_cast %swap3A_672 : i32 to index
          %swap3A_675 = arith.index_cast %swap3A_673 : i32 to index
          %swap3A_676 = arith.index_cast %mul3A_671 : i32 to index
          %swap3A_677 = tpu.vector_load %arg17[%swap3A_674, %swap3A_675, %swap3A_676] {strides = array<i32>} : memref<14x8x128xf32, #tpu.memory_space<vmem>>, vector<16xf32>,
          tpu.vector_store %arg17[%swap3A_674, %swap3A_675, %swap3A_676], %gather3A_669 {strides = array<i32>} : memref<14x8x128xf32, #tpu.memory_space<vmem>>, vector<16xf32>,
          %add3A_678 = arith.constant 1 : i32
          %add3A_679 = vector.broadcast %add3A_678 : i32 to vector<16xi32>
          %add3A_680 = arith.addi %mul3A_277, %add3A_679 : vector<16xi32>
          %gather3A_681 = tpu.vector_load_idx %arg19[%add3A_680] : memref<176xf32, #tpu.memory_space<vmem>>[vector<16xi32>], vector<16xf32>,
          %mul3A_682 = arith.constant 16 : i32
          %mul3A_683 = arith.muli %add3A_262, %mul3A_682 : i32
          %swap3A_684 = arith.constant 12 : i32
          %swap3A_685 = arith.constant 1 : i32
          %swap3A_686 = arith.index_cast %swap3A_684 : i32 to index
          %swap3A_687 = arith.index_cast %swap3A_685 : i32 to index
          %swap3A_688 = arith.index_cast %mul3A_683 : i32 to index
          %swap3A_689 = tpu.vector_load %arg17[%swap3A_686, %swap3A_687, %swap3A_688] {strides = array<i32>} : memref<14x8x128xf32, #tpu.memory_space<vmem>>, vector<16xf32>,
          tpu.vector_store %arg17[%swap3A_686, %swap3A_687, %swap3A_688], %gather3A_681 {strides = array<i32>} : memref<14x8x128xf32, #tpu.memory_space<vmem>>, vector<16xf32>,
          %add3A_690 = arith.constant 2 : i32
          %add3A_691 = vector.broadcast %add3A_690 : i32 to vector<16xi32>
          %add3A_692 = arith.addi %mul3A_277, %add3A_691 : vector<16xi32>
          %gather3A_693 = tpu.vector_load_idx %arg19[%add3A_692] : memref<176xf32, #tpu.memory_space<vmem>>[vector<16xi32>], vector<16xf32>,
          %mul3A_694 = arith.constant 16 : i32
          %mul3A_695 = arith.muli %add3A_262, %mul3A_694 : i32
          %swap3A_696 = arith.constant 12 : i32
          %swap3A_697 = arith.constant 2 : i32
          %swap3A_698 = arith.index_cast %swap3A_696 : i32 to index
          %swap3A_699 = arith.index_cast %swap3A_697 : i32 to index
          %swap3A_700 = arith.index_cast %mul3A_695 : i32 to index
          %swap3A_701 = tpu.vector_load %arg17[%swap3A_698, %swap3A_699, %swap3A_700] {strides = array<i32>} : memref<14x8x128xf32, #tpu.memory_space<vmem>>, vector<16xf32>,
          tpu.vector_store %arg17[%swap3A_698, %swap3A_699, %swap3A_700], %gather3A_693 {strides = array<i32>} : memref<14x8x128xf32, #tpu.memory_space<vmem>>, vector<16xf32>,
          %add3A_702 = arith.constant 3 : i32
          %add3A_703 = vector.broadcast %add3A_702 : i32 to vector<16xi32>
          %add3A_704 = arith.addi %mul3A_277, %add3A_703 : vector<16xi32>
          %gather3A_705 = tpu.vector_load_idx %arg19[%add3A_704] : memref<176xf32, #tpu.memory_space<vmem>>[vector<16xi32>], vector<16xf32>,
          %mul3A_706 = arith.constant 16 : i32
          %mul3A_707 = arith.muli %add3A_262, %mul3A_706 : i32
          %swap3A_708 = arith.constant 12 : i32
          %swap3A_709 = arith.constant 3 : i32
          %swap3A_710 = arith.index_cast %swap3A_708 : i32 to index
          %swap3A_711 = arith.index_cast %swap3A_709 : i32 to index
          %swap3A_712 = arith.index_cast %mul3A_707 : i32 to index
          %swap3A_713 = tpu.vector_load %arg17[%swap3A_710, %swap3A_711, %swap3A_712] {strides = array<i32>} : memref<14x8x128xf32, #tpu.memory_space<vmem>>, vector<16xf32>,
          tpu.vector_store %arg17[%swap3A_710, %swap3A_711, %swap3A_712], %gather3A_705 {strides = array<i32>} : memref<14x8x128xf32, #tpu.memory_space<vmem>>, vector<16xf32>,
          %add3A_714 = arith.constant 4 : i32
          %add3A_715 = vector.broadcast %add3A_714 : i32 to vector<16xi32>
          %add3A_716 = arith.addi %mul3A_277, %add3A_715 : vector<16xi32>
          %gather3A_717 = tpu.vector_load_idx %arg19[%add3A_716] : memref<176xf32, #tpu.memory_space<vmem>>[vector<16xi32>], vector<16xf32>,
          %mul3A_718 = arith.constant 16 : i32
          %mul3A_719 = arith.muli %add3A_262, %mul3A_718 : i32
          %swap3A_720 = arith.constant 12 : i32
          %swap3A_721 = arith.constant 4 : i32
          %swap3A_722 = arith.index_cast %swap3A_720 : i32 to index
          %swap3A_723 = arith.index_cast %swap3A_721 : i32 to index
          %swap3A_724 = arith.index_cast %mul3A_719 : i32 to index
          %swap3A_725 = tpu.vector_load %arg17[%swap3A_722, %swap3A_723, %swap3A_724] {strides = array<i32>} : memref<14x8x128xf32, #tpu.memory_space<vmem>>, vector<16xf32>,
          tpu.vector_store %arg17[%swap3A_722, %swap3A_723, %swap3A_724], %gather3A_717 {strides = array<i32>} : memref<14x8x128xf32, #tpu.memory_space<vmem>>, vector<16xf32>,
          %add3A_726 = arith.constant 5 : i32
          %add3A_727 = vector.broadcast %add3A_726 : i32 to vector<16xi32>
          %add3A_728 = arith.addi %mul3A_277, %add3A_727 : vector<16xi32>
          %gather3A_729 = tpu.vector_load_idx %arg19[%add3A_728] : memref<176xf32, #tpu.memory_space<vmem>>[vector<16xi32>], vector<16xf32>,
          %mul3A_730 = arith.constant 16 : i32
          %mul3A_731 = arith.muli %add3A_262, %mul3A_730 : i32
          %swap3A_732 = arith.constant 12 : i32
          %swap3A_733 = arith.constant 5 : i32
          %swap3A_734 = arith.index_cast %swap3A_732 : i32 to index
          %swap3A_735 = arith.index_cast %swap3A_733 : i32 to index
          %swap3A_736 = arith.index_cast %mul3A_731 : i32 to index
          %swap3A_737 = tpu.vector_load %arg17[%swap3A_734, %swap3A_735, %swap3A_736] {strides = array<i32>} : memref<14x8x128xf32, #tpu.memory_space<vmem>>, vector<16xf32>,
          tpu.vector_store %arg17[%swap3A_734, %swap3A_735, %swap3A_736], %gather3A_729 {strides = array<i32>} : memref<14x8x128xf32, #tpu.memory_space<vmem>>, vector<16xf32>,
          %add3A_738 = arith.constant 6 : i32
          %add3A_739 = vector.broadcast %add3A_738 : i32 to vector<16xi32>
          %add3A_740 = arith.addi %mul3A_277, %add3A_739 : vector<16xi32>
          %gather3A_741 = tpu.vector_load_idx %arg19[%add3A_740] : memref<176xf32, #tpu.memory_space<vmem>>[vector<16xi32>], vector<16xf32>,
          %mul3A_742 = arith.constant 16 : i32
          %mul3A_743 = arith.muli %add3A_262, %mul3A_742 : i32
          %swap3A_744 = arith.constant 12 : i32
          %swap3A_745 = arith.constant 6 : i32
          %swap3A_746 = arith.index_cast %swap3A_744 : i32 to index
          %swap3A_747 = arith.index_cast %swap3A_745 : i32 to index
          %swap3A_748 = arith.index_cast %mul3A_743 : i32 to index
          %swap3A_749 = tpu.vector_load %arg17[%swap3A_746, %swap3A_747, %swap3A_748] {strides = array<i32>} : memref<14x8x128xf32, #tpu.memory_space<vmem>>, vector<16xf32>,
          tpu.vector_store %arg17[%swap3A_746, %swap3A_747, %swap3A_748], %gather3A_741 {strides = array<i32>} : memref<14x8x128xf32, #tpu.memory_space<vmem>>, vector<16xf32>,
          %add3A_750 = arith.constant 7 : i32
          %add3A_751 = vector.broadcast %add3A_750 : i32 to vector<16xi32>
          %add3A_752 = arith.addi %mul3A_277, %add3A_751 : vector<16xi32>
          %gather3A_753 = tpu.vector_load_idx %arg19[%add3A_752] : memref<176xf32, #tpu.memory_space<vmem>>[vector<16xi32>], vector<16xf32>,
          %mul3A_754 = arith.constant 16 : i32
          %mul3A_755 = arith.muli %add3A_262, %mul3A_754 : i32
          %swap3A_756 = arith.constant 12 : i32
          %swap3A_757 = arith.constant 7 : i32
          %swap3A_758 = arith.index_cast %swap3A_756 : i32 to index
          %swap3A_759 = arith.index_cast %swap3A_757 : i32 to index
          %swap3A_760 = arith.index_cast %mul3A_755 : i32 to index
          %swap3A_761 = tpu.vector_load %arg17[%swap3A_758, %swap3A_759, %swap3A_760] {strides = array<i32>} : memref<14x8x128xf32, #tpu.memory_space<vmem>>, vector<16xf32>,
          tpu.vector_store %arg17[%swap3A_758, %swap3A_759, %swap3A_760], %gather3A_753 {strides = array<i32>} : memref<14x8x128xf32, #tpu.memory_space<vmem>>, vector<16xf32>,
          %add3A_762 = arith.constant 8 : i32
          %add3A_763 = vector.broadcast %add3A_762 : i32 to vector<16xi32>
          %add3A_764 = arith.addi %mul3A_277, %add3A_763 : vector<16xi32>
          %gather3A_765 = tpu.vector_load_idx %arg19[%add3A_764] : memref<176xf32, #tpu.memory_space<vmem>>[vector<16xi32>], vector<16xf32>,
          %mul3A_766 = arith.constant 16 : i32
          %mul3A_767 = arith.muli %add3A_262, %mul3A_766 : i32
          %swap3A_768 = arith.constant 13 : i32
          %swap3A_769 = arith.constant 0 : i32
          %swap3A_770 = arith.index_cast %swap3A_768 : i32 to index
          %swap3A_771 = arith.index_cast %swap3A_769 : i32 to index
          %swap3A_772 = arith.index_cast %mul3A_767 : i32 to index
          %swap3A_773 = tpu.vector_load %arg17[%swap3A_770, %swap3A_771, %swap3A_772] {strides = array<i32>} : memref<14x8x128xf32, #tpu.memory_space<vmem>>, vector<16xf32>,
          tpu.vector_store %arg17[%swap3A_770, %swap3A_771, %swap3A_772], %gather3A_765 {strides = array<i32>} : memref<14x8x128xf32, #tpu.memory_space<vmem>>, vector<16xf32>,
          %add3A_774 = arith.constant 9 : i32
          %add3A_775 = vector.broadcast %add3A_774 : i32 to vector<16xi32>
          %add3A_776 = arith.addi %mul3A_277, %add3A_775 : vector<16xi32>
          %gather3A_777 = tpu.vector_load_idx %arg19[%add3A_776] : memref<176xf32, #tpu.memory_space<vmem>>[vector<16xi32>], vector<16xf32>,
          %mul3A_778 = arith.constant 16 : i32
          %mul3A_779 = arith.muli %add3A_262, %mul3A_778 : i32
          %swap3A_780 = arith.constant 13 : i32
          %swap3A_781 = arith.constant 1 : i32
          %swap3A_782 = arith.index_cast %swap3A_780 : i32 to index
          %swap3A_783 = arith.index_cast %swap3A_781 : i32 to index
          %swap3A_784 = arith.index_cast %mul3A_779 : i32 to index
          %swap3A_785 = tpu.vector_load %arg17[%swap3A_782, %swap3A_783, %swap3A_784] {strides = array<i32>} : memref<14x8x128xf32, #tpu.memory_space<vmem>>, vector<16xf32>,
          tpu.vector_store %arg17[%swap3A_782, %swap3A_783, %swap3A_784], %gather3A_777 {strides = array<i32>} : memref<14x8x128xf32, #tpu.memory_space<vmem>>, vector<16xf32>,
          %add3A_786 = arith.constant 10 : i32
          %add3A_787 = vector.broadcast %add3A_786 : i32 to vector<16xi32>
          %add3A_788 = arith.addi %mul3A_277, %add3A_787 : vector<16xi32>
          %gather3A_789 = tpu.vector_load_idx %arg19[%add3A_788] : memref<176xf32, #tpu.memory_space<vmem>>[vector<16xi32>], vector<16xf32>,
          %mul3A_790 = arith.constant 16 : i32
          %mul3A_791 = arith.muli %add3A_262, %mul3A_790 : i32
          %swap3A_792 = arith.constant 13 : i32
          %swap3A_793 = arith.constant 2 : i32
          %swap3A_794 = arith.index_cast %swap3A_792 : i32 to index
          %swap3A_795 = arith.index_cast %swap3A_793 : i32 to index
          %swap3A_796 = arith.index_cast %mul3A_791 : i32 to index
          %swap3A_797 = tpu.vector_load %arg17[%swap3A_794, %swap3A_795, %swap3A_796] {strides = array<i32>} : memref<14x8x128xf32, #tpu.memory_space<vmem>>, vector<16xf32>,
          tpu.vector_store %arg17[%swap3A_794, %swap3A_795, %swap3A_796], %gather3A_789 {strides = array<i32>} : memref<14x8x128xf32, #tpu.memory_space<vmem>>, vector<16xf32>,
          %add3A_798 = arith.constant 11 : i32
          %add3A_799 = vector.broadcast %add3A_798 : i32 to vector<16xi32>
          %add3A_800 = arith.addi %mul3A_277, %add3A_799 : vector<16xi32>
          %gather3A_801 = tpu.vector_load_idx %arg19[%add3A_800] : memref<176xf32, #tpu.memory_space<vmem>>[vector<16xi32>], vector<16xf32>,
          %mul3A_802 = arith.constant 16 : i32
          %mul3A_803 = arith.muli %add3A_262, %mul3A_802 : i32
          %swap3A_804 = arith.constant 13 : i32
          %swap3A_805 = arith.constant 3 : i32
          %swap3A_806 = arith.index_cast %swap3A_804 : i32 to index
          %swap3A_807 = arith.index_cast %swap3A_805 : i32 to index
          %swap3A_808 = arith.index_cast %mul3A_803 : i32 to index
          %swap3A_809 = tpu.vector_load %arg17[%swap3A_806, %swap3A_807, %swap3A_808] {strides = array<i32>} : memref<14x8x128xf32, #tpu.memory_space<vmem>>, vector<16xf32>,
          tpu.vector_store %arg17[%swap3A_806, %swap3A_807, %swap3A_808], %gather3A_801 {strides = array<i32>} : memref<14x8x128xf32, #tpu.memory_space<vmem>>, vector<16xf32>,
          %add3A_810 = arith.constant 12 : i32
          %add3A_811 = vector.broadcast %add3A_810 : i32 to vector<16xi32>
          %add3A_812 = arith.addi %mul3A_277, %add3A_811 : vector<16xi32>
          %gather3A_813 = tpu.vector_load_idx %arg19[%add3A_812] : memref<176xf32, #tpu.memory_space<vmem>>[vector<16xi32>], vector<16xf32>,
          %mul3A_814 = arith.constant 16 : i32
          %mul3A_815 = arith.muli %add3A_262, %mul3A_814 : i32
          %swap3A_816 = arith.constant 13 : i32
          %swap3A_817 = arith.constant 4 : i32
          %swap3A_818 = arith.index_cast %swap3A_816 : i32 to index
          %swap3A_819 = arith.index_cast %swap3A_817 : i32 to index
          %swap3A_820 = arith.index_cast %mul3A_815 : i32 to index
          %swap3A_821 = tpu.vector_load %arg17[%swap3A_818, %swap3A_819, %swap3A_820] {strides = array<i32>} : memref<14x8x128xf32, #tpu.memory_space<vmem>>, vector<16xf32>,
          tpu.vector_store %arg17[%swap3A_818, %swap3A_819, %swap3A_820], %gather3A_813 {strides = array<i32>} : memref<14x8x128xf32, #tpu.memory_space<vmem>>, vector<16xf32>,
          %add3A_822 = arith.constant 13 : i32
          %add3A_823 = vector.broadcast %add3A_822 : i32 to vector<16xi32>
          %add3A_824 = arith.addi %mul3A_277, %add3A_823 : vector<16xi32>
          %gather3A_825 = tpu.vector_load_idx %arg19[%add3A_824] : memref<176xf32, #tpu.memory_space<vmem>>[vector<16xi32>], vector<16xf32>,
          %mul3A_826 = arith.constant 16 : i32
          %mul3A_827 = arith.muli %add3A_262, %mul3A_826 : i32
          %swap3A_828 = arith.constant 13 : i32
          %swap3A_829 = arith.constant 5 : i32
          %swap3A_830 = arith.index_cast %swap3A_828 : i32 to index
          %swap3A_831 = arith.index_cast %swap3A_829 : i32 to index
          %swap3A_832 = arith.index_cast %mul3A_827 : i32 to index
          %swap3A_833 = tpu.vector_load %arg17[%swap3A_830, %swap3A_831, %swap3A_832] {strides = array<i32>} : memref<14x8x128xf32, #tpu.memory_space<vmem>>, vector<16xf32>,
          tpu.vector_store %arg17[%swap3A_830, %swap3A_831, %swap3A_832], %gather3A_825 {strides = array<i32>} : memref<14x8x128xf32, #tpu.memory_space<vmem>>, vector<16xf32>,
          %add3A_834 = arith.constant 14 : i32
          %add3A_835 = vector.broadcast %add3A_834 : i32 to vector<16xi32>
          %add3A_836 = arith.addi %mul3A_277, %add3A_835 : vector<16xi32>
          %gather3A_837 = tpu.vector_load_idx %arg19[%add3A_836] : memref<176xf32, #tpu.memory_space<vmem>>[vector<16xi32>], vector<16xf32>,
          %mul3A_838 = arith.constant 16 : i32
          %mul3A_839 = arith.muli %add3A_262, %mul3A_838 : i32
          %swap3A_840 = arith.constant 13 : i32
          %swap3A_841 = arith.constant 6 : i32
          %swap3A_842 = arith.index_cast %swap3A_840 : i32 to index
          %swap3A_843 = arith.index_cast %swap3A_841 : i32 to index
          %swap3A_844 = arith.index_cast %mul3A_839 : i32 to index
          %swap3A_845 = tpu.vector_load %arg17[%swap3A_842, %swap3A_843, %swap3A_844] {strides = array<i32>} : memref<14x8x128xf32, #tpu.memory_space<vmem>>, vector<16xf32>,
          tpu.vector_store %arg17[%swap3A_842, %swap3A_843, %swap3A_844], %gather3A_837 {strides = array<i32>} : memref<14x8x128xf32, #tpu.memory_space<vmem>>, vector<16xf32>,
          %add3A_846 = arith.constant 15 : i32
          %add3A_847 = vector.broadcast %add3A_846 : i32 to vector<16xi32>
          %add3A_848 = arith.addi %mul3A_277, %add3A_847 : vector<16xi32>
          %gather3A_849 = tpu.vector_load_idx %arg19[%add3A_848] : memref<176xf32, #tpu.memory_space<vmem>>[vector<16xi32>], vector<16xf32>,
          %mul3A_850 = arith.constant 16 : i32
          %mul3A_851 = arith.muli %add3A_262, %mul3A_850 : i32
          %swap3A_852 = arith.constant 13 : i32
          %swap3A_853 = arith.constant 7 : i32
          %swap3A_854 = arith.index_cast %swap3A_852 : i32 to index
          %swap3A_855 = arith.index_cast %swap3A_853 : i32 to index
          %swap3A_856 = arith.index_cast %mul3A_851 : i32 to index
          %swap3A_857 = tpu.vector_load %arg17[%swap3A_854, %swap3A_855, %swap3A_856] {strides = array<i32>} : memref<14x8x128xf32, #tpu.memory_space<vmem>>, vector<16xf32>,
          tpu.vector_store %arg17[%swap3A_854, %swap3A_855, %swap3A_856], %gather3A_849 {strides = array<i32>} : memref<14x8x128xf32, #tpu.memory_space<vmem>>, vector<16xf32>,
          %add3A_858 = arith.constant 0 : i32
          %add3A_859 = vector.broadcast %add3A_858 : i32 to vector<16xi32>
          %add3A_860 = arith.addi %and3A_8, %add3A_859 : vector<16xi32>
          %gather3A_861 = tpu.vector_load_idx %arg15[%add3A_281, %add3A_860] : memref<128x64xf32, #tpu.memory_space<vmem>>[vector<16xi32>, vector<16xi32>], vector<16xf32>,
          %shift_right_arithmetic3A = arith.constant 3 : i32
          %shift_right_arithmetic3A_862 = vector.broadcast %shift_right_arithmetic3A : i32 to vector<16xi32>
          %shift_right_arithmetic3A_863 = arith.shrsi %add3A_860, %shift_right_arithmetic3A_862 : vector<16xi32>
          %and3A_864 = arith.constant 7 : i32
          %and3A_865 = vector.broadcast %and3A_864 : i32 to vector<16xi32>
          %and3A_866 = arith.andi %add3A_860, %and3A_865 : vector<16xi32>
          tpu.vector_store_idx %arg17[%shift_right_arithmetic3A_863, %and3A_866, %add3A_281], %gather3A_861 : memref<14x8x128xf32, #tpu.memory_space<vmem>>[vector<16xi32>, vector<16xi32>, vector<16xi32>], vector<16xf32>,
          %add3A_867 = arith.constant 0 : i32
          %add3A_868 = vector.broadcast %add3A_867 : i32 to vector<16xi32>
          %add3A_869 = arith.addi %and3A_14, %add3A_868 : vector<16xi32>
          %gather3A_870 = tpu.vector_load_idx %arg15[%add3A_281, %add3A_869] : memref<128x64xf32, #tpu.memory_space<vmem>>[vector<16xi32>, vector<16xi32>], vector<16xf32>,
          %shift_right_arithmetic3A_871 = arith.constant 3 : i32
          %shift_right_arithmetic3A_872 = vector.broadcast %shift_right_arithmetic3A_871 : i32 to vector<16xi32>
          %shift_right_arithmetic3A_873 = arith.shrsi %add3A_869, %shift_right_arithmetic3A_872 : vector<16xi32>
          %and3A_874 = arith.constant 7 : i32
          %and3A_875 = vector.broadcast %and3A_874 : i32 to vector<16xi32>
          %and3A_876 = arith.andi %add3A_869, %and3A_875 : vector<16xi32>
          tpu.vector_store_idx %arg17[%shift_right_arithmetic3A_873, %and3A_876, %add3A_281], %gather3A_870 : memref<14x8x128xf32, #tpu.memory_space<vmem>>[vector<16xi32>, vector<16xi32>, vector<16xi32>], vector<16xf32>,
          %add3A_877 = arith.constant 0 : i32
          %add3A_878 = vector.broadcast %add3A_877 : i32 to vector<16xi32>
          %add3A_879 = arith.addi %and3A_20, %add3A_878 : vector<16xi32>
          %gather3A_880 = tpu.vector_load_idx %arg15[%add3A_281, %add3A_879] : memref<128x64xf32, #tpu.memory_space<vmem>>[vector<16xi32>, vector<16xi32>], vector<16xf32>,
          %shift_right_arithmetic3A_881 = arith.constant 3 : i32
          %shift_right_arithmetic3A_882 = vector.broadcast %shift_right_arithmetic3A_881 : i32 to vector<16xi32>
          %shift_right_arithmetic3A_883 = arith.shrsi %add3A_879, %shift_right_arithmetic3A_882 : vector<16xi32>
          %and3A_884 = arith.constant 7 : i32
          %and3A_885 = vector.broadcast %and3A_884 : i32 to vector<16xi32>
          %and3A_886 = arith.andi %add3A_879, %and3A_885 : vector<16xi32>
          tpu.vector_store_idx %arg17[%shift_right_arithmetic3A_883, %and3A_886, %add3A_281], %gather3A_880 : memref<14x8x128xf32, #tpu.memory_space<vmem>>[vector<16xi32>, vector<16xi32>, vector<16xi32>], vector<16xf32>,
          %add3A_887 = arith.constant 0 : i32
          %add3A_888 = vector.broadcast %add3A_887 : i32 to vector<16xi32>
          %add3A_889 = arith.addi %and3A_26, %add3A_888 : vector<16xi32>
          %gather3A_890 = tpu.vector_load_idx %arg15[%add3A_281, %add3A_889] : memref<128x64xf32, #tpu.memory_space<vmem>>[vector<16xi32>, vector<16xi32>], vector<16xf32>,
          %shift_right_arithmetic3A_891 = arith.constant 3 : i32
          %shift_right_arithmetic3A_892 = vector.broadcast %shift_right_arithmetic3A_891 : i32 to vector<16xi32>
          %shift_right_arithmetic3A_893 = arith.shrsi %add3A_889, %shift_right_arithmetic3A_892 : vector<16xi32>
          %and3A_894 = arith.constant 7 : i32
          %and3A_895 = vector.broadcast %and3A_894 : i32 to vector<16xi32>
          %and3A_896 = arith.andi %add3A_889, %and3A_895 : vector<16xi32>
          tpu.vector_store_idx %arg17[%shift_right_arithmetic3A_893, %and3A_896, %add3A_281], %gather3A_890 : memref<14x8x128xf32, #tpu.memory_space<vmem>>[vector<16xi32>, vector<16xi32>, vector<16xi32>], vector<16xf32>,
          %add3A_897 = arith.constant 0 : i32
          %add3A_898 = vector.broadcast %add3A_897 : i32 to vector<16xi32>
          %add3A_899 = arith.addi %and3A_32, %add3A_898 : vector<16xi32>
          %gather3A_900 = tpu.vector_load_idx %arg15[%add3A_281, %add3A_899] : memref<128x64xf32, #tpu.memory_space<vmem>>[vector<16xi32>, vector<16xi32>], vector<16xf32>,
          %shift_right_arithmetic3A_901 = arith.constant 3 : i32
          %shift_right_arithmetic3A_902 = vector.broadcast %shift_right_arithmetic3A_901 : i32 to vector<16xi32>
          %shift_right_arithmetic3A_903 = arith.shrsi %add3A_899, %shift_right_arithmetic3A_902 : vector<16xi32>
          %and3A_904 = arith.constant 7 : i32
          %and3A_905 = vector.broadcast %and3A_904 : i32 to vector<16xi32>
          %and3A_906 = arith.andi %add3A_899, %and3A_905 : vector<16xi32>
          tpu.vector_store_idx %arg17[%shift_right_arithmetic3A_903, %and3A_906, %add3A_281], %gather3A_900 : memref<14x8x128xf32, #tpu.memory_space<vmem>>[vector<16xi32>, vector<16xi32>, vector<16xi32>], vector<16xf32>,
          %add3A_907 = arith.constant 0 : i32
          %add3A_908 = vector.broadcast %add3A_907 : i32 to vector<16xi32>
          %add3A_909 = arith.addi %and3A_38, %add3A_908 : vector<16xi32>
          %gather3A_910 = tpu.vector_load_idx %arg15[%add3A_281, %add3A_909] : memref<128x64xf32, #tpu.memory_space<vmem>>[vector<16xi32>, vector<16xi32>], vector<16xf32>,
          %shift_right_arithmetic3A_911 = arith.constant 3 : i32
          %shift_right_arithmetic3A_912 = vector.broadcast %shift_right_arithmetic3A_911 : i32 to vector<16xi32>
          %shift_right_arithmetic3A_913 = arith.shrsi %add3A_909, %shift_right_arithmetic3A_912 : vector<16xi32>
          %and3A_914 = arith.constant 7 : i32
          %and3A_915 = vector.broadcast %and3A_914 : i32 to vector<16xi32>
          %and3A_916 = arith.andi %add3A_909, %and3A_915 : vector<16xi32>
          tpu.vector_store_idx %arg17[%shift_right_arithmetic3A_913, %and3A_916, %add3A_281], %gather3A_910 : memref<14x8x128xf32, #tpu.memory_space<vmem>>[vector<16xi32>, vector<16xi32>, vector<16xi32>], vector<16xf32>,
          %add3A_917 = arith.constant 0 : i32
          %add3A_918 = vector.broadcast %add3A_917 : i32 to vector<16xi32>
          %add3A_919 = arith.addi %and3A_44, %add3A_918 : vector<16xi32>
          %gather3A_920 = tpu.vector_load_idx %arg15[%add3A_281, %add3A_919] : memref<128x64xf32, #tpu.memory_space<vmem>>[vector<16xi32>, vector<16xi32>], vector<16xf32>,
          %shift_right_arithmetic3A_921 = arith.constant 3 : i32
          %shift_right_arithmetic3A_922 = vector.broadcast %shift_right_arithmetic3A_921 : i32 to vector<16xi32>
          %shift_right_arithmetic3A_923 = arith.shrsi %add3A_919, %shift_right_arithmetic3A_922 : vector<16xi32>
          %and3A_924 = arith.constant 7 : i32
          %and3A_925 = vector.broadcast %and3A_924 : i32 to vector<16xi32>
          %and3A_926 = arith.andi %add3A_919, %and3A_925 : vector<16xi32>
          tpu.vector_store_idx %arg17[%shift_right_arithmetic3A_923, %and3A_926, %add3A_281], %gather3A_920 : memref<14x8x128xf32, #tpu.memory_space<vmem>>[vector<16xi32>, vector<16xi32>, vector<16xi32>], vector<16xf32>,
          %add3A_927 = arith.constant 0 : i32
          %add3A_928 = vector.broadcast %add3A_927 : i32 to vector<16xi32>
          %add3A_929 = arith.addi %and3A_50, %add3A_928 : vector<16xi32>
          %gather3A_930 = tpu.vector_load_idx %arg15[%add3A_281, %add3A_929] : memref<128x64xf32, #tpu.memory_space<vmem>>[vector<16xi32>, vector<16xi32>], vector<16xf32>,
          %shift_right_arithmetic3A_931 = arith.constant 3 : i32
          %shift_right_arithmetic3A_932 = vector.broadcast %shift_right_arithmetic3A_931 : i32 to vector<16xi32>
          %shift_right_arithmetic3A_933 = arith.shrsi %add3A_929, %shift_right_arithmetic3A_932 : vector<16xi32>
          %and3A_934 = arith.constant 7 : i32
          %and3A_935 = vector.broadcast %and3A_934 : i32 to vector<16xi32>
          %and3A_936 = arith.andi %add3A_929, %and3A_935 : vector<16xi32>
          tpu.vector_store_idx %arg17[%shift_right_arithmetic3A_933, %and3A_936, %add3A_281], %gather3A_930 : memref<14x8x128xf32, #tpu.memory_space<vmem>>[vector<16xi32>, vector<16xi32>, vector<16xi32>], vector<16xf32>,
          %add3A_937 = arith.constant 0 : i32
          %add3A_938 = vector.broadcast %add3A_937 : i32 to vector<16xi32>
          %add3A_939 = arith.addi %and3A_56, %add3A_938 : vector<16xi32>
          %gather3A_940 = tpu.vector_load_idx %arg15[%add3A_281, %add3A_939] : memref<128x64xf32, #tpu.memory_space<vmem>>[vector<16xi32>, vector<16xi32>], vector<16xf32>,
          %shift_right_arithmetic3A_941 = arith.constant 3 : i32
          %shift_right_arithmetic3A_942 = vector.broadcast %shift_right_arithmetic3A_941 : i32 to vector<16xi32>
          %shift_right_arithmetic3A_943 = arith.shrsi %add3A_939, %shift_right_arithmetic3A_942 : vector<16xi32>
          %and3A_944 = arith.constant 7 : i32
          %and3A_945 = vector.broadcast %and3A_944 : i32 to vector<16xi32>
          %and3A_946 = arith.andi %add3A_939, %and3A_945 : vector<16xi32>
          tpu.vector_store_idx %arg17[%shift_right_arithmetic3A_943, %and3A_946, %add3A_281], %gather3A_940 : memref<14x8x128xf32, #tpu.memory_space<vmem>>[vector<16xi32>, vector<16xi32>, vector<16xi32>], vector<16xf32>,
          %add3A_947 = arith.constant 0 : i32
          %add3A_948 = vector.broadcast %add3A_947 : i32 to vector<16xi32>
          %add3A_949 = arith.addi %and3A_62, %add3A_948 : vector<16xi32>
          %gather3A_950 = tpu.vector_load_idx %arg15[%add3A_281, %add3A_949] : memref<128x64xf32, #tpu.memory_space<vmem>>[vector<16xi32>, vector<16xi32>], vector<16xf32>,
          %shift_right_arithmetic3A_951 = arith.constant 3 : i32
          %shift_right_arithmetic3A_952 = vector.broadcast %shift_right_arithmetic3A_951 : i32 to vector<16xi32>
          %shift_right_arithmetic3A_953 = arith.shrsi %add3A_949, %shift_right_arithmetic3A_952 : vector<16xi32>
          %and3A_954 = arith.constant 7 : i32
          %and3A_955 = vector.broadcast %and3A_954 : i32 to vector<16xi32>
          %and3A_956 = arith.andi %add3A_949, %and3A_955 : vector<16xi32>
          tpu.vector_store_idx %arg17[%shift_right_arithmetic3A_953, %and3A_956, %add3A_281], %gather3A_950 : memref<14x8x128xf32, #tpu.memory_space<vmem>>[vector<16xi32>, vector<16xi32>, vector<16xi32>], vector<16xf32>,
          %add3A_957 = arith.constant 0 : i32
          %add3A_958 = vector.broadcast %add3A_957 : i32 to vector<16xi32>
          %add3A_959 = arith.addi %and3A_68, %add3A_958 : vector<16xi32>
          %gather3A_960 = tpu.vector_load_idx %arg15[%add3A_281, %add3A_959] : memref<128x64xf32, #tpu.memory_space<vmem>>[vector<16xi32>, vector<16xi32>], vector<16xf32>,
          %shift_right_arithmetic3A_961 = arith.constant 3 : i32
          %shift_right_arithmetic3A_962 = vector.broadcast %shift_right_arithmetic3A_961 : i32 to vector<16xi32>
          %shift_right_arithmetic3A_963 = arith.shrsi %add3A_959, %shift_right_arithmetic3A_962 : vector<16xi32>
          %and3A_964 = arith.constant 7 : i32
          %and3A_965 = vector.broadcast %and3A_964 : i32 to vector<16xi32>
          %and3A_966 = arith.andi %add3A_959, %and3A_965 : vector<16xi32>
          tpu.vector_store_idx %arg17[%shift_right_arithmetic3A_963, %and3A_966, %add3A_281], %gather3A_960 : memref<14x8x128xf32, #tpu.memory_space<vmem>>[vector<16xi32>, vector<16xi32>, vector<16xi32>], vector<16xf32>,
          %add3A_967 = arith.constant 0 : i32
          %add3A_968 = vector.broadcast %add3A_967 : i32 to vector<16xi32>
          %add3A_969 = arith.addi %and3A_74, %add3A_968 : vector<16xi32>
          %gather3A_970 = tpu.vector_load_idx %arg15[%add3A_281, %add3A_969] : memref<128x64xf32, #tpu.memory_space<vmem>>[vector<16xi32>, vector<16xi32>], vector<16xf32>,
          %shift_right_arithmetic3A_971 = arith.constant 3 : i32
          %shift_right_arithmetic3A_972 = vector.broadcast %shift_right_arithmetic3A_971 : i32 to vector<16xi32>
          %shift_right_arithmetic3A_973 = arith.shrsi %add3A_969, %shift_right_arithmetic3A_972 : vector<16xi32>
          %and3A_974 = arith.constant 7 : i32
          %and3A_975 = vector.broadcast %and3A_974 : i32 to vector<16xi32>
          %and3A_976 = arith.andi %add3A_969, %and3A_975 : vector<16xi32>
          tpu.vector_store_idx %arg17[%shift_right_arithmetic3A_973, %and3A_976, %add3A_281], %gather3A_970 : memref<14x8x128xf32, #tpu.memory_space<vmem>>[vector<16xi32>, vector<16xi32>, vector<16xi32>], vector<16xf32>,
          %add3A_977 = arith.constant 0 : i32
          %add3A_978 = vector.broadcast %add3A_977 : i32 to vector<16xi32>
          %add3A_979 = arith.addi %and3A_80, %add3A_978 : vector<16xi32>
          %gather3A_980 = tpu.vector_load_idx %arg15[%add3A_281, %add3A_979] : memref<128x64xf32, #tpu.memory_space<vmem>>[vector<16xi32>, vector<16xi32>], vector<16xf32>,
          %shift_right_arithmetic3A_981 = arith.constant 3 : i32
          %shift_right_arithmetic3A_982 = vector.broadcast %shift_right_arithmetic3A_981 : i32 to vector<16xi32>
          %shift_right_arithmetic3A_983 = arith.shrsi %add3A_979, %shift_right_arithmetic3A_982 : vector<16xi32>
          %and3A_984 = arith.constant 7 : i32
          %and3A_985 = vector.broadcast %and3A_984 : i32 to vector<16xi32>
          %and3A_986 = arith.andi %add3A_979, %and3A_985 : vector<16xi32>
          tpu.vector_store_idx %arg17[%shift_right_arithmetic3A_983, %and3A_986, %add3A_281], %gather3A_980 : memref<14x8x128xf32, #tpu.memory_space<vmem>>[vector<16xi32>, vector<16xi32>, vector<16xi32>], vector<16xf32>,
          %add3A_987 = arith.constant 0 : i32
          %add3A_988 = vector.broadcast %add3A_987 : i32 to vector<16xi32>
          %add3A_989 = arith.addi %and3A_86, %add3A_988 : vector<16xi32>
          %gather3A_990 = tpu.vector_load_idx %arg15[%add3A_281, %add3A_989] : memref<128x64xf32, #tpu.memory_space<vmem>>[vector<16xi32>, vector<16xi32>], vector<16xf32>,
          %shift_right_arithmetic3A_991 = arith.constant 3 : i32
          %shift_right_arithmetic3A_992 = vector.broadcast %shift_right_arithmetic3A_991 : i32 to vector<16xi32>
          %shift_right_arithmetic3A_993 = arith.shrsi %add3A_989, %shift_right_arithmetic3A_992 : vector<16xi32>
          %and3A_994 = arith.constant 7 : i32
          %and3A_995 = vector.broadcast %and3A_994 : i32 to vector<16xi32>
          %and3A_996 = arith.andi %add3A_989, %and3A_995 : vector<16xi32>
          tpu.vector_store_idx %arg17[%shift_right_arithmetic3A_993, %and3A_996, %add3A_281], %gather3A_990 : memref<14x8x128xf32, #tpu.memory_space<vmem>>[vector<16xi32>, vector<16xi32>, vector<16xi32>], vector<16xf32>,
          %add3A_997 = arith.constant 0 : i32
          %add3A_998 = vector.broadcast %add3A_997 : i32 to vector<16xi32>
          %add3A_999 = arith.addi %and3A_92, %add3A_998 : vector<16xi32>
          %gather3A_1000 = tpu.vector_load_idx %arg15[%add3A_281, %add3A_999] : memref<128x64xf32, #tpu.memory_space<vmem>>[vector<16xi32>, vector<16xi32>], vector<16xf32>,
          %shift_right_arithmetic3A_1001 = arith.constant 3 : i32
          %shift_right_arithmetic3A_1002 = vector.broadcast %shift_right_arithmetic3A_1001 : i32 to vector<16xi32>
          %shift_right_arithmetic3A_1003 = arith.shrsi %add3A_999, %shift_right_arithmetic3A_1002 : vector<16xi32>
          %and3A_1004 = arith.constant 7 : i32
          %and3A_1005 = vector.broadcast %and3A_1004 : i32 to vector<16xi32>
          %and3A_1006 = arith.andi %add3A_999, %and3A_1005 : vector<16xi32>
          tpu.vector_store_idx %arg17[%shift_right_arithmetic3A_1003, %and3A_1006, %add3A_281], %gather3A_1000 : memref<14x8x128xf32, #tpu.memory_space<vmem>>[vector<16xi32>, vector<16xi32>, vector<16xi32>], vector<16xf32>,
          %add3A_1007 = arith.constant 0 : i32
          %add3A_1008 = vector.broadcast %add3A_1007 : i32 to vector<16xi32>
          %add3A_1009 = arith.addi %and3A_98, %add3A_1008 : vector<16xi32>
          %gather3A_1010 = tpu.vector_load_idx %arg15[%add3A_281, %add3A_1009] : memref<128x64xf32, #tpu.memory_space<vmem>>[vector<16xi32>, vector<16xi32>], vector<16xf32>,
          %shift_right_arithmetic3A_1011 = arith.constant 3 : i32
          %shift_right_arithmetic3A_1012 = vector.broadcast %shift_right_arithmetic3A_1011 : i32 to vector<16xi32>
          %shift_right_arithmetic3A_1013 = arith.shrsi %add3A_1009, %shift_right_arithmetic3A_1012 : vector<16xi32>
          %and3A_1014 = arith.constant 7 : i32
          %and3A_1015 = vector.broadcast %and3A_1014 : i32 to vector<16xi32>
          %and3A_1016 = arith.andi %add3A_1009, %and3A_1015 : vector<16xi32>
          tpu.vector_store_idx %arg17[%shift_right_arithmetic3A_1013, %and3A_1016, %add3A_281], %gather3A_1010 : memref<14x8x128xf32, #tpu.memory_space<vmem>>[vector<16xi32>, vector<16xi32>, vector<16xi32>], vector<16xf32>,
          %add3A_1017 = arith.constant 16 : i32
          %add3A_1018 = vector.broadcast %add3A_1017 : i32 to vector<16xi32>
          %add3A_1019 = arith.addi %and3A_8, %add3A_1018 : vector<16xi32>
          %gather3A_1020 = tpu.vector_load_idx %arg15[%add3A_281, %add3A_1019] : memref<128x64xf32, #tpu.memory_space<vmem>>[vector<16xi32>, vector<16xi32>], vector<16xf32>,
          %shift_right_arithmetic3A_1021 = arith.constant 3 : i32
          %shift_right_arithmetic3A_1022 = vector.broadcast %shift_right_arithmetic3A_1021 : i32 to vector<16xi32>
          %shift_right_arithmetic3A_1023 = arith.shrsi %add3A_1019, %shift_right_arithmetic3A_1022 : vector<16xi32>
          %and3A_1024 = arith.constant 7 : i32
          %and3A_1025 = vector.broadcast %and3A_1024 : i32 to vector<16xi32>
          %and3A_1026 = arith.andi %add3A_1019, %and3A_1025 : vector<16xi32>
          tpu.vector_store_idx %arg17[%shift_right_arithmetic3A_1023, %and3A_1026, %add3A_281], %gather3A_1020 : memref<14x8x128xf32, #tpu.memory_space<vmem>>[vector<16xi32>, vector<16xi32>, vector<16xi32>], vector<16xf32>,
          %add3A_1027 = arith.constant 16 : i32
          %add3A_1028 = vector.broadcast %add3A_1027 : i32 to vector<16xi32>
          %add3A_1029 = arith.addi %and3A_14, %add3A_1028 : vector<16xi32>
          %gather3A_1030 = tpu.vector_load_idx %arg15[%add3A_281, %add3A_1029] : memref<128x64xf32, #tpu.memory_space<vmem>>[vector<16xi32>, vector<16xi32>], vector<16xf32>,
          %shift_right_arithmetic3A_1031 = arith.constant 3 : i32
          %shift_right_arithmetic3A_1032 = vector.broadcast %shift_right_arithmetic3A_1031 : i32 to vector<16xi32>
          %shift_right_arithmetic3A_1033 = arith.shrsi %add3A_1029, %shift_right_arithmetic3A_1032 : vector<16xi32>
          %and3A_1034 = arith.constant 7 : i32
          %and3A_1035 = vector.broadcast %and3A_1034 : i32 to vector<16xi32>
          %and3A_1036 = arith.andi %add3A_1029, %and3A_1035 : vector<16xi32>
          tpu.vector_store_idx %arg17[%shift_right_arithmetic3A_1033, %and3A_1036, %add3A_281], %gather3A_1030 : memref<14x8x128xf32, #tpu.memory_space<vmem>>[vector<16xi32>, vector<16xi32>, vector<16xi32>], vector<16xf32>,
          %add3A_1037 = arith.constant 16 : i32
          %add3A_1038 = vector.broadcast %add3A_1037 : i32 to vector<16xi32>
          %add3A_1039 = arith.addi %and3A_20, %add3A_1038 : vector<16xi32>
          %gather3A_1040 = tpu.vector_load_idx %arg15[%add3A_281, %add3A_1039] : memref<128x64xf32, #tpu.memory_space<vmem>>[vector<16xi32>, vector<16xi32>], vector<16xf32>,
          %shift_right_arithmetic3A_1041 = arith.constant 3 : i32
          %shift_right_arithmetic3A_1042 = vector.broadcast %shift_right_arithmetic3A_1041 : i32 to vector<16xi32>
          %shift_right_arithmetic3A_1043 = arith.shrsi %add3A_1039, %shift_right_arithmetic3A_1042 : vector<16xi32>
          %and3A_1044 = arith.constant 7 : i32
          %and3A_1045 = vector.broadcast %and3A_1044 : i32 to vector<16xi32>
          %and3A_1046 = arith.andi %add3A_1039, %and3A_1045 : vector<16xi32>
          tpu.vector_store_idx %arg17[%shift_right_arithmetic3A_1043, %and3A_1046, %add3A_281], %gather3A_1040 : memref<14x8x128xf32, #tpu.memory_space<vmem>>[vector<16xi32>, vector<16xi32>, vector<16xi32>], vector<16xf32>,
          %add3A_1047 = arith.constant 16 : i32
          %add3A_1048 = vector.broadcast %add3A_1047 : i32 to vector<16xi32>
          %add3A_1049 = arith.addi %and3A_26, %add3A_1048 : vector<16xi32>
          %gather3A_1050 = tpu.vector_load_idx %arg15[%add3A_281, %add3A_1049] : memref<128x64xf32, #tpu.memory_space<vmem>>[vector<16xi32>, vector<16xi32>], vector<16xf32>,
          %shift_right_arithmetic3A_1051 = arith.constant 3 : i32
          %shift_right_arithmetic3A_1052 = vector.broadcast %shift_right_arithmetic3A_1051 : i32 to vector<16xi32>
          %shift_right_arithmetic3A_1053 = arith.shrsi %add3A_1049, %shift_right_arithmetic3A_1052 : vector<16xi32>
          %and3A_1054 = arith.constant 7 : i32
          %and3A_1055 = vector.broadcast %and3A_1054 : i32 to vector<16xi32>
          %and3A_1056 = arith.andi %add3A_1049, %and3A_1055 : vector<16xi32>
          tpu.vector_store_idx %arg17[%shift_right_arithmetic3A_1053, %and3A_1056, %add3A_281], %gather3A_1050 : memref<14x8x128xf32, #tpu.memory_space<vmem>>[vector<16xi32>, vector<16xi32>, vector<16xi32>], vector<16xf32>,
          %add3A_1057 = arith.constant 16 : i32
          %add3A_1058 = vector.broadcast %add3A_1057 : i32 to vector<16xi32>
          %add3A_1059 = arith.addi %and3A_32, %add3A_1058 : vector<16xi32>
          %gather3A_1060 = tpu.vector_load_idx %arg15[%add3A_281, %add3A_1059] : memref<128x64xf32, #tpu.memory_space<vmem>>[vector<16xi32>, vector<16xi32>], vector<16xf32>,
          %shift_right_arithmetic3A_1061 = arith.constant 3 : i32
          %shift_right_arithmetic3A_1062 = vector.broadcast %shift_right_arithmetic3A_1061 : i32 to vector<16xi32>
          %shift_right_arithmetic3A_1063 = arith.shrsi %add3A_1059, %shift_right_arithmetic3A_1062 : vector<16xi32>
          %and3A_1064 = arith.constant 7 : i32
          %and3A_1065 = vector.broadcast %and3A_1064 : i32 to vector<16xi32>
          %and3A_1066 = arith.andi %add3A_1059, %and3A_1065 : vector<16xi32>
          tpu.vector_store_idx %arg17[%shift_right_arithmetic3A_1063, %and3A_1066, %add3A_281], %gather3A_1060 : memref<14x8x128xf32, #tpu.memory_space<vmem>>[vector<16xi32>, vector<16xi32>, vector<16xi32>], vector<16xf32>,
          %add3A_1067 = arith.constant 16 : i32
          %add3A_1068 = vector.broadcast %add3A_1067 : i32 to vector<16xi32>
          %add3A_1069 = arith.addi %and3A_38, %add3A_1068 : vector<16xi32>
          %gather3A_1070 = tpu.vector_load_idx %arg15[%add3A_281, %add3A_1069] : memref<128x64xf32, #tpu.memory_space<vmem>>[vector<16xi32>, vector<16xi32>], vector<16xf32>,
          %shift_right_arithmetic3A_1071 = arith.constant 3 : i32
          %shift_right_arithmetic3A_1072 = vector.broadcast %shift_right_arithmetic3A_1071 : i32 to vector<16xi32>
          %shift_right_arithmetic3A_1073 = arith.shrsi %add3A_1069, %shift_right_arithmetic3A_1072 : vector<16xi32>
          %and3A_1074 = arith.constant 7 : i32
          %and3A_1075 = vector.broadcast %and3A_1074 : i32 to vector<16xi32>
          %and3A_1076 = arith.andi %add3A_1069, %and3A_1075 : vector<16xi32>
          tpu.vector_store_idx %arg17[%shift_right_arithmetic3A_1073, %and3A_1076, %add3A_281], %gather3A_1070 : memref<14x8x128xf32, #tpu.memory_space<vmem>>[vector<16xi32>, vector<16xi32>, vector<16xi32>], vector<16xf32>,
          %add3A_1077 = arith.constant 16 : i32
          %add3A_1078 = vector.broadcast %add3A_1077 : i32 to vector<16xi32>
          %add3A_1079 = arith.addi %and3A_44, %add3A_1078 : vector<16xi32>
          %gather3A_1080 = tpu.vector_load_idx %arg15[%add3A_281, %add3A_1079] : memref<128x64xf32, #tpu.memory_space<vmem>>[vector<16xi32>, vector<16xi32>], vector<16xf32>,
          %shift_right_arithmetic3A_1081 = arith.constant 3 : i32
          %shift_right_arithmetic3A_1082 = vector.broadcast %shift_right_arithmetic3A_1081 : i32 to vector<16xi32>
          %shift_right_arithmetic3A_1083 = arith.shrsi %add3A_1079, %shift_right_arithmetic3A_1082 : vector<16xi32>
          %and3A_1084 = arith.constant 7 : i32
          %and3A_1085 = vector.broadcast %and3A_1084 : i32 to vector<16xi32>
          %and3A_1086 = arith.andi %add3A_1079, %and3A_1085 : vector<16xi32>
          tpu.vector_store_idx %arg17[%shift_right_arithmetic3A_1083, %and3A_1086, %add3A_281], %gather3A_1080 : memref<14x8x128xf32, #tpu.memory_space<vmem>>[vector<16xi32>, vector<16xi32>, vector<16xi32>], vector<16xf32>,
          %add3A_1087 = arith.constant 16 : i32
          %add3A_1088 = vector.broadcast %add3A_1087 : i32 to vector<16xi32>
          %add3A_1089 = arith.addi %and3A_50, %add3A_1088 : vector<16xi32>
          %gather3A_1090 = tpu.vector_load_idx %arg15[%add3A_281, %add3A_1089] : memref<128x64xf32, #tpu.memory_space<vmem>>[vector<16xi32>, vector<16xi32>], vector<16xf32>,
          %shift_right_arithmetic3A_1091 = arith.constant 3 : i32
          %shift_right_arithmetic3A_1092 = vector.broadcast %shift_right_arithmetic3A_1091 : i32 to vector<16xi32>
          %shift_right_arithmetic3A_1093 = arith.shrsi %add3A_1089, %shift_right_arithmetic3A_1092 : vector<16xi32>
          %and3A_1094 = arith.constant 7 : i32
          %and3A_1095 = vector.broadcast %and3A_1094 : i32 to vector<16xi32>
          %and3A_1096 = arith.andi %add3A_1089, %and3A_1095 : vector<16xi32>
          tpu.vector_store_idx %arg17[%shift_right_arithmetic3A_1093, %and3A_1096, %add3A_281], %gather3A_1090 : memref<14x8x128xf32, #tpu.memory_space<vmem>>[vector<16xi32>, vector<16xi32>, vector<16xi32>], vector<16xf32>,
          %add3A_1097 = arith.constant 16 : i32
          %add3A_1098 = vector.broadcast %add3A_1097 : i32 to vector<16xi32>
          %add3A_1099 = arith.addi %and3A_56, %add3A_1098 : vector<16xi32>
          %gather3A_1100 = tpu.vector_load_idx %arg15[%add3A_281, %add3A_1099] : memref<128x64xf32, #tpu.memory_space<vmem>>[vector<16xi32>, vector<16xi32>], vector<16xf32>,
          %shift_right_arithmetic3A_1101 = arith.constant 3 : i32
          %shift_right_arithmetic3A_1102 = vector.broadcast %shift_right_arithmetic3A_1101 : i32 to vector<16xi32>
          %shift_right_arithmetic3A_1103 = arith.shrsi %add3A_1099, %shift_right_arithmetic3A_1102 : vector<16xi32>
          %and3A_1104 = arith.constant 7 : i32
          %and3A_1105 = vector.broadcast %and3A_1104 : i32 to vector<16xi32>
          %and3A_1106 = arith.andi %add3A_1099, %and3A_1105 : vector<16xi32>
          tpu.vector_store_idx %arg17[%shift_right_arithmetic3A_1103, %and3A_1106, %add3A_281], %gather3A_1100 : memref<14x8x128xf32, #tpu.memory_space<vmem>>[vector<16xi32>, vector<16xi32>, vector<16xi32>], vector<16xf32>,
          %add3A_1107 = arith.constant 16 : i32
          %add3A_1108 = vector.broadcast %add3A_1107 : i32 to vector<16xi32>
          %add3A_1109 = arith.addi %and3A_62, %add3A_1108 : vector<16xi32>
          %gather3A_1110 = tpu.vector_load_idx %arg15[%add3A_281, %add3A_1109] : memref<128x64xf32, #tpu.memory_space<vmem>>[vector<16xi32>, vector<16xi32>], vector<16xf32>,
          %shift_right_arithmetic3A_1111 = arith.constant 3 : i32
          %shift_right_arithmetic3A_1112 = vector.broadcast %shift_right_arithmetic3A_1111 : i32 to vector<16xi32>
          %shift_right_arithmetic3A_1113 = arith.shrsi %add3A_1109, %shift_right_arithmetic3A_1112 : vector<16xi32>
          %and3A_1114 = arith.constant 7 : i32
          %and3A_1115 = vector.broadcast %and3A_1114 : i32 to vector<16xi32>
          %and3A_1116 = arith.andi %add3A_1109, %and3A_1115 : vector<16xi32>
          tpu.vector_store_idx %arg17[%shift_right_arithmetic3A_1113, %and3A_1116, %add3A_281], %gather3A_1110 : memref<14x8x128xf32, #tpu.memory_space<vmem>>[vector<16xi32>, vector<16xi32>, vector<16xi32>], vector<16xf32>,
          %add3A_1117 = arith.constant 16 : i32
          %add3A_1118 = vector.broadcast %add3A_1117 : i32 to vector<16xi32>
          %add3A_1119 = arith.addi %and3A_68, %add3A_1118 : vector<16xi32>
          %gather3A_1120 = tpu.vector_load_idx %arg15[%add3A_281, %add3A_1119] : memref<128x64xf32, #tpu.memory_space<vmem>>[vector<16xi32>, vector<16xi32>], vector<16xf32>,
          %shift_right_arithmetic3A_1121 = arith.constant 3 : i32
          %shift_right_arithmetic3A_1122 = vector.broadcast %shift_right_arithmetic3A_1121 : i32 to vector<16xi32>
          %shift_right_arithmetic3A_1123 = arith.shrsi %add3A_1119, %shift_right_arithmetic3A_1122 : vector<16xi32>
          %and3A_1124 = arith.constant 7 : i32
          %and3A_1125 = vector.broadcast %and3A_1124 : i32 to vector<16xi32>
          %and3A_1126 = arith.andi %add3A_1119, %and3A_1125 : vector<16xi32>
          tpu.vector_store_idx %arg17[%shift_right_arithmetic3A_1123, %and3A_1126, %add3A_281], %gather3A_1120 : memref<14x8x128xf32, #tpu.memory_space<vmem>>[vector<16xi32>, vector<16xi32>, vector<16xi32>], vector<16xf32>,
          %add3A_1127 = arith.constant 16 : i32
          %add3A_1128 = vector.broadcast %add3A_1127 : i32 to vector<16xi32>
          %add3A_1129 = arith.addi %and3A_74, %add3A_1128 : vector<16xi32>
          %gather3A_1130 = tpu.vector_load_idx %arg15[%add3A_281, %add3A_1129] : memref<128x64xf32, #tpu.memory_space<vmem>>[vector<16xi32>, vector<16xi32>], vector<16xf32>,
          %shift_right_arithmetic3A_1131 = arith.constant 3 : i32
          %shift_right_arithmetic3A_1132 = vector.broadcast %shift_right_arithmetic3A_1131 : i32 to vector<16xi32>
          %shift_right_arithmetic3A_1133 = arith.shrsi %add3A_1129, %shift_right_arithmetic3A_1132 : vector<16xi32>
          %and3A_1134 = arith.constant 7 : i32
          %and3A_1135 = vector.broadcast %and3A_1134 : i32 to vector<16xi32>
          %and3A_1136 = arith.andi %add3A_1129, %and3A_1135 : vector<16xi32>
          tpu.vector_store_idx %arg17[%shift_right_arithmetic3A_1133, %and3A_1136, %add3A_281], %gather3A_1130 : memref<14x8x128xf32, #tpu.memory_space<vmem>>[vector<16xi32>, vector<16xi32>, vector<16xi32>], vector<16xf32>,
          %add3A_1137 = arith.constant 16 : i32
          %add3A_1138 = vector.broadcast %add3A_1137 : i32 to vector<16xi32>
          %add3A_1139 = arith.addi %and3A_80, %add3A_1138 : vector<16xi32>
          %gather3A_1140 = tpu.vector_load_idx %arg15[%add3A_281, %add3A_1139] : memref<128x64xf32, #tpu.memory_space<vmem>>[vector<16xi32>, vector<16xi32>], vector<16xf32>,
          %shift_right_arithmetic3A_1141 = arith.constant 3 : i32
          %shift_right_arithmetic3A_1142 = vector.broadcast %shift_right_arithmetic3A_1141 : i32 to vector<16xi32>
          %shift_right_arithmetic3A_1143 = arith.shrsi %add3A_1139, %shift_right_arithmetic3A_1142 : vector<16xi32>
          %and3A_1144 = arith.constant 7 : i32
          %and3A_1145 = vector.broadcast %and3A_1144 : i32 to vector<16xi32>
          %and3A_1146 = arith.andi %add3A_1139, %and3A_1145 : vector<16xi32>
          tpu.vector_store_idx %arg17[%shift_right_arithmetic3A_1143, %and3A_1146, %add3A_281], %gather3A_1140 : memref<14x8x128xf32, #tpu.memory_space<vmem>>[vector<16xi32>, vector<16xi32>, vector<16xi32>], vector<16xf32>,
          %add3A_1147 = arith.constant 16 : i32
          %add3A_1148 = vector.broadcast %add3A_1147 : i32 to vector<16xi32>
          %add3A_1149 = arith.addi %and3A_86, %add3A_1148 : vector<16xi32>
          %gather3A_1150 = tpu.vector_load_idx %arg15[%add3A_281, %add3A_1149] : memref<128x64xf32, #tpu.memory_space<vmem>>[vector<16xi32>, vector<16xi32>], vector<16xf32>,
          %shift_right_arithmetic3A_1151 = arith.constant 3 : i32
          %shift_right_arithmetic3A_1152 = vector.broadcast %shift_right_arithmetic3A_1151 : i32 to vector<16xi32>
          %shift_right_arithmetic3A_1153 = arith.shrsi %add3A_1149, %shift_right_arithmetic3A_1152 : vector<16xi32>
          %and3A_1154 = arith.constant 7 : i32
          %and3A_1155 = vector.broadcast %and3A_1154 : i32 to vector<16xi32>
          %and3A_1156 = arith.andi %add3A_1149, %and3A_1155 : vector<16xi32>
          tpu.vector_store_idx %arg17[%shift_right_arithmetic3A_1153, %and3A_1156, %add3A_281], %gather3A_1150 : memref<14x8x128xf32, #tpu.memory_space<vmem>>[vector<16xi32>, vector<16xi32>, vector<16xi32>], vector<16xf32>,
          %add3A_1157 = arith.constant 16 : i32
          %add3A_1158 = vector.broadcast %add3A_1157 : i32 to vector<16xi32>
          %add3A_1159 = arith.addi %and3A_92, %add3A_1158 : vector<16xi32>
          %gather3A_1160 = tpu.vector_load_idx %arg15[%add3A_281, %add3A_1159] : memref<128x64xf32, #tpu.memory_space<vmem>>[vector<16xi32>, vector<16xi32>], vector<16xf32>,
          %shift_right_arithmetic3A_1161 = arith.constant 3 : i32
          %shift_right_arithmetic3A_1162 = vector.broadcast %shift_right_arithmetic3A_1161 : i32 to vector<16xi32>
          %shift_right_arithmetic3A_1163 = arith.shrsi %add3A_1159, %shift_right_arithmetic3A_1162 : vector<16xi32>
          %and3A_1164 = arith.constant 7 : i32
          %and3A_1165 = vector.broadcast %and3A_1164 : i32 to vector<16xi32>
          %and3A_1166 = arith.andi %add3A_1159, %and3A_1165 : vector<16xi32>
          tpu.vector_store_idx %arg17[%shift_right_arithmetic3A_1163, %and3A_1166, %add3A_281], %gather3A_1160 : memref<14x8x128xf32, #tpu.memory_space<vmem>>[vector<16xi32>, vector<16xi32>, vector<16xi32>], vector<16xf32>,
          %add3A_1167 = arith.constant 16 : i32
          %add3A_1168 = vector.broadcast %add3A_1167 : i32 to vector<16xi32>
          %add3A_1169 = arith.addi %and3A_98, %add3A_1168 : vector<16xi32>
          %gather3A_1170 = tpu.vector_load_idx %arg15[%add3A_281, %add3A_1169] : memref<128x64xf32, #tpu.memory_space<vmem>>[vector<16xi32>, vector<16xi32>], vector<16xf32>,
          %shift_right_arithmetic3A_1171 = arith.constant 3 : i32
          %shift_right_arithmetic3A_1172 = vector.broadcast %shift_right_arithmetic3A_1171 : i32 to vector<16xi32>
          %shift_right_arithmetic3A_1173 = arith.shrsi %add3A_1169, %shift_right_arithmetic3A_1172 : vector<16xi32>
          %and3A_1174 = arith.constant 7 : i32
          %and3A_1175 = vector.broadcast %and3A_1174 : i32 to vector<16xi32>
          %and3A_1176 = arith.andi %add3A_1169, %and3A_1175 : vector<16xi32>
          tpu.vector_store_idx %arg17[%shift_right_arithmetic3A_1173, %and3A_1176, %add3A_281], %gather3A_1170 : memref<14x8x128xf32, #tpu.memory_space<vmem>>[vector<16xi32>, vector<16xi32>, vector<16xi32>], vector<16xf32>,
          %add3A_1177 = arith.constant 32 : i32
          %add3A_1178 = vector.broadcast %add3A_1177 : i32 to vector<16xi32>
          %add3A_1179 = arith.addi %and3A_8, %add3A_1178 : vector<16xi32>
          %gather3A_1180 = tpu.vector_load_idx %arg15[%add3A_281, %add3A_1179] : memref<128x64xf32, #tpu.memory_space<vmem>>[vector<16xi32>, vector<16xi32>], vector<16xf32>,
          %shift_right_arithmetic3A_1181 = arith.constant 3 : i32
          %shift_right_arithmetic3A_1182 = vector.broadcast %shift_right_arithmetic3A_1181 : i32 to vector<16xi32>
          %shift_right_arithmetic3A_1183 = arith.shrsi %add3A_1179, %shift_right_arithmetic3A_1182 : vector<16xi32>
          %and3A_1184 = arith.constant 7 : i32
          %and3A_1185 = vector.broadcast %and3A_1184 : i32 to vector<16xi32>
          %and3A_1186 = arith.andi %add3A_1179, %and3A_1185 : vector<16xi32>
          tpu.vector_store_idx %arg17[%shift_right_arithmetic3A_1183, %and3A_1186, %add3A_281], %gather3A_1180 : memref<14x8x128xf32, #tpu.memory_space<vmem>>[vector<16xi32>, vector<16xi32>, vector<16xi32>], vector<16xf32>,
          %add3A_1187 = arith.constant 32 : i32
          %add3A_1188 = vector.broadcast %add3A_1187 : i32 to vector<16xi32>
          %add3A_1189 = arith.addi %and3A_14, %add3A_1188 : vector<16xi32>
          %gather3A_1190 = tpu.vector_load_idx %arg15[%add3A_281, %add3A_1189] : memref<128x64xf32, #tpu.memory_space<vmem>>[vector<16xi32>, vector<16xi32>], vector<16xf32>,
          %shift_right_arithmetic3A_1191 = arith.constant 3 : i32
          %shift_right_arithmetic3A_1192 = vector.broadcast %shift_right_arithmetic3A_1191 : i32 to vector<16xi32>
          %shift_right_arithmetic3A_1193 = arith.shrsi %add3A_1189, %shift_right_arithmetic3A_1192 : vector<16xi32>
          %and3A_1194 = arith.constant 7 : i32
          %and3A_1195 = vector.broadcast %and3A_1194 : i32 to vector<16xi32>
          %and3A_1196 = arith.andi %add3A_1189, %and3A_1195 : vector<16xi32>
          tpu.vector_store_idx %arg17[%shift_right_arithmetic3A_1193, %and3A_1196, %add3A_281], %gather3A_1190 : memref<14x8x128xf32, #tpu.memory_space<vmem>>[vector<16xi32>, vector<16xi32>, vector<16xi32>], vector<16xf32>,
          %add3A_1197 = arith.constant 32 : i32
          %add3A_1198 = vector.broadcast %add3A_1197 : i32 to vector<16xi32>
          %add3A_1199 = arith.addi %and3A_20, %add3A_1198 : vector<16xi32>
          %gather3A_1200 = tpu.vector_load_idx %arg15[%add3A_281, %add3A_1199] : memref<128x64xf32, #tpu.memory_space<vmem>>[vector<16xi32>, vector<16xi32>], vector<16xf32>,
          %shift_right_arithmetic3A_1201 = arith.constant 3 : i32
          %shift_right_arithmetic3A_1202 = vector.broadcast %shift_right_arithmetic3A_1201 : i32 to vector<16xi32>
          %shift_right_arithmetic3A_1203 = arith.shrsi %add3A_1199, %shift_right_arithmetic3A_1202 : vector<16xi32>
          %and3A_1204 = arith.constant 7 : i32
          %and3A_1205 = vector.broadcast %and3A_1204 : i32 to vector<16xi32>
          %and3A_1206 = arith.andi %add3A_1199, %and3A_1205 : vector<16xi32>
          tpu.vector_store_idx %arg17[%shift_right_arithmetic3A_1203, %and3A_1206, %add3A_281], %gather3A_1200 : memref<14x8x128xf32, #tpu.memory_space<vmem>>[vector<16xi32>, vector<16xi32>, vector<16xi32>], vector<16xf32>,
          %add3A_1207 = arith.constant 32 : i32
          %add3A_1208 = vector.broadcast %add3A_1207 : i32 to vector<16xi32>
          %add3A_1209 = arith.addi %and3A_26, %add3A_1208 : vector<16xi32>
          %gather3A_1210 = tpu.vector_load_idx %arg15[%add3A_281, %add3A_1209] : memref<128x64xf32, #tpu.memory_space<vmem>>[vector<16xi32>, vector<16xi32>], vector<16xf32>,
          %shift_right_arithmetic3A_1211 = arith.constant 3 : i32
          %shift_right_arithmetic3A_1212 = vector.broadcast %shift_right_arithmetic3A_1211 : i32 to vector<16xi32>
          %shift_right_arithmetic3A_1213 = arith.shrsi %add3A_1209, %shift_right_arithmetic3A_1212 : vector<16xi32>
          %and3A_1214 = arith.constant 7 : i32
          %and3A_1215 = vector.broadcast %and3A_1214 : i32 to vector<16xi32>
          %and3A_1216 = arith.andi %add3A_1209, %and3A_1215 : vector<16xi32>
          tpu.vector_store_idx %arg17[%shift_right_arithmetic3A_1213, %and3A_1216, %add3A_281], %gather3A_1210 : memref<14x8x128xf32, #tpu.memory_space<vmem>>[vector<16xi32>, vector<16xi32>, vector<16xi32>], vector<16xf32>,
          %add3A_1217 = arith.constant 32 : i32
          %add3A_1218 = vector.broadcast %add3A_1217 : i32 to vector<16xi32>
          %add3A_1219 = arith.addi %and3A_32, %add3A_1218 : vector<16xi32>
          %gather3A_1220 = tpu.vector_load_idx %arg15[%add3A_281, %add3A_1219] : memref<128x64xf32, #tpu.memory_space<vmem>>[vector<16xi32>, vector<16xi32>], vector<16xf32>,
          %shift_right_arithmetic3A_1221 = arith.constant 3 : i32
          %shift_right_arithmetic3A_1222 = vector.broadcast %shift_right_arithmetic3A_1221 : i32 to vector<16xi32>
          %shift_right_arithmetic3A_1223 = arith.shrsi %add3A_1219, %shift_right_arithmetic3A_1222 : vector<16xi32>
          %and3A_1224 = arith.constant 7 : i32
          %and3A_1225 = vector.broadcast %and3A_1224 : i32 to vector<16xi32>
          %and3A_1226 = arith.andi %add3A_1219, %and3A_1225 : vector<16xi32>
          tpu.vector_store_idx %arg17[%shift_right_arithmetic3A_1223, %and3A_1226, %add3A_281], %gather3A_1220 : memref<14x8x128xf32, #tpu.memory_space<vmem>>[vector<16xi32>, vector<16xi32>, vector<16xi32>], vector<16xf32>,
          %add3A_1227 = arith.constant 32 : i32
          %add3A_1228 = vector.broadcast %add3A_1227 : i32 to vector<16xi32>
          %add3A_1229 = arith.addi %and3A_38, %add3A_1228 : vector<16xi32>
          %gather3A_1230 = tpu.vector_load_idx %arg15[%add3A_281, %add3A_1229] : memref<128x64xf32, #tpu.memory_space<vmem>>[vector<16xi32>, vector<16xi32>], vector<16xf32>,
          %shift_right_arithmetic3A_1231 = arith.constant 3 : i32
          %shift_right_arithmetic3A_1232 = vector.broadcast %shift_right_arithmetic3A_1231 : i32 to vector<16xi32>
          %shift_right_arithmetic3A_1233 = arith.shrsi %add3A_1229, %shift_right_arithmetic3A_1232 : vector<16xi32>
          %and3A_1234 = arith.constant 7 : i32
          %and3A_1235 = vector.broadcast %and3A_1234 : i32 to vector<16xi32>
          %and3A_1236 = arith.andi %add3A_1229, %and3A_1235 : vector<16xi32>
          tpu.vector_store_idx %arg17[%shift_right_arithmetic3A_1233, %and3A_1236, %add3A_281], %gather3A_1230 : memref<14x8x128xf32, #tpu.memory_space<vmem>>[vector<16xi32>, vector<16xi32>, vector<16xi32>], vector<16xf32>,
          %add3A_1237 = arith.constant 32 : i32
          %add3A_1238 = vector.broadcast %add3A_1237 : i32 to vector<16xi32>
          %add3A_1239 = arith.addi %and3A_44, %add3A_1238 : vector<16xi32>
          %gather3A_1240 = tpu.vector_load_idx %arg15[%add3A_281, %add3A_1239] : memref<128x64xf32, #tpu.memory_space<vmem>>[vector<16xi32>, vector<16xi32>], vector<16xf32>,
          %shift_right_arithmetic3A_1241 = arith.constant 3 : i32
          %shift_right_arithmetic3A_1242 = vector.broadcast %shift_right_arithmetic3A_1241 : i32 to vector<16xi32>
          %shift_right_arithmetic3A_1243 = arith.shrsi %add3A_1239, %shift_right_arithmetic3A_1242 : vector<16xi32>
          %and3A_1244 = arith.constant 7 : i32
          %and3A_1245 = vector.broadcast %and3A_1244 : i32 to vector<16xi32>
          %and3A_1246 = arith.andi %add3A_1239, %and3A_1245 : vector<16xi32>
          tpu.vector_store_idx %arg17[%shift_right_arithmetic3A_1243, %and3A_1246, %add3A_281], %gather3A_1240 : memref<14x8x128xf32, #tpu.memory_space<vmem>>[vector<16xi32>, vector<16xi32>, vector<16xi32>], vector<16xf32>,
          %add3A_1247 = arith.constant 32 : i32
          %add3A_1248 = vector.broadcast %add3A_1247 : i32 to vector<16xi32>
          %add3A_1249 = arith.addi %and3A_50, %add3A_1248 : vector<16xi32>
          %gather3A_1250 = tpu.vector_load_idx %arg15[%add3A_281, %add3A_1249] : memref<128x64xf32, #tpu.memory_space<vmem>>[vector<16xi32>, vector<16xi32>], vector<16xf32>,
          %shift_right_arithmetic3A_1251 = arith.constant 3 : i32
          %shift_right_arithmetic3A_1252 = vector.broadcast %shift_right_arithmetic3A_1251 : i32 to vector<16xi32>
          %shift_right_arithmetic3A_1253 = arith.shrsi %add3A_1249, %shift_right_arithmetic3A_1252 : vector<16xi32>
          %and3A_1254 = arith.constant 7 : i32
          %and3A_1255 = vector.broadcast %and3A_1254 : i32 to vector<16xi32>
          %and3A_1256 = arith.andi %add3A_1249, %and3A_1255 : vector<16xi32>
          tpu.vector_store_idx %arg17[%shift_right_arithmetic3A_1253, %and3A_1256, %add3A_281], %gather3A_1250 : memref<14x8x128xf32, #tpu.memory_space<vmem>>[vector<16xi32>, vector<16xi32>, vector<16xi32>], vector<16xf32>,
          %add3A_1257 = arith.constant 32 : i32
          %add3A_1258 = vector.broadcast %add3A_1257 : i32 to vector<16xi32>
          %add3A_1259 = arith.addi %and3A_56, %add3A_1258 : vector<16xi32>
          %gather3A_1260 = tpu.vector_load_idx %arg15[%add3A_281, %add3A_1259] : memref<128x64xf32, #tpu.memory_space<vmem>>[vector<16xi32>, vector<16xi32>], vector<16xf32>,
          %shift_right_arithmetic3A_1261 = arith.constant 3 : i32
          %shift_right_arithmetic3A_1262 = vector.broadcast %shift_right_arithmetic3A_1261 : i32 to vector<16xi32>
          %shift_right_arithmetic3A_1263 = arith.shrsi %add3A_1259, %shift_right_arithmetic3A_1262 : vector<16xi32>
          %and3A_1264 = arith.constant 7 : i32
          %and3A_1265 = vector.broadcast %and3A_1264 : i32 to vector<16xi32>
          %and3A_1266 = arith.andi %add3A_1259, %and3A_1265 : vector<16xi32>
          tpu.vector_store_idx %arg17[%shift_right_arithmetic3A_1263, %and3A_1266, %add3A_281], %gather3A_1260 : memref<14x8x128xf32, #tpu.memory_space<vmem>>[vector<16xi32>, vector<16xi32>, vector<16xi32>], vector<16xf32>,
          %add3A_1267 = arith.constant 32 : i32
          %add3A_1268 = vector.broadcast %add3A_1267 : i32 to vector<16xi32>
          %add3A_1269 = arith.addi %and3A_62, %add3A_1268 : vector<16xi32>
          %gather3A_1270 = tpu.vector_load_idx %arg15[%add3A_281, %add3A_1269] : memref<128x64xf32, #tpu.memory_space<vmem>>[vector<16xi32>, vector<16xi32>], vector<16xf32>,
          %shift_right_arithmetic3A_1271 = arith.constant 3 : i32
          %shift_right_arithmetic3A_1272 = vector.broadcast %shift_right_arithmetic3A_1271 : i32 to vector<16xi32>
          %shift_right_arithmetic3A_1273 = arith.shrsi %add3A_1269, %shift_right_arithmetic3A_1272 : vector<16xi32>
          %and3A_1274 = arith.constant 7 : i32
          %and3A_1275 = vector.broadcast %and3A_1274 : i32 to vector<16xi32>
          %and3A_1276 = arith.andi %add3A_1269, %and3A_1275 : vector<16xi32>
          tpu.vector_store_idx %arg17[%shift_right_arithmetic3A_1273, %and3A_1276, %add3A_281], %gather3A_1270 : memref<14x8x128xf32, #tpu.memory_space<vmem>>[vector<16xi32>, vector<16xi32>, vector<16xi32>], vector<16xf32>,
          %add3A_1277 = arith.constant 32 : i32
          %add3A_1278 = vector.broadcast %add3A_1277 : i32 to vector<16xi32>
          %add3A_1279 = arith.addi %and3A_68, %add3A_1278 : vector<16xi32>
          %gather3A_1280 = tpu.vector_load_idx %arg15[%add3A_281, %add3A_1279] : memref<128x64xf32, #tpu.memory_space<vmem>>[vector<16xi32>, vector<16xi32>], vector<16xf32>,
          %shift_right_arithmetic3A_1281 = arith.constant 3 : i32
          %shift_right_arithmetic3A_1282 = vector.broadcast %shift_right_arithmetic3A_1281 : i32 to vector<16xi32>
          %shift_right_arithmetic3A_1283 = arith.shrsi %add3A_1279, %shift_right_arithmetic3A_1282 : vector<16xi32>
          %and3A_1284 = arith.constant 7 : i32
          %and3A_1285 = vector.broadcast %and3A_1284 : i32 to vector<16xi32>
          %and3A_1286 = arith.andi %add3A_1279, %and3A_1285 : vector<16xi32>
          tpu.vector_store_idx %arg17[%shift_right_arithmetic3A_1283, %and3A_1286, %add3A_281], %gather3A_1280 : memref<14x8x128xf32, #tpu.memory_space<vmem>>[vector<16xi32>, vector<16xi32>, vector<16xi32>], vector<16xf32>,
          %add3A_1287 = arith.constant 32 : i32
          %add3A_1288 = vector.broadcast %add3A_1287 : i32 to vector<16xi32>
          %add3A_1289 = arith.addi %and3A_74, %add3A_1288 : vector<16xi32>
          %gather3A_1290 = tpu.vector_load_idx %arg15[%add3A_281, %add3A_1289] : memref<128x64xf32, #tpu.memory_space<vmem>>[vector<16xi32>, vector<16xi32>], vector<16xf32>,
          %shift_right_arithmetic3A_1291 = arith.constant 3 : i32
          %shift_right_arithmetic3A_1292 = vector.broadcast %shift_right_arithmetic3A_1291 : i32 to vector<16xi32>
          %shift_right_arithmetic3A_1293 = arith.shrsi %add3A_1289, %shift_right_arithmetic3A_1292 : vector<16xi32>
          %and3A_1294 = arith.constant 7 : i32
          %and3A_1295 = vector.broadcast %and3A_1294 : i32 to vector<16xi32>
          %and3A_1296 = arith.andi %add3A_1289, %and3A_1295 : vector<16xi32>
          tpu.vector_store_idx %arg17[%shift_right_arithmetic3A_1293, %and3A_1296, %add3A_281], %gather3A_1290 : memref<14x8x128xf32, #tpu.memory_space<vmem>>[vector<16xi32>, vector<16xi32>, vector<16xi32>], vector<16xf32>,
          %add3A_1297 = arith.constant 32 : i32
          %add3A_1298 = vector.broadcast %add3A_1297 : i32 to vector<16xi32>
          %add3A_1299 = arith.addi %and3A_80, %add3A_1298 : vector<16xi32>
          %gather3A_1300 = tpu.vector_load_idx %arg15[%add3A_281, %add3A_1299] : memref<128x64xf32, #tpu.memory_space<vmem>>[vector<16xi32>, vector<16xi32>], vector<16xf32>,
          %shift_right_arithmetic3A_1301 = arith.constant 3 : i32
          %shift_right_arithmetic3A_1302 = vector.broadcast %shift_right_arithmetic3A_1301 : i32 to vector<16xi32>
          %shift_right_arithmetic3A_1303 = arith.shrsi %add3A_1299, %shift_right_arithmetic3A_1302 : vector<16xi32>
          %and3A_1304 = arith.constant 7 : i32
          %and3A_1305 = vector.broadcast %and3A_1304 : i32 to vector<16xi32>
          %and3A_1306 = arith.andi %add3A_1299, %and3A_1305 : vector<16xi32>
          tpu.vector_store_idx %arg17[%shift_right_arithmetic3A_1303, %and3A_1306, %add3A_281], %gather3A_1300 : memref<14x8x128xf32, #tpu.memory_space<vmem>>[vector<16xi32>, vector<16xi32>, vector<16xi32>], vector<16xf32>,
          %add3A_1307 = arith.constant 32 : i32
          %add3A_1308 = vector.broadcast %add3A_1307 : i32 to vector<16xi32>
          %add3A_1309 = arith.addi %and3A_86, %add3A_1308 : vector<16xi32>
          %gather3A_1310 = tpu.vector_load_idx %arg15[%add3A_281, %add3A_1309] : memref<128x64xf32, #tpu.memory_space<vmem>>[vector<16xi32>, vector<16xi32>], vector<16xf32>,
          %shift_right_arithmetic3A_1311 = arith.constant 3 : i32
          %shift_right_arithmetic3A_1312 = vector.broadcast %shift_right_arithmetic3A_1311 : i32 to vector<16xi32>
          %shift_right_arithmetic3A_1313 = arith.shrsi %add3A_1309, %shift_right_arithmetic3A_1312 : vector<16xi32>
          %and3A_1314 = arith.constant 7 : i32
          %and3A_1315 = vector.broadcast %and3A_1314 : i32 to vector<16xi32>
          %and3A_1316 = arith.andi %add3A_1309, %and3A_1315 : vector<16xi32>
          tpu.vector_store_idx %arg17[%shift_right_arithmetic3A_1313, %and3A_1316, %add3A_281], %gather3A_1310 : memref<14x8x128xf32, #tpu.memory_space<vmem>>[vector<16xi32>, vector<16xi32>, vector<16xi32>], vector<16xf32>,
          %add3A_1317 = arith.constant 32 : i32
          %add3A_1318 = vector.broadcast %add3A_1317 : i32 to vector<16xi32>
          %add3A_1319 = arith.addi %and3A_92, %add3A_1318 : vector<16xi32>
          %gather3A_1320 = tpu.vector_load_idx %arg15[%add3A_281, %add3A_1319] : memref<128x64xf32, #tpu.memory_space<vmem>>[vector<16xi32>, vector<16xi32>], vector<16xf32>,
          %shift_right_arithmetic3A_1321 = arith.constant 3 : i32
          %shift_right_arithmetic3A_1322 = vector.broadcast %shift_right_arithmetic3A_1321 : i32 to vector<16xi32>
          %shift_right_arithmetic3A_1323 = arith.shrsi %add3A_1319, %shift_right_arithmetic3A_1322 : vector<16xi32>
          %and3A_1324 = arith.constant 7 : i32
          %and3A_1325 = vector.broadcast %and3A_1324 : i32 to vector<16xi32>
          %and3A_1326 = arith.andi %add3A_1319, %and3A_1325 : vector<16xi32>
          tpu.vector_store_idx %arg17[%shift_right_arithmetic3A_1323, %and3A_1326, %add3A_281], %gather3A_1320 : memref<14x8x128xf32, #tpu.memory_space<vmem>>[vector<16xi32>, vector<16xi32>, vector<16xi32>], vector<16xf32>,
          %add3A_1327 = arith.constant 32 : i32
          %add3A_1328 = vector.broadcast %add3A_1327 : i32 to vector<16xi32>
          %add3A_1329 = arith.addi %and3A_98, %add3A_1328 : vector<16xi32>
          %gather3A_1330 = tpu.vector_load_idx %arg15[%add3A_281, %add3A_1329] : memref<128x64xf32, #tpu.memory_space<vmem>>[vector<16xi32>, vector<16xi32>], vector<16xf32>,
          %shift_right_arithmetic3A_1331 = arith.constant 3 : i32
          %shift_right_arithmetic3A_1332 = vector.broadcast %shift_right_arithmetic3A_1331 : i32 to vector<16xi32>
          %shift_right_arithmetic3A_1333 = arith.shrsi %add3A_1329, %shift_right_arithmetic3A_1332 : vector<16xi32>
          %and3A_1334 = arith.constant 7 : i32
          %and3A_1335 = vector.broadcast %and3A_1334 : i32 to vector<16xi32>
          %and3A_1336 = arith.andi %add3A_1329, %and3A_1335 : vector<16xi32>
          tpu.vector_store_idx %arg17[%shift_right_arithmetic3A_1333, %and3A_1336, %add3A_281], %gather3A_1330 : memref<14x8x128xf32, #tpu.memory_space<vmem>>[vector<16xi32>, vector<16xi32>, vector<16xi32>], vector<16xf32>,
          %add3A_1337 = arith.constant 48 : i32
          %add3A_1338 = vector.broadcast %add3A_1337 : i32 to vector<16xi32>
          %add3A_1339 = arith.addi %and3A_8, %add3A_1338 : vector<16xi32>
          %gather3A_1340 = tpu.vector_load_idx %arg15[%add3A_281, %add3A_1339] : memref<128x64xf32, #tpu.memory_space<vmem>>[vector<16xi32>, vector<16xi32>], vector<16xf32>,
          %shift_right_arithmetic3A_1341 = arith.constant 3 : i32
          %shift_right_arithmetic3A_1342 = vector.broadcast %shift_right_arithmetic3A_1341 : i32 to vector<16xi32>
          %shift_right_arithmetic3A_1343 = arith.shrsi %add3A_1339, %shift_right_arithmetic3A_1342 : vector<16xi32>
          %and3A_1344 = arith.constant 7 : i32
          %and3A_1345 = vector.broadcast %and3A_1344 : i32 to vector<16xi32>
          %and3A_1346 = arith.andi %add3A_1339, %and3A_1345 : vector<16xi32>
          tpu.vector_store_idx %arg17[%shift_right_arithmetic3A_1343, %and3A_1346, %add3A_281], %gather3A_1340 : memref<14x8x128xf32, #tpu.memory_space<vmem>>[vector<16xi32>, vector<16xi32>, vector<16xi32>], vector<16xf32>,
          %add3A_1347 = arith.constant 48 : i32
          %add3A_1348 = vector.broadcast %add3A_1347 : i32 to vector<16xi32>
          %add3A_1349 = arith.addi %and3A_14, %add3A_1348 : vector<16xi32>
          %gather3A_1350 = tpu.vector_load_idx %arg15[%add3A_281, %add3A_1349] : memref<128x64xf32, #tpu.memory_space<vmem>>[vector<16xi32>, vector<16xi32>], vector<16xf32>,
          %shift_right_arithmetic3A_1351 = arith.constant 3 : i32
          %shift_right_arithmetic3A_1352 = vector.broadcast %shift_right_arithmetic3A_1351 : i32 to vector<16xi32>
          %shift_right_arithmetic3A_1353 = arith.shrsi %add3A_1349, %shift_right_arithmetic3A_1352 : vector<16xi32>
          %and3A_1354 = arith.constant 7 : i32
          %and3A_1355 = vector.broadcast %and3A_1354 : i32 to vector<16xi32>
          %and3A_1356 = arith.andi %add3A_1349, %and3A_1355 : vector<16xi32>
          tpu.vector_store_idx %arg17[%shift_right_arithmetic3A_1353, %and3A_1356, %add3A_281], %gather3A_1350 : memref<14x8x128xf32, #tpu.memory_space<vmem>>[vector<16xi32>, vector<16xi32>, vector<16xi32>], vector<16xf32>,
          %add3A_1357 = arith.constant 48 : i32
          %add3A_1358 = vector.broadcast %add3A_1357 : i32 to vector<16xi32>
          %add3A_1359 = arith.addi %and3A_20, %add3A_1358 : vector<16xi32>
          %gather3A_1360 = tpu.vector_load_idx %arg15[%add3A_281, %add3A_1359] : memref<128x64xf32, #tpu.memory_space<vmem>>[vector<16xi32>, vector<16xi32>], vector<16xf32>,
          %shift_right_arithmetic3A_1361 = arith.constant 3 : i32
          %shift_right_arithmetic3A_1362 = vector.broadcast %shift_right_arithmetic3A_1361 : i32 to vector<16xi32>
          %shift_right_arithmetic3A_1363 = arith.shrsi %add3A_1359, %shift_right_arithmetic3A_1362 : vector<16xi32>
          %and3A_1364 = arith.constant 7 : i32
          %and3A_1365 = vector.broadcast %and3A_1364 : i32 to vector<16xi32>
          %and3A_1366 = arith.andi %add3A_1359, %and3A_1365 : vector<16xi32>
          tpu.vector_store_idx %arg17[%shift_right_arithmetic3A_1363, %and3A_1366, %add3A_281], %gather3A_1360 : memref<14x8x128xf32, #tpu.memory_space<vmem>>[vector<16xi32>, vector<16xi32>, vector<16xi32>], vector<16xf32>,
          %add3A_1367 = arith.constant 48 : i32
          %add3A_1368 = vector.broadcast %add3A_1367 : i32 to vector<16xi32>
          %add3A_1369 = arith.addi %and3A_26, %add3A_1368 : vector<16xi32>
          %gather3A_1370 = tpu.vector_load_idx %arg15[%add3A_281, %add3A_1369] : memref<128x64xf32, #tpu.memory_space<vmem>>[vector<16xi32>, vector<16xi32>], vector<16xf32>,
          %shift_right_arithmetic3A_1371 = arith.constant 3 : i32
          %shift_right_arithmetic3A_1372 = vector.broadcast %shift_right_arithmetic3A_1371 : i32 to vector<16xi32>
          %shift_right_arithmetic3A_1373 = arith.shrsi %add3A_1369, %shift_right_arithmetic3A_1372 : vector<16xi32>
          %and3A_1374 = arith.constant 7 : i32
          %and3A_1375 = vector.broadcast %and3A_1374 : i32 to vector<16xi32>
          %and3A_1376 = arith.andi %add3A_1369, %and3A_1375 : vector<16xi32>
          tpu.vector_store_idx %arg17[%shift_right_arithmetic3A_1373, %and3A_1376, %add3A_281], %gather3A_1370 : memref<14x8x128xf32, #tpu.memory_space<vmem>>[vector<16xi32>, vector<16xi32>, vector<16xi32>], vector<16xf32>,
          %add3A_1377 = arith.constant 48 : i32
          %add3A_1378 = vector.broadcast %add3A_1377 : i32 to vector<16xi32>
          %add3A_1379 = arith.addi %and3A_32, %add3A_1378 : vector<16xi32>
          %gather3A_1380 = tpu.vector_load_idx %arg15[%add3A_281, %add3A_1379] : memref<128x64xf32, #tpu.memory_space<vmem>>[vector<16xi32>, vector<16xi32>], vector<16xf32>,
          %shift_right_arithmetic3A_1381 = arith.constant 3 : i32
          %shift_right_arithmetic3A_1382 = vector.broadcast %shift_right_arithmetic3A_1381 : i32 to vector<16xi32>
          %shift_right_arithmetic3A_1383 = arith.shrsi %add3A_1379, %shift_right_arithmetic3A_1382 : vector<16xi32>
          %and3A_1384 = arith.constant 7 : i32
          %and3A_1385 = vector.broadcast %and3A_1384 : i32 to vector<16xi32>
          %and3A_1386 = arith.andi %add3A_1379, %and3A_1385 : vector<16xi32>
          tpu.vector_store_idx %arg17[%shift_right_arithmetic3A_1383, %and3A_1386, %add3A_281], %gather3A_1380 : memref<14x8x128xf32, #tpu.memory_space<vmem>>[vector<16xi32>, vector<16xi32>, vector<16xi32>], vector<16xf32>,
          %add3A_1387 = arith.constant 48 : i32
          %add3A_1388 = vector.broadcast %add3A_1387 : i32 to vector<16xi32>
          %add3A_1389 = arith.addi %and3A_38, %add3A_1388 : vector<16xi32>
          %gather3A_1390 = tpu.vector_load_idx %arg15[%add3A_281, %add3A_1389] : memref<128x64xf32, #tpu.memory_space<vmem>>[vector<16xi32>, vector<16xi32>], vector<16xf32>,
          %shift_right_arithmetic3A_1391 = arith.constant 3 : i32
          %shift_right_arithmetic3A_1392 = vector.broadcast %shift_right_arithmetic3A_1391 : i32 to vector<16xi32>
          %shift_right_arithmetic3A_1393 = arith.shrsi %add3A_1389, %shift_right_arithmetic3A_1392 : vector<16xi32>
          %and3A_1394 = arith.constant 7 : i32
          %and3A_1395 = vector.broadcast %and3A_1394 : i32 to vector<16xi32>
          %and3A_1396 = arith.andi %add3A_1389, %and3A_1395 : vector<16xi32>
          tpu.vector_store_idx %arg17[%shift_right_arithmetic3A_1393, %and3A_1396, %add3A_281], %gather3A_1390 : memref<14x8x128xf32, #tpu.memory_space<vmem>>[vector<16xi32>, vector<16xi32>, vector<16xi32>], vector<16xf32>,
          %add3A_1397 = arith.constant 48 : i32
          %add3A_1398 = vector.broadcast %add3A_1397 : i32 to vector<16xi32>
          %add3A_1399 = arith.addi %and3A_44, %add3A_1398 : vector<16xi32>
          %gather3A_1400 = tpu.vector_load_idx %arg15[%add3A_281, %add3A_1399] : memref<128x64xf32, #tpu.memory_space<vmem>>[vector<16xi32>, vector<16xi32>], vector<16xf32>,
          %shift_right_arithmetic3A_1401 = arith.constant 3 : i32
          %shift_right_arithmetic3A_1402 = vector.broadcast %shift_right_arithmetic3A_1401 : i32 to vector<16xi32>
          %shift_right_arithmetic3A_1403 = arith.shrsi %add3A_1399, %shift_right_arithmetic3A_1402 : vector<16xi32>
          %and3A_1404 = arith.constant 7 : i32
          %and3A_1405 = vector.broadcast %and3A_1404 : i32 to vector<16xi32>
          %and3A_1406 = arith.andi %add3A_1399, %and3A_1405 : vector<16xi32>
          tpu.vector_store_idx %arg17[%shift_right_arithmetic3A_1403, %and3A_1406, %add3A_281], %gather3A_1400 : memref<14x8x128xf32, #tpu.memory_space<vmem>>[vector<16xi32>, vector<16xi32>, vector<16xi32>], vector<16xf32>,
          %add3A_1407 = arith.constant 48 : i32
          %add3A_1408 = vector.broadcast %add3A_1407 : i32 to vector<16xi32>
          %add3A_1409 = arith.addi %and3A_50, %add3A_1408 : vector<16xi32>
          %gather3A_1410 = tpu.vector_load_idx %arg15[%add3A_281, %add3A_1409] : memref<128x64xf32, #tpu.memory_space<vmem>>[vector<16xi32>, vector<16xi32>], vector<16xf32>,
          %shift_right_arithmetic3A_1411 = arith.constant 3 : i32
          %shift_right_arithmetic3A_1412 = vector.broadcast %shift_right_arithmetic3A_1411 : i32 to vector<16xi32>
          %shift_right_arithmetic3A_1413 = arith.shrsi %add3A_1409, %shift_right_arithmetic3A_1412 : vector<16xi32>
          %and3A_1414 = arith.constant 7 : i32
          %and3A_1415 = vector.broadcast %and3A_1414 : i32 to vector<16xi32>
          %and3A_1416 = arith.andi %add3A_1409, %and3A_1415 : vector<16xi32>
          tpu.vector_store_idx %arg17[%shift_right_arithmetic3A_1413, %and3A_1416, %add3A_281], %gather3A_1410 : memref<14x8x128xf32, #tpu.memory_space<vmem>>[vector<16xi32>, vector<16xi32>, vector<16xi32>], vector<16xf32>,
          %add3A_1417 = arith.constant 48 : i32
          %add3A_1418 = vector.broadcast %add3A_1417 : i32 to vector<16xi32>
          %add3A_1419 = arith.addi %and3A_56, %add3A_1418 : vector<16xi32>
          %gather3A_1420 = tpu.vector_load_idx %arg15[%add3A_281, %add3A_1419] : memref<128x64xf32, #tpu.memory_space<vmem>>[vector<16xi32>, vector<16xi32>], vector<16xf32>,
          %shift_right_arithmetic3A_1421 = arith.constant 3 : i32
          %shift_right_arithmetic3A_1422 = vector.broadcast %shift_right_arithmetic3A_1421 : i32 to vector<16xi32>
          %shift_right_arithmetic3A_1423 = arith.shrsi %add3A_1419, %shift_right_arithmetic3A_1422 : vector<16xi32>
          %and3A_1424 = arith.constant 7 : i32
          %and3A_1425 = vector.broadcast %and3A_1424 : i32 to vector<16xi32>
          %and3A_1426 = arith.andi %add3A_1419, %and3A_1425 : vector<16xi32>
          tpu.vector_store_idx %arg17[%shift_right_arithmetic3A_1423, %and3A_1426, %add3A_281], %gather3A_1420 : memref<14x8x128xf32, #tpu.memory_space<vmem>>[vector<16xi32>, vector<16xi32>, vector<16xi32>], vector<16xf32>,
          %add3A_1427 = arith.constant 48 : i32
          %add3A_1428 = vector.broadcast %add3A_1427 : i32 to vector<16xi32>
          %add3A_1429 = arith.addi %and3A_62, %add3A_1428 : vector<16xi32>
          %gather3A_1430 = tpu.vector_load_idx %arg15[%add3A_281, %add3A_1429] : memref<128x64xf32, #tpu.memory_space<vmem>>[vector<16xi32>, vector<16xi32>], vector<16xf32>,
          %shift_right_arithmetic3A_1431 = arith.constant 3 : i32
          %shift_right_arithmetic3A_1432 = vector.broadcast %shift_right_arithmetic3A_1431 : i32 to vector<16xi32>
          %shift_right_arithmetic3A_1433 = arith.shrsi %add3A_1429, %shift_right_arithmetic3A_1432 : vector<16xi32>
          %and3A_1434 = arith.constant 7 : i32
          %and3A_1435 = vector.broadcast %and3A_1434 : i32 to vector<16xi32>
          %and3A_1436 = arith.andi %add3A_1429, %and3A_1435 : vector<16xi32>
          tpu.vector_store_idx %arg17[%shift_right_arithmetic3A_1433, %and3A_1436, %add3A_281], %gather3A_1430 : memref<14x8x128xf32, #tpu.memory_space<vmem>>[vector<16xi32>, vector<16xi32>, vector<16xi32>], vector<16xf32>,
          %add3A_1437 = arith.constant 48 : i32
          %add3A_1438 = vector.broadcast %add3A_1437 : i32 to vector<16xi32>
          %add3A_1439 = arith.addi %and3A_68, %add3A_1438 : vector<16xi32>
          %gather3A_1440 = tpu.vector_load_idx %arg15[%add3A_281, %add3A_1439] : memref<128x64xf32, #tpu.memory_space<vmem>>[vector<16xi32>, vector<16xi32>], vector<16xf32>,
          %shift_right_arithmetic3A_1441 = arith.constant 3 : i32
          %shift_right_arithmetic3A_1442 = vector.broadcast %shift_right_arithmetic3A_1441 : i32 to vector<16xi32>
          %shift_right_arithmetic3A_1443 = arith.shrsi %add3A_1439, %shift_right_arithmetic3A_1442 : vector<16xi32>
          %and3A_1444 = arith.constant 7 : i32
          %and3A_1445 = vector.broadcast %and3A_1444 : i32 to vector<16xi32>
          %and3A_1446 = arith.andi %add3A_1439, %and3A_1445 : vector<16xi32>
          tpu.vector_store_idx %arg17[%shift_right_arithmetic3A_1443, %and3A_1446, %add3A_281], %gather3A_1440 : memref<14x8x128xf32, #tpu.memory_space<vmem>>[vector<16xi32>, vector<16xi32>, vector<16xi32>], vector<16xf32>,
          %add3A_1447 = arith.constant 48 : i32
          %add3A_1448 = vector.broadcast %add3A_1447 : i32 to vector<16xi32>
          %add3A_1449 = arith.addi %and3A_74, %add3A_1448 : vector<16xi32>
          %gather3A_1450 = tpu.vector_load_idx %arg15[%add3A_281, %add3A_1449] : memref<128x64xf32, #tpu.memory_space<vmem>>[vector<16xi32>, vector<16xi32>], vector<16xf32>,
          %shift_right_arithmetic3A_1451 = arith.constant 3 : i32
          %shift_right_arithmetic3A_1452 = vector.broadcast %shift_right_arithmetic3A_1451 : i32 to vector<16xi32>
          %shift_right_arithmetic3A_1453 = arith.shrsi %add3A_1449, %shift_right_arithmetic3A_1452 : vector<16xi32>
          %and3A_1454 = arith.constant 7 : i32
          %and3A_1455 = vector.broadcast %and3A_1454 : i32 to vector<16xi32>
          %and3A_1456 = arith.andi %add3A_1449, %and3A_1455 : vector<16xi32>
          tpu.vector_store_idx %arg17[%shift_right_arithmetic3A_1453, %and3A_1456, %add3A_281], %gather3A_1450 : memref<14x8x128xf32, #tpu.memory_space<vmem>>[vector<16xi32>, vector<16xi32>, vector<16xi32>], vector<16xf32>,
          %add3A_1457 = arith.constant 48 : i32
          %add3A_1458 = vector.broadcast %add3A_1457 : i32 to vector<16xi32>
          %add3A_1459 = arith.addi %and3A_80, %add3A_1458 : vector<16xi32>
          %gather3A_1460 = tpu.vector_load_idx %arg15[%add3A_281, %add3A_1459] : memref<128x64xf32, #tpu.memory_space<vmem>>[vector<16xi32>, vector<16xi32>], vector<16xf32>,
          %shift_right_arithmetic3A_1461 = arith.constant 3 : i32
          %shift_right_arithmetic3A_1462 = vector.broadcast %shift_right_arithmetic3A_1461 : i32 to vector<16xi32>
          %shift_right_arithmetic3A_1463 = arith.shrsi %add3A_1459, %shift_right_arithmetic3A_1462 : vector<16xi32>
          %and3A_1464 = arith.constant 7 : i32
          %and3A_1465 = vector.broadcast %and3A_1464 : i32 to vector<16xi32>
          %and3A_1466 = arith.andi %add3A_1459, %and3A_1465 : vector<16xi32>
          tpu.vector_store_idx %arg17[%shift_right_arithmetic3A_1463, %and3A_1466, %add3A_281], %gather3A_1460 : memref<14x8x128xf32, #tpu.memory_space<vmem>>[vector<16xi32>, vector<16xi32>, vector<16xi32>], vector<16xf32>,
          %add3A_1467 = arith.constant 48 : i32
          %add3A_1468 = vector.broadcast %add3A_1467 : i32 to vector<16xi32>
          %add3A_1469 = arith.addi %and3A_86, %add3A_1468 : vector<16xi32>
          %gather3A_1470 = tpu.vector_load_idx %arg15[%add3A_281, %add3A_1469] : memref<128x64xf32, #tpu.memory_space<vmem>>[vector<16xi32>, vector<16xi32>], vector<16xf32>,
          %shift_right_arithmetic3A_1471 = arith.constant 3 : i32
          %shift_right_arithmetic3A_1472 = vector.broadcast %shift_right_arithmetic3A_1471 : i32 to vector<16xi32>
          %shift_right_arithmetic3A_1473 = arith.shrsi %add3A_1469, %shift_right_arithmetic3A_1472 : vector<16xi32>
          %and3A_1474 = arith.constant 7 : i32
          %and3A_1475 = vector.broadcast %and3A_1474 : i32 to vector<16xi32>
          %and3A_1476 = arith.andi %add3A_1469, %and3A_1475 : vector<16xi32>
          tpu.vector_store_idx %arg17[%shift_right_arithmetic3A_1473, %and3A_1476, %add3A_281], %gather3A_1470 : memref<14x8x128xf32, #tpu.memory_space<vmem>>[vector<16xi32>, vector<16xi32>, vector<16xi32>], vector<16xf32>,
          %add3A_1477 = arith.constant 48 : i32
          %add3A_1478 = vector.broadcast %add3A_1477 : i32 to vector<16xi32>
          %add3A_1479 = arith.addi %and3A_92, %add3A_1478 : vector<16xi32>
          %gather3A_1480 = tpu.vector_load_idx %arg15[%add3A_281, %add3A_1479] : memref<128x64xf32, #tpu.memory_space<vmem>>[vector<16xi32>, vector<16xi32>], vector<16xf32>,
          %shift_right_arithmetic3A_1481 = arith.constant 3 : i32
          %shift_right_arithmetic3A_1482 = vector.broadcast %shift_right_arithmetic3A_1481 : i32 to vector<16xi32>
          %shift_right_arithmetic3A_1483 = arith.shrsi %add3A_1479, %shift_right_arithmetic3A_1482 : vector<16xi32>
          %and3A_1484 = arith.constant 7 : i32
          %and3A_1485 = vector.broadcast %and3A_1484 : i32 to vector<16xi32>
          %and3A_1486 = arith.andi %add3A_1479, %and3A_1485 : vector<16xi32>
          tpu.vector_store_idx %arg17[%shift_right_arithmetic3A_1483, %and3A_1486, %add3A_281], %gather3A_1480 : memref<14x8x128xf32, #tpu.memory_space<vmem>>[vector<16xi32>, vector<16xi32>, vector<16xi32>], vector<16xf32>,
          %add3A_1487 = arith.constant 48 : i32
          %add3A_1488 = vector.broadcast %add3A_1487 : i32 to vector<16xi32>
          %add3A_1489 = arith.addi %and3A_98, %add3A_1488 : vector<16xi32>
          %gather3A_1490 = tpu.vector_load_idx %arg15[%add3A_281, %add3A_1489] : memref<128x64xf32, #tpu.memory_space<vmem>>[vector<16xi32>, vector<16xi32>], vector<16xf32>,
          %shift_right_arithmetic3A_1491 = arith.constant 3 : i32
          %shift_right_arithmetic3A_1492 = vector.broadcast %shift_right_arithmetic3A_1491 : i32 to vector<16xi32>
          %shift_right_arithmetic3A_1493 = arith.shrsi %add3A_1489, %shift_right_arithmetic3A_1492 : vector<16xi32>
          %and3A_1494 = arith.constant 7 : i32
          %and3A_1495 = vector.broadcast %and3A_1494 : i32 to vector<16xi32>
          %and3A_1496 = arith.andi %add3A_1489, %and3A_1495 : vector<16xi32>
          tpu.vector_store_idx %arg17[%shift_right_arithmetic3A_1493, %and3A_1496, %add3A_281], %gather3A_1490 : memref<14x8x128xf32, #tpu.memory_space<vmem>>[vector<16xi32>, vector<16xi32>, vector<16xi32>], vector<16xf32>,
        }
        %scan3A_247 = arith.constant 8 : i32
        %dma_start3A_248 = arith.constant 0 : i32
        %dma_start3A_249 = arith.constant 0 : i32
        %dma_start3A_250 = arith.constant 0 : i32
        %dma_start3A_251 = tpu.memref_slice %arg8[%add3A_229, %dma_start3A_248, %add3A_110, %dma_start3A_249, %dma_start3A_250] : memref<50x14x128x8x128xf32, #tpu.memory_space<hbm>> -> memref<1x14x1x8x128xf32, #tpu.memory_space<hbm>>
        %dma_start3A_252 = tpu.memref_squeeze %dma_start3A_251 : memref<1x14x1x8x128xf32, #tpu.memory_space<hbm>> -> memref<14x8x128xf32, #tpu.memory_space<hbm>>
        %dma_start3A_253 = arith.constant 0 : i32
        %dma_start3A_254 = arith.constant 0 : i32
        %dma_start3A_255 = arith.constant 0 : i32
        %dma_start3A_256 = tpu.memref_slice %arg8[%add3A_229, %dma_start3A_253, %add3A_110, %dma_start3A_254, %dma_start3A_255] : memref<50x14x128x8x128xf32, #tpu.memory_space<hbm>> -> memref<1x14x1x8x128xf32, #tpu.memory_space<hbm>>
        %dma_start3A_257 = tpu.memref_squeeze %dma_start3A_256 : memref<1x14x1x8x128xf32, #tpu.memory_space<hbm>> -> memref<14x8x128xf32, #tpu.memory_space<hbm>>
        tpu.enqueue_dma source(%arg17 : memref<14x8x128xf32, #tpu.memory_space<vmem>>) target(%dma_start3A_257 : memref<14x8x128xf32, #tpu.memory_space<hbm>>) target_semaphore(%arg23 : memref<!tpu.dma_semaphore, #tpu.memory_space<semaphore_mem>>)
      }
      %scan3A_175 = arith.constant 25 : i32
      %dma_wait3A = arith.constant 0 : i32
      %dma_wait3A_176 = arith.constant 0 : i32
      %dma_wait3A_177 = arith.constant 0 : i32
      %dma_wait3A_178 = arith.constant 0 : i32
      %dma_wait3A_179 = tpu.memref_slice %arg8[%dma_wait3A, %dma_wait3A_176, %add3A_110, %dma_wait3A_177, %dma_wait3A_178] : memref<50x14x128x8x128xf32, #tpu.memory_space<hbm>> -> memref<1x14x1x8x128xf32, #tpu.memory_space<hbm>>
      %dma_wait3A_180 = tpu.memref_squeeze %dma_wait3A_179 : memref<1x14x1x8x128xf32, #tpu.memory_space<hbm>> -> memref<14x8x128xf32, #tpu.memory_space<hbm>>
      %dma_wait3A_181 = arith.constant 0 : i32
      %dma_wait3A_182 = arith.constant 0 : i32
      %dma_wait3A_183 = arith.constant 0 : i32
      %dma_wait3A_184 = tpu.memref_slice %arg8[%dma_wait3A, %dma_wait3A_181, %add3A_110, %dma_wait3A_182, %dma_wait3A_183] : memref<50x14x128x8x128xf32, #tpu.memory_space<hbm>> -> memref<1x14x1x8x128xf32, #tpu.memory_space<hbm>>
      %dma_wait3A_185 = tpu.memref_squeeze %dma_wait3A_184 : memref<1x14x1x8x128xf32, #tpu.memory_space<hbm>> -> memref<14x8x128xf32, #tpu.memory_space<hbm>>
      tpu.wait_dma2 semaphore(%arg22 : memref<!tpu.dma_semaphore, #tpu.memory_space<semaphore_mem>>) src(%arg16 : memref<14x8x128xf32, #tpu.memory_space<vmem>>) dst(%dma_wait3A_185 : memref<14x8x128xf32, #tpu.memory_space<hbm>>)
      %dma_wait3A_186 = arith.constant 0 : i32
      %dma_wait3A_187 = arith.constant 0 : i32
      %dma_wait3A_188 = arith.constant 0 : i32
      %dma_wait3A_189 = arith.constant 0 : i32
      %dma_wait3A_190 = tpu.memref_slice %arg8[%dma_wait3A_186, %dma_wait3A_187, %add3A_110, %dma_wait3A_188, %dma_wait3A_189] : memref<50x14x128x8x128xf32, #tpu.memory_space<hbm>> -> memref<1x14x1x8x128xf32, #tpu.memory_space<hbm>>
      %dma_wait3A_191 = tpu.memref_squeeze %dma_wait3A_190 : memref<1x14x1x8x128xf32, #tpu.memory_space<hbm>> -> memref<14x8x128xf32, #tpu.memory_space<hbm>>
      %dma_wait3A_192 = arith.constant 0 : i32
      %dma_wait3A_193 = arith.constant 0 : i32
      %dma_wait3A_194 = arith.constant 0 : i32
      %dma_wait3A_195 = tpu.memref_slice %arg8[%dma_wait3A_186, %dma_wait3A_192, %add3A_110, %dma_wait3A_193, %dma_wait3A_194] : memref<50x14x128x8x128xf32, #tpu.memory_space<hbm>> -> memref<1x14x1x8x128xf32, #tpu.memory_space<hbm>>
      %dma_wait3A_196 = tpu.memref_squeeze %dma_wait3A_195 : memref<1x14x1x8x128xf32, #tpu.memory_space<hbm>> -> memref<14x8x128xf32, #tpu.memory_space<hbm>>
      tpu.wait_dma2 semaphore(%arg23 : memref<!tpu.dma_semaphore, #tpu.memory_space<semaphore_mem>>) src(%arg17 : memref<14x8x128xf32, #tpu.memory_space<vmem>>) dst(%dma_wait3A_196 : memref<14x8x128xf32, #tpu.memory_space<hbm>>)
    }
    %scan3A_102 = arith.constant 4 : i32
    return
  }
}

</mosaic_0001>

<sc_bundles>
// kernel: kernel.3.cloned.1.call-start
scs
__scs_entry_jumppad:
0x0: {  	(pc) =	sbr.rel $0x88, $3  }
0x1: {  	(tag) =	ssettag $0x0;
	lr =	simm.s32 $0x1  }
0x2: {  	[smem:$0x3F9B] =	sst lr;
	_ =	strace $0xD0000000  }
0x3: {  	_ = 	snop  }
0x4: {  	_ = 	snop  }
0x5: {  	_ = 	snop  }
0x6: {  	_ = 	snop  }
0x7: {  	_ = 	snop  }
__scs_overlays_trampoline_lowered:
0x8: {  	[smem:$0x3FAA] =	sst s0  }
0x9: {  	[smem:$0x3FAB] =	sst s1  }
0xa: {  	[smem:$0x3FAC] =	sst s2  }
0xb: {  	[smem:$0x3FAD] =	sst s3  }
0xc: {  	[smem:$0x3FAE] =	sst s4  }
0xd: {  	[smem:$0x3FAF] =	sst s5  }
0xe: {  	[smem:$0x3FB0] =	sst s6  }
0xf: {  	[smem:$0x3FB1] =	sst s7  }
0x10: {  	[smem:$0x3FB2] =	sst s8  }
0x11: {  	[smem:$0x3FB3] =	sst s9;
	s0 =	simm.s32 @!p0 $0x0  }
0x12: {  	s1 =	sld [smem:$0x3F99];
	s0 =	simm.s32 @p0 $0x1  }
0x13: {  	[smem:$0x3FB4] =	sst s0;
	s0 =	simm.s32 @!p1 $0x0  }
0x14: {  	s2 =	sld [smem:$0x3F98];
	s0 =	simm.s32 @p1 $0x1  }
0x15: {  	[smem:$0x3FB5] =	sst s0;
	s0 =	simm.s32 @!p2 $0x0  }
0x16: {  	s3 =	sld [smem:$0x3FDB];
	s0 =	simm.s32 @p2 $0x1  }
0x17: {  	s4 =	simm.s32 $0x1BF5;
	[smem:$0x3FB7] =	sst s0  }
0x18: {  	s0 =	sld [smem:$0x3F9A];
	_ =	swait.ge [sflag:s4], $0x0  }
0x19: {  	s7 =	sld [smem:$0x3F9B]  }
0x1a: {  	s8 =	sadd.s32 $0xFFFFE003, lr  }
0x1b: {  	s9 =	sadd.s32 $0xFFFFFEF7, lr;
	s5 =	simm.s32 $0xFFFFFFFF;
	p2 =	slt.u32 s8, $0xFFFFF086  }
0x1c: {  	p1 =	slt.u32 s9, $0xF7A;
	s5 =	simm.s32 @!p2 $0x0  }
0x1d: {  	s5 =	simm.s32 @p1 $0x1;
	p0 =	seq.s32 s7, s2  }
0x1e: {  	s7 =	smul.u32 @!p0 $0xF7A, s2;
	p2 =	seq.s32 @!p0 s5, $0x0  }
0x1f: {  	s9 =	smul.u32 $0xF7A, s1;
	s8 =	simm.s32 @!p0 $0x1BF5;
	p2 =	por !p2, p0  }
0x20: {  	[sflag:s8] =	ssyncset.s32 @!p0 $0xFFFFF086;
	s6 =	sadd.s32 @!p0 s3, s7;
	s7 =	simm.s32 @!p0 $0x108  }
0x21: {  	s3 =	sadd.s32 s3, s9;
	s6 =	sadd.s32 @!p0 $0x88, s6;
	s7 =	simm.s32 @p2 $0x1082  }
0x22: {  	[simem:s7], [sflag:s8] =	dma.local @!p0 [hbm:s6], $0xF7A  }
0x23: {  	s9 =	sor.u32 $0xD0000000, s2;
	s6 =	simm.s32 $0x108;
	_ =	swait.ge @!p0 [sflag:s8], $0x0  }
0x24: {  	s3 =	sadd.s32 $0x88, s3;
	s6 =	simm.s32 @!p1 $0x1082;
	[sflag:s4] =	ssyncset.s32 $0xFFFFF086  }
0x25: {  	[simem:s6], [sflag:s4] =	dma.local [hbm:s3], $0xF7A  }
0x26: {  	[smem:$0x3F9B] =	sst s1;
	(tag) =	ssettag s2;
	_ =	strace s9  }
0x27: {  	s1 =	sld [smem:$0x3FAB]  }
0x28: {  	s2 =	sld [smem:$0x3FAC]  }
0x29: {  	s4 =	sld [smem:$0x3FAE]  }
0x2a: {  	p0 =	seq.s32 s5, $0x0;
	s5 =	sld [smem:$0x3FAF]  }
0x2b: {  	s6 =	sld [smem:$0x3FB0]  }
0x2c: {  	s7 =	sld [smem:$0x3FB1]  }
0x2d: {  	s3 =	simm.s32 $0x108;
	s8 =	sld [smem:$0x3FB2]  }
0x2e: {  	s3 =	simm.s32 @!p0 $0x1082;
	s9 =	sld [smem:$0x3FB3]  }
0x2f: {  	lr =	sadd.s32 s0, s3;
	s0 =	sld [smem:$0x3FAA]  }
0x30: {  	s3 =	sld [smem:$0x3FAD]  }
0x31: {  	[smem:$0x3FB6] =	sst s10  }
0x32: {  	s10 =	sld [smem:$0x3FB4];
	_ =	sdelay $0x3  }
0x33: {  	p0 =	seq.s32 s10, $0x1;
	s10 =	sld [smem:$0x3FB6];
	_ =	sdelay $0x3  }
0x34: {  	[smem:$0x3FB6] =	sst s10  }
0x35: {  	s10 =	sld [smem:$0x3FB5];
	_ =	sdelay $0x3  }
0x36: {  	p1 =	seq.s32 s10, $0x1;
	s10 =	sld [smem:$0x3FB6];
	_ =	sdelay $0x3  }
0x37: {  	[smem:$0x3FB6] =	sst s10  }
0x38: {  	s10 =	sld [smem:$0x3FB7]  }
0x39: {  	_ = 	snop;
	(pc) =	sbr.ind lr, $3  }
0x3a: {  	_ = 	snop  }
0x3b: {  	_ = 	snop  }
0x3c: {  	p2 =	seq.s32 s10, $0x1;
	s10 =	sld [smem:$0x3FB6]  }
0x3d: {  	_ =	shalt  }
0x3e: {  	_ =	shalt  }
0x3f: {  	_ =	shalt  }
0x40: {  	_ =	shalt  }
0x41: {  	_ =	shalt  }
0x42: {  	_ =	shalt  }
0x43: {  	_ =	shalt  }
0x44: {  	_ =	shalt  }
0x45: {  	_ =	shalt  }
0x46: {  	_ =	shalt  }
0x47: {  	_ =	shalt  }
0x48: {  	_ =	shalt  }
0x49: {  	_ =	shalt  }
0x4a: {  	_ =	shalt  }
0x4b: {  	_ =	shalt  }
0x4c: {  	_ =	shalt  }
0x4d: {  	_ =	shalt  }
0x4e: {  	_ =	shalt  }
0x4f: {  	_ =	shalt  }
0x50: {  	_ =	shalt  }
0x51: {  	_ =	shalt  }
0x52: {  	_ =	shalt  }
0x53: {  	_ =	shalt  }
0x54: {  	_ =	shalt  }
0x55: {  	_ =	shalt  }
0x56: {  	_ =	shalt  }
0x57: {  	_ =	shalt  }
0x58: {  	_ =	shalt  }
0x59: {  	_ =	shalt  }
0x5a: {  	_ =	shalt  }
0x5b: {  	_ =	shalt  }
0x5c: {  	_ =	shalt  }
0x5d: {  	_ =	shalt  }
0x5e: {  	_ =	shalt  }
0x5f: {  	_ =	shalt  }
0x60: {  	_ =	shalt  }
0x61: {  	_ =	shalt  }
0x62: {  	_ =	shalt  }
0x63: {  	_ =	shalt  }
0x64: {  	_ =	shalt  }
0x65: {  	_ =	shalt  }
0x66: {  	_ =	shalt  }
0x67: {  	_ =	shalt  }
0x68: {  	_ =	shalt  }
0x69: {  	_ =	shalt  }
0x6a: {  	_ =	shalt  }
0x6b: {  	_ =	shalt  }
0x6c: {  	_ =	shalt  }
0x6d: {  	_ =	shalt  }
0x6e: {  	_ =	shalt  }
0x6f: {  	_ =	shalt  }
0x70: {  	_ =	shalt  }
0x71: {  	_ =	shalt  }
0x72: {  	_ =	shalt  }
0x73: {  	_ =	shalt  }
0x74: {  	_ =	shalt  }
0x75: {  	_ =	shalt  }
0x76: {  	_ =	shalt  }
0x77: {  	_ =	shalt  }
0x78: {  	_ =	shalt  }
0x79: {  	_ =	shalt  }
0x7a: {  	_ =	shalt  }
0x7b: {  	_ =	shalt  }
0x7c: {  	_ =	shalt  }
0x7d: {  	_ =	shalt  }
0x7e: {  	_ =	shalt  }
0x7f: {  	_ =	shalt  }
0x80: {  	_ =	shalt  }
0x81: {  	_ =	shalt  }
0x82: {  	_ =	shalt  }
0x83: {  	_ =	shalt  }
0x84: {  	_ =	shalt  }
0x85: {  	_ =	shalt  }
0x86: {  	_ =	shalt  }
0x87: {  	_ =	shalt  }
.Lfunc_end0:
.L_simem_size_0:
called_computation_lowered:
.L_overlay_start_0:
0x88: {  	s2 =	sld [smem:$0x3FD9]  }
0x89: {  	s3 =	sld [smem:$0x3FFE];
	_ =	sdelay $0x1  }
0x8a: {  	s1 =	srdreg.scid  }
0x8b: {  	s0 =	sand.u32 $0x1, s1  }
0x8c: {  	s17 =	sshll.u32 s0, $0xA;
	s2 =	sadd.s32 s3, s2  }
0x8d: {  	s2 =	sadd.s32 s2, s17  }
0x8e: {  	[smem:$0x3FC2] =	sst s2  }
0x8f: {  	_ = 	snop  }
0x90: {  	s2 =	sld [smem:$0x3FD0];
	(tm) =	ssettm $0x1  }
0x91: {  	s18 =	sld [smem:$0x3FFB];
	_ =	sdelay $0x3  }
0x92: {  	_ =	strace s18  }
0x93: {  	s3 =	sld [smem:$0x3FFC];
	_ =	sdelay $0x3  }
0x94: {  	_ =	strace s3  }
0x95: {  	s3 =	sld [smem:$0x3FFD];
	_ =	sdelay $0x3  }
0x96: {  	_ =	strace s3  }
0x97: {  	_ =	strace $0x8FFFFFFF  }
0x98: {  	s19 =	sld [smem:$0x3FDB];
	_ =	sdelay $0x1  }
0x99: {  	s4 =	simm.s32 $_scs_section_size  }
0x9a: {  	s5 =	simm.s32 $_size__tile_overlayer_lowered;
	s6 =	simm.s32 $_tile_overlayer_lowered  }
0x9b: {  	s22 =	simm.s32 $0x1BFF;
	s21 =	sshll.u32 s6, $0x1;
	s3 =	sadd.s32 s4, s19  }
0x9c: {  	s7 =	simm.s32 $0x0;
	s20 =	sshll.u32 s5, $0x1;
	s5 =	sadd.s32 s21, s3  }
0x9d: {  	[timem:s7], [sflag:s22] =	dma.local [hbm:s5], s20  }
0x9e: {  	_ =	swait.ge [sflag:s22], s20  }
0x9f: {  	s4 =	ssub.s32 $0x0, s20;
	[sflag:s22] =	ssyncset.done $0x0  }
0xa0: {  	[sflag:s22] =	ssyncadd.s32 s4;
	_ =	sdelay $0x1  }
0xa1: {  	s23 =	simm.s32 $0x1B8B  }
0xa2: {  	_ =	swait.ge [sflag:s23], $0x1  }
0xa3: {  	[sflag:s23] =	ssyncset.done $0x0  }
0xa4: {  	s25 =	simm.s32 $0x1B8E;
	s24 =	sld [smem:$0x3FFE];
	[sflag:s23] =	ssyncadd.s32 $0xFFFFFFFF  }
0xa5: {  	s26 =	simm.s32 $execute0_lowered;
	[smem:$0x3FD2] =	sst s25  }
0xa6: {  	s5 =	sshll.u32 s26, $0x1;
	_ =	strace $0x80000046;
	[dreg:$0x1] =	wrdreg $0xFFFFFFFF  }
0xa7: {  	s28 =	simm.s32 $_size_execute0_lowered;
	s3 =	sadd.s32 s3, s5;
	[dreg:$0x0] =	wrdreg $0x0  }
0xa8: {  	s5 =	sshll.u32 s28, $0x1;
	[dreg:$0x2] =	wrdreg s3  }
0xa9: {  	[dreg:$0x3] =	wrdreg s5  }
0xaa: {  	[dreg:$0x4] =	wrdreg $0xC0  }
0xab: {  	_ =	task [dreg:s7], $0x5FFFF  }
0xac: {  	[dreg:$0x1] =	wrdreg $0xFFFFFFFF  }
0xad: {  	[dreg:$0x0] =	wrdreg $0x60  }
0xae: {  	[dreg:$0x2] =	wrdreg s24  }
0xaf: {  	[dreg:$0x3] =	wrdreg s2  }
0xb0: {  	[dreg:$0x4] =	wrdreg $0x9  }
0xb1: {  	_ =	task.clear_ibuf [dreg:s7], $0x5FFFF;
	_ =	strace $0x90000046  }
0xb2: {  	s29 =	simm.s32 $0x9;
	_ =	strace $0x80000048  }
0xb3: {  	_ =	swait.ge [sflag:s29], $0x1  }
0xb4: {  	[sflag:s29] =	ssyncadd.s32 $0xFFFFFFFF  }
0xb5: {  	_ =	strace $0x90000048  }
0xb6: {  	_ =	sfence  }
0xb7: {  	s30 =	sld [smem:$0x0];
	_ =	sdelay $0x2  }
0xb8: {  	s31 =	sshll.u32 s1, $0xD;
	s1 =	sshrl.u32 s1, $0x2  }
0xb9: {  	s3 =	sand.u32 $0x4000, s31;
	s1 =	sadd.s32 s1, s30  }
0xba: {  	s0 =	sor.u32 s3, s0;
	s1 =	sshll.u32 s1, $0x11  }
0xbb: {  	s0 =	sor.u32 s1, s0  }
0xbc: {  	s0 =	sadd.s32 $0x8F2B, s0  }
0xbd: {  	[sflag:s0] =	ssyncadd.remote.s32 $0x1  }
0xbe: {  	_ =	sfence.sel $0xFFFF  }
0xbf: {  	[dreg:$0x0] =	wrdreg $0xFFFFFFFF;
	(pc) =	sbr.abs _section_cstart, $3  }
0xc0: {  	[dreg:$0x1] =	wrdreg $0xFFFFFFFF  }
0xc1: {  	_ =	task.clear_ibuf [dreg:s7], $0x2FFFF;
	_ =	strace $0x9FFFFFFF  }
0xc2: {  	(tm) =	ssettm $0x7FFFFFFF  }
0xc3: {  	_ =	shalt  }
tec
execute0_lowered:
.L_overlay_start_1:
0x0: {  	(tag) =	ssettag $0x1  }
0x1: {  	vm14 =	vcmask $0x300  }
0x2: {  	v0 =	vimm.s32 $0x787;
	vm13 =	vcmask $0x704;
	vm12 =	vcmask $0xB08  }
0x3: {  	vm11 =	vcmask $0xF0C;
	vm10 =	vcmask $0x1310;
	vm9 =	vcmask $0x1714  }
0x4: {  	vm8 =	vcmask $0x1B18;
	vm7 =	vcmask $0x1F1C;
	vm5 =	vcmask $0x2320  }
0x5: {  	vm6 =	vcmask $0x2724;
	v1 =	vimm.s32 $0x7;
	vm2 =	vcmask $0x2B28  }
0x6: {  	vm3 =	vcmask $0x2F2C;
	vm4 =	vcmask $0x3330;
	vm1 =	vcmask $0x3734  }
0x7: {  	v32 =	vimm.s32 $0xFEDCBA9;
	v3 =	vimm.s32 $0x87654321;
	v4 =	vimm.s32 $0x87  }
0x8: {  	vm0 =	vcmask $0x3B38;
	v7 =	vimm.s32 $0xA9876543;
	v11 =	vimm.s32 $0x207  }
0x9: {  	v13 =	vimm.s32 $0x287;
	v38 =	vimm.s32 $0x307;
	v39 =	vimm.s32 $0xDCBA9876  }
0xa: {  	v41 =	vimm.s32 $0x6543210F;
	v15 =	vimm.s32 $0xEDCBA987;
	v46 =	vimm.s32 $0x387  }
0xb: {  	v47 =	vimm.s32 $0xFEDCBA98;
	v48 =	vimm.s32 $0x76543210;
	v51 =	vimm.s32 $0x407  }
0xc: {  	v57 =	vimm.s32 $0x487;
	v0 =	vsel vm14, $0x0, v0;
	v1 =	vsel vm14, $0x80, v1  }
0xd: {  	v23 =	vimm.s32 $0x607;
	v0 =	vsel vm13, $0x81, v0;
	v1 =	vsel vm13, $0x101, v1  }
0xe: {  	v27 =	vimm.s32 $0x687;
	v0 =	vsel vm12, $0x102, v0;
	v1 =	vsel vm12, $0x182, v1  }
0xf: {  	v3 =	vunpack.c.l.s4.s8 v3;
	v0 =	vsel vm11, $0x183, v0;
	v1 =	vsel vm11, $0x203, v1  }
0x10: {  	v4 =	vsel vm14, $0x100, v4;
	v0 =	vsel vm10, $0x204, v0;
	v1 =	vsel vm10, $0x284, v1  }
0x11: {  	v7 =	vunpack.c.l.s4.s8 v7;
	v0 =	vsel vm9, $0x285, v0;
	v1 =	vsel vm9, $0x305, v1  }
0x12: {  	v15 =	vunpack.c.l.s4.s8 v15;
	v0 =	vsel vm8, $0x306, v0;
	v1 =	vsel vm8, $0x386, v1  }
0x13: {  	v4 =	vsel vm13, $0x181, v4;
	v0 =	vsel vm7, $0x387, v0;
	v5 =	vsel vm7, $0x407, v1  }
0x14: {  	v33 =	vunpack.c.0.s8.s32 v3;
	v0 =	vsel vm5, $0x400, v0;
	v3 =	vsel vm5, $0x480, v5  }
0x15: {  	v4 =	vsel vm12, $0x202, v4;
	v0 =	vsel vm6, $0x481, v0;
	v3 =	vsel vm6, $0x501, v3  }
0x16: {  	v7 =	vunpack.c.0.s8.s32 v7;
	v0 =	vsel vm2, $0x502, v0;
	v3 =	vsel vm2, $0x582, v3  }
0x17: {  	v4 =	vsel vm11, $0x283, v4;
	v0 =	vsel vm3, $0x583, v0;
	v34 =	vsel vm3, $0x603, v3  }
0x18: {  	v3 =	vsel vm10, $0x304, v4;
	v4 =	vimm.s32 $0x10FEDCBA;
	v0 =	vsel vm4, $0x604, v0  }
0x19: {  	v3 =	vsel vm9, $0x385, v3;
	v2 =	vsel vm1, $0x685, v0;
	v0 =	vunpack.c.l.s4.s8 v32  }
0x1a: {  	v35 =	vunpack.c.l.s4.s8 v4;
	v4 =	vimm.s32 $0x98765432;
	v3 =	vsel vm8, $0x406, v3  }
0x1b: {  	v54 =	vsel vm0, $0x706, v2;
	v2 =	vsel vm4, $0x684, v34;
	v0 =	vunpack.c.0.s8.s32 v0  }
0x1c: {  	v4 =	vunpack.c.l.s4.s8 v4;
	v3 =	vsel vm7, $0x487, v3;
	v2 =	vsel vm1, $0x705, v2  }
0x1d: {  	v3 =	vsel vm5, $0x500, v3;
	v2 =	vsel vm0, $0x786, v2;
	v5 =	vcombine.low v33, v0  }
0x1e: {  	v34 =	vimm.s32 $0xF87;
	v3 =	vsel vm6, $0x581, v3;
	[tilespmem:$0x1F790] =	vst v2;
	v2 =	vunpack.c.0.s8.s32 v35  }
0x1f: {  	v6 =	vsel vm2, $0x602, v3;
	v55 =	vand.u32 $0xF, v5;
	v5 =	vimm.s32 $0x107  }
0x20: {  	v3 =	vunpack.c.0.s8.s32 v4;
	v0 =	vcombine.low v0, v33;
	v5 =	vsel vm14, $0x180, v5  }
0x21: {  	v4 =	vsel vm3, $0x683, v6;
	v6 =	vimm.s32 $0x210FEDCB;
	v5 =	vsel vm13, $0x201, v5  }
0x22: {  	v33 =	vimm.s32 $0x707;
	v6 =	vunpack.c.l.s4.s8 v6;
	v5 =	vsel vm12, $0x282, v5  }
0x23: {  	v8 =	vcombine.low v3, v2;
	v4 =	vsel vm4, $0x704, v4;
	v5 =	vsel vm11, $0x303, v5  }
0x24: {  	v0 =	vand.u32 $0xF, v0;
	v2 =	vcombine.low v2, v3;
	v5 =	vsel vm10, $0x384, v5  }
0x25: {  	v4 =	vsel vm1, $0x785, v4;
	v8 =	vand.u32 $0xF, v8;
	v9 =	vsel vm9, $0x405, v5  }
0x26: {  	v59 =	vsel vm0, $0x6, v4;
	v5 =	vunpack.c.0.s8.s32 v6;
	v6 =	vsel vm8, $0x486, v9  }
0x27: {  	v2 =	vand.u32 $0xF, v2;
	v9 =	vimm.s32 $0x187;
	v6 =	vsel vm7, $0x507, v6  }
0x28: {  	[tilespmem:$0x1F7A0] =	vst v8;
	v8 =	vcombine.low v7, v5;
	v20 =	vcombine.low v5, v7;
	v5 =	vimm.s32 $0xA87  }
0x29: {  	v7 =	vimm.s32 $0xB87;
	v6 =	vsel vm5, $0x580, v6;
	v5 =	vsel vm14, $0xB00, v5  }
0x2a: {  	v7 =	vsel vm14, $0xC00, v7;
	v4 =	vsel vm6, $0x601, v6;
	v6 =	vsel vm14, $0x200, v9  }
0x2b: {  	v56 =	vand.u32 $0xF, v8;
	v8 =	vimm.s32 $0x3210FEDC;
	v9 =	vimm.s32 $0xBA987654  }
0x2c: {  	[tilespmem:$0x1F7E0] =	vst v2;
	v2 =	vand.u32 $0xF, v20;
	v20 =	vimm.s32 $0x1207;
	v5 =	vsel vm13, $0xB81, v5  }
0x2d: {  	v7 =	vsel vm13, $0xC81, v7;
	v4 =	vsel vm2, $0x682, v4;
	v6 =	vsel vm13, $0x281, v6  }
0x2e: {  	v8 =	vunpack.c.l.s4.s8 v8;
	v9 =	vunpack.c.l.s4.s8 v9;
	[tilespmem:$0x1F800] =	vst v2;
	v2 =	vsel vm14, $0x680, v23  }
0x2f: {  	v20 =	vsel vm14, $0x1280, v20;
	v23 =	vimm.s32 $0x1387;
	v4 =	vsel vm3, $0x703, v4  }
0x30: {  	v6 =	vsel vm12, $0x302, v6;
	v2 =	vsel vm13, $0x701, v2;
	v23 =	vsel vm14, $0x1400, v23  }
0x31: {  	v20 =	vsel vm13, $0x1301, v20;
	v6 =	vsel vm11, $0x383, v6;
	v10 =	vsel vm4, $0x784, v4  }
0x32: {  	v4 =	vunpack.c.0.s8.s32 v8;
	v2 =	vsel vm12, $0x782, v2;
	v23 =	vsel vm13, $0x1481, v23  }
0x33: {  	v6 =	vsel vm10, $0x404, v6;
	v10 =	vsel vm1, $0x5, v10;
	v2 =	vsel vm11, $0x3, v2  }
0x34: {  	v8 =	vsel vm9, $0x485, v6;
	v6 =	vunpack.c.0.s8.s32 v9;
	v9 =	vsel vm14, $0x280, v11  }
0x35: {  	v10 =	vsel vm0, $0x86, v10;
	v2 =	vsel vm10, $0x84, v2;
	v8 =	vsel vm8, $0x506, v8  }
0x36: {  	v9 =	vsel vm13, $0x301, v9;
	[tilespmem:$0x1F7B0] =	vst v10;
	v10 =	vimm.s32 $0x43210FED;
	v2 =	vsel vm9, $0x105, v2  }
0x37: {  	v8 =	vsel vm7, $0x587, v8;
	v11 =	vcombine.low v6, v4;
	v9 =	vsel vm12, $0x382, v9  }
0x38: {  	v10 =	vunpack.c.l.s4.s8 v10;
	v25 =	vsel vm8, $0x186, v2;
	v2 =	vsel vm14, $0x700, v27  }
0x39: {  	v27 =	vimm.s32 $0x1587;
	v8 =	vsel vm5, $0x600, v8;
	v9 =	vsel vm11, $0x403, v9  }
0x3a: {  	v2 =	vsel vm13, $0x781, v2;
	v27 =	vsel vm14, $0x1600, v27;
	v8 =	vsel vm6, $0x681, v8  }
0x3b: {  	v63 =	vand.u32 $0xF, v11;
	v9 =	vsel vm10, $0x484, v9;
	v11 =	vimm.s32 $0xCBA98765  }
0x3c: {  	v29 =	vsel vm12, $0x2, v2;
	v8 =	vsel vm2, $0x702, v8;
	v9 =	vsel vm9, $0x505, v9  }
0x3d: {  	v11 =	vunpack.c.l.s4.s8 v11;
	v8 =	vsel vm3, $0x783, v8;
	v9 =	vsel vm8, $0x586, v9  }
0x3e: {  	v27 =	vsel vm13, $0x1681, v27;
	v12 =	vsel vm4, $0x4, v8;
	v9 =	vsel vm7, $0x607, v9  }
0x3f: {  	v8 =	vunpack.c.0.s8.s32 v10;
	v10 =	vsel vm5, $0x680, v9;
	v9 =	vunpack.c.0.s8.s32 v11  }
0x40: {  	v11 =	vsel vm14, $0x300, v13;
	v12 =	vsel vm1, $0x85, v12;
	v13 =	vunpack.c.l.s4.s8 v39  }
0x41: {  	v10 =	vsel vm6, $0x701, v10;
	v11 =	vsel vm13, $0x381, v11;
	v62 =	vsel vm0, $0x106, v12  }
0x42: {  	v12 =	vsel vm14, $0x380, v38;
	v38 =	vimm.s32 $0x807;
	v10 =	vsel vm2, $0x782, v10  }
0x43: {  	v36 =	vcombine.low v9, v8;
	v11 =	vsel vm12, $0x402, v11;
	v14 =	vsel vm13, $0x401, v12  }
0x44: {  	v13 =	vunpack.c.0.s8.s32 v13;
	v30 =	vcombine.low v8, v9;
	v8 =	vimm.s32 $0xC07  }
0x45: {  	v9 =	vimm.s32 $0xC87;
	v10 =	vsel vm3, $0x3, v10;
	v11 =	vsel vm11, $0x483, v11  }
0x46: {  	v8 =	vsel vm14, $0xC80, v8;
	v9 =	vsel vm14, $0xD00, v9;
	v10 =	vsel vm4, $0x84, v10  }
0x47: {  	v37 =	vand.u32 $0xF, v36;
	v11 =	vsel vm10, $0x504, v11;
	v2 =	vand.u32 $0xF, v30  }
0x48: {  	v30 =	vimm.s32 $0x1707;
	v8 =	vsel vm13, $0xD01, v8;
	v9 =	vsel vm13, $0xD81, v9  }
0x49: {  	v10 =	vsel vm1, $0x105, v10;
	v11 =	vsel vm9, $0x585, v11;
	[tilespmem:$0x1F840] =	vst v2;
	v2 =	vsel vm14, $0x800, v34  }
0x4a: {  	v30 =	vsel vm14, $0x1780, v30;
	v34 =	vimm.s32 $0x1907;
	v10 =	vsel vm0, $0x186, v10  }
0x4b: {  	v11 =	vsel vm8, $0x606, v11;
	v2 =	vsel vm13, $0x881, v2;
	v34 =	vsel vm14, $0x1980, v34  }
0x4c: {  	v30 =	vsel vm13, $0x1001, v30;
	[tilespmem:$0x1FBA0] =	vst v10;
	v10 =	vimm.s32 $0x543210FE;
	v2 =	vsel vm12, $0x902, v2  }
0x4d: {  	v11 =	vsel vm7, $0x687, v11;
	v10 =	vunpack.c.l.s4.s8 v10;
	v2 =	vsel vm11, $0x983, v2  }
0x4e: {  	v34 =	vsel vm13, $0x1A01, v34;
	v11 =	vsel vm5, $0x700, v11;
	v2 =	vsel vm10, $0xA04, v2  }
0x4f: {  	v40 =	vunpack.c.0.s8.s32 v10;
	v10 =	vsel vm6, $0x781, v11;
	v11 =	vsel vm12, $0x482, v14  }
0x50: {  	v14 =	vunpack.c.l.s4.s8 v41;
	v2 =	vsel vm9, $0xA85, v2;
	v11 =	vsel vm11, $0x503, v11  }
0x51: {  	v10 =	vsel vm2, $0x2, v10;
	v2 =	vsel vm8, $0xB06, v2;
	v11 =	vsel vm10, $0x584, v11  }
0x52: {  	v16 =	vcombine.low v13, v40;
	v17 =	vsel vm3, $0x83, v10;
	v10 =	vunpack.c.0.s8.s32 v14  }
0x53: {  	v36 =	vsel vm7, $0xB87, v2;
	v2 =	vsel vm14, $0x880, v38;
	v38 =	vimm.s32 $0x1B07  }
0x54: {  	v11 =	vsel vm9, $0x605, v11;
	v44 =	vsel vm4, $0x104, v17;
	v17 =	vunpack.c.l.s4.s8 v48  }
0x55: {  	v2 =	vsel vm13, $0x901, v2;
	v48 =	vimm.s32 $0xF07;
	v38 =	vsel vm14, $0x1B80, v38  }
0x56: {  	v18 =	vsel vm8, $0x686, v11;
	v11 =	vunpack.c.0.s8.s32 v15;
	v43 =	vand.u32 $0xF, v16  }
0x57: {  	v15 =	vsel vm1, $0x185, v44;
	v2 =	vsel vm12, $0x982, v2;
	v44 =	vimm.s32 $0x101F1E1D  }
0x58: {  	v38 =	vsel vm13, $0x1C01, v38;
	v42 =	vsel vm7, $0x707, v18;
	v15 =	vsel vm0, $0x206, v15  }
0x59: {  	[tilespmem:$0x1FCB0] =	vst v43;
	v50 =	vunpack.c.0.s8.s32 v17;
	v17 =	vsel vm14, $0x480, v51;
	v43 =	vimm.s32 $0x1C1B1A19  }
0x5a: {  	v51 =	vimm.s32 $0x1087;
	v14 =	vsel vm5, $0x780, v42;
	v45 =	vcombine.low v11, v10  }
0x5b: {  	[tilespmem:$0x1FBC0] =	vst v15;
	v15 =	vsel vm14, $0x400, v46;
	v53 =	vsel vm13, $0x501, v17;
	v17 =	vimm.s32 $0x507  }
0x5c: {  	v42 =	vimm.s32 $0x887;
	v46 =	vimm.s32 $0xE07;
	v14 =	vsel vm6, $0x1, v14  }
0x5d: {  	v15 =	vsel vm13, $0x481, v15;
	v12 =	vsel vm14, $0xE80, v46;
	v46 =	vimm.s32 $0x1F07  }
0x5e: {  	v14 =	vsel vm2, $0x82, v14;
	v16 =	vand.u32 $0xF, v45;
	v15 =	vsel vm12, $0x502, v15  }
0x5f: {  	v45 =	vimm.s32 $0x907;
	v46 =	vsel vm14, $0x1F80, v46;
	v12 =	vsel vm13, $0xF01, v12  }
0x60: {  	[tilespmem:$0x1FC50] =	vst v16;
	v14 =	vsel vm3, $0x103, v14;
	v16 =	vunpack.c.l.s4.s8 v47;
	v15 =	vsel vm11, $0x583, v15  }
0x61: {  	v47 =	vimm.s32 $0xE87;
	v46 =	vsel vm13, $0x1801, v46;
	v14 =	vsel vm4, $0x184, v14  }
0x62: {  	v15 =	vsel vm10, $0x604, v15;
	v14 =	vsel vm1, $0x205, v14;
	v49 =	vunpack.c.0.s8.s32 v16  }
0x63: {  	v15 =	vsel vm9, $0x685, v15;
	v16 =	vsel vm14, $0x500, v57;
	v57 =	vsel vm12, $0x1C82, v38  }
0x64: {  	v14 =	vsel vm0, $0x286, v14;
	v15 =	vsel vm8, $0x706, v15;
	v16 =	vsel vm13, $0x581, v16  }
0x65: {  	[tilespmem:$0x1FBE0] =	vst v14;
	v14 =	vand.u32 $0xF, v49;
	v52 =	vsel vm7, $0x787, v15;
	v15 =	vsel vm12, $0x582, v53  }
0x66: {  	v16 =	vsel vm12, $0x602, v16;
	v49 =	vimm.s32 $0x1787;
	v14 =	vcombine.low v14, v50  }
0x67: {  	v53 =	vimm.s32 $0x18171615;
	v15 =	vsel vm11, $0x603, v15;
	v16 =	vsel vm11, $0x683, v16  }
0x68: {  	v50 =	vimm.s32 $0x1007;
	v15 =	vsel vm10, $0x684, v15;
	[tilespmem:$0x1FC70] =	vst v14;
	v14 =	vsel vm5, $0x0, v52  }
0x69: {  	v16 =	vsel vm10, $0x704, v16;
	v15 =	vsel vm9, $0x705, v15;
	v14 =	vsel vm6, $0x81, v14  }
0x6a: {  	v60 =	vsel vm9, $0x785, v16;
	v15 =	vsel vm8, $0x786, v15;
	v14 =	vsel vm2, $0x102, v14  }
0x6b: {  	v52 =	vimm.s32 $0x1107;
	v15 =	vsel vm7, $0x7, v15;
	v14 =	vsel vm3, $0x183, v14  }
0x6c: {  	v61 =	vsel vm8, $0x6, v60;
	v58 =	vsel vm5, $0x80, v15;
	v14 =	vsel vm4, $0x204, v14  }
0x6d: {  	v16 =	vsel vm7, $0x87, v61;
	v1 =	vsel vm6, $0x101, v58;
	v14 =	vsel vm1, $0x285, v14  }
0x6e: {  	v15 =	vsel vm2, $0x182, v1;
	v1 =	vsel vm5, $0x100, v16;
	v16 =	vsel vm14, $0x1080, v50  }
0x6f: {  	[tilespmem:$0x1FC90] =	vst v0;
	v14 =	vsel vm0, $0x306, v14;
	v0 =	vsel vm3, $0x203, v15;
	v1 =	vsel vm6, $0x181, v1  }
0x70: {  	v15 =	vsel vm14, $0x1000, v49;
	v16 =	vsel vm13, $0x1101, v16;
	v0 =	vsel vm4, $0x284, v0  }
0x71: {  	[tilespmem:$0x1FC00] =	vst v14;
	v14 =	vsel vm14, $0x580, v17;
	v1 =	vsel vm2, $0x202, v1;
	v17 =	vsel vm14, $0x1100, v51  }
0x72: {  	v15 =	vsel vm13, $0x1081, v15;
	v0 =	vsel vm1, $0x305, v0;
	v14 =	vsel vm13, $0x601, v14  }
0x73: {  	v1 =	vsel vm3, $0x283, v1;
	v17 =	vsel vm13, $0x1181, v17;
	v3 =	vsel vm12, $0x682, v14  }
0x74: {  	v0 =	vsel vm0, $0x386, v0;
	v18 =	vsel vm4, $0x304, v1;
	v14 =	vsel vm14, $0xF80, v48  }
0x75: {  	[tilespmem:$0x1F7D0] =	vst v0;
	v19 =	vsel vm11, $0x703, v3;
	v0 =	vsel vm1, $0x385, v18;
	v3 =	vimm.s32 $0x587  }
0x76: {  	v18 =	vsel vm14, $0x1180, v52;
	v14 =	vsel vm13, $0x801, v14;
	v52 =	vsel vm12, $0x1882, v46  }
0x77: {  	v1 =	vsel vm10, $0x784, v19;
	v0 =	vsel vm0, $0x406, v0;
	v22 =	vsel vm14, $0x600, v3  }
0x78: {  	v3 =	vcombine.low v4, v6;
	v4 =	vimm.s32 $0xA07;
	v6 =	vimm.s32 $0xB07  }
0x79: {  	v19 =	vimm.s32 $0x1187;
	v18 =	vsel vm13, $0x1201, v18;
	v1 =	vsel vm9, $0x5, v1  }
0x7a: {  	v4 =	vsel vm14, $0xA80, v4;
	v6 =	vsel vm14, $0xB80, v6;
	v19 =	vsel vm14, $0x1200, v19  }
0x7b: {  	v21 =	vsel vm8, $0x86, v1;
	v1 =	vsel vm13, $0x681, v22;
	v26 =	vand.u32 $0xF, v3  }
0x7c: {  	v3 =	vcombine.low v40, v13;
	v40 =	vsel vm11, $0xA03, v2;
	v2 =	vunpack.c.0.s8.s32 v43  }
0x7d: {  	v13 =	vsel vm14, $0xF00, v47;
	v22 =	vimm.s32 $0x1307;
	v43 =	vimm.s32 $0x1D87  }
0x7e: {  	v47 =	vimm.s32 $0x14131211;
	v4 =	vsel vm13, $0xB01, v4;
	v6 =	vsel vm13, $0xC01, v6  }
0x7f: {  	[tilespmem:$0x1F7F0] =	vst v0;
	v19 =	vsel vm13, $0x1281, v19;
	v0 =	vsel vm7, $0x107, v21;
	v1 =	vsel vm12, $0x702, v1  }
0x80: {  	v41 =	vsel vm10, $0xA84, v40;
	v21 =	vimm.s32 $0x1287;
	v22 =	vsel vm14, $0x1380, v22  }
0x81: {  	[tilespmem:$0x1F820] =	vst v26;
	v26 =	vimm.s32 $0x1507;
	v40 =	vimm.s32 $0x1C07;
	v43 =	vsel vm14, $0x1E00, v43  }
0x82: {  	v47 =	vunpack.c.0.s8.s32 v47;
	v13 =	vsel vm13, $0xF81, v13;
	v0 =	vsel vm5, $0x180, v0  }
0x83: {  	v1 =	vsel vm11, $0x783, v1;
	v32 =	vand.u32 $0xF, v3;
	v3 =	vcombine.low v10, v11  }
0x84: {  	[tilespmem:$0x1FF20] =	vst v2;
	v2 =	vunpack.c.0.s8.s32 v44;
	v10 =	vimm.s32 $0xD07;
	v11 =	vimm.s32 $0xD87  }
0x85: {  	v21 =	vsel vm14, $0x1300, v21;
	v26 =	vsel vm14, $0x1580, v26;
	v40 =	vsel vm14, $0x1C80, v40  }
0x86: {  	v44 =	vimm.s32 $0x1E07;
	v22 =	vsel vm13, $0x1401, v22;
	v43 =	vsel vm13, $0x1E81, v43  }
0x87: {  	v0 =	vsel vm6, $0x201, v0;
	v1 =	vsel vm10, $0x4, v1;
	v10 =	vsel vm14, $0xD80, v10  }
0x88: {  	[tilespmem:$0x1F860] =	vst v32;
	v11 =	vsel vm14, $0xE00, v11;
	v32 =	vimm.s32 $0x1807;
	v44 =	vsel vm14, $0x1E80, v44  }
0x89: {  	v21 =	vsel vm13, $0x1381, v21;
	v26 =	vsel vm13, $0x1601, v26;
	v40 =	vsel vm13, $0x1D01, v40  }
0x8a: {  	[tilespmem:$0x1FF40] =	vst v47;
	v47 =	vunpack.c.0.s8.s32 v53;
	v49 =	vsel vm12, $0x1F02, v43;
	v53 =	vimm.s32 $0x1D1C1B1A  }
0x8b: {  	[tilespmem:$0x1F7C0] =	vst v37;
	v0 =	vsel vm2, $0x282, v0;
	v1 =	vsel vm9, $0x85, v1;
	v37 =	vand.u32 $0xF, v3  }
0x8c: {  	[tilespmem:$0x1FF30] =	vst v2;
	v2 =	vsel vm14, $0x980, v45;
	v3 =	vimm.s32 $0x987;
	v32 =	vsel vm14, $0x1880, v32  }
0x8d: {  	v45 =	vimm.s32 $0x1E87;
	v10 =	vsel vm13, $0xE01, v10;
	v11 =	vsel vm13, $0xE81, v11  }
0x8e: {  	v44 =	vsel vm13, $0x1F01, v44;
	v60 =	vsel vm12, $0x1D82, v40;
	v46 =	vunpack.c.0.s8.s32 v53  }
0x8f: {  	v0 =	vsel vm3, $0x303, v0;
	v1 =	vsel vm8, $0x106, v1;
	v3 =	vsel vm14, $0xA00, v3  }
0x90: {  	[tilespmem:$0x1F880] =	vst v37;
	v37 =	vimm.s32 $0x1A87;
	v45 =	vsel vm14, $0x1F00, v45;
	v2 =	vsel vm13, $0xA01, v2  }
0x91: {  	v32 =	vsel vm13, $0x1901, v32;
	v50 =	vsel vm12, $0x1F82, v44;
	v0 =	vsel vm4, $0x384, v0  }
0x92: {  	v1 =	vsel vm7, $0x187, v1;
	v37 =	vsel vm14, $0x1B00, v37;
	v3 =	vsel vm13, $0xA81, v3  }
0x93: {  	v45 =	vsel vm13, $0x1F81, v45;
	v2 =	vsel vm12, $0xA82, v2;
	v43 =	vsel vm11, $0x1803, v50  }
0x94: {  	v0 =	vsel vm1, $0x405, v0;
	v1 =	vsel vm5, $0x200, v1;
	v37 =	vsel vm13, $0x1B81, v37  }
0x95: {  	v51 =	vsel vm12, $0x1802, v45;
	v45 =	vsel vm11, $0x1903, v52;
	v43 =	vsel vm10, $0x1884, v43  }
0x96: {  	v0 =	vsel vm0, $0x486, v0;
	v24 =	vsel vm6, $0x281, v1;
	v1 =	vsel vm7, $0x207, v25  }
0x97: {  	v25 =	vimm.s32 $0x1487;
	v44 =	vsel vm11, $0x1883, v51;
	v45 =	vsel vm10, $0x1984, v45  }
0x98: {  	v43 =	vsel vm9, $0x1905, v43;
	v51 =	vimm.s32 $0x1211101F;
	[tilespmem:$0x1F810] =	vst v0;
	v0 =	vsel vm2, $0x302, v24  }
0x99: {  	v1 =	vsel vm5, $0x280, v1;
	v24 =	vimm.s32 $0x1407;
	v25 =	vsel vm14, $0x1500, v25  }
0x9a: {  	v44 =	vsel vm10, $0x1904, v44;
	v45 =	vsel vm9, $0x1A05, v45;
	v43 =	vsel vm8, $0x1986, v43  }
0x9b: {  	v0 =	vsel vm3, $0x383, v0;
	v1 =	vsel vm6, $0x301, v1;
	v24 =	vsel vm14, $0x1480, v24  }
0x9c: {  	v25 =	vsel vm13, $0x1581, v25;
	v44 =	vsel vm9, $0x1985, v44;
	v45 =	vsel vm8, $0x1A86, v45  }
0x9d: {  	v0 =	vsel vm4, $0x404, v0;
	v1 =	vsel vm2, $0x382, v1;
	v24 =	vsel vm13, $0x1501, v24  }
0x9e: {  	v44 =	vsel vm8, $0x1A06, v44;
	v0 =	vsel vm1, $0x485, v0;
	v28 =	vsel vm3, $0x403, v1  }
0x9f: {  	v1 =	vsel vm11, $0x83, v29;
	v29 =	vimm.s32 $0x1687;
	v0 =	vsel vm0, $0x506, v0  }
0xa0: {  	v1 =	vsel vm10, $0x104, v1;
	v29 =	vsel vm14, $0x1700, v29;
	[tilespmem:$0x1F830] =	vst v0;
	v0 =	vsel vm4, $0x484, v28  }
0xa1: {  	v31 =	vsel vm9, $0x185, v1;
	v1 =	vsel vm14, $0x780, v33;
	v28 =	vimm.s32 $0x1607  }
0xa2: {  	v33 =	vimm.s32 $0x1887;
	v29 =	vsel vm13, $0x1781, v29;
	v0 =	vsel vm1, $0x505, v0  }
0xa3: {  	v1 =	vsel vm13, $0x1, v1;
	v28 =	vsel vm14, $0x1680, v28;
	v0 =	vsel vm0, $0x586, v0  }
0xa4: {  	v33 =	vsel vm14, $0x1900, v33;
	v1 =	vsel vm12, $0x82, v1;
	[tilespmem:$0x1F850] =	vst v0;
	v0 =	vsel vm8, $0x206, v31  }
0xa5: {  	v28 =	vsel vm13, $0x1701, v28;
	v1 =	vsel vm11, $0x103, v1;
	v0 =	vsel vm7, $0x287, v0  }
0xa6: {  	v33 =	vsel vm13, $0x1981, v33;
	v1 =	vsel vm10, $0x184, v1;
	v0 =	vsel vm5, $0x300, v0  }
0xa7: {  	v31 =	vimm.s32 $0x1F87;
	v1 =	vsel vm9, $0x205, v1;
	v0 =	vsel vm6, $0x381, v0  }
0xa8: {  	v31 =	vsel vm14, $0x1800, v31;
	v1 =	vsel vm8, $0x286, v1;
	v0 =	vsel vm2, $0x402, v0  }
0xa9: {  	v31 =	vsel vm13, $0x1881, v31;
	v1 =	vsel vm7, $0x307, v1;
	v0 =	vsel vm3, $0x483, v0  }
0xaa: {  	v35 =	vsel vm5, $0x380, v1;
	v1 =	vsel vm5, $0xC00, v36;
	v0 =	vsel vm4, $0x504, v0  }
0xab: {  	v36 =	vimm.s32 $0x1A07;
	v1 =	vsel vm6, $0xC81, v1;
	v0 =	vsel vm1, $0x585, v0  }
0xac: {  	v36 =	vsel vm14, $0x1A80, v36;
	v1 =	vsel vm2, $0xD02, v1;
	v0 =	vsel vm0, $0x606, v0  }
0xad: {  	v36 =	vsel vm13, $0x1B01, v36;
	v1 =	vsel vm3, $0xD83, v1;
	[tilespmem:$0x1F870] =	vst v0;
	v0 =	vsel vm6, $0x401, v35  }
0xae: {  	v1 =	vsel vm4, $0xE04, v1;
	v35 =	vimm.s32 $0x1987;
	v0 =	vsel vm2, $0x482, v0  }
0xaf: {  	v39 =	vsel vm1, $0xE85, v1;
	v1 =	vsel vm14, $0x900, v42;
	v35 =	vsel vm14, $0x1A00, v35  }
0xb0: {  	v42 =	vimm.s32 $0x1D07;
	v0 =	vsel vm3, $0x503, v0;
	v1 =	vsel vm13, $0x981, v1  }
0xb1: {  	v42 =	vsel vm14, $0x1D80, v42;
	v35 =	vsel vm13, $0x1A81, v35;
	v0 =	vsel vm4, $0x584, v0  }
0xb2: {  	v1 =	vsel vm12, $0xA02, v1;
	v42 =	vsel vm13, $0x1E01, v42;
	v0 =	vsel vm1, $0x605, v0  }
0xb3: {  	v1 =	vsel vm11, $0xA83, v1;
	v48 =	vsel vm12, $0x1E82, v42;
	v42 =	vsel vm11, $0x1F83, v49  }
0xb4: {  	v0 =	vsel vm0, $0x686, v0;
	v1 =	vsel vm10, $0xB04, v1;
	v42 =	vsel vm10, $0x1804, v42  }
0xb5: {  	[tilespmem:$0x1F890] =	vst v0;
	v0 =	vsel vm0, $0xF06, v39;
	v39 =	vimm.s32 $0x1B87;
	v1 =	vsel vm9, $0xB85, v1  }
0xb6: {  	v42 =	vsel vm9, $0x1885, v42;
	[tilespmem:$0x1F8A0] =	vst v0;
	v0 =	vsel vm9, $0xB05, v41;
	v39 =	vsel vm14, $0x1C00, v39  }
0xb7: {  	v41 =	vimm.s32 $0x1C87;
	v1 =	vsel vm8, $0xC06, v1;
	v42 =	vsel vm8, $0x1906, v42  }
0xb8: {  	v0 =	vsel vm8, $0xB86, v0;
	v41 =	vsel vm14, $0x1D00, v41;
	v39 =	vsel vm13, $0x1C81, v39  }
0xb9: {  	v1 =	vsel vm7, $0xC87, v1;
	v0 =	vsel vm7, $0xC07, v0;
	v41 =	vsel vm13, $0x1D81, v41  }
0xba: {  	v1 =	vsel vm5, $0xD00, v1;
	v58 =	vsel vm12, $0x1D02, v39;
	v39 =	vsel vm11, $0x1E03, v60  }
0xbb: {  	v60 =	vimm.s32 $0x19181716;
	v0 =	vsel vm5, $0xC80, v0;
	v61 =	vsel vm12, $0x1E02, v41  }
0xbc: {  	v38 =	vsel vm11, $0x1D83, v58;
	v41 =	vsel vm11, $0x1F03, v48;
	v39 =	vsel vm10, $0x1E84, v39  }
0xbd: {  	v58 =	vimm.s32 $0x15141312;
	v0 =	vsel vm6, $0xD01, v0;
	v40 =	vsel vm11, $0x1E83, v61  }
0xbe: {  	v38 =	vsel vm10, $0x1E04, v38;
	v41 =	vsel vm10, $0x1F84, v41;
	v39 =	vsel vm9, $0x1F05, v39  }
0xbf: {  	v61 =	vimm.s32 $0x1E1D1C1B;
	v0 =	vsel vm2, $0xD82, v0;
	v40 =	vsel vm10, $0x1F04, v40  }
0xc0: {  	v38 =	vsel vm9, $0x1E85, v38;
	v41 =	vsel vm9, $0x1805, v41;
	v0 =	vsel vm3, $0xE03, v0  }
0xc1: {  	[tilespmem:$0x1FF50] =	vst v47;
	v39 =	vsel vm8, $0x1F86, v39;
	v47 =	vunpack.c.0.s8.s32 v61;
	v0 =	vsel vm4, $0xE84, v0  }
0xc2: {  	v40 =	vsel vm9, $0x1F85, v40;
	v38 =	vsel vm8, $0x1F06, v38;
	v0 =	vsel vm1, $0xF05, v0  }
0xc3: {  	v41 =	vsel vm8, $0x1886, v41;
	v40 =	vsel vm8, $0x1806, v40;
	v0 =	vsel vm0, $0xF86, v0  }
0xc4: {  	[tilespmem:$0x1F8B0] =	vst v0;
	v0 =	vsel vm6, $0xD81, v1;
	v1 =	vsel vm11, $0xB03, v2;
	v2 =	vsel vm12, $0xB02, v3  }
0xc5: {  	v3 =	vsel vm12, $0xB82, v4;
	v4 =	vsel vm12, $0xC02, v5;
	v5 =	vsel vm12, $0xC82, v6  }
0xc6: {  	v6 =	vsel vm12, $0xD02, v7;
	v7 =	vsel vm12, $0xD82, v8;
	v8 =	vsel vm12, $0xE02, v9  }
0xc7: {  	v9 =	vsel vm12, $0xE82, v10;
	v10 =	vsel vm12, $0xF02, v11;
	v11 =	vsel vm12, $0xF82, v12  }
0xc8: {  	v12 =	vsel vm12, $0x802, v13;
	v13 =	vsel vm12, $0x882, v14;
	v14 =	vsel vm12, $0x1102, v15  }
0xc9: {  	v15 =	vsel vm12, $0x1182, v16;
	v16 =	vsel vm12, $0x1202, v17;
	v17 =	vsel vm12, $0x1282, v18  }
0xca: {  	v18 =	vsel vm12, $0x1302, v19;
	v19 =	vsel vm12, $0x1382, v20;
	v20 =	vsel vm12, $0x1402, v21  }
0xcb: {  	v21 =	vsel vm12, $0x1482, v22;
	v22 =	vsel vm12, $0x1502, v23;
	v23 =	vsel vm12, $0x1582, v24  }
0xcc: {  	v24 =	vsel vm12, $0x1602, v25;
	v25 =	vsel vm12, $0x1682, v26;
	v26 =	vsel vm12, $0x1702, v27  }
0xcd: {  	v27 =	vsel vm12, $0x1782, v28;
	v28 =	vsel vm12, $0x1002, v29;
	v29 =	vsel vm12, $0x1082, v30  }
0xce: {  	v30 =	vsel vm12, $0x1902, v31;
	v31 =	vsel vm12, $0x1982, v32;
	v32 =	vsel vm12, $0x1A02, v33  }
0xcf: {  	v33 =	vsel vm12, $0x1A82, v34;
	v34 =	vsel vm12, $0x1B02, v35;
	v35 =	vsel vm12, $0x1B82, v36  }
0xd0: {  	v36 =	vsel vm12, $0x1C02, v37;
	v37 =	vsel vm11, $0x1D03, v57;
	v57 =	vimm.s32 $0x11101F1E  }
0xd1: {  	v0 =	vsel vm2, $0xE02, v0;
	v1 =	vsel vm10, $0xB84, v1;
	v2 =	vsel vm11, $0xB83, v2  }
0xd2: {  	v3 =	vsel vm11, $0xC03, v3;
	v4 =	vsel vm11, $0xC83, v4;
	v5 =	vsel vm11, $0xD03, v5  }
0xd3: {  	v6 =	vsel vm11, $0xD83, v6;
	v7 =	vsel vm11, $0xE03, v7;
	v8 =	vsel vm11, $0xE83, v8  }
0xd4: {  	v9 =	vsel vm11, $0xF03, v9;
	v10 =	vsel vm11, $0xF83, v10;
	v11 =	vsel vm11, $0x803, v11  }
0xd5: {  	v12 =	vsel vm11, $0x883, v12;
	v13 =	vsel vm11, $0x903, v13;
	v14 =	vsel vm11, $0x1183, v14  }
0xd6: {  	v15 =	vsel vm11, $0x1203, v15;
	v16 =	vsel vm11, $0x1283, v16;
	v17 =	vsel vm11, $0x1303, v17  }
0xd7: {  	v18 =	vsel vm11, $0x1383, v18;
	v19 =	vsel vm11, $0x1403, v19;
	v20 =	vsel vm11, $0x1483, v20  }
0xd8: {  	v21 =	vsel vm11, $0x1503, v21;
	v22 =	vsel vm11, $0x1583, v22;
	v23 =	vsel vm11, $0x1603, v23  }
0xd9: {  	v24 =	vsel vm11, $0x1683, v24;
	v25 =	vsel vm11, $0x1703, v25;
	v26 =	vsel vm11, $0x1783, v26  }
0xda: {  	v27 =	vsel vm11, $0x1003, v27;
	v28 =	vsel vm11, $0x1083, v28;
	v29 =	vsel vm11, $0x1103, v29  }
0xdb: {  	v30 =	vsel vm11, $0x1983, v30;
	v31 =	vsel vm11, $0x1A03, v31;
	v32 =	vsel vm11, $0x1A83, v32  }
0xdc: {  	v33 =	vsel vm11, $0x1B03, v33;
	v34 =	vsel vm11, $0x1B83, v34;
	v35 =	vsel vm11, $0x1C03, v35  }
0xdd: {  	[tilespmem:$0x1F8C0] =	vst v46;
	v36 =	vsel vm11, $0x1C83, v36;
	v46 =	vunpack.c.0.s8.s32 v57;
	v37 =	vsel vm10, $0x1D84, v37  }
0xde: {  	v0 =	vsel vm3, $0xE83, v0;
	v1 =	vsel vm9, $0xC05, v1;
	v2 =	vsel vm10, $0xC04, v2  }
0xdf: {  	v3 =	vsel vm10, $0xC84, v3;
	v4 =	vsel vm10, $0xD04, v4;
	v5 =	vsel vm10, $0xD84, v5  }
0xe0: {  	v6 =	vsel vm10, $0xE04, v6;
	v7 =	vsel vm10, $0xE84, v7;
	v8 =	vsel vm10, $0xF04, v8  }
0xe1: {  	v9 =	vsel vm10, $0xF84, v9;
	v10 =	vsel vm10, $0x804, v10;
	v11 =	vsel vm10, $0x884, v11  }
0xe2: {  	v12 =	vsel vm10, $0x904, v12;
	v13 =	vsel vm10, $0x984, v13;
	v14 =	vsel vm10, $0x1204, v14  }
0xe3: {  	v15 =	vsel vm10, $0x1284, v15;
	v16 =	vsel vm10, $0x1304, v16;
	v17 =	vsel vm10, $0x1384, v17  }
0xe4: {  	v18 =	vsel vm10, $0x1404, v18;
	v19 =	vsel vm10, $0x1484, v19;
	v20 =	vsel vm10, $0x1504, v20  }
0xe5: {  	v21 =	vsel vm10, $0x1584, v21;
	v22 =	vsel vm10, $0x1604, v22;
	v23 =	vsel vm10, $0x1684, v23  }
0xe6: {  	v24 =	vsel vm10, $0x1704, v24;
	v25 =	vsel vm10, $0x1784, v25;
	v26 =	vsel vm10, $0x1004, v26  }
0xe7: {  	v27 =	vsel vm10, $0x1084, v27;
	v28 =	vsel vm10, $0x1104, v28;
	v29 =	vsel vm10, $0x1184, v29  }
0xe8: {  	v30 =	vsel vm10, $0x1A04, v30;
	v31 =	vsel vm10, $0x1A84, v31;
	v32 =	vsel vm10, $0x1B04, v32  }
0xe9: {  	v33 =	vsel vm10, $0x1B84, v33;
	v34 =	vsel vm10, $0x1C04, v34;
	v35 =	vsel vm10, $0x1C84, v35  }
0xea: {  	v36 =	vsel vm10, $0x1D04, v36;
	v37 =	vsel vm9, $0x1E05, v37;
	[tilespmem:$0x1F8D0] =	vst v46;
	v46 =	vunpack.c.0.s8.s32 v58  }
0xeb: {  	v0 =	vsel vm4, $0xF04, v0;
	v1 =	vsel vm8, $0xC86, v1;
	v2 =	vsel vm9, $0xC85, v2  }
0xec: {  	v3 =	vsel vm9, $0xD05, v3;
	v4 =	vsel vm9, $0xD85, v4;
	v5 =	vsel vm9, $0xE05, v5  }
0xed: {  	v6 =	vsel vm9, $0xE85, v6;
	v7 =	vsel vm9, $0xF05, v7;
	v8 =	vsel vm9, $0xF85, v8  }
0xee: {  	v9 =	vsel vm9, $0x805, v9;
	v10 =	vsel vm9, $0x885, v10;
	v11 =	vsel vm9, $0x905, v11  }
0xef: {  	v12 =	vsel vm9, $0x985, v12;
	v13 =	vsel vm9, $0xA05, v13;
	v14 =	vsel vm9, $0x1285, v14  }
0xf0: {  	v15 =	vsel vm9, $0x1305, v15;
	v16 =	vsel vm9, $0x1385, v16;
	v17 =	vsel vm9, $0x1405, v17  }
0xf1: {  	v18 =	vsel vm9, $0x1485, v18;
	v19 =	vsel vm9, $0x1505, v19;
	v20 =	vsel vm9, $0x1585, v20  }
0xf2: {  	v21 =	vsel vm9, $0x1605, v21;
	v22 =	vsel vm9, $0x1685, v22;
	v23 =	vsel vm9, $0x1705, v23  }
0xf3: {  	v24 =	vsel vm9, $0x1785, v24;
	v25 =	vsel vm9, $0x1005, v25;
	v26 =	vsel vm9, $0x1085, v26  }
0xf4: {  	v27 =	vsel vm9, $0x1105, v27;
	v28 =	vsel vm9, $0x1185, v28;
	v29 =	vsel vm9, $0x1205, v29  }
0xf5: {  	v30 =	vsel vm9, $0x1A85, v30;
	v31 =	vsel vm9, $0x1B05, v31;
	v32 =	vsel vm9, $0x1B85, v32  }
0xf6: {  	v33 =	vsel vm9, $0x1C05, v33;
	v34 =	vsel vm9, $0x1C85, v34;
	v35 =	vsel vm9, $0x1D05, v35  }
0xf7: {  	v36 =	vsel vm9, $0x1D85, v36;
	v37 =	vsel vm8, $0x1E86, v37;
	v0 =	vsel vm1, $0xF85, v0  }
0xf8: {  	v1 =	vsel vm7, $0xD07, v1;
	v2 =	vsel vm8, $0xD06, v2;
	v3 =	vsel vm8, $0xD86, v3  }
0xf9: {  	v4 =	vsel vm8, $0xE06, v4;
	v5 =	vsel vm8, $0xE86, v5;
	v6 =	vsel vm8, $0xF06, v6  }
0xfa: {  	v7 =	vsel vm8, $0xF86, v7;
	v8 =	vsel vm8, $0x806, v8;
	v9 =	vsel vm8, $0x886, v9  }
0xfb: {  	v10 =	vsel vm8, $0x906, v10;
	v11 =	vsel vm8, $0x986, v11;
	v12 =	vsel vm8, $0xA06, v12  }
0xfc: {  	v13 =	vsel vm8, $0xA86, v13;
	v14 =	vsel vm8, $0x1306, v14;
	v15 =	vsel vm8, $0x1386, v15  }
0xfd: {  	v16 =	vsel vm8, $0x1406, v16;
	v17 =	vsel vm8, $0x1486, v17;
	v18 =	vsel vm8, $0x1506, v18  }
0xfe: {  	v19 =	vsel vm8, $0x1586, v19;
	v20 =	vsel vm8, $0x1606, v20;
	v21 =	vsel vm8, $0x1686, v21  }
0xff: {  	v22 =	vsel vm8, $0x1706, v22;
	v23 =	vsel vm8, $0x1786, v23;
	v24 =	vsel vm8, $0x1006, v24  }
0x100: {  	v25 =	vsel vm8, $0x1086, v25;
	v26 =	vsel vm8, $0x1106, v26;
	v27 =	vsel vm8, $0x1186, v27  }
0x101: {  	v28 =	vsel vm8, $0x1206, v28;
	v29 =	vsel vm8, $0x1286, v29;
	v30 =	vsel vm8, $0x1B06, v30  }
0x102: {  	v31 =	vsel vm8, $0x1B86, v31;
	v32 =	vsel vm8, $0x1C06, v32;
	v33 =	vsel vm8, $0x1C86, v33  }
0x103: {  	v34 =	vsel vm8, $0x1D06, v34;
	v35 =	vsel vm8, $0x1D86, v35;
	v36 =	vsel vm8, $0x1E06, v36  }
0x104: {  	[tilespmem:$0x1F8E0] =	vst v46;
	v46 =	vunpack.c.0.s8.s32 v60;
	v0 =	vsel vm0, $0x806, v0;
	v48 =	vsel vm5, $0xD80, v1  }
0x105: {  	v49 =	vsel vm7, $0xD87, v2;
	v50 =	vsel vm7, $0xE07, v3;
	v3 =	vsel vm7, $0xE87, v4  }
0x106: {  	v4 =	vsel vm7, $0xF07, v5;
	v5 =	vsel vm7, $0xF87, v6;
	v6 =	vsel vm7, $0x807, v7  }
0x107: {  	v7 =	vsel vm7, $0x887, v8;
	v8 =	vsel vm7, $0x907, v9;
	v9 =	vsel vm7, $0x987, v10  }
0x108: {  	v10 =	vsel vm7, $0xA07, v11;
	v11 =	vsel vm7, $0xA87, v12;
	v12 =	vsel vm7, $0xB07, v13  }
0x109: {  	v13 =	vsel vm7, $0x1387, v14;
	v14 =	vsel vm7, $0x1407, v15;
	v15 =	vsel vm7, $0x1487, v16  }
0x10a: {  	v16 =	vsel vm7, $0x1507, v17;
	v17 =	vsel vm7, $0x1587, v18;
	v18 =	vsel vm7, $0x1607, v19  }
0x10b: {  	v19 =	vsel vm7, $0x1687, v20;
	v20 =	vsel vm7, $0x1707, v21;
	v21 =	vsel vm7, $0x1787, v22  }
0x10c: {  	v22 =	vsel vm7, $0x1007, v23;
	v23 =	vsel vm7, $0x1087, v24;
	v24 =	vsel vm7, $0x1107, v25  }
0x10d: {  	v25 =	vsel vm7, $0x1187, v26;
	v26 =	vsel vm7, $0x1207, v27;
	v27 =	vsel vm7, $0x1287, v28  }
0x10e: {  	v28 =	vsel vm7, $0x1307, v29;
	v29 =	vsel vm7, $0x1B87, v30;
	v30 =	vsel vm7, $0x1C07, v31  }
0x10f: {  	v31 =	vsel vm7, $0x1C87, v32;
	v32 =	vsel vm7, $0x1D07, v33;
	v33 =	vsel vm7, $0x1D87, v34  }
0x110: {  	v34 =	vsel vm7, $0x1E07, v35;
	v35 =	vsel vm7, $0x1E87, v36;
	v36 =	vsel vm7, $0x1F07, v37  }
0x111: {  	v37 =	vsel vm7, $0x1F87, v38;
	v38 =	vsel vm7, $0x1807, v39;
	v39 =	vsel vm7, $0x1887, v40  }
0x112: {  	v40 =	vsel vm7, $0x1907, v41;
	v41 =	vsel vm7, $0x1987, v42;
	v42 =	vsel vm7, $0x1A07, v43  }
0x113: {  	v43 =	vsel vm7, $0x1A87, v44;
	v44 =	vsel vm7, $0x1B07, v45;
	v45 =	vunpack.c.0.s8.s32 v51  }
0x114: {  	[tilespmem:$0x1F900] =	vst v0;
	v0 =	vsel vm6, $0xE01, v48;
	v1 =	vsel vm5, $0xE00, v49;
	v52 =	vsel vm5, $0xE80, v50  }
0x115: {  	v53 =	vsel vm5, $0xF00, v3;
	v57 =	vsel vm5, $0xF80, v4;
	v58 =	vsel vm5, $0x800, v5  }
0x116: {  	v60 =	vsel vm5, $0x880, v6;
	v61 =	vsel vm5, $0x900, v7;
	v14 =	vsel vm5, $0x1480, v14  }
0x117: {  	v15 =	vsel vm5, $0x1500, v15;
	v20 =	vsel vm5, $0x1780, v20;
	v21 =	vsel vm5, $0x1000, v21  }
0x118: {  	v26 =	vsel vm5, $0x1280, v26;
	v27 =	vsel vm5, $0x1300, v27;
	v32 =	vsel vm5, $0x1D80, v32;
	[tilespmem:$0x1F8F0] =	vst v46  }
0x119: {  	v3 =	vsel vm5, $0x1B80, v44;
	[tilespmem:$0x1F920] =	vst v45;
	v45 =	vsel vm2, $0xE82, v0;
	v46 =	vsel vm6, $0xE81, v1  }
0x11a: {  	[tilespmem:$0x1F910] =	vst v47;
	v2 =	vsel vm6, $0xF01, v52;
	v47 =	vsel vm6, $0xF81, v53;
	v48 =	vsel vm6, $0x801, v57  }
0x11b: {  	v49 =	vsel vm6, $0x881, v58;
	v50 =	vsel vm6, $0x901, v60;
	v51 =	vsel vm6, $0x981, v61  }
0x11c: {  	v52 =	vsel vm5, $0x980, v8;
	v53 =	vsel vm5, $0xA00, v9;
	v57 =	vsel vm5, $0xA80, v10  }
0x11d: {  	v58 =	vsel vm5, $0xB00, v11;
	v60 =	vsel vm5, $0xB80, v12;
	v61 =	vsel vm5, $0x1400, v13  }
0x11e: {  	v14 =	vsel vm6, $0x1501, v14;
	v15 =	vsel vm6, $0x1581, v15;
	v20 =	vsel vm6, $0x1001, v20  }
0x11f: {  	v21 =	vsel vm6, $0x1081, v21;
	v26 =	vsel vm6, $0x1301, v26;
	v27 =	vsel vm6, $0x1381, v27  }
0x120: {  	v32 =	vsel vm6, $0x1E01, v32;
	v4 =	vsel vm6, $0x1C01, v3;
	v3 =	vimm.s32 $0x16151413  }
0x121: {  	v52 =	vsel vm6, $0xA01, v52;
	v10 =	vsel vm6, $0xA81, v53;
	v53 =	vsel vm6, $0xB01, v57  }
0x122: {  	v11 =	vsel vm6, $0xB81, v58;
	v12 =	vsel vm6, $0xC01, v60;
	v13 =	vsel vm6, $0x1481, v61  }
0x123: {  	v57 =	vsel vm5, $0x1580, v16;
	v58 =	vsel vm5, $0x1600, v17;
	v60 =	vsel vm5, $0x1680, v18  }
0x124: {  	v61 =	vsel vm5, $0x1700, v19;
	v3 =	vunpack.c.0.s8.s32 v3;
	v44 =	vsel vm2, $0xF02, v46  }
0x125: {  	v2 =	vsel vm2, $0xF82, v2;
	v14 =	vsel vm2, $0x1582, v14;
	v15 =	vsel vm2, $0x1602, v15  }
0x126: {  	v20 =	vsel vm2, $0x1082, v20;
	v21 =	vsel vm2, $0x1102, v21;
	v26 =	vsel vm2, $0x1382, v26  }
0x127: {  	v27 =	vsel vm2, $0x1402, v27;
	v32 =	vsel vm2, $0x1E82, v32;
	v16 =	vsel vm6, $0x1601, v57  }
0x128: {  	v17 =	vsel vm6, $0x1681, v58;
	v18 =	vsel vm6, $0x1701, v60;
	v19 =	vsel vm6, $0x1781, v61  }
0x129: {  	v57 =	vsel vm5, $0x1080, v22;
	v58 =	vsel vm5, $0x1100, v23;
	v60 =	vsel vm5, $0x1180, v24  }
0x12a: {  	v61 =	vsel vm5, $0x1200, v25;
	v10 =	vsel vm2, $0xB02, v10;
	v12 =	vsel vm2, $0xC82, v12  }
0x12b: {  	v13 =	vsel vm2, $0x1502, v13;
	v14 =	vsel vm3, $0x1603, v14;
	v15 =	vsel vm3, $0x1683, v15  }
0x12c: {  	v20 =	vsel vm3, $0x1103, v20;
	v21 =	vsel vm3, $0x1183, v21;
	v26 =	vsel vm3, $0x1403, v26  }
0x12d: {  	v32 =	vsel vm3, $0x1F03, v32;
	v22 =	vsel vm6, $0x1101, v57;
	v23 =	vsel vm6, $0x1181, v58  }
0x12e: {  	v24 =	vsel vm6, $0x1201, v60;
	v25 =	vsel vm6, $0x1281, v61;
	v57 =	vsel vm5, $0x1380, v28  }
0x12f: {  	v58 =	vsel vm5, $0x1C00, v29;
	v60 =	vsel vm5, $0x1C80, v30;
	v61 =	vsel vm5, $0x1D00, v31  }
0x130: {  	v10 =	vsel vm3, $0xB83, v10;
	v13 =	vsel vm3, $0x1583, v13;
	v14 =	vsel vm4, $0x1684, v14  }
0x131: {  	v16 =	vsel vm2, $0x1682, v16;
	v17 =	vsel vm2, $0x1702, v17;
	v15 =	vsel vm4, $0x1704, v15  }
0x132: {  	v18 =	vsel vm2, $0x1782, v18;
	v19 =	vsel vm2, $0x1002, v19;
	v20 =	vsel vm4, $0x1184, v20  }
0x133: {  	v21 =	vsel vm4, $0x1204, v21;
	v26 =	vsel vm4, $0x1484, v26;
	v32 =	vsel vm4, $0x1F84, v32  }
0x134: {  	v28 =	vsel vm6, $0x1401, v57;
	v29 =	vsel vm6, $0x1C81, v58;
	v30 =	vsel vm6, $0x1D01, v60  }
0x135: {  	v31 =	vsel vm6, $0x1D81, v61;
	v57 =	vsel vm5, $0x1E00, v33;
	v58 =	vsel vm5, $0x1E80, v34  }
0x136: {  	v60 =	vsel vm5, $0x1F00, v35;
	v61 =	vsel vm5, $0x1F80, v36;
	v36 =	vsel vm5, $0x1800, v37  }
0x137: {  	v37 =	vsel vm5, $0x1880, v38;
	v38 =	vsel vm5, $0x1900, v39;
	v39 =	vsel vm5, $0x1980, v40  }
0x138: {  	v40 =	vsel vm5, $0x1A00, v41;
	v41 =	vsel vm5, $0x1A80, v42;
	v42 =	vsel vm5, $0x1B00, v43  }
0x139: {  	v43 =	vimm.s32 $0x1A191817;
	v10 =	vsel vm4, $0xC04, v10;
	v13 =	vsel vm4, $0x1604, v13  }
0x13a: {  	v16 =	vsel vm3, $0x1703, v16;
	v17 =	vsel vm3, $0x1783, v17;
	v18 =	vsel vm3, $0x1003, v18  }
0x13b: {  	v19 =	vsel vm3, $0x1083, v19;
	v22 =	vsel vm2, $0x1182, v22;
	v23 =	vsel vm2, $0x1202, v23  }
0x13c: {  	v24 =	vsel vm2, $0x1282, v24;
	v25 =	vsel vm2, $0x1302, v25;
	v14 =	vsel vm1, $0x1705, v14  }
0x13d: {  	v15 =	vsel vm1, $0x1785, v15;
	v20 =	vsel vm1, $0x1205, v20;
	v21 =	vsel vm1, $0x1285, v21  }
0x13e: {  	v26 =	vsel vm1, $0x1505, v26;
	v32 =	vsel vm1, $0x1805, v32;
	v33 =	vsel vm6, $0x1E81, v57  }
0x13f: {  	v34 =	vsel vm6, $0x1F01, v58;
	v35 =	vsel vm6, $0x1F81, v60;
	v8 =	vsel vm6, $0x1801, v61  }
0x140: {  	v9 =	vsel vm6, $0x1881, v36;
	v36 =	vsel vm6, $0x1901, v37;
	v5 =	vsel vm6, $0x1981, v38  }
0x141: {  	v6 =	vsel vm6, $0x1A01, v39;
	v7 =	vsel vm6, $0x1A81, v40;
	v0 =	vsel vm6, $0x1B01, v41  }
0x142: {  	[tilespmem:$0x1F930] =	vst v3;
	v1 =	vsel vm6, $0x1B81, v42;
	v3 =	vunpack.c.0.s8.s32 v43;
	v37 =	vsel vm3, $0xF83, v44  }
0x143: {  	v57 =	vsel vm2, $0x802, v47;
	v58 =	vsel vm2, $0x882, v48;
	v60 =	vsel vm2, $0x902, v49  }
0x144: {  	v61 =	vsel vm2, $0x982, v50;
	v47 =	vsel vm2, $0xB82, v53;
	v16 =	vsel vm4, $0x1784, v16  }
0x145: {  	v17 =	vsel vm4, $0x1004, v17;
	v18 =	vsel vm4, $0x1084, v18;
	v19 =	vsel vm4, $0x1104, v19  }
0x146: {  	v22 =	vsel vm3, $0x1203, v22;
	v24 =	vsel vm3, $0x1303, v24;
	v25 =	vsel vm3, $0x1383, v25  }
0x147: {  	v28 =	vsel vm2, $0x1482, v28;
	v29 =	vsel vm2, $0x1D02, v29;
	v31 =	vsel vm2, $0x1E02, v31  }
0x148: {  	v48 =	vimm.s32 $0x1F1E1D1C;
	v49 =	vimm.s32 $0x13121110;
	v50 =	vimm.s32 $0x17161514  }
0x149: {  	v10 =	vsel vm1, $0xC85, v10;
	v13 =	vsel vm1, $0x1685, v13;
	v53 =	vimm.s32 $0x1B1A1918  }
0x14a: {  	v38 =	vsel vm3, $0x903, v58;
	v39 =	vsel vm3, $0x983, v60;
	v40 =	vsel vm3, $0xA03, v61  }
0x14b: {  	v43 =	vsel vm3, $0xC03, v47;
	v22 =	vsel vm4, $0x1284, v22;
	v24 =	vsel vm4, $0x1384, v24  }
0x14c: {  	v25 =	vsel vm4, $0x1404, v25;
	v28 =	vsel vm3, $0x1503, v28;
	v29 =	vsel vm3, $0x1D83, v29  }
0x14d: {  	v31 =	vsel vm3, $0x1E83, v31;
	v33 =	vsel vm2, $0x1F02, v33;
	v44 =	vunpack.c.0.s8.s32 v48  }
0x14e: {  	v9 =	vsel vm2, $0x1902, v9;
	v6 =	vsel vm2, $0x1A82, v6;
	v16 =	vsel vm1, $0x1005, v16;
	[tilespmem:$0x1F940] =	vst v3  }
0x14f: {  	v7 =	vsel vm2, $0x1B02, v7;
	v17 =	vsel vm1, $0x1085, v17;
	v47 =	vsel vm0, $0x1086, v16;
	[tilespmem:$0x1F960] =	vst v44  }
0x150: {  	v0 =	vsel vm2, $0x1B82, v0;
	v3 =	vsel vm3, $0xF03, v45;
	v48 =	vsel vm0, $0x1106, v17;
	[tilespmem:$0x1FA90] =	vst v47  }
0x151: {  	v45 =	vsel vm3, $0x803, v2;
	v22 =	vsel vm1, $0x1305, v22;
	v17 =	vsel vm0, $0x1886, v32;
	[tilespmem:$0x1FAA0] =	vst v48  }
0x152: {  	v2 =	vsel vm4, $0x804, v37;
	v44 =	vunpack.c.0.s8.s32 v53;
	v53 =	vsel vm0, $0x1386, v22;
	[tilespmem:$0x1FB90] =	vst v17  }
0x153: {  	v37 =	vsel vm3, $0x883, v57;
	v38 =	vsel vm4, $0x984, v38;
	v2 =	vsel vm1, $0x885, v2;
	[tilespmem:$0x1FAF0] =	vst v53  }
0x154: {  	v39 =	vsel vm4, $0xA04, v39;
	v38 =	vsel vm1, $0xA05, v38;
	v2 =	vsel vm0, $0x906, v2;
	[tilespmem:$0x1F990] =	vst v44  }
0x155: {  	v31 =	vsel vm4, $0x1F04, v31;
	v39 =	vsel vm1, $0xA85, v39;
	v60 =	vsel vm0, $0xA86, v38;
	[tilespmem:$0x1F9A0] =	vst v2  }
0x156: {  	v3 =	vsel vm4, $0xF84, v3;
	v31 =	vsel vm1, $0x1F85, v31;
	v61 =	vsel vm0, $0xB06, v39;
	[tilespmem:$0x1F9D0] =	vst v60  }
0x157: {  	v37 =	vsel vm4, $0x904, v37;
	v3 =	vsel vm1, $0x805, v3;
	v16 =	vsel vm0, $0x1806, v31;
	[tilespmem:$0x1F9E0] =	vst v61  }
0x158: {  	v40 =	vsel vm4, $0xA84, v40;
	v37 =	vsel vm1, $0x985, v37;
	v46 =	vsel vm0, $0x886, v3;
	[tilespmem:$0x1FB80] =	vst v16  }
0x159: {  	v18 =	vsel vm1, $0x1105, v18;
	v40 =	vsel vm1, $0xB05, v40;
	v58 =	vsel vm0, $0xA06, v37;
	[tilespmem:$0x1F950] =	vst v46  }
0x15a: {  	v28 =	vsel vm4, $0x1584, v28;
	v33 =	vsel vm3, $0x1F83, v33;
	v37 =	vsel vm0, $0xB86, v40;
	[tilespmem:$0x1F9C0] =	vst v58  }
0x15b: {  	v9 =	vsel vm3, $0x1983, v9;
	v6 =	vsel vm3, $0x1B03, v6;
	v40 =	vsel vm0, $0xD06, v10;
	[tilespmem:$0x1F9F0] =	vst v37  }
0x15c: {  	v25 =	vsel vm1, $0x1485, v25;
	v3 =	vsel vm4, $0x884, v45;
	v44 =	vsel vm0, $0x1706, v13;
	[tilespmem:$0x1FA20] =	vst v40  }
0x15d: {  	v45 =	vsel vm2, $0xA02, v51;
	v51 =	vunpack.c.0.s8.s32 v49;
	v49 =	vsel vm0, $0x1186, v18;
	[tilespmem:$0x1FA60] =	vst v44  }
0x15e: {  	v7 =	vsel vm3, $0x1B83, v7;
	v0 =	vsel vm3, $0x1C03, v0;
	v60 =	vsel vm0, $0x1506, v25;
	[tilespmem:$0x1FAB0] =	vst v49  }
0x15f: {  	v33 =	vsel vm4, $0x1804, v33;
	v28 =	vsel vm1, $0x1605, v28;
	v61 =	vsel vm0, $0x1586, v26;
	[tilespmem:$0x1FB20] =	vst v60  }
0x160: {  	v9 =	vsel vm4, $0x1A04, v9;
	v33 =	vsel vm1, $0x1885, v33;
	v13 =	vsel vm0, $0x1686, v28;
	[tilespmem:$0x1FB30] =	vst v61  }
0x161: {  	v6 =	vsel vm4, $0x1B84, v6;
	v9 =	vsel vm1, $0x1A85, v9;
	v18 =	vsel vm0, $0x1906, v33;
	[tilespmem:$0x1FB50] =	vst v13  }
0x162: {  	v7 =	vsel vm4, $0x1C04, v7;
	v6 =	vsel vm1, $0x1C05, v6;
	v22 =	vsel vm0, $0x1B06, v9;
	[tilespmem:$0x1FBB0] =	vst v18  }
0x163: {  	v0 =	vsel vm4, $0x1C84, v0;
	v7 =	vsel vm1, $0x1C85, v7;
	v25 =	vsel vm0, $0x1C86, v6;
	[tilespmem:$0x1FC20] =	vst v22  }
0x164: {  	v34 =	vsel vm2, $0x1F82, v34;
	v0 =	vsel vm1, $0x1D05, v0;
	v26 =	vsel vm0, $0x1D06, v7;
	[tilespmem:$0x1FC60] =	vst v25  }
0x165: {  	v5 =	vsel vm2, $0x1A02, v5;
	v19 =	vsel vm1, $0x1185, v19;
	v0 =	vsel vm0, $0x1D86, v0;
	[tilespmem:$0x1FC80] =	vst v26  }
0x166: {  	v29 =	vsel vm4, $0x1E04, v29;
	v34 =	vsel vm3, $0x1803, v34;
	v5 =	vsel vm3, $0x1A83, v5;
	[tilespmem:$0x1FCA0] =	vst v0  }
0x167: {  	v24 =	vsel vm1, $0x1405, v24;
	v41 =	vsel vm3, $0xA83, v45;
	v45 =	vsel vm0, $0x1786, v14;
	[tilespmem:$0x1F970] =	vst v51  }
0x168: {  	v46 =	vsel vm2, $0xA82, v52;
	v52 =	vunpack.c.0.s8.s32 v50;
	v50 =	vsel vm0, $0x1206, v19;
	[tilespmem:$0x1FA70] =	vst v45  }
0x169: {  	v34 =	vsel vm4, $0x1884, v34;
	v29 =	vsel vm1, $0x1E85, v29;
	v58 =	vsel vm0, $0x1486, v24;
	[tilespmem:$0x1FAC0] =	vst v50  }
0x16a: {  	v5 =	vsel vm4, $0x1B04, v5;
	v34 =	vsel vm1, $0x1905, v34;
	v14 =	vsel vm0, $0x1F06, v29;
	[tilespmem:$0x1FB10] =	vst v58  }
0x16b: {  	v23 =	vsel vm3, $0x1283, v23;
	v5 =	vsel vm1, $0x1B85, v5;
	v19 =	vsel vm0, $0x1986, v34;
	[tilespmem:$0x1FB60] =	vst v14  }
0x16c: {  	v30 =	vsel vm2, $0x1D82, v30;
	v23 =	vsel vm4, $0x1304, v23;
	v24 =	vsel vm0, $0x1C06, v5;
	[tilespmem:$0x1FBD0] =	vst v19  }
0x16d: {  	v30 =	vsel vm3, $0x1E03, v30;
	v35 =	vsel vm2, $0x1802, v35;
	v3 =	vsel vm1, $0x905, v3;
	[tilespmem:$0x1FC40] =	vst v24  }
0x16e: {  	v8 =	vsel vm2, $0x1882, v8;
	v30 =	vsel vm4, $0x1E84, v30;
	v57 =	vsel vm0, $0x986, v3;
	[tilespmem:$0x1F980] =	vst v52  }
0x16f: {  	v35 =	vsel vm3, $0x1883, v35;
	v42 =	vsel vm3, $0xB03, v46;
	v46 =	vsel vm0, $0x1006, v15;
	[tilespmem:$0x1F9B0] =	vst v57  }
0x170: {  	v35 =	vsel vm4, $0x1904, v35;
	v30 =	vsel vm1, $0x1F05, v30;
	v51 =	vsel vm0, $0x1286, v20;
	[tilespmem:$0x1FA80] =	vst v46  }
0x171: {  	v36 =	vsel vm2, $0x1982, v36;
	v35 =	vsel vm1, $0x1985, v35;
	v15 =	vsel vm0, $0x1F86, v30;
	[tilespmem:$0x1FAD0] =	vst v51  }
0x172: {  	v8 =	vsel vm3, $0x1903, v8;
	v36 =	vsel vm3, $0x1A03, v36;
	v20 =	vsel vm0, $0x1A06, v35;
	[tilespmem:$0x1FB70] =	vst v15  }
0x173: {  	v23 =	vsel vm1, $0x1385, v23;
	v8 =	vsel vm4, $0x1984, v8;
	v52 =	vsel vm0, $0x1306, v21;
	[tilespmem:$0x1FBF0] =	vst v20  }
0x174: {  	v36 =	vsel vm4, $0x1A84, v36;
	v8 =	vsel vm1, $0x1A05, v8;
	v57 =	vsel vm0, $0x1406, v23;
	[tilespmem:$0x1FAE0] =	vst v52  }
0x175: {  	v36 =	vsel vm1, $0x1B05, v36;
	v28 =	vimm.s32 $0x202F2E2D;
	v21 =	vsel vm0, $0x1A86, v8;
	[tilespmem:$0x1FB00] =	vst v57  }
0x176: {  	v29 =	vimm.s32 $0x24232221;
	v30 =	vunpack.c.0.s8.s32 v28;
	v23 =	vsel vm0, $0x1B86, v36;
	[tilespmem:$0x1FC10] =	vst v21  }
0x177: {  	v27 =	vsel vm3, $0x1483, v27;
	v41 =	vsel vm4, $0xB04, v41;
	v31 =	vunpack.c.0.s8.s32 v29;
	[tilespmem:$0x1FC30] =	vst v23  }
0x178: {  	v12 =	vsel vm3, $0xD03, v12;
	v43 =	vsel vm4, $0xC84, v43;
	v41 =	vsel vm1, $0xB85, v41;
	[tilespmem:$0x1FCD0] =	vst v30  }
0x179: {  	v12 =	vsel vm4, $0xD84, v12;
	v43 =	vsel vm1, $0xD05, v43;
	v38 =	vsel vm0, $0xC06, v41;
	[tilespmem:$0x1FCE0] =	vst v31  }
0x17a: {  	v27 =	vsel vm4, $0x1504, v27;
	v12 =	vsel vm1, $0xE05, v12;
	v41 =	vsel vm0, $0xD86, v43;
	[tilespmem:$0x1FA00] =	vst v38  }
0x17b: {  	v27 =	vsel vm1, $0x1585, v27;
	v35 =	vimm.s32 $0x2D2C2B2A;
	v43 =	vsel vm0, $0xE86, v12;
	[tilespmem:$0x1FA30] =	vst v41  }
0x17c: {  	v45 =	vimm.s32 $0x26252423;
	v37 =	vunpack.c.0.s8.s32 v35;
	v12 =	vsel vm0, $0x1606, v27;
	[tilespmem:$0x1FA50] =	vst v43  }
0x17d: {  	v11 =	vsel vm2, $0xC02, v11;
	v50 =	vimm.s32 $0x23222120;
	v47 =	vunpack.c.0.s8.s32 v45;
	[tilespmem:$0x1FB40] =	vst v12  }
0x17e: {  	v11 =	vsel vm3, $0xC83, v11;
	v42 =	vsel vm4, $0xB84, v42;
	v58 =	vunpack.c.0.s8.s32 v50;
	[tilespmem:$0x1FD00] =	vst v37  }
0x17f: {  	v11 =	vsel vm4, $0xD04, v11;
	v42 =	vsel vm1, $0xC05, v42;
	[tilespmem:$0x1FD60] =	vst v47  }
0x180: {  	v11 =	vsel vm1, $0xD85, v11;
	v46 =	vimm.s32 $0x2A292827;
	v39 =	vsel vm0, $0xC86, v42;
	[tilespmem:$0x1FD90] =	vst v58  }
0x181: {  	v27 =	vimm.s32 $0x2C2B2A29;
	v48 =	vunpack.c.0.s8.s32 v46;
	v42 =	vsel vm0, $0xE06, v11;
	[tilespmem:$0x1FA10] =	vst v39  }
0x182: {  	v51 =	vimm.s32 $0x27262524;
	v0 =	vunpack.c.0.s8.s32 v27;
	[tilespmem:$0x1FA40] =	vst v42  }
0x183: {  	v34 =	vimm.s32 $0x28272625;
	v61 =	vunpack.c.0.s8.s32 v51;
	[tilespmem:$0x1FD70] =	vst v48  }
0x184: {  	v36 =	vimm.s32 $0x21202F2E;
	[tilespmem:$0x1FCC0] =	vst v0;
	v0 =	vunpack.c.0.s8.s32 v34  }
0x185: {  	v38 =	vunpack.c.0.s8.s32 v36;
	v39 =	vimm.s32 $0x25242322;
	[tilespmem:$0x1FDA0] =	vst v61  }
0x186: {  	v32 =	vld [tilespmem:$0x1FBA0];
	v40 =	vimm.s32 $0x29282726;
	[tilespmem:$0x1FCF0] =	vst v0;
	v0 =	vunpack.c.0.s8.s32 v39  }
0x187: {  	v33 =	vld [tilespmem:$0x1FBC0];
	v44 =	vimm.s32 $0x2221202F;
	v42 =	vunpack.c.0.s8.s32 v40;
	[tilespmem:$0x1FD10] =	vst v38  }
0x188: {  	v4 =	vsel vm2, $0x1C82, v4;
	v6 =	vld [tilespmem:$0x1FC70];
	v41 =	vimm.s32 $0x2E2D2C2B;
	[tilespmem:$0x1FD20] =	vst v0;
	v0 =	vunpack.c.0.s8.s32 v44  }
0x189: {  	v4 =	vsel vm3, $0x1D03, v4;
	v7 =	vld [tilespmem:$0x1FC90];
	v49 =	vimm.s32 $0x2F2E2D2C;
	v43 =	vunpack.c.0.s8.s32 v41;
	[tilespmem:$0x1FD30] =	vst v42  }
0x18a: {  	s1 =	simm.s32 $0x0;
	v4 =	vsel vm4, $0x1D84, v4;
	v60 =	vld [tilespmem:$0x1FBE0];
	v13 =	vimm.s32 $0x3C3B3A39;
	[tilespmem:$0x1FD50] =	vst v0;
	v0 =	vunpack.c.0.s8.s32 v49  }
0x18b: {  	[smem:$0x7FF] =	sst s1;
	v4 =	vsel vm1, $0x1E05, v4;
	v5 =	vld [tilespmem:$0x1FC50];
	v14 =	vimm.s32 $0x303F3E3D;
	v15 =	vunpack.c.0.s8.s32 v13;
	[tilespmem:$0x1FD40] =	vst v43  }
0x18c: {  	s2 =	rddreg [dreg:$0x0];
	v18 =	vimm.s32 $0x38373635;
	v19 =	vimm.s32 $0x3D3C3B3A;
	v16 =	vunpack.c.0.s8.s32 v14;
	v57 =	vld [tilespmem:$0x1FC00];
	[tilespmem:$0x1FD80] =	vst v0  }
0x18d: {  	s0 =	rddreg [dreg:$0x1];
	v20 =	vunpack.c.0.s8.s32 v18;
	v52 =	vsel vm0, $0x1E86, v4;
	v4 =	vld [tilespmem:$0x1FCB0];
	_ =	strace $0x80000047;
	[tilespmem:$0x1FDC0] =	vst v15  }
0x18e: {  	v21 =	vunpack.c.0.s8.s32 v19;
	v23 =	vimm.s32 $0x35343332;
	[tilespmem:$0x1FDD0] =	vst v16  }
0x18f: {  	v24 =	vimm.s32 $0x39383736;
	v25 =	vunpack.c.0.s8.s32 v23;
	[tilespmem:$0x1FDF0] =	vst v20  }
0x190: {  	v28 =	vimm.s32 $0x3231303F;
	v26 =	vunpack.c.0.s8.s32 v24;
	[tilespmem:$0x1FE00] =	vst v21  }
0x191: {  	v29 =	vimm.s32 $0x36353433;
	v30 =	vunpack.c.0.s8.s32 v28;
	[tilespmem:$0x1FE20] =	vst v25  }
0x192: {  	v35 =	vimm.s32 $0x3F3E3D3C;
	v31 =	vunpack.c.0.s8.s32 v29;
	[tilespmem:$0x1FE30] =	vst v26  }
0x193: {  	v36 =	vunpack.c.0.s8.s32 v35;
	v38 =	vimm.s32 $0x37363534;
	[tilespmem:$0x1FE50] =	vst v30  }
0x194: {  	v3 =	vlaneseq.u32;
	v40 =	vunpack.c.0.s8.s32 v38;
	v39 =	vimm.s32 $0x3B3A3938;
	[tilespmem:$0x1FE60] =	vst v31  }
0x195: {  	v8 =	vmul.u32 $0x32, v3;
	v41 =	vunpack.c.0.s8.s32 v39;
	[tilespmem:$0x1FE80] =	vst v36  }
0x196: {  	[tilespmem:$0x1FEA0] =	vst v40  }
0x197: {  	v42 =	vadd.s32 $0x320, v8;
	[tilespmem:$0x1FEB0] =	vst v41  }
0x198: {  	v43 =	vadd.s32 $0x640, v8;
	[tilespmem:$0x1FEC0] =	vst v42  }
0x199: {  	v44 =	vadd.s32 $0x960, v8;
	[tilespmem:$0x1FED0] =	vst v43  }
0x19a: {  	v45 =	vadd.s32 $0xC80, v8;
	[tilespmem:$0x1FEE0] =	vst v44  }
0x19b: {  	v46 =	vadd.s32 $0xFA0, v8;
	[tilespmem:$0x1FEF0] =	vst v45  }
0x19c: {  	v47 =	vadd.s32 $0x12C0, v8;
	[tilespmem:$0x1FF00] =	vst v46  }
0x19d: {  	v12 =	vimm.s32 $0x2B2A2928;
	v58 =	vadd.s32 $0x15E0, v8;
	[tilespmem:$0x1FF10] =	vst v47  }
0x19e: {  	v61 =	vor.u32 $0x10, v3;
	v0 =	vunpack.c.0.s8.s32 v12;
	[tilespmem:$0x1FF60] =	vst v58  }
0x19f: {  	v17 =	vimm.s32 $0x34333231;
	[tilespmem:$0x1FF70] =	vst v61  }
0x1a0: {  	s24 =	srdreg.scid;
	[tilespmem:$0x1FDB0] =	vst v0;
	v0 =	vunpack.c.0.s8.s32 v17  }
0x1a1: {  	s5 =	stileid.u32;
	s10 =	simm.s32 $0xFC00;
	s11 =	simm.s32 $0x17920;
	v22 =	vimm.s32 $0x31303F3E;
	[tilespmem:$0x1FFB0] =	vst v8  }
0x1a2: {  	s12 =	simm.s32 $0x1900;
	s15 =	simm.s32 $0x5;
	s16 =	simm.s32 $0x3200;
	v48 =	vld [tilespmem:$0x1FF20];
	[tilespmem:$0x1FDE0] =	vst v0;
	v0 =	vunpack.c.0.s8.s32 v22  }
0x1a3: {  	s17 =	simm.s32 $0x80;
	s19 =	simm.s32 $0x4C00;
	s20 =	simm.s32 $0x4B80;
	v27 =	vimm.s32 $0x3E3D3C3B;
	[tilespmem:$0x1FFC0] =	vst v59;
	v49 =	vld [tilespmem:$0x1FF30]  }
0x1a4: {  	s21 =	simm.s32 $0x6C00;
	s28 =	simm.s32 $0xC400;
	s3 =	sadd.s32 $0x32E00, s2;
	v50 =	vld [tilespmem:$0x1FF40];
	[tilespmem:$0x1FE10] =	vst v0;
	v0 =	vunpack.c.0.s8.s32 v27  }
0x1a5: {  	s29 =	simm.s32 $0x3;
	s22 =	sadd.s32 $0x19E00, s2;
	v1 =	vsel vm2, $0x1C02, v1;
	v34 =	vimm.s32 $0x3A393837;
	[dreg:$0x3] =	wrdreg s3;
	[tilespmem:$0x1FFD0] =	vst v62;
	v51 =	vld [tilespmem:$0x1FF50]  }
0x1a6: {  	s23 =	sadd.s32 $0xE00, s2;
	s6 =	sadd.s32 $0xF43400, s2;
	v1 =	vsel vm3, $0x1C83, v1;
	[dreg:$0x4] =	wrdreg s22;
	[tilespmem:$0x1FE40] =	vst v0;
	v0 =	vunpack.c.0.s8.s32 v34  }
0x1a7: {  	s30 =	simm.s32 $0x4;
	s4 =	sadd.s32 $0x4BE00, s2;
	v1 =	vsel vm4, $0x1D04, v1;
	v37 =	vimm.s32 $0x33323130;
	[dreg:$0x5] =	wrdreg s23;
	[tilespmem:$0x1FFE0] =	vst v56  }
0x1a8: {  	s2 =	sadd.s32 $0x4CE00, s2;
	v1 =	vsel vm1, $0x1D85, v1;
	[dreg:$0x6] =	wrdreg s4;
	s3 =	sand.u32 $0x1, s24;
	[tilespmem:$0x1FE70] =	vst v0;
	v0 =	vunpack.c.0.s8.s32 v37  }
0x1a9: {  	s31 =	sshll.u32 s5, $0x3;
	v53 =	vsel vm0, $0x1E06, v1;
	vm0 =	vcmask $0x1F10;
	[dreg:$0x7] =	wrdreg s2;
	[tilespmem:$0x1FFF0] =	vst v63;
	s25 =	ssub.s32 $0x2, s3  }
0x1aa: {  	s22 =	simm.s32 $0x1;
	s23 =	simm.s32 $0x8C00;
	s26 =	sshrl.u32 s25, $0x1;
	v1 =	vsel vm0, v51, v50;
	[tilespmem:$0x1FE90] =	vst v0;
	v0 =	vsel vm0, v49, v48  }
0x1ab: {  	s24 =	simm.s32 $0x400;
	s3 =	sshll.u32 s3, $0x2;
	s2 =	ssub.s32 s25, s26;
	[tilespmem:$0x1FF80] =	vst v0;
	v0 =	vcombine.low v1, v0  }
0x1ac: {  	s13 =	sor.u32 s3, s31;
	s3 =	simm.s32 $0x0;
	s2 =	smax.u32 s2, $0x1;
	[tilespmem:$0x1FF90] =	vst v1  }
0x1ad: {  	s25 =	simm.s32 $0x20000;
	s26 =	simm.s32 $0x2;
	[dreg:$0x8] =	wrdreg s2;
	[tilespmem:$0x1FFA0] =	vst v0  }
.LBB2_1:
0x1ae: {  	[dreg:$0x9] =	wrdreg s3  }
0x1af: {  	s2 =	rddreg [dreg:$0x6]  }
0x1b0: {  	[tilespmem:s10], [sflag:$0x5] =	stream.linear.gather [hbm4b:s2+s1], $0x7D20, $0x38;
	[tilespmem:$0x179D0] =	vst v63  }
0x1b1: {  	_ =	swait.ge [sflag:s15], $0x7D20  }
0x1b2: {  	[sflag:s15] =	ssyncset.done $0x0  }
0x1b3: {  	s31 =	rddreg [dreg:$0x7];
	[sflag:s15] =	ssyncadd.s32 $0xFFFF82E0  }
0x1b4: {  	[tilespmem:s11], [sflag:$0x5] =	stream.linear.gather [hbm4b:s31+s1], $0xB0, $0x38;
	[tilespmem:$0x179D0] =	vst v63  }
0x1b5: {  	_ =	swait.ge [sflag:s15], $0xB0  }
0x1b6: {  	[sflag:s15] =	ssyncset.done $0x0  }
0x1b7: {  	s2 =	simm.s32 $0x0;
	[sflag:s15] =	ssyncadd.s32 $0xFFFFFF50  }
.LBB2_2:
0x1b8: {  	s3 =	sadd.s32 s13, s2  }
0x1b9: {  	s5 =	smul.u32 $0x320, s3  }
0x1ba: {  	s4 =	rddreg [dreg:$0x3]  }
0x1bb: {  	s7 =	sadd.s32 s4, s5;
	s4 =	simm.s32 $0x0  }
0x1bc: {  	[tilespmem:s4], [sflag:$0x5] =	stream.linear.gather [hbm4b:s7+s4], $0x1900, $0x38;
	[tilespmem:$0x179D0] =	vst v63  }
0x1bd: {  	_ =	swait.ge [sflag:s15], $0x1900  }
0x1be: {  	[sflag:s15] =	ssyncset.done $0x0;
	s14 =	rddreg [dreg:$0x4]  }
0x1bf: {  	[sflag:s15] =	ssyncadd.s32 $0xFFFFE700;
	s7 =	sadd.s32 s14, s5  }
0x1c0: {  	[tilespmem:s12], [sflag:$0x5] =	stream.linear.gather [hbm4b:s7+s4], $0x1900, $0x38;
	[tilespmem:$0x179D0] =	vst v63  }
0x1c1: {  	_ =	swait.ge [sflag:s15], $0x1900  }
0x1c2: {  	[sflag:s15] =	ssyncset.done $0x0;
	s18 =	rddreg [dreg:$0x5]  }
0x1c3: {  	[sflag:s15] =	ssyncadd.s32 $0xFFFFE700;
	s5 =	sadd.s32 s18, s5  }
0x1c4: {  	[tilespmem:s16], [sflag:$0x5] =	stream.linear.gather [hbm4b:s5+s4], $0x1900, $0x38;
	[tilespmem:$0x179D0] =	vst v63  }
0x1c5: {  	_ =	swait.ge [sflag:s15], $0x1900  }
0x1c6: {  	[sflag:s15] =	ssyncset.done $0x0;
	v47 =	vld [tilespmem:$0x1FEC0]  }
0x1c7: {  	[sflag:s15] =	ssyncadd.s32 $0xFFFFE700  }
0x1c8: {  	v0 =	vld.idx.msk [tilespmem:v8+s4+$0x0], $0xffff;
	_ =	sdelay $0x3  }
0x1c9: {  	v48 =	vld [tilespmem:$0x1FED0]  }
0x1ca: {  	[tilespmem:$0x4B00] =	vst v0  }
0x1cb: {  	v0 =	vld.idx.msk [tilespmem:v47+s4+$0x0], $0xffff;
	_ =	sdelay $0x3  }
0x1cc: {  	v49 =	vld [tilespmem:$0x1FEE0]  }
0x1cd: {  	[tilespmem:$0x4B10] =	vst v0  }
0x1ce: {  	v0 =	vld.idx.msk [tilespmem:v48+s4+$0x0], $0xffff;
	_ =	sdelay $0x3  }
0x1cf: {  	v50 =	vld [tilespmem:$0x1FEF0]  }
0x1d0: {  	[tilespmem:$0x4B20] =	vst v0  }
0x1d1: {  	v0 =	vld.idx.msk [tilespmem:v49+s4+$0x0], $0xffff;
	_ =	sdelay $0x3  }
0x1d2: {  	v51 =	vld [tilespmem:$0x1FF00]  }
0x1d3: {  	[tilespmem:$0x4B30] =	vst v0  }
0x1d4: {  	v0 =	vld.idx.msk [tilespmem:v50+s4+$0x0], $0xffff;
	_ =	sdelay $0x3  }
0x1d5: {  	v58 =	vld [tilespmem:$0x1FF10]  }
0x1d6: {  	[tilespmem:$0x4B40] =	vst v0  }
0x1d7: {  	v0 =	vld.idx.msk [tilespmem:v51+s4+$0x0], $0xffff;
	_ =	sdelay $0x3  }
0x1d8: {  	v61 =	vld [tilespmem:$0x1FF60]  }
0x1d9: {  	[tilespmem:$0x4B50] =	vst v0  }
0x1da: {  	v0 =	vld.idx.msk [tilespmem:v58+s4+$0x0], $0xffff;
	_ =	sdelay $0x4  }
0x1db: {  	[tilespmem:$0x4B60] =	vst v0  }
0x1dc: {  	v0 =	vld.idx.msk [tilespmem:v61+s4+$0x0], $0xffff;
	_ =	sdelay $0x3  }
0x1dd: {  	s31 =	simm.s32 $0x4B00  }
0x1de: {  	s9 =	simm.s32 $0x1;
	s14 =	simm.s32 $0x0;
	s7 =	sshll.u32 s3, $0xA;
	[tilespmem:$0x4B70] =	vst v0  }
0x1df: {  	[tilespmem:s19], [sflag:$0x1] =	stream.indirect.gather [hbm4b:s6+s17], $0x40, s31, s17, $0xb8;
	[tilespmem:$0x179D0] =	vst v63  }
.LBB2_3:
0x1e0: {  	s31 =	sshllo.u32 s14, $0x1  }
0x1e1: {  	v0 =	vadd.s32 s31, v8;
	_ =	sdelay $0x3  }
0x1e2: {  	s18 =	sshll.u32 s14, $0x1  }
0x1e3: {  	s3 =	sadd.s32 $0x321, s18;
	v0 =	vld.idx.msk [tilespmem:v0+s1+$0x0], $0xffff  }
0x1e4: {  	v1 =	vadd.s32 s3, v8;
	_ =	sdelay $0x3  }
0x1e5: {  	[tilespmem:$0x4B80] =	vst v0  }
0x1e6: {  	s5 =	sor.u32 $0x641, s18;
	v0 =	vld.idx.msk [tilespmem:v1+s1+$0x0], $0xffff  }
0x1e7: {  	v48 =	vadd.s32 s5, v8;
	_ =	sdelay $0x3  }
0x1e8: {  	[tilespmem:$0x4B90] =	vst v0  }
0x1e9: {  	s8 =	sadd.s32 $0x961, s18;
	v0 =	vld.idx.msk [tilespmem:v48+s1+$0x0], $0xffff  }
0x1ea: {  	v49 =	vadd.s32 s8, v8;
	_ =	sdelay $0x3  }
0x1eb: {  	[tilespmem:$0x4BA0] =	vst v0  }
0x1ec: {  	s5 =	sor.u32 $0xC81, s18;
	v0 =	vld.idx.msk [tilespmem:v49+s1+$0x0], $0xffff  }
0x1ed: {  	v50 =	vadd.s32 s5, v8;
	_ =	sdelay $0x3  }
0x1ee: {  	[tilespmem:$0x4BB0] =	vst v0  }
0x1ef: {  	s8 =	sadd.s32 $0xFA1, s18;
	v0 =	vld.idx.msk [tilespmem:v50+s1+$0x0], $0xffff  }
0x1f0: {  	v51 =	vadd.s32 s8, v8;
	_ =	sdelay $0x3  }
0x1f1: {  	[tilespmem:$0x4BC0] =	vst v0  }
0x1f2: {  	s5 =	sor.u32 $0x12C1, s18;
	v0 =	vld.idx.msk [tilespmem:v51+s1+$0x0], $0xffff  }
0x1f3: {  	v58 =	vadd.s32 s5, v8;
	_ =	sdelay $0x3  }
0x1f4: {  	[tilespmem:$0x4BD0] =	vst v0  }
0x1f5: {  	s8 =	sadd.s32 $0x15E1, s18;
	v0 =	vld.idx.msk [tilespmem:v58+s1+$0x0], $0xffff  }
0x1f6: {  	v61 =	vadd.s32 s8, v8;
	_ =	sdelay $0x3  }
0x1f7: {  	[tilespmem:$0x4BE0] =	vst v0  }
0x1f8: {  	v0 =	vld.idx.msk [tilespmem:v61+s1+$0x0], $0xffff;
	_ =	sdelay $0x3  }
0x1f9: {  	p0 =	seq.s32 s14, $0x0  }
0x1fa: {  	s3 =	simm.s32 @!p0 $0x3;
	[tilespmem:$0x4BF0] =	vst v0  }
0x1fb: {  	[tilespmem:s21], [sflag:$0x2] =	stream.indirect.gather [hbm4b:s6+s17], $0x40, s20, s17, $0xb8;
	[tilespmem:$0x179D0] =	vst v63  }
0x1fc: {  	_ =	swait.ge @!p0 [sflag:s3], $0x3800  }
0x1fd: {  	[sflag:s3] =	ssyncset.done @!p0 $0x0  }
0x1fe: {  	[sflag:s3] =	ssyncadd.s32 @!p0 $0xFFFFC800  }
0x1ff: {  	_ =	swait.ge [sflag:s22], $0x2000  }
0x200: {  	s8 =	smov.u32 s4;
	[sflag:s22] =	ssyncset.done $0x0  }
0x201: {  	s5 =	simm.s32 $0x0;
	s3 =	simm.s32 $0xC380;
	[sflag:s22] =	ssyncadd.s32 $0xFFFFE000  }
.LBB2_4:
0x202: {  	v0 =	vld [tilespmem:$0x1FFB0];
	_ =	sdelay $0x4  }
0x203: {  	v0 =	vadd.s32 s8, v0;
	_ =	sdelay $0x4  }
0x204: {  	v1 =	vld.idx.msk [tilespmem:v0+s12+$0x0], $0xffff;
	_ =	sdelay $0x4  }
0x205: {  	v1 =	vshll.u32 v1, $0x5;
	_ =	sdelay $0x4  }
0x206: {  	v2 =	vld.idx.msk [tilespmem:v1+s10+$0x0], $0xffff  }
0x207: {  	v3 =	vor.u32 $0x1, v1;
	_ =	sdelay $0x3  }
0x208: {  	v0 =	vld.idx.msk [tilespmem:v0+s16+$0x0], $0xffff;
	[tilespmem:s3+$0xFFFFE880] =	vst v2  }
0x209: {  	v2 =	vld.idx.msk [tilespmem:v3+s10+$0x0], $0xffff  }
0x20a: {  	v3 =	vor.u32 $0x2, v1;
	_ =	sdelay $0x3  }
0x20b: {  	[tilespmem:s3+$0xFFFFE900] =	vst v2  }
0x20c: {  	v2 =	vld.idx.msk [tilespmem:v3+s10+$0x0], $0xffff  }
0x20d: {  	v3 =	vor.u32 $0x3, v1;
	_ =	sdelay $0x3  }
0x20e: {  	[tilespmem:s3+$0xFFFFE980] =	vst v2  }
0x20f: {  	v2 =	vld.idx.msk [tilespmem:v3+s10+$0x0], $0xffff  }
0x210: {  	v3 =	vor.u32 $0x4, v1;
	_ =	sdelay $0x3  }
0x211: {  	[tilespmem:s3+$0xFFFFEA00] =	vst v2  }
0x212: {  	v2 =	vld.idx.msk [tilespmem:v3+s10+$0x0], $0xffff  }
0x213: {  	v3 =	vor.u32 $0x5, v1;
	_ =	sdelay $0x3  }
0x214: {  	[tilespmem:s3+$0xFFFFEA80] =	vst v2  }
0x215: {  	v2 =	vld.idx.msk [tilespmem:v3+s10+$0x0], $0xffff  }
0x216: {  	v3 =	vor.u32 $0x6, v1;
	_ =	sdelay $0x3  }
0x217: {  	[tilespmem:s3+$0xFFFFEB00] =	vst v2  }
0x218: {  	v2 =	vld.idx.msk [tilespmem:v3+s10+$0x0], $0xffff  }
0x219: {  	v3 =	vor.u32 $0x7, v1;
	_ =	sdelay $0x3  }
0x21a: {  	[tilespmem:s3+$0xFFFFEB80] =	vst v2  }
0x21b: {  	v2 =	vld.idx.msk [tilespmem:v3+s10+$0x0], $0xffff  }
0x21c: {  	v3 =	vor.u32 $0x8, v1;
	_ =	sdelay $0x3  }
0x21d: {  	[tilespmem:s3+$0xFFFFEC00] =	vst v2  }
0x21e: {  	v2 =	vld.idx.msk [tilespmem:v3+s10+$0x0], $0xffff  }
0x21f: {  	v3 =	vor.u32 $0x9, v1;
	_ =	sdelay $0x3  }
0x220: {  	[tilespmem:s3+$0xFFFFEC80] =	vst v2  }
0x221: {  	v2 =	vld.idx.msk [tilespmem:v3+s10+$0x0], $0xffff  }
0x222: {  	v3 =	vor.u32 $0xA, v1;
	_ =	sdelay $0x3  }
0x223: {  	[tilespmem:s3+$0xFFFFED00] =	vst v2  }
0x224: {  	v2 =	vld.idx.msk [tilespmem:v3+s10+$0x0], $0xffff  }
0x225: {  	v3 =	vor.u32 $0xB, v1;
	_ =	sdelay $0x3  }
0x226: {  	[tilespmem:s3+$0xFFFFED80] =	vst v2  }
0x227: {  	v2 =	vld.idx.msk [tilespmem:v3+s10+$0x0], $0xffff  }
0x228: {  	v3 =	vor.u32 $0xC, v1;
	_ =	sdelay $0x3  }
0x229: {  	[tilespmem:s3+$0xFFFFEE00] =	vst v2  }
0x22a: {  	v2 =	vld.idx.msk [tilespmem:v3+s10+$0x0], $0xffff  }
0x22b: {  	v3 =	vor.u32 $0xD, v1;
	_ =	sdelay $0x3  }
0x22c: {  	[tilespmem:s3+$0xFFFFEE80] =	vst v2  }
0x22d: {  	v2 =	vld.idx.msk [tilespmem:v3+s10+$0x0], $0xffff  }
0x22e: {  	v3 =	vor.u32 $0xE, v1;
	_ =	sdelay $0x3  }
0x22f: {  	[tilespmem:s3+$0xFFFFEF00] =	vst v2  }
0x230: {  	v2 =	vld.idx.msk [tilespmem:v3+s10+$0x0], $0xffff  }
0x231: {  	v3 =	vor.u32 $0xF, v1;
	_ =	sdelay $0x3  }
0x232: {  	[tilespmem:s3+$0xFFFFEF80] =	vst v2  }
0x233: {  	v2 =	vld.idx.msk [tilespmem:v3+s10+$0x0], $0xffff  }
0x234: {  	v3 =	vor.u32 $0x10, v1;
	_ =	sdelay $0x3  }
0x235: {  	[tilespmem:s3+$0xFFFFF000] =	vst v2  }
0x236: {  	v2 =	vld.idx.msk [tilespmem:v3+s10+$0x0], $0xffff  }
0x237: {  	v3 =	vor.u32 $0x11, v1;
	_ =	sdelay $0x3  }
0x238: {  	[tilespmem:s3+$0xFFFFF080] =	vst v2  }
0x239: {  	v2 =	vld.idx.msk [tilespmem:v3+s10+$0x0], $0xffff  }
0x23a: {  	v3 =	vor.u32 $0x12, v1;
	_ =	sdelay $0x3  }
0x23b: {  	[tilespmem:s3+$0xFFFFF100] =	vst v2  }
0x23c: {  	v2 =	vld.idx.msk [tilespmem:v3+s10+$0x0], $0xffff  }
0x23d: {  	v3 =	vor.u32 $0x13, v1;
	_ =	sdelay $0x3  }
0x23e: {  	[tilespmem:s3+$0xFFFFF180] =	vst v2  }
0x23f: {  	v2 =	vld.idx.msk [tilespmem:v3+s10+$0x0], $0xffff  }
0x240: {  	v3 =	vor.u32 $0x14, v1;
	_ =	sdelay $0x3  }
0x241: {  	[tilespmem:s3+$0xFFFFF200] =	vst v2  }
0x242: {  	v2 =	vld.idx.msk [tilespmem:v3+s10+$0x0], $0xffff  }
0x243: {  	v3 =	vor.u32 $0x15, v1;
	_ =	sdelay $0x3  }
0x244: {  	[tilespmem:s3+$0xFFFFF280] =	vst v2  }
0x245: {  	v2 =	vld.idx.msk [tilespmem:v3+s10+$0x0], $0xffff  }
0x246: {  	v3 =	vor.u32 $0x16, v1;
	_ =	sdelay $0x3  }
0x247: {  	[tilespmem:s3+$0xFFFFF300] =	vst v2  }
0x248: {  	v2 =	vld.idx.msk [tilespmem:v3+s10+$0x0], $0xffff  }
0x249: {  	v3 =	vor.u32 $0x17, v1;
	_ =	sdelay $0x3  }
0x24a: {  	[tilespmem:s3+$0xFFFFF380] =	vst v2  }
0x24b: {  	v2 =	vld.idx.msk [tilespmem:v3+s10+$0x0], $0xffff  }
0x24c: {  	v3 =	vor.u32 $0x18, v1;
	_ =	sdelay $0x3  }
0x24d: {  	[tilespmem:s3+$0xFFFFF400] =	vst v2  }
0x24e: {  	v2 =	vld.idx.msk [tilespmem:v3+s10+$0x0], $0xffff  }
0x24f: {  	v3 =	vor.u32 $0x19, v1;
	_ =	sdelay $0x3  }
0x250: {  	[tilespmem:s3+$0xFFFFF480] =	vst v2  }
0x251: {  	v2 =	vld.idx.msk [tilespmem:v3+s10+$0x0], $0xffff  }
0x252: {  	v3 =	vor.u32 $0x1A, v1;
	_ =	sdelay $0x3  }
0x253: {  	[tilespmem:s3+$0xFFFFF500] =	vst v2  }
0x254: {  	v2 =	vld.idx.msk [tilespmem:v3+s10+$0x0], $0xffff  }
0x255: {  	v3 =	vor.u32 $0x1B, v1;
	_ =	sdelay $0x3  }
0x256: {  	[tilespmem:s3+$0xFFFFF580] =	vst v2  }
0x257: {  	v2 =	vld.idx.msk [tilespmem:v3+s10+$0x0], $0xffff  }
0x258: {  	v3 =	vor.u32 $0x1C, v1;
	_ =	sdelay $0x3  }
0x259: {  	[tilespmem:s3+$0xFFFFF600] =	vst v2  }
0x25a: {  	v2 =	vld.idx.msk [tilespmem:v3+s10+$0x0], $0xffff  }
0x25b: {  	v3 =	vor.u32 $0x1D, v1;
	_ =	sdelay $0x3  }
0x25c: {  	[tilespmem:s3+$0xFFFFF680] =	vst v2  }
0x25d: {  	v2 =	vld.idx.msk [tilespmem:v3+s10+$0x0], $0xffff  }
0x25e: {  	v3 =	vor.u32 $0x1E, v1;
	_ =	sdelay $0x3  }
0x25f: {  	[tilespmem:s3+$0xFFFFF700] =	vst v2  }
0x260: {  	v2 =	vld.idx.msk [tilespmem:v3+s10+$0x0], $0xffff  }
0x261: {  	v1 =	vor.u32 $0x1F, v1;
	_ =	sdelay $0x3  }
0x262: {  	[tilespmem:s3+$0xFFFFF780] =	vst v2  }
0x263: {  	v1 =	vld.idx.msk [tilespmem:v1+s10+$0x0], $0xffff  }
0x264: {  	v0 =	vshll.u32 v0, $0x4;
	_ =	sdelay $0x3  }
0x265: {  	[tilespmem:s3+$0xFFFFF800] =	vst v1  }
0x266: {  	v1 =	vld.idx.msk [tilespmem:v0+s11+$0x0], $0xffff  }
0x267: {  	v49 =	vor.u32 $0x1, v0;
	_ =	sdelay $0x3  }
0x268: {  	[tilespmem:s3+$0xFFFFF880] =	vst v1  }
0x269: {  	v1 =	vld.idx.msk [tilespmem:v49+s11+$0x0], $0xffff  }
0x26a: {  	v50 =	vor.u32 $0x2, v0;
	_ =	sdelay $0x3  }
0x26b: {  	[tilespmem:s3+$0xFFFFF900] =	vst v1  }
0x26c: {  	v1 =	vld.idx.msk [tilespmem:v50+s11+$0x0], $0xffff  }
0x26d: {  	v51 =	vor.u32 $0x3, v0;
	_ =	sdelay $0x3  }
0x26e: {  	[tilespmem:s3+$0xFFFFF980] =	vst v1  }
0x26f: {  	v1 =	vld.idx.msk [tilespmem:v51+s11+$0x0], $0xffff  }
0x270: {  	v58 =	vor.u32 $0x4, v0;
	_ =	sdelay $0x3  }
0x271: {  	[tilespmem:s3+$0xFFFFFA00] =	vst v1  }
0x272: {  	v1 =	vld.idx.msk [tilespmem:v58+s11+$0x0], $0xffff  }
0x273: {  	v61 =	vor.u32 $0x5, v0;
	_ =	sdelay $0x3  }
0x274: {  	[tilespmem:s3+$0xFFFFFA80] =	vst v1  }
0x275: {  	v1 =	vld.idx.msk [tilespmem:v61+s11+$0x0], $0xffff  }
0x276: {  	v34 =	vor.u32 $0x6, v0;
	_ =	sdelay $0x3  }
0x277: {  	[tilespmem:s3+$0xFFFFFB00] =	vst v1  }
0x278: {  	v1 =	vld.idx.msk [tilespmem:v34+s11+$0x0], $0xffff  }
0x279: {  	v35 =	vor.u32 $0x7, v0;
	_ =	sdelay $0x3  }
0x27a: {  	[tilespmem:s3+$0xFFFFFB80] =	vst v1  }
0x27b: {  	v1 =	vld.idx.msk [tilespmem:v35+s11+$0x0], $0xffff  }
0x27c: {  	v36 =	vor.u32 $0x8, v0;
	_ =	sdelay $0x3  }
0x27d: {  	[tilespmem:s3+$0xFFFFFC00] =	vst v1  }
0x27e: {  	v1 =	vld.idx.msk [tilespmem:v36+s11+$0x0], $0xffff  }
0x27f: {  	v37 =	vor.u32 $0x9, v0;
	_ =	sdelay $0x3  }
0x280: {  	[tilespmem:s3+$0xFFFFFC80] =	vst v1  }
0x281: {  	v1 =	vld.idx.msk [tilespmem:v37+s11+$0x0], $0xffff  }
0x282: {  	v38 =	vor.u32 $0xA, v0;
	_ =	sdelay $0x3  }
0x283: {  	[tilespmem:s3+$0xFFFFFD00] =	vst v1  }
0x284: {  	v1 =	vld.idx.msk [tilespmem:v38+s11+$0x0], $0xffff  }
0x285: {  	v39 =	vor.u32 $0xB, v0;
	_ =	sdelay $0x3  }
0x286: {  	[tilespmem:s3+$0xFFFFFD80] =	vst v1  }
0x287: {  	v1 =	vld.idx.msk [tilespmem:v39+s11+$0x0], $0xffff  }
0x288: {  	v40 =	vor.u32 $0xC, v0;
	_ =	sdelay $0x3  }
0x289: {  	[tilespmem:s3+$0xFFFFFE00] =	vst v1  }
0x28a: {  	v1 =	vld.idx.msk [tilespmem:v40+s11+$0x0], $0xffff  }
0x28b: {  	v41 =	vor.u32 $0xD, v0;
	_ =	sdelay $0x3  }
0x28c: {  	[tilespmem:s3+$0xFFFFFE80] =	vst v1  }
0x28d: {  	v1 =	vld.idx.msk [tilespmem:v41+s11+$0x0], $0xffff  }
0x28e: {  	v42 =	vor.u32 $0xE, v0;
	_ =	sdelay $0x3  }
0x28f: {  	[tilespmem:s3+$0xFFFFFF00] =	vst v1  }
0x290: {  	v1 =	vld.idx.msk [tilespmem:v42+s11+$0x0], $0xffff  }
0x291: {  	v0 =	vor.u32 $0xF, v0;
	_ =	sdelay $0x2  }
0x292: {  	v44 =	vlaneseq.u32  }
0x293: {  	v43 =	vor.u32 s5, v44;
	[tilespmem:s3+$0xFFFFFF80] =	vst v1  }
0x294: {  	v49 =	vshll.u32 v43, $0x6;
	v0 =	vld.idx.msk [tilespmem:v0+s11+$0x0], $0xffff  }
0x295: {  	v45 =	vor.u32 v44, v49;
	_ =	sdelay $0x3  }
0x296: {  	v50 =	vand.u32 $0x78, v43;
	[tilespmem:s3+$0x0] =	vst v0  }
0x297: {  	v46 =	vor.u32 v54, v50;
	v0 =	vld.idx.msk [tilespmem:v45+s19+$0x0], $0xffff  }
0x298: {  	v48 =	vld [tilespmem:$0x1F790];
	v47 =	vor.u32 v55, v49  }
0x299: {  	v61 =	vld [tilespmem:$0x1F7A0];
	_ =	sdelay $0x2  }
0x29a: {  	[tilespmem:v46+s23+$0x0] =	vst.idx.msk $0xffff, v0  }
0x29b: {  	v1 =	vor.u32 v48, v50;
	v0 =	vld.idx.msk [tilespmem:v47+s19+$0x0], $0xffff  }
0x29c: {  	v51 =	vor.u32 v61, v49;
	_ =	sdelay $0x3  }
0x29d: {  	[tilespmem:v1+s23+$0x0] =	vst.idx.msk $0xffff, v0  }
0x29e: {  	v58 =	vor.u32 v59, v50;
	v0 =	vld.idx.msk [tilespmem:v51+s19+$0x0], $0xffff  }
0x29f: {  	v59 =	vor.u32 v56, v49;
	v61 =	vld [tilespmem:$0x1F7B0];
	_ =	sdelay $0x3  }
0x2a0: {  	[tilespmem:v58+s23+$0x0] =	vst.idx.msk $0xffff, v0  }
0x2a1: {  	v1 =	vor.u32 v61, v50;
	v0 =	vld.idx.msk [tilespmem:v59+s19+$0x0], $0xffff  }
0x2a2: {  	v63 =	vor.u32 v63, v49  }
0x2a3: {  	v35 =	vld [tilespmem:$0x1F7C0];
	_ =	sdelay $0x2  }
0x2a4: {  	[tilespmem:v1+s23+$0x0] =	vst.idx.msk $0xffff, v0  }
0x2a5: {  	v34 =	vor.u32 v62, v50;
	v0 =	vld.idx.msk [tilespmem:v63+s19+$0x0], $0xffff  }
0x2a6: {  	v2 =	vor.u32 v35, v49;
	_ =	sdelay $0x3  }
0x2a7: {  	[tilespmem:v34+s23+$0x0] =	vst.idx.msk $0xffff, v0  }
0x2a8: {  	v36 =	vor.u32 v32, v50;
	v0 =	vld.idx.msk [tilespmem:v2+s19+$0x0], $0xffff  }
0x2a9: {  	v37 =	vor.u32 v4, v49;
	_ =	sdelay $0x3  }
0x2aa: {  	[tilespmem:v36+s23+$0x0] =	vst.idx.msk $0xffff, v0  }
0x2ab: {  	v38 =	vor.u32 v33, v50;
	v0 =	vld.idx.msk [tilespmem:v37+s19+$0x0], $0xffff  }
0x2ac: {  	v39 =	vor.u32 v5, v49;
	_ =	sdelay $0x3  }
0x2ad: {  	[tilespmem:v38+s23+$0x0] =	vst.idx.msk $0xffff, v0  }
0x2ae: {  	v40 =	vor.u32 v60, v50;
	v0 =	vld.idx.msk [tilespmem:v39+s19+$0x0], $0xffff  }
0x2af: {  	v41 =	vor.u32 v6, v49;
	_ =	sdelay $0x3  }
0x2b0: {  	[tilespmem:v40+s23+$0x0] =	vst.idx.msk $0xffff, v0  }
0x2b1: {  	v42 =	vor.u32 v57, v50;
	v0 =	vld.idx.msk [tilespmem:v41+s19+$0x0], $0xffff  }
0x2b2: {  	v43 =	vor.u32 v7, v49;
	v45 =	vld [tilespmem:$0x1F7D0]  }
0x2b3: {  	v46 =	vld [tilespmem:$0x1F7E0];
	_ =	sdelay $0x2  }
0x2b4: {  	[tilespmem:v42+s23+$0x0] =	vst.idx.msk $0xffff, v0  }
0x2b5: {  	v1 =	vor.u32 v45, v50;
	v0 =	vld.idx.msk [tilespmem:v43+s19+$0x0], $0xffff  }
0x2b6: {  	v47 =	vld [tilespmem:$0x1F7F0];
	v2 =	vor.u32 v46, v49  }
0x2b7: {  	v48 =	vld [tilespmem:$0x1F800];
	_ =	sdelay $0x2  }
0x2b8: {  	[tilespmem:v1+s23+$0x0] =	vst.idx.msk $0xffff, v0  }
0x2b9: {  	v1 =	vor.u32 v47, v50;
	v0 =	vld.idx.msk [tilespmem:v2+s19+$0x0], $0xffff  }
0x2ba: {  	v51 =	vld [tilespmem:$0x1F810];
	v2 =	vor.u32 v48, v49  }
0x2bb: {  	v56 =	vld [tilespmem:$0x1F820];
	_ =	sdelay $0x2  }
0x2bc: {  	[tilespmem:v1+s23+$0x0] =	vst.idx.msk $0xffff, v0  }
0x2bd: {  	v1 =	vor.u32 v51, v50;
	v0 =	vld.idx.msk [tilespmem:v2+s19+$0x0], $0xffff  }
0x2be: {  	v63 =	vmov v57;
	v57 =	vld [tilespmem:$0x1F830];
	v2 =	vor.u32 v56, v49  }
0x2bf: {  	v58 =	vld [tilespmem:$0x1F840];
	_ =	sdelay $0x2  }
0x2c0: {  	[tilespmem:v1+s23+$0x0] =	vst.idx.msk $0xffff, v0  }
0x2c1: {  	v1 =	vor.u32 v57, v50;
	v0 =	vld.idx.msk [tilespmem:v2+s19+$0x0], $0xffff  }
0x2c2: {  	v59 =	vld [tilespmem:$0x1F850];
	v2 =	vor.u32 v58, v49  }
0x2c3: {  	v35 =	vmov v60;
	v60 =	vld [tilespmem:$0x1F860];
	_ =	sdelay $0x2  }
0x2c4: {  	[tilespmem:v1+s23+$0x0] =	vst.idx.msk $0xffff, v0  }
0x2c5: {  	v1 =	vor.u32 v59, v50;
	v0 =	vld.idx.msk [tilespmem:v2+s19+$0x0], $0xffff  }
0x2c6: {  	v61 =	vld [tilespmem:$0x1F870];
	v2 =	vor.u32 v60, v49  }
0x2c7: {  	v62 =	vld [tilespmem:$0x1F880];
	_ =	sdelay $0x2  }
0x2c8: {  	[tilespmem:v1+s23+$0x0] =	vst.idx.msk $0xffff, v0  }
0x2c9: {  	v1 =	vor.u32 v61, v50;
	v0 =	vld.idx.msk [tilespmem:v2+s19+$0x0], $0xffff  }
0x2ca: {  	v34 =	vld [tilespmem:$0x1F890];
	v2 =	vor.u32 v62, v49  }
0x2cb: {  	v36 =	vld [tilespmem:$0x1FF70];
	_ =	sdelay $0x2  }
0x2cc: {  	v15 =	vld [tilespmem:$0x1F8D0];
	[tilespmem:v1+s23+$0x0] =	vst.idx.msk $0xffff, v0  }
0x2cd: {  	v1 =	vor.u32 v34, v50;
	v0 =	vld.idx.msk [tilespmem:v2+s19+$0x0], $0xffff  }
0x2ce: {  	v37 =	vld [tilespmem:$0x1F8A0];
	v2 =	vor.u32 v36, v49  }
0x2cf: {  	v38 =	vld [tilespmem:$0x1FFA0]  }
0x2d0: {  	v16 =	vld [tilespmem:$0x1F8E0]  }
0x2d1: {  	v17 =	vld [tilespmem:$0x1F8F0]  }
0x2d2: {  	v6 =	vld [tilespmem:$0x1F8C0];
	[tilespmem:v1+s23+$0x0] =	vst.idx.msk $0xffff, v0  }
0x2d3: {  	v1 =	vor.u32 v37, v50;
	v0 =	vld.idx.msk [tilespmem:v2+s19+$0x0], $0xffff  }
0x2d4: {  	v39 =	vld [tilespmem:$0x1F8B0];
	v2 =	vor.u32 v38, v49  }
0x2d5: {  	v18 =	vld [tilespmem:$0x1F910]  }
0x2d6: {  	v19 =	vld [tilespmem:$0x1F920]  }
0x2d7: {  	v20 =	vld [tilespmem:$0x1F930];
	v8 =	vsel vm0, v17, v16;
	v7 =	vsel vm0, v15, v6  }
0x2d8: {  	v21 =	vld [tilespmem:$0x1F940];
	v3 =	vcombine.low v8, v7;
	[tilespmem:v1+s23+$0x0] =	vst.idx.msk $0xffff, v0  }
0x2d9: {  	v1 =	vor.u32 v39, v50;
	v0 =	vld.idx.msk [tilespmem:v2+s19+$0x0], $0xffff  }
0x2da: {  	v40 =	vor.u32 v3, v49;
	v41 =	vld [tilespmem:$0x1F900]  }
0x2db: {  	v22 =	vld [tilespmem:$0x1F960]  }
0x2dc: {  	v23 =	vld [tilespmem:$0x1F970]  }
0x2dd: {  	v24 =	vld [tilespmem:$0x1F980];
	v9 =	vsel vm0, v19, v18;
	v10 =	vsel vm0, v21, v20;
	[tilespmem:$0x1F6D0] =	vst v3  }
0x2de: {  	v25 =	vld [tilespmem:$0x1F990];
	v3 =	vcombine.low v10, v9;
	[tilespmem:v1+s23+$0x0] =	vst.idx.msk $0xffff, v0  }
0x2df: {  	v42 =	vor.u32 v41, v50;
	v1 =	vld.idx.msk [tilespmem:v40+s19+$0x0], $0xffff  }
0x2e0: {  	v45 =	vld [tilespmem:$0x1F950];
	[tilespmem:$0x1F6E0] =	vst v3;
	v3 =	vor.u32 v3, v49  }
0x2e1: {  	v46 =	vld [tilespmem:$0x1FF30]  }
0x2e2: {  	v47 =	vld [tilespmem:$0x1FF40]  }
0x2e3: {  	v11 =	vsel vm0, v23, v22;
	v12 =	vsel vm0, v25, v24;
	v48 =	vld [tilespmem:$0x1FF20]  }
0x2e4: {  	v43 =	vcombine.low v12, v11;
	v51 =	vld [tilespmem:$0x1FF50];
	[tilespmem:v42+s23+$0x0] =	vst.idx.msk $0xffff, v1  }
0x2e5: {  	v2 =	vld.idx.msk [tilespmem:v3+s19+$0x0], $0xffff;
	v3 =	vor.u32 v45, v50  }
0x2e6: {  	v4 =	vor.u32 v43, v49;
	v56 =	vld [tilespmem:$0x1F9A0];
	_ =	sdelay $0x2  }
0x2e7: {  	v13 =	vsel vm0, v47, v46;
	v14 =	vsel vm0, v48, v51  }
0x2e8: {  	v1 =	vcombine.low v14, v13;
	[tilespmem:v3+s23+$0x0] =	vst.idx.msk $0xffff, v2  }
0x2e9: {  	v3 =	vld.idx.msk [tilespmem:v4+s19+$0x0], $0xffff;
	v4 =	vor.u32 v56, v50  }
0x2ea: {  	v58 =	vld [tilespmem:$0x1F9B0];
	v5 =	vor.u32 v1, v49;
	_ =	sdelay $0x2  }
0x2eb: {  	v15 =	vsel vm0, v16, v15;
	v16 =	vsel vm0, v6, v17  }
0x2ec: {  	v57 =	vcombine.low v16, v15;
	[tilespmem:v4+s23+$0x0] =	vst.idx.msk $0xffff, v3  }
0x2ed: {  	v4 =	vld.idx.msk [tilespmem:v5+s19+$0x0], $0xffff;
	v5 =	vor.u32 v58, v50  }
0x2ee: {  	v6 =	vor.u32 v57, v49;
	v60 =	vld [tilespmem:$0x1F9C0];
	_ =	sdelay $0x2  }
0x2ef: {  	v18 =	vsel vm0, v18, v21;
	v17 =	vsel vm0, v20, v19  }
0x2f0: {  	v59 =	vcombine.low v18, v17;
	[tilespmem:v5+s23+$0x0] =	vst.idx.msk $0xffff, v4  }
0x2f1: {  	v5 =	vld.idx.msk [tilespmem:v6+s19+$0x0], $0xffff;
	v6 =	vor.u32 v60, v50  }
0x2f2: {  	v19 =	vor.u32 v59, v49;
	v62 =	vld [tilespmem:$0x1F9D0];
	_ =	sdelay $0x2  }
0x2f3: {  	v21 =	vsel vm0, v22, v25;
	v20 =	vsel vm0, v24, v23;
	v34 =	vld [tilespmem:$0x1FF80]  }
0x2f4: {  	v61 =	vcombine.low v21, v20;
	v36 =	vld [tilespmem:$0x1FF90];
	[tilespmem:v6+s23+$0x0] =	vst.idx.msk $0xffff, v5  }
0x2f5: {  	v6 =	vld.idx.msk [tilespmem:v19+s19+$0x0], $0xffff;
	v19 =	vor.u32 v62, v50  }
0x2f6: {  	v20 =	vor.u32 v61, v49;
	v37 =	vld [tilespmem:$0x1F9E0];
	_ =	sdelay $0x2  }
0x2f7: {  	[tilespmem:$0x1F700] =	vst v1  }
0x2f8: {  	v1 =	vcombine.low v34, v36;
	[tilespmem:v19+s23+$0x0] =	vst.idx.msk $0xffff, v6  }
0x2f9: {  	v19 =	vld.idx.msk [tilespmem:v20+s19+$0x0], $0xffff;
	v20 =	vor.u32 v37, v50  }
0x2fa: {  	v39 =	vld [tilespmem:$0x1F9F0];
	v21 =	vor.u32 v1, v49;
	_ =	sdelay $0x3  }
0x2fb: {  	v38 =	vcombine.low v7, v8;
	[tilespmem:v20+s23+$0x0] =	vst.idx.msk $0xffff, v19  }
0x2fc: {  	v19 =	vor.u32 v39, v50;
	v8 =	vld.idx.msk [tilespmem:v21+s19+$0x0], $0xffff  }
0x2fd: {  	v41 =	vld [tilespmem:$0x1FA00];
	v20 =	vor.u32 v38, v49;
	_ =	sdelay $0x3  }
0x2fe: {  	v40 =	vcombine.low v9, v10;
	[tilespmem:v19+s23+$0x0] =	vst.idx.msk $0xffff, v8  }
0x2ff: {  	v10 =	vor.u32 v41, v50;
	v9 =	vld.idx.msk [tilespmem:v20+s19+$0x0], $0xffff  }
0x300: {  	[tilespmem:$0x1F6F0] =	vst v43;
	v43 =	vld [tilespmem:$0x1FA10];
	v19 =	vor.u32 v40, v49;
	_ =	sdelay $0x3  }
0x301: {  	v42 =	vcombine.low v11, v12;
	[tilespmem:v10+s23+$0x0] =	vst.idx.msk $0xffff, v9  }
0x302: {  	v11 =	vor.u32 v43, v50;
	v10 =	vld.idx.msk [tilespmem:v19+s19+$0x0], $0xffff  }
0x303: {  	v46 =	vld [tilespmem:$0x1FA20];
	v12 =	vor.u32 v42, v49;
	_ =	sdelay $0x3  }
0x304: {  	v45 =	vcombine.low v13, v14;
	[tilespmem:v11+s23+$0x0] =	vst.idx.msk $0xffff, v10  }
0x305: {  	v11 =	vld.idx.msk [tilespmem:v12+s19+$0x0], $0xffff;
	v12 =	vor.u32 v46, v50  }
0x306: {  	v48 =	vld [tilespmem:$0x1FA30];
	v13 =	vor.u32 v45, v49;
	_ =	sdelay $0x3  }
0x307: {  	v47 =	vcombine.low v15, v16;
	[tilespmem:v12+s23+$0x0] =	vst.idx.msk $0xffff, v11  }
0x308: {  	v12 =	vld.idx.msk [tilespmem:v13+s19+$0x0], $0xffff;
	v13 =	vor.u32 v48, v50  }
0x309: {  	v14 =	vor.u32 v47, v49;
	v56 =	vld [tilespmem:$0x1FA40];
	_ =	sdelay $0x3  }
0x30a: {  	v51 =	vcombine.low v17, v18;
	[tilespmem:v13+s23+$0x0] =	vst.idx.msk $0xffff, v12  }
0x30b: {  	v13 =	vld.idx.msk [tilespmem:v14+s19+$0x0], $0xffff;
	v14 =	vor.u32 v56, v50  }
0x30c: {  	v15 =	vor.u32 v51, v49;
	[tilespmem:$0x1F710] =	vst v57;
	v57 =	vld [tilespmem:$0x1FA50]  }
0x30d: {  	[tilespmem:$0x1F720] =	vst v59;
	v59 =	vld [tilespmem:$0x1FCC0]  }
0x30e: {  	v3 =	vld [tilespmem:$0x1FCE0]  }
0x30f: {  	v4 =	vld [tilespmem:$0x1FCF0]  }
0x310: {  	v60 =	vld [tilespmem:$0x1FCD0];
	[tilespmem:v14+s23+$0x0] =	vst.idx.msk $0xffff, v13  }
0x311: {  	v34 =	vor.u32 $0x20, v44;
	v14 =	vld.idx.msk [tilespmem:v15+s19+$0x0], $0xffff;
	v15 =	vor.u32 v57, v50  }
0x312: {  	v16 =	vor.u32 v34, v49;
	v62 =	vld [tilespmem:$0x1FA60]  }
0x313: {  	v7 =	vld [tilespmem:$0x1FD20]  }
0x314: {  	v5 =	vld [tilespmem:$0x1FD00]  }
0x315: {  	v23 =	vsel vm0, v4, v3;
	v22 =	vsel vm0, v60, v59;
	v6 =	vld [tilespmem:$0x1FD10]  }
0x316: {  	v8 =	vld [tilespmem:$0x1FD30];
	[tilespmem:v15+s23+$0x0] =	vst.idx.msk $0xffff, v14;
	v14 =	vcombine.low v23, v22  }
0x317: {  	v15 =	vld.idx.msk [tilespmem:v16+s19+$0x0], $0xffff;
	v16 =	vor.u32 v62, v50  }
0x318: {  	v36 =	vld [tilespmem:$0x1FA70];
	v17 =	vor.u32 v14, v49  }
0x319: {  	v41 =	vld [tilespmem:$0x1FD70]  }
0x31a: {  	v39 =	vld [tilespmem:$0x1FD50]  }
0x31b: {  	[tilespmem:$0x1F760] =	vst v40;
	v24 =	vsel vm0, v6, v5;
	v40 =	vld [tilespmem:$0x1FD60];
	v25 =	vsel vm0, v8, v7  }
0x31c: {  	v9 =	vld [tilespmem:$0x1FD40];
	[tilespmem:v16+s23+$0x0] =	vst.idx.msk $0xffff, v15;
	v15 =	vcombine.low v25, v24  }
0x31d: {  	v16 =	vld.idx.msk [tilespmem:v17+s19+$0x0], $0xffff;
	v17 =	vor.u32 v36, v50  }
0x31e: {  	v37 =	vld [tilespmem:$0x1FA80];
	v18 =	vor.u32 v15, v49  }
0x31f: {  	v43 =	vld [tilespmem:$0x1FD80]  }
0x320: {  	[tilespmem:$0x1F770] =	vst v42;
	v42 =	vld [tilespmem:$0x1FD90]  }
0x321: {  	[tilespmem:$0x1F780] =	vst v45;
	v45 =	vld [tilespmem:$0x1FDA0];
	v27 =	vsel vm0, v41, v40;
	v26 =	vsel vm0, v39, v9  }
0x322: {  	v46 =	vld [tilespmem:$0x1FDB0];
	[tilespmem:v17+s23+$0x0] =	vst.idx.msk $0xffff, v16;
	v16 =	vcombine.low v27, v26  }
0x323: {  	v17 =	vld.idx.msk [tilespmem:v18+s19+$0x0], $0xffff;
	v18 =	vor.u32 v37, v50  }
0x324: {  	[tilespmem:$0x1F750] =	vst v38;
	v38 =	vld [tilespmem:$0x1FA90];
	v19 =	vor.u32 v16, v49;
	_ =	sdelay $0x2  }
0x325: {  	v28 =	vsel vm0, v42, v43;
	v29 =	vsel vm0, v46, v45  }
0x326: {  	[tilespmem:v18+s23+$0x0] =	vst.idx.msk $0xffff, v17;
	v17 =	vcombine.low v29, v28  }
0x327: {  	v18 =	vld.idx.msk [tilespmem:v19+s19+$0x0], $0xffff;
	v19 =	vor.u32 v38, v50  }
0x328: {  	v58 =	vmov v47;
	v47 =	vld [tilespmem:$0x1FAA0];
	v20 =	vor.u32 v17, v49;
	_ =	sdelay $0x2  }
0x329: {  	v31 =	vsel vm0, v59, v4;
	v30 =	vsel vm0, v3, v60  }
0x32a: {  	[tilespmem:v19+s23+$0x0] =	vst.idx.msk $0xffff, v18;
	v18 =	vcombine.low v31, v30  }
0x32b: {  	v19 =	vld.idx.msk [tilespmem:v20+s19+$0x0], $0xffff;
	v20 =	vor.u32 v47, v50  }
0x32c: {  	v48 =	vld [tilespmem:$0x1FAB0];
	v21 =	vor.u32 v18, v49;
	_ =	sdelay $0x2  }
0x32d: {  	v36 =	vsel vm0, v7, v6;
	v37 =	vsel vm0, v5, v8  }
0x32e: {  	[tilespmem:v20+s23+$0x0] =	vst.idx.msk $0xffff, v19;
	v19 =	vcombine.low v37, v36  }
0x32f: {  	v20 =	vld.idx.msk [tilespmem:v21+s19+$0x0], $0xffff;
	v21 =	vor.u32 v48, v50  }
0x330: {  	[tilespmem:$0x1F730] =	vst v61;
	v61 =	vmov v51;
	v51 =	vld [tilespmem:$0x1FAC0];
	v38 =	vor.u32 v19, v49;
	_ =	sdelay $0x2  }
0x331: {  	v39 =	vsel vm0, v40, v39;
	v40 =	vsel vm0, v9, v41  }
0x332: {  	[tilespmem:v21+s23+$0x0] =	vst.idx.msk $0xffff, v20;
	v20 =	vcombine.low v40, v39  }
0x333: {  	v56 =	vor.u32 v51, v50;
	v21 =	vld.idx.msk [tilespmem:v38+s19+$0x0], $0xffff  }
0x334: {  	v59 =	vld [tilespmem:$0x1FAD0];
	v57 =	vor.u32 v20, v49;
	_ =	sdelay $0x2  }
0x335: {  	v42 =	vsel vm0, v45, v42;
	v43 =	vsel vm0, v43, v46  }
0x336: {  	[tilespmem:v56+s23+$0x0] =	vst.idx.msk $0xffff, v21;
	v21 =	vcombine.low v43, v42  }
0x337: {  	v60 =	vor.u32 v59, v50;
	v38 =	vld.idx.msk [tilespmem:v57+s19+$0x0], $0xffff  }
0x338: {  	v62 =	vld [tilespmem:$0x1FAE0];
	v42 =	vor.u32 v21, v49;
	_ =	sdelay $0x3  }
0x339: {  	v22 =	vcombine.low v22, v23;
	[tilespmem:v60+s23+$0x0] =	vst.idx.msk $0xffff, v38  }
0x33a: {  	[tilespmem:$0x1F740] =	vst v1;
	v1 =	vor.u32 v62, v50;
	v23 =	vld.idx.msk [tilespmem:v42+s19+$0x0], $0xffff  }
0x33b: {  	v2 =	vor.u32 v22, v49;
	v43 =	vld [tilespmem:$0x1FAF0];
	_ =	sdelay $0x3  }
0x33c: {  	[tilespmem:v1+s23+$0x0] =	vst.idx.msk $0xffff, v23;
	v23 =	vcombine.low v24, v25  }
0x33d: {  	v25 =	vor.u32 v43, v50;
	v24 =	vld.idx.msk [tilespmem:v2+s19+$0x0], $0xffff  }
0x33e: {  	v46 =	vld [tilespmem:$0x1FB00];
	v45 =	vor.u32 v23, v49;
	_ =	sdelay $0x3  }
0x33f: {  	[tilespmem:v25+s23+$0x0] =	vst.idx.msk $0xffff, v24;
	v24 =	vcombine.low v26, v27  }
0x340: {  	v26 =	vor.u32 v46, v50;
	v25 =	vld.idx.msk [tilespmem:v45+s19+$0x0], $0xffff  }
0x341: {  	v47 =	vld [tilespmem:$0x1FB10];
	v27 =	vor.u32 v24, v49;
	_ =	sdelay $0x3  }
0x342: {  	[tilespmem:v26+s23+$0x0] =	vst.idx.msk $0xffff, v25;
	v25 =	vcombine.low v28, v29  }
0x343: {  	v26 =	vld.idx.msk [tilespmem:v27+s19+$0x0], $0xffff;
	v27 =	vor.u32 v47, v50  }
0x344: {  	v48 =	vld [tilespmem:$0x1FB20];
	v28 =	vor.u32 v25, v49;
	_ =	sdelay $0x3  }
0x345: {  	[tilespmem:v27+s23+$0x0] =	vst.idx.msk $0xffff, v26;
	v26 =	vcombine.low v30, v31  }
0x346: {  	v27 =	vld.idx.msk [tilespmem:v28+s19+$0x0], $0xffff;
	v28 =	vor.u32 v48, v50  }
0x347: {  	v51 =	vld [tilespmem:$0x1FB30];
	v29 =	vor.u32 v26, v49;
	_ =	sdelay $0x3  }
0x348: {  	[tilespmem:v28+s23+$0x0] =	vst.idx.msk $0xffff, v27;
	v27 =	vcombine.low v36, v37  }
0x349: {  	v28 =	vld.idx.msk [tilespmem:v29+s19+$0x0], $0xffff;
	v29 =	vor.u32 v51, v50  }
0x34a: {  	v56 =	vld [tilespmem:$0x1FB40];
	v30 =	vor.u32 v27, v49;
	_ =	sdelay $0x3  }
0x34b: {  	[tilespmem:v29+s23+$0x0] =	vst.idx.msk $0xffff, v28;
	v28 =	vcombine.low v39, v40  }
0x34c: {  	v29 =	vld.idx.msk [tilespmem:v30+s19+$0x0], $0xffff;
	v30 =	vor.u32 v56, v50  }
0x34d: {  	v57 =	vld [tilespmem:$0x1FB50];
	v31 =	vor.u32 v28, v49  }
0x34e: {  	v4 =	vld [tilespmem:$0x1FDF0]  }
0x34f: {  	v3 =	vld [tilespmem:$0x1FDE0]  }
0x350: {  	v1 =	vld [tilespmem:$0x1FDC0]  }
0x351: {  	v2 =	vld [tilespmem:$0x1FDD0];
	[tilespmem:v30+s23+$0x0] =	vst.idx.msk $0xffff, v29  }
0x352: {  	v29 =	vor.u32 $0x30, v44;
	v30 =	vld.idx.msk [tilespmem:v31+s19+$0x0], $0xffff;
	v31 =	vor.u32 v57, v50  }
0x353: {  	v60 =	vld [tilespmem:$0x1FB60];
	v59 =	vor.u32 v29, v49  }
0x354: {  	v6 =	vld [tilespmem:$0x1FE00]  }
0x355: {  	v7 =	vld [tilespmem:$0x1FE20]  }
0x356: {  	v5 =	vld [tilespmem:$0x1FE10];
	v43 =	vsel vm0, v4, v3;
	v42 =	vsel vm0, v2, v1  }
0x357: {  	v56 =	vld [tilespmem:$0x1FE30];
	[tilespmem:v31+s23+$0x0] =	vst.idx.msk $0xffff, v30;
	v30 =	vcombine.low v43, v42  }
0x358: {  	v62 =	vor.u32 v60, v50;
	v31 =	vld.idx.msk [tilespmem:v59+s19+$0x0], $0xffff  }
0x359: {  	v40 =	vld [tilespmem:$0x1FB70];
	v0 =	vor.u32 v30, v49  }
0x35a: {  	v60 =	vld [tilespmem:$0x1FE70]  }
0x35b: {  	v57 =	vld [tilespmem:$0x1FE50]  }
0x35c: {  	v44 =	vsel vm0, v5, v6;
	v45 =	vsel vm0, v56, v7;
	v59 =	vld [tilespmem:$0x1FE40]  }
0x35d: {  	[tilespmem:v62+s23+$0x0] =	vst.idx.msk $0xffff, v31;
	v31 =	vcombine.low v45, v44;
	v62 =	vld [tilespmem:$0x1FE60]  }
0x35e: {  	v41 =	vor.u32 v40, v50;
	v36 =	vld.idx.msk [tilespmem:v0+s19+$0x0], $0xffff  }
0x35f: {  	v51 =	vld [tilespmem:$0x1FB80];
	v48 =	vor.u32 v31, v49  }
0x360: {  	v10 =	vld [tilespmem:$0x1FE80]  }
0x361: {  	v11 =	vld [tilespmem:$0x1FE90]  }
0x362: {  	v12 =	vld [tilespmem:$0x1FEA0];
	v46 =	vsel vm0, v57, v59;
	v47 =	vsel vm0, v60, v62  }
0x363: {  	v13 =	vld [tilespmem:$0x1FEB0];
	[tilespmem:v41+s23+$0x0] =	vst.idx.msk $0xffff, v36;
	v36 =	vcombine.low v47, v46  }
0x364: {  	v38 =	vor.u32 v51, v50;
	v37 =	vld.idx.msk [tilespmem:v48+s19+$0x0], $0xffff  }
0x365: {  	v41 =	vld [tilespmem:$0x1FB90];
	v0 =	vor.u32 v36, v49;
	_ =	sdelay $0x2  }
0x366: {  	v51 =	vsel vm0, v13, v12;
	v48 =	vsel vm0, v11, v10  }
0x367: {  	[tilespmem:v38+s23+$0x0] =	vst.idx.msk $0xffff, v37;
	v37 =	vcombine.low v51, v48  }
0x368: {  	v39 =	vor.u32 v41, v50;
	v38 =	vld.idx.msk [tilespmem:v0+s19+$0x0], $0xffff  }
0x369: {  	v41 =	vld [tilespmem:$0x1FBB0];
	v0 =	vor.u32 v37, v49;
	_ =	sdelay $0x2  }
0x36a: {  	v9 =	vmovc v52;
	v8 =	vmov v53;
	v53 =	vsel vm0, v1, v4;
	v52 =	vsel vm0, v3, v2  }
0x36b: {  	[tilespmem:v39+s23+$0x0] =	vst.idx.msk $0xffff, v38;
	v38 =	vcombine.low v53, v52  }
0x36c: {  	v4 =	vmovc v32;
	v32 =	vmov v54;
	v54 =	vsel vm0, v7, v5;
	v1 =	vor.u32 v41, v50;
	v39 =	vld.idx.msk [tilespmem:v0+s19+$0x0], $0xffff  }
0x36d: {  	v5 =	vmovc v33;
	v33 =	vmov v55;
	v55 =	vsel vm0, v6, v56;
	v56 =	vld [tilespmem:$0x1FBD0];
	v2 =	vor.u32 v38, v49;
	_ =	sdelay $0x3  }
0x36e: {  	[tilespmem:v1+s23+$0x0] =	vst.idx.msk $0xffff, v39;
	v39 =	vcombine.low v55, v54  }
0x36f: {  	v1 =	vor.u32 v56, v50;
	v40 =	vld.idx.msk [tilespmem:v2+s19+$0x0], $0xffff  }
0x370: {  	v7 =	vmov v63;
	v63 =	vld [tilespmem:$0x1FBF0];
	v2 =	vor.u32 v39, v49;
	_ =	sdelay $0x2  }
0x371: {  	v59 =	vsel vm0, v59, v60;
	v57 =	vsel vm0, v62, v57  }
0x372: {  	[tilespmem:v1+s23+$0x0] =	vst.idx.msk $0xffff, v40;
	v40 =	vcombine.low v59, v57  }
0x373: {  	v56 =	vor.u32 v63, v50;
	v41 =	vld.idx.msk [tilespmem:v2+s19+$0x0], $0xffff  }
0x374: {  	v3 =	vld [tilespmem:$0x1FC10];
	v2 =	vor.u32 v40, v49;
	_ =	sdelay $0x2  }
0x375: {  	v0 =	vsel vm0, v12, v11;
	v1 =	vsel vm0, v10, v13  }
0x376: {  	[tilespmem:v56+s23+$0x0] =	vst.idx.msk $0xffff, v41;
	v41 =	vcombine.low v1, v0  }
0x377: {  	v56 =	vld.idx.msk [tilespmem:v2+s19+$0x0], $0xffff;
	v2 =	vor.u32 v3, v50  }
0x378: {  	v63 =	vld [tilespmem:$0x1FC20];
	v62 =	vor.u32 v41, v49;
	_ =	sdelay $0x3  }
0x379: {  	v42 =	vcombine.low v42, v43;
	[tilespmem:v2+s23+$0x0] =	vst.idx.msk $0xffff, v56  }
0x37a: {  	v1 =	vor.u32 v63, v50;
	v43 =	vld.idx.msk [tilespmem:v62+s19+$0x0], $0xffff  }
0x37b: {  	v63 =	vld [tilespmem:$0x1FC30];
	v2 =	vor.u32 v42, v49;
	_ =	sdelay $0x3  }
0x37c: {  	[tilespmem:v1+s23+$0x0] =	vst.idx.msk $0xffff, v43;
	v43 =	vcombine.low v44, v45  }
0x37d: {  	v44 =	vld.idx.msk [tilespmem:v2+s19+$0x0], $0xffff;
	v2 =	vor.u32 v63, v50  }
0x37e: {  	v63 =	vld [tilespmem:$0x1FC40];
	v60 =	vor.u32 v43, v49;
	_ =	sdelay $0x3  }
0x37f: {  	[tilespmem:v2+s23+$0x0] =	vst.idx.msk $0xffff, v44  }
0x380: {  	v45 =	vld.idx.msk [tilespmem:v60+s19+$0x0], $0xffff;
	v60 =	vmov v35;
	v35 =	vor.u32 v63, v50;
	_ =	sdelay $0x2  }
0x381: {  	v44 =	vcombine.low v46, v47;
	_ =	sdelay $0x1  }
0x382: {  	v47 =	vor.u32 v44, v49;
	[tilespmem:v35+s23+$0x0] =	vst.idx.msk $0xffff, v45;
	v45 =	vcombine.low v48, v51;
	v51 =	vld [tilespmem:$0x1FC60];
	_ =	sdelay $0x4  }
0x383: {  	v46 =	vld.idx.msk [tilespmem:v47+s19+$0x0], $0xffff;
	v56 =	vor.u32 v51, v50  }
0x384: {  	v63 =	vld [tilespmem:$0x1FC80];
	v48 =	vor.u32 v45, v49;
	_ =	sdelay $0x3  }
0x385: {  	[tilespmem:v56+s23+$0x0] =	vst.idx.msk $0xffff, v46;
	v46 =	vcombine.low v52, v53  }
0x386: {  	v1 =	vor.u32 v63, v50;
	v47 =	vld.idx.msk [tilespmem:v48+s19+$0x0], $0xffff  }
0x387: {  	v63 =	vld [tilespmem:$0x1FCA0];
	v2 =	vor.u32 v46, v49;
	_ =	sdelay $0x3  }
0x388: {  	[tilespmem:v1+s23+$0x0] =	vst.idx.msk $0xffff, v47;
	v47 =	vcombine.low v54, v55  }
0x389: {  	v1 =	vor.u32 v63, v50;
	v48 =	vld.idx.msk [tilespmem:v2+s19+$0x0], $0xffff  }
0x38a: {  	v2 =	vor.u32 v47, v49;
	_ =	sdelay $0x3  }
0x38b: {  	[tilespmem:v1+s23+$0x0] =	vst.idx.msk $0xffff, v48;
	v48 =	vcombine.low v57, v59  }
0x38c: {  	v35 =	vor.u32 v8, v50;
	v51 =	vld.idx.msk [tilespmem:v2+s19+$0x0], $0xffff  }
0x38d: {  	v49 =	vor.u32 v48, v49;
	_ =	sdelay $0x1  }
0x38e: {  	v6 =	vld [tilespmem:$0x1FC70]  }
0x38f: {  	v62 =	vld [tilespmem:$0x1FFD0]  }
0x390: {  	v56 =	vld [tilespmem:$0x1FFE0];
	[tilespmem:v35+s23+$0x0] =	vst.idx.msk $0xffff, v51  }
0x391: {  	p1 =	sne.s32 s5, $0x70;
	v50 =	vor.u32 v9, v50;
	v49 =	vld.idx.msk [tilespmem:v49+s19+$0x0], $0xffff  }
.Ltmp0:
0x392: {  	v55 =	vmov v33;
	v33 =	vmov v5;
	v5 =	vld [tilespmem:$0x1FC50];
	(pc) =	sbr.rel @p1 .LBB2_4-.Ltmp0, $4  }
0x393: {  	v54 =	vmov v32;
	v32 =	vmov v4;
	v4 =	vld [tilespmem:$0x1FCB0]  }
0x394: {  	v63 =	vld [tilespmem:$0x1FFF0]  }
0x395: {  	v59 =	vld [tilespmem:$0x1FFC0]  }
0x396: {  	s5 =	sadd.s32 $0x10, s5;
	s8 =	sadd.s32 $0x320, s8;
	s3 =	sadd.s32 $0x10, s3;
	v53 =	vmov v8;
	v52 =	vmov v9;
	v57 =	vmov v7;
	v7 =	vld [tilespmem:$0x1FC90];
	[tilespmem:v50+s23+$0x0] =	vst.idx.msk $0xffff, v49  }
0x397: {  	p1 =	sgt.u32 s31, $0x30  }
0x398: {  	v49 =	vlaneseq.u32 @!p1  }
0x399: {  	s3 =	smul.u32 $0x380000, s14;
	v49 =	vmul.u32 @!p1 $0x32, v49  }
0x39a: {  	s5 =	sadd.s32 @!p1 $0x2, s18  }
0x39b: {  	s3 =	sadd.s32 s7, s3;
	v50 =	vadd.s32 @!p1 s5, v49  }
0x39c: {  	s3 =	sshrl.u32 s3, $0x3  }
0x39d: {  	s3 =	sadd.s32 s0, s3  }
0x39e: {  	[hbm4b:s3+s24] =	stream.strided.scatter [tilespmem:s23], [sflag:$0x3], $0x3800, s25, s24, $0x38;
	[tilespmem:$0x179D0] =	vst v63  }
0x39f: {  	s3 =	simm.s32 @!p1 $0x0  }
0x3a0: {  	s5 =	sadd.s32 @!p1 $0x322, s18;
	v50 =	vld.idx.msk @!p1 [tilespmem:v50+s3+$0x0], $0xffff  }
0x3a1: {  	v51 =	vadd.s32 @!p1 s5, v49;
	_ =	sdelay $0x3  }
0x3a2: {  	[tilespmem:$0x4B00] =	vst @!p1 v50  }
0x3a3: {  	s5 =	sadd.s32 @!p1 $0x642, s18;
	v50 =	vld.idx.msk @!p1 [tilespmem:v51+s3+$0x0], $0xffff  }
0x3a4: {  	v51 =	vadd.s32 @!p1 s5, v49;
	_ =	sdelay $0x3  }
0x3a5: {  	[tilespmem:$0x4B10] =	vst @!p1 v50  }
0x3a6: {  	s5 =	sadd.s32 @!p1 $0x962, s18;
	v50 =	vld.idx.msk @!p1 [tilespmem:v51+s3+$0x0], $0xffff  }
0x3a7: {  	v51 =	vadd.s32 @!p1 s5, v49;
	_ =	sdelay $0x3  }
0x3a8: {  	[tilespmem:$0x4B20] =	vst @!p1 v50  }
0x3a9: {  	s5 =	sadd.s32 @!p1 $0xC82, s18;
	v50 =	vld.idx.msk @!p1 [tilespmem:v51+s3+$0x0], $0xffff  }
0x3aa: {  	v51 =	vadd.s32 @!p1 s5, v49;
	_ =	sdelay $0x3  }
0x3ab: {  	[tilespmem:$0x4B30] =	vst @!p1 v50  }
0x3ac: {  	s5 =	sadd.s32 @!p1 $0xFA2, s18;
	v50 =	vld.idx.msk @!p1 [tilespmem:v51+s3+$0x0], $0xffff  }
0x3ad: {  	v51 =	vadd.s32 @!p1 s5, v49;
	_ =	sdelay $0x3  }
0x3ae: {  	[tilespmem:$0x4B40] =	vst @!p1 v50  }
0x3af: {  	s5 =	sadd.s32 @!p1 $0x12C2, s18;
	v50 =	vld.idx.msk @!p1 [tilespmem:v51+s3+$0x0], $0xffff  }
0x3b0: {  	v51 =	vadd.s32 @!p1 s5, v49;
	_ =	sdelay $0x3  }
0x3b1: {  	[tilespmem:$0x4B50] =	vst @!p1 v50  }
0x3b2: {  	s5 =	sadd.s32 @!p1 $0x15E2, s18;
	v50 =	vld.idx.msk @!p1 [tilespmem:v51+s3+$0x0], $0xffff  }
0x3b3: {  	v49 =	vadd.s32 @!p1 s5, v49;
	_ =	sdelay $0x3  }
0x3b4: {  	[tilespmem:$0x4B60] =	vst @!p1 v50  }
0x3b5: {  	v49 =	vld.idx.msk @!p1 [tilespmem:v49+s3+$0x0], $0xffff;
	_ =	sdelay $0x4  }
0x3b6: {  	s8 =	simm.s32 @!p1 $0x4C00;
	s5 =	simm.s32 @!p1 $0x4B00;
	s3 =	simm.s32 @!p1 $0x80;
	[tilespmem:$0x4B70] =	vst @!p1 v49  }
0x3b7: {  	[tilespmem:s8], [sflag:$0x1] =	stream.indirect.gather @!p1 [hbm4b:s6+s3], $0x40, s5, s3, $0xb8;
	[tilespmem:$0x179D0] =	vst v63  }
0x3b8: {  	s3 =	simm.s32 @!p0 $0x4  }
0x3b9: {  	_ =	swait.ge @!p0 [sflag:s3], $0x3800  }
0x3ba: {  	[sflag:s3] =	ssyncset.done @!p0 $0x0  }
0x3bb: {  	[sflag:s3] =	ssyncadd.s32 @!p0 $0xFFFFC800  }
0x3bc: {  	_ =	swait.ge [sflag:s26], $0x2000  }
0x3bd: {  	v0 =	vld [tilespmem:$0x1F7D0]  }
0x3be: {  	v1 =	vld [tilespmem:$0x1F7E0]  }
0x3bf: {  	v2 =	vld [tilespmem:$0x1F7F0]  }
0x3c0: {  	s5 =	simm.s32 $0xFB80;
	[sflag:s26] =	ssyncset.done $0x0;
	v3 =	vld [tilespmem:$0x1F800]  }
0x3c1: {  	v13 =	vmov v34;
	s8 =	smov.u32 s9;
	s3 =	simm.s32 $0x0;
	v10 =	vld [tilespmem:$0x1F780];
	[sflag:s26] =	ssyncadd.s32 $0xFFFFE000  }
.LBB2_6:
0x3c2: {  	v49 =	vld [tilespmem:$0x1FFB0];
	_ =	sdelay $0x4  }
0x3c3: {  	v49 =	vadd.s32 s8, v49;
	_ =	sdelay $0x4  }
0x3c4: {  	v50 =	vld.idx.msk [tilespmem:v49+s12+$0x0], $0xffff;
	_ =	sdelay $0x4  }
0x3c5: {  	v50 =	vshll.u32 v50, $0x5;
	_ =	sdelay $0x4  }
0x3c6: {  	v51 =	vld.idx.msk [tilespmem:v50+s10+$0x0], $0xffff  }
0x3c7: {  	v52 =	vor.u32 $0x1, v50;
	_ =	sdelay $0x3  }
0x3c8: {  	v49 =	vld.idx.msk [tilespmem:v49+s16+$0x0], $0xffff;
	[tilespmem:s5+$0xFFFFE880] =	vst v51  }
0x3c9: {  	v51 =	vld.idx.msk [tilespmem:v52+s10+$0x0], $0xffff  }
0x3ca: {  	v35 =	vor.u32 $0x2, v50;
	_ =	sdelay $0x3  }
0x3cb: {  	[tilespmem:s5+$0xFFFFE900] =	vst v51  }
0x3cc: {  	v51 =	vld.idx.msk [tilespmem:v35+s10+$0x0], $0xffff  }
0x3cd: {  	v34 =	vor.u32 $0x3, v50;
	_ =	sdelay $0x3  }
0x3ce: {  	[tilespmem:s5+$0xFFFFE980] =	vst v51  }
0x3cf: {  	v51 =	vld.idx.msk [tilespmem:v34+s10+$0x0], $0xffff  }
0x3d0: {  	v35 =	vor.u32 $0x4, v50;
	_ =	sdelay $0x3  }
0x3d1: {  	[tilespmem:s5+$0xFFFFEA00] =	vst v51  }
0x3d2: {  	v51 =	vld.idx.msk [tilespmem:v35+s10+$0x0], $0xffff  }
0x3d3: {  	v34 =	vor.u32 $0x5, v50;
	_ =	sdelay $0x3  }
0x3d4: {  	[tilespmem:s5+$0xFFFFEA80] =	vst v51  }
0x3d5: {  	v51 =	vld.idx.msk [tilespmem:v34+s10+$0x0], $0xffff  }
0x3d6: {  	v35 =	vor.u32 $0x6, v50;
	_ =	sdelay $0x3  }
0x3d7: {  	[tilespmem:s5+$0xFFFFEB00] =	vst v51  }
0x3d8: {  	v51 =	vld.idx.msk [tilespmem:v35+s10+$0x0], $0xffff  }
0x3d9: {  	v34 =	vor.u32 $0x7, v50;
	_ =	sdelay $0x3  }
0x3da: {  	[tilespmem:s5+$0xFFFFEB80] =	vst v51  }
0x3db: {  	v51 =	vld.idx.msk [tilespmem:v34+s10+$0x0], $0xffff  }
0x3dc: {  	v35 =	vor.u32 $0x8, v50;
	_ =	sdelay $0x3  }
0x3dd: {  	[tilespmem:s5+$0xFFFFEC00] =	vst v51  }
0x3de: {  	v51 =	vld.idx.msk [tilespmem:v35+s10+$0x0], $0xffff  }
0x3df: {  	v34 =	vor.u32 $0x9, v50;
	_ =	sdelay $0x3  }
0x3e0: {  	[tilespmem:s5+$0xFFFFEC80] =	vst v51  }
0x3e1: {  	v51 =	vld.idx.msk [tilespmem:v34+s10+$0x0], $0xffff  }
0x3e2: {  	v35 =	vor.u32 $0xA, v50;
	_ =	sdelay $0x3  }
0x3e3: {  	[tilespmem:s5+$0xFFFFED00] =	vst v51  }
0x3e4: {  	v51 =	vld.idx.msk [tilespmem:v35+s10+$0x0], $0xffff  }
0x3e5: {  	v34 =	vor.u32 $0xB, v50;
	_ =	sdelay $0x3  }
0x3e6: {  	[tilespmem:s5+$0xFFFFED80] =	vst v51  }
0x3e7: {  	v51 =	vld.idx.msk [tilespmem:v34+s10+$0x0], $0xffff  }
0x3e8: {  	v35 =	vor.u32 $0xC, v50;
	_ =	sdelay $0x3  }
0x3e9: {  	[tilespmem:s5+$0xFFFFEE00] =	vst v51  }
0x3ea: {  	v51 =	vld.idx.msk [tilespmem:v35+s10+$0x0], $0xffff  }
0x3eb: {  	v34 =	vor.u32 $0xD, v50;
	_ =	sdelay $0x3  }
0x3ec: {  	[tilespmem:s5+$0xFFFFEE80] =	vst v51  }
0x3ed: {  	v51 =	vld.idx.msk [tilespmem:v34+s10+$0x0], $0xffff  }
0x3ee: {  	v35 =	vor.u32 $0xE, v50;
	_ =	sdelay $0x3  }
0x3ef: {  	[tilespmem:s5+$0xFFFFEF00] =	vst v51  }
0x3f0: {  	v51 =	vld.idx.msk [tilespmem:v35+s10+$0x0], $0xffff  }
0x3f1: {  	v34 =	vor.u32 $0xF, v50;
	_ =	sdelay $0x3  }
0x3f2: {  	[tilespmem:s5+$0xFFFFEF80] =	vst v51  }
0x3f3: {  	v51 =	vld.idx.msk [tilespmem:v34+s10+$0x0], $0xffff  }
0x3f4: {  	v35 =	vor.u32 $0x10, v50;
	_ =	sdelay $0x3  }
0x3f5: {  	[tilespmem:s5+$0xFFFFF000] =	vst v51  }
0x3f6: {  	v51 =	vld.idx.msk [tilespmem:v35+s10+$0x0], $0xffff  }
0x3f7: {  	v34 =	vor.u32 $0x11, v50;
	_ =	sdelay $0x3  }
0x3f8: {  	[tilespmem:s5+$0xFFFFF080] =	vst v51  }
0x3f9: {  	v51 =	vld.idx.msk [tilespmem:v34+s10+$0x0], $0xffff  }
0x3fa: {  	v35 =	vor.u32 $0x12, v50;
	_ =	sdelay $0x3  }
0x3fb: {  	[tilespmem:s5+$0xFFFFF100] =	vst v51  }
0x3fc: {  	v51 =	vld.idx.msk [tilespmem:v35+s10+$0x0], $0xffff  }
0x3fd: {  	v34 =	vor.u32 $0x13, v50;
	_ =	sdelay $0x3  }
0x3fe: {  	[tilespmem:s5+$0xFFFFF180] =	vst v51  }
0x3ff: {  	v51 =	vld.idx.msk [tilespmem:v34+s10+$0x0], $0xffff  }
0x400: {  	v35 =	vor.u32 $0x14, v50;
	_ =	sdelay $0x3  }
0x401: {  	[tilespmem:s5+$0xFFFFF200] =	vst v51  }
0x402: {  	v51 =	vld.idx.msk [tilespmem:v35+s10+$0x0], $0xffff  }
0x403: {  	v34 =	vor.u32 $0x15, v50;
	_ =	sdelay $0x3  }
0x404: {  	[tilespmem:s5+$0xFFFFF280] =	vst v51  }
0x405: {  	v51 =	vld.idx.msk [tilespmem:v34+s10+$0x0], $0xffff  }
0x406: {  	v35 =	vor.u32 $0x16, v50;
	_ =	sdelay $0x3  }
0x407: {  	[tilespmem:s5+$0xFFFFF300] =	vst v51  }
0x408: {  	v51 =	vld.idx.msk [tilespmem:v35+s10+$0x0], $0xffff  }
0x409: {  	v34 =	vor.u32 $0x17, v50;
	_ =	sdelay $0x3  }
0x40a: {  	[tilespmem:s5+$0xFFFFF380] =	vst v51  }
0x40b: {  	v51 =	vld.idx.msk [tilespmem:v34+s10+$0x0], $0xffff  }
0x40c: {  	v35 =	vor.u32 $0x18, v50;
	_ =	sdelay $0x3  }
0x40d: {  	[tilespmem:s5+$0xFFFFF400] =	vst v51  }
0x40e: {  	v51 =	vld.idx.msk [tilespmem:v35+s10+$0x0], $0xffff  }
0x40f: {  	v34 =	vor.u32 $0x19, v50;
	_ =	sdelay $0x3  }
0x410: {  	[tilespmem:s5+$0xFFFFF480] =	vst v51  }
0x411: {  	v51 =	vld.idx.msk [tilespmem:v34+s10+$0x0], $0xffff  }
0x412: {  	v35 =	vor.u32 $0x1A, v50;
	_ =	sdelay $0x3  }
0x413: {  	[tilespmem:s5+$0xFFFFF500] =	vst v51  }
0x414: {  	v51 =	vld.idx.msk [tilespmem:v35+s10+$0x0], $0xffff  }
0x415: {  	v34 =	vor.u32 $0x1B, v50;
	_ =	sdelay $0x3  }
0x416: {  	[tilespmem:s5+$0xFFFFF580] =	vst v51  }
0x417: {  	v51 =	vld.idx.msk [tilespmem:v34+s10+$0x0], $0xffff  }
0x418: {  	v35 =	vor.u32 $0x1C, v50;
	_ =	sdelay $0x3  }
0x419: {  	[tilespmem:s5+$0xFFFFF600] =	vst v51  }
0x41a: {  	v51 =	vld.idx.msk [tilespmem:v35+s10+$0x0], $0xffff  }
0x41b: {  	v34 =	vor.u32 $0x1D, v50;
	_ =	sdelay $0x3  }
0x41c: {  	[tilespmem:s5+$0xFFFFF680] =	vst v51  }
0x41d: {  	v51 =	vld.idx.msk [tilespmem:v34+s10+$0x0], $0xffff  }
0x41e: {  	v35 =	vor.u32 $0x1E, v50;
	_ =	sdelay $0x3  }
0x41f: {  	[tilespmem:s5+$0xFFFFF700] =	vst v51  }
0x420: {  	v51 =	vld.idx.msk [tilespmem:v35+s10+$0x0], $0xffff  }
0x421: {  	v50 =	vor.u32 $0x1F, v50;
	_ =	sdelay $0x3  }
0x422: {  	[tilespmem:s5+$0xFFFFF780] =	vst v51  }
0x423: {  	v50 =	vld.idx.msk [tilespmem:v50+s10+$0x0], $0xffff  }
0x424: {  	v49 =	vshll.u32 v49, $0x4;
	_ =	sdelay $0x3  }
0x425: {  	[tilespmem:s5+$0xFFFFF800] =	vst v50  }
0x426: {  	v50 =	vld.idx.msk [tilespmem:v49+s11+$0x0], $0xffff  }
0x427: {  	v34 =	vor.u32 $0x1, v49;
	_ =	sdelay $0x3  }
0x428: {  	[tilespmem:s5+$0xFFFFF880] =	vst v50  }
0x429: {  	v50 =	vld.idx.msk [tilespmem:v34+s11+$0x0], $0xffff  }
0x42a: {  	v35 =	vor.u32 $0x2, v49;
	_ =	sdelay $0x3  }
0x42b: {  	[tilespmem:s5+$0xFFFFF900] =	vst v50  }
0x42c: {  	v50 =	vld.idx.msk [tilespmem:v35+s11+$0x0], $0xffff  }
0x42d: {  	v34 =	vor.u32 $0x3, v49;
	_ =	sdelay $0x3  }
0x42e: {  	[tilespmem:s5+$0xFFFFF980] =	vst v50  }
0x42f: {  	v50 =	vld.idx.msk [tilespmem:v34+s11+$0x0], $0xffff  }
0x430: {  	v35 =	vor.u32 $0x4, v49;
	_ =	sdelay $0x3  }
0x431: {  	[tilespmem:s5+$0xFFFFFA00] =	vst v50  }
0x432: {  	v50 =	vld.idx.msk [tilespmem:v35+s11+$0x0], $0xffff  }
0x433: {  	v34 =	vor.u32 $0x5, v49;
	_ =	sdelay $0x3  }
0x434: {  	[tilespmem:s5+$0xFFFFFA80] =	vst v50  }
0x435: {  	v50 =	vld.idx.msk [tilespmem:v34+s11+$0x0], $0xffff  }
0x436: {  	v35 =	vor.u32 $0x6, v49;
	_ =	sdelay $0x3  }
0x437: {  	[tilespmem:s5+$0xFFFFFB00] =	vst v50  }
0x438: {  	v50 =	vld.idx.msk [tilespmem:v35+s11+$0x0], $0xffff  }
0x439: {  	v34 =	vor.u32 $0x7, v49;
	_ =	sdelay $0x3  }
0x43a: {  	[tilespmem:s5+$0xFFFFFB80] =	vst v50  }
0x43b: {  	v50 =	vld.idx.msk [tilespmem:v34+s11+$0x0], $0xffff  }
0x43c: {  	v35 =	vor.u32 $0x8, v49;
	_ =	sdelay $0x3  }
0x43d: {  	[tilespmem:s5+$0xFFFFFC00] =	vst v50  }
0x43e: {  	v50 =	vld.idx.msk [tilespmem:v35+s11+$0x0], $0xffff  }
0x43f: {  	v34 =	vor.u32 $0x9, v49;
	_ =	sdelay $0x3  }
0x440: {  	[tilespmem:s5+$0xFFFFFC80] =	vst v50  }
0x441: {  	v50 =	vld.idx.msk [tilespmem:v34+s11+$0x0], $0xffff  }
0x442: {  	v35 =	vor.u32 $0xA, v49;
	_ =	sdelay $0x3  }
0x443: {  	[tilespmem:s5+$0xFFFFFD00] =	vst v50  }
0x444: {  	v50 =	vld.idx.msk [tilespmem:v35+s11+$0x0], $0xffff  }
0x445: {  	v34 =	vor.u32 $0xB, v49;
	_ =	sdelay $0x3  }
0x446: {  	[tilespmem:s5+$0xFFFFFD80] =	vst v50  }
0x447: {  	v50 =	vld.idx.msk [tilespmem:v34+s11+$0x0], $0xffff  }
0x448: {  	v35 =	vor.u32 $0xC, v49;
	_ =	sdelay $0x3  }
0x449: {  	[tilespmem:s5+$0xFFFFFE00] =	vst v50  }
0x44a: {  	v50 =	vld.idx.msk [tilespmem:v35+s11+$0x0], $0xffff  }
0x44b: {  	v34 =	vor.u32 $0xD, v49;
	_ =	sdelay $0x3  }
0x44c: {  	[tilespmem:s5+$0xFFFFFE80] =	vst v50  }
0x44d: {  	v50 =	vld.idx.msk [tilespmem:v34+s11+$0x0], $0xffff  }
0x44e: {  	v35 =	vor.u32 $0xE, v49;
	_ =	sdelay $0x3  }
0x44f: {  	[tilespmem:s5+$0xFFFFFF00] =	vst v50  }
0x450: {  	v50 =	vld.idx.msk [tilespmem:v35+s11+$0x0], $0xffff  }
0x451: {  	v49 =	vor.u32 $0xF, v49;
	_ =	sdelay $0x2  }
0x452: {  	v34 =	vlaneseq.u32  }
0x453: {  	v35 =	vor.u32 s3, v34;
	[tilespmem:s5+$0xFFFFFF80] =	vst v50  }
0x454: {  	v50 =	vld.idx.msk [tilespmem:v49+s11+$0x0], $0xffff;
	v49 =	vshll.u32 v35, $0x6  }
0x455: {  	v52 =	vor.u32 v34, v49;
	_ =	sdelay $0x3  }
0x456: {  	[tilespmem:s5+$0x0] =	vst v50;
	v50 =	vand.u32 $0x78, v35  }
0x457: {  	v34 =	vld.idx.msk [tilespmem:v52+s21+$0x0], $0xffff;
	v35 =	vor.u32 v54, v50  }
0x458: {  	v53 =	vor.u32 v55, v49;
	_ =	sdelay $0x3  }
0x459: {  	[tilespmem:v35+s28+$0x0] =	vst.idx.msk $0xffff, v34;
	v34 =	vld [tilespmem:$0x1F790]  }
0x45a: {  	v51 =	vld.idx.msk [tilespmem:v53+s21+$0x0], $0xffff  }
0x45b: {  	v53 =	vld [tilespmem:$0x1F7A0];
	_ =	sdelay $0x3  }
0x45c: {  	v52 =	vor.u32 v34, v50  }
0x45d: {  	v35 =	vor.u32 v53, v49;
	_ =	sdelay $0x3  }
0x45e: {  	[tilespmem:v52+s28+$0x0] =	vst.idx.msk $0xffff, v51  }
0x45f: {  	v34 =	vor.u32 v59, v50;
	v51 =	vld.idx.msk [tilespmem:v35+s21+$0x0], $0xffff  }
0x460: {  	v53 =	vld [tilespmem:$0x1F7B0];
	v35 =	vor.u32 v56, v49;
	_ =	sdelay $0x3  }
0x461: {  	[tilespmem:v34+s28+$0x0] =	vst.idx.msk $0xffff, v51  }
0x462: {  	v34 =	vor.u32 v53, v50;
	v51 =	vld.idx.msk [tilespmem:v35+s21+$0x0], $0xffff  }
0x463: {  	v35 =	vor.u32 v63, v49  }
0x464: {  	v53 =	vld [tilespmem:$0x1F7C0];
	_ =	sdelay $0x2  }
0x465: {  	[tilespmem:v34+s28+$0x0] =	vst.idx.msk $0xffff, v51  }
0x466: {  	v52 =	vor.u32 v62, v50;
	v51 =	vld.idx.msk [tilespmem:v35+s21+$0x0], $0xffff  }
0x467: {  	v34 =	vor.u32 v53, v49;
	_ =	sdelay $0x3  }
0x468: {  	[tilespmem:v52+s28+$0x0] =	vst.idx.msk $0xffff, v51  }
0x469: {  	v35 =	vor.u32 v32, v50;
	v51 =	vld.idx.msk [tilespmem:v34+s21+$0x0], $0xffff  }
0x46a: {  	v34 =	vor.u32 v4, v49;
	_ =	sdelay $0x3  }
0x46b: {  	[tilespmem:v35+s28+$0x0] =	vst.idx.msk $0xffff, v51  }
0x46c: {  	v35 =	vor.u32 v33, v50;
	v51 =	vld.idx.msk [tilespmem:v34+s21+$0x0], $0xffff  }
0x46d: {  	v34 =	vor.u32 v5, v49;
	_ =	sdelay $0x3  }
0x46e: {  	[tilespmem:v35+s28+$0x0] =	vst.idx.msk $0xffff, v51  }
0x46f: {  	v35 =	vor.u32 v60, v50;
	v51 =	vld.idx.msk [tilespmem:v34+s21+$0x0], $0xffff  }
0x470: {  	v34 =	vor.u32 v6, v49;
	_ =	sdelay $0x3  }
0x471: {  	[tilespmem:v35+s28+$0x0] =	vst.idx.msk $0xffff, v51  }
0x472: {  	v35 =	vor.u32 v57, v50;
	v51 =	vld.idx.msk [tilespmem:v34+s21+$0x0], $0xffff  }
0x473: {  	v34 =	vor.u32 v7, v49;
	_ =	sdelay $0x3  }
0x474: {  	[tilespmem:v35+s28+$0x0] =	vst.idx.msk $0xffff, v51  }
0x475: {  	v35 =	vor.u32 v0, v50;
	v51 =	vld.idx.msk [tilespmem:v34+s21+$0x0], $0xffff  }
0x476: {  	v34 =	vor.u32 v1, v49;
	_ =	sdelay $0x3  }
0x477: {  	[tilespmem:v35+s28+$0x0] =	vst.idx.msk $0xffff, v51  }
0x478: {  	v35 =	vor.u32 v2, v50;
	v51 =	vld.idx.msk [tilespmem:v34+s21+$0x0], $0xffff  }
0x479: {  	v34 =	vor.u32 v3, v49;
	_ =	sdelay $0x3  }
0x47a: {  	[tilespmem:v35+s28+$0x0] =	vst.idx.msk $0xffff, v51;
	v35 =	vld [tilespmem:$0x1F810]  }
0x47b: {  	v51 =	vld.idx.msk [tilespmem:v34+s21+$0x0], $0xffff  }
0x47c: {  	v34 =	vld [tilespmem:$0x1F820];
	_ =	sdelay $0x3  }
0x47d: {  	v52 =	vor.u32 v35, v50  }
0x47e: {  	v35 =	vld [tilespmem:$0x1F830];
	v53 =	vor.u32 v34, v49  }
0x47f: {  	v34 =	vld [tilespmem:$0x1F840];
	_ =	sdelay $0x2  }
0x480: {  	[tilespmem:v52+s28+$0x0] =	vst.idx.msk $0xffff, v51  }
0x481: {  	v52 =	vor.u32 v35, v50;
	v51 =	vld.idx.msk [tilespmem:v53+s21+$0x0], $0xffff  }
0x482: {  	v35 =	vld [tilespmem:$0x1F850];
	v53 =	vor.u32 v34, v49  }
0x483: {  	v34 =	vld [tilespmem:$0x1F860];
	_ =	sdelay $0x2  }
0x484: {  	[tilespmem:v52+s28+$0x0] =	vst.idx.msk $0xffff, v51  }
0x485: {  	v52 =	vor.u32 v35, v50;
	v51 =	vld.idx.msk [tilespmem:v53+s21+$0x0], $0xffff  }
0x486: {  	v35 =	vld [tilespmem:$0x1F870];
	v53 =	vor.u32 v34, v49  }
0x487: {  	v34 =	vld [tilespmem:$0x1F880];
	_ =	sdelay $0x2  }
0x488: {  	[tilespmem:v52+s28+$0x0] =	vst.idx.msk $0xffff, v51  }
0x489: {  	v52 =	vor.u32 v35, v50;
	v51 =	vld.idx.msk [tilespmem:v53+s21+$0x0], $0xffff  }
0x48a: {  	v35 =	vld [tilespmem:$0x1F890];
	v53 =	vor.u32 v34, v49  }
0x48b: {  	v34 =	vld [tilespmem:$0x1FF70];
	_ =	sdelay $0x2  }
0x48c: {  	[tilespmem:v52+s28+$0x0] =	vst.idx.msk $0xffff, v51  }
0x48d: {  	v52 =	vor.u32 v35, v50;
	v51 =	vld.idx.msk [tilespmem:v53+s21+$0x0], $0xffff  }
0x48e: {  	v35 =	vld [tilespmem:$0x1F8A0];
	v53 =	vor.u32 v34, v49  }
0x48f: {  	v34 =	vld [tilespmem:$0x1FFA0];
	_ =	sdelay $0x2  }
0x490: {  	[tilespmem:v52+s28+$0x0] =	vst.idx.msk $0xffff, v51  }
0x491: {  	v52 =	vor.u32 v35, v50;
	v51 =	vld.idx.msk [tilespmem:v53+s21+$0x0], $0xffff  }
0x492: {  	v35 =	vld [tilespmem:$0x1F8B0];
	v53 =	vor.u32 v34, v49  }
0x493: {  	v34 =	vld [tilespmem:$0x1F6D0];
	_ =	sdelay $0x2  }
0x494: {  	[tilespmem:v52+s28+$0x0] =	vst.idx.msk $0xffff, v51  }
0x495: {  	v52 =	vor.u32 v35, v50;
	v51 =	vld.idx.msk [tilespmem:v53+s21+$0x0], $0xffff  }
0x496: {  	v35 =	vld [tilespmem:$0x1F900];
	v53 =	vor.u32 v34, v49  }
0x497: {  	v34 =	vld [tilespmem:$0x1F6E0];
	_ =	sdelay $0x2  }
0x498: {  	[tilespmem:v52+s28+$0x0] =	vst.idx.msk $0xffff, v51  }
0x499: {  	v52 =	vor.u32 v35, v50;
	v51 =	vld.idx.msk [tilespmem:v53+s21+$0x0], $0xffff  }
0x49a: {  	v35 =	vld [tilespmem:$0x1F950];
	v53 =	vor.u32 v34, v49  }
0x49b: {  	v34 =	vld [tilespmem:$0x1F6F0];
	_ =	sdelay $0x2  }
0x49c: {  	[tilespmem:v52+s28+$0x0] =	vst.idx.msk $0xffff, v51  }
0x49d: {  	v52 =	vor.u32 v35, v50;
	v51 =	vld.idx.msk [tilespmem:v53+s21+$0x0], $0xffff  }
0x49e: {  	v35 =	vld [tilespmem:$0x1F9A0];
	v53 =	vor.u32 v34, v49  }
0x49f: {  	v34 =	vld [tilespmem:$0x1F700];
	_ =	sdelay $0x2  }
0x4a0: {  	[tilespmem:v52+s28+$0x0] =	vst.idx.msk $0xffff, v51  }
0x4a1: {  	v52 =	vor.u32 v35, v50;
	v51 =	vld.idx.msk [tilespmem:v53+s21+$0x0], $0xffff  }
0x4a2: {  	v35 =	vld [tilespmem:$0x1F9B0];
	v53 =	vor.u32 v34, v49  }
0x4a3: {  	v34 =	vld [tilespmem:$0x1F710];
	_ =	sdelay $0x2  }
0x4a4: {  	[tilespmem:v52+s28+$0x0] =	vst.idx.msk $0xffff, v51  }
0x4a5: {  	v52 =	vor.u32 v35, v50;
	v51 =	vld.idx.msk [tilespmem:v53+s21+$0x0], $0xffff  }
0x4a6: {  	v35 =	vld [tilespmem:$0x1F9C0];
	v53 =	vor.u32 v34, v49  }
0x4a7: {  	v34 =	vld [tilespmem:$0x1F720];
	_ =	sdelay $0x2  }
0x4a8: {  	[tilespmem:v52+s28+$0x0] =	vst.idx.msk $0xffff, v51  }
0x4a9: {  	v52 =	vor.u32 v35, v50;
	v51 =	vld.idx.msk [tilespmem:v53+s21+$0x0], $0xffff  }
0x4aa: {  	v35 =	vld [tilespmem:$0x1F9D0];
	v53 =	vor.u32 v34, v49  }
0x4ab: {  	v34 =	vld [tilespmem:$0x1F730];
	_ =	sdelay $0x2  }
0x4ac: {  	[tilespmem:v52+s28+$0x0] =	vst.idx.msk $0xffff, v51  }
0x4ad: {  	v52 =	vor.u32 v35, v50;
	v51 =	vld.idx.msk [tilespmem:v53+s21+$0x0], $0xffff  }
0x4ae: {  	v35 =	vld [tilespmem:$0x1F9E0];
	v53 =	vor.u32 v34, v49  }
0x4af: {  	v34 =	vld [tilespmem:$0x1F740];
	_ =	sdelay $0x2  }
0x4b0: {  	[tilespmem:v52+s28+$0x0] =	vst.idx.msk $0xffff, v51  }
0x4b1: {  	v52 =	vor.u32 v35, v50;
	v51 =	vld.idx.msk [tilespmem:v53+s21+$0x0], $0xffff  }
0x4b2: {  	v35 =	vld [tilespmem:$0x1F9F0];
	v53 =	vor.u32 v34, v49  }
0x4b3: {  	v34 =	vld [tilespmem:$0x1F750];
	_ =	sdelay $0x2  }
0x4b4: {  	[tilespmem:v52+s28+$0x0] =	vst.idx.msk $0xffff, v51  }
0x4b5: {  	v52 =	vor.u32 v35, v50;
	v51 =	vld.idx.msk [tilespmem:v53+s21+$0x0], $0xffff  }
0x4b6: {  	v35 =	vld [tilespmem:$0x1FA00];
	v53 =	vor.u32 v34, v49  }
0x4b7: {  	v34 =	vld [tilespmem:$0x1F760];
	_ =	sdelay $0x2  }
0x4b8: {  	[tilespmem:v52+s28+$0x0] =	vst.idx.msk $0xffff, v51  }
0x4b9: {  	v52 =	vor.u32 v35, v50;
	v51 =	vld.idx.msk [tilespmem:v53+s21+$0x0], $0xffff  }
0x4ba: {  	v35 =	vld [tilespmem:$0x1FA10];
	v53 =	vor.u32 v34, v49  }
0x4bb: {  	v34 =	vld [tilespmem:$0x1F770];
	_ =	sdelay $0x2  }
0x4bc: {  	[tilespmem:v52+s28+$0x0] =	vst.idx.msk $0xffff, v51  }
0x4bd: {  	v52 =	vor.u32 v35, v50;
	v51 =	vld.idx.msk [tilespmem:v53+s21+$0x0], $0xffff  }
0x4be: {  	v35 =	vld [tilespmem:$0x1FA20];
	v53 =	vor.u32 v34, v49;
	_ =	sdelay $0x3  }
0x4bf: {  	[tilespmem:v52+s28+$0x0] =	vst.idx.msk $0xffff, v51  }
0x4c0: {  	v52 =	vor.u32 v35, v50;
	v51 =	vld.idx.msk [tilespmem:v53+s21+$0x0], $0xffff  }
0x4c1: {  	v34 =	vor.u32 v10, v49;
	v35 =	vld [tilespmem:$0x1FA30];
	_ =	sdelay $0x3  }
0x4c2: {  	[tilespmem:v52+s28+$0x0] =	vst.idx.msk $0xffff, v51  }
0x4c3: {  	v52 =	vor.u32 v35, v50;
	v51 =	vld.idx.msk [tilespmem:v34+s21+$0x0], $0xffff  }
0x4c4: {  	v35 =	vld [tilespmem:$0x1FA40];
	v34 =	vor.u32 v58, v49;
	_ =	sdelay $0x3  }
0x4c5: {  	[tilespmem:v52+s28+$0x0] =	vst.idx.msk $0xffff, v51  }
0x4c6: {  	v52 =	vor.u32 v35, v50;
	v51 =	vld.idx.msk [tilespmem:v34+s21+$0x0], $0xffff  }
0x4c7: {  	v35 =	vld [tilespmem:$0x1FA50];
	v34 =	vor.u32 v61, v49;
	_ =	sdelay $0x3  }
0x4c8: {  	[tilespmem:v52+s28+$0x0] =	vst.idx.msk $0xffff, v51  }
0x4c9: {  	v52 =	vor.u32 v35, v50;
	v51 =	vld.idx.msk [tilespmem:v34+s21+$0x0], $0xffff  }
0x4ca: {  	v35 =	vld [tilespmem:$0x1FA60];
	v34 =	vor.u32 v13, v49;
	_ =	sdelay $0x3  }
0x4cb: {  	[tilespmem:v52+s28+$0x0] =	vst.idx.msk $0xffff, v51  }
0x4cc: {  	v52 =	vor.u32 v35, v50;
	v51 =	vld.idx.msk [tilespmem:v34+s21+$0x0], $0xffff  }
0x4cd: {  	v35 =	vld [tilespmem:$0x1FA70];
	v34 =	vor.u32 v14, v49;
	_ =	sdelay $0x3  }
0x4ce: {  	[tilespmem:v52+s28+$0x0] =	vst.idx.msk $0xffff, v51  }
0x4cf: {  	v52 =	vor.u32 v35, v50;
	v51 =	vld.idx.msk [tilespmem:v34+s21+$0x0], $0xffff  }
0x4d0: {  	v35 =	vld [tilespmem:$0x1FA80];
	v34 =	vor.u32 v15, v49;
	_ =	sdelay $0x3  }
0x4d1: {  	[tilespmem:v52+s28+$0x0] =	vst.idx.msk $0xffff, v51  }
0x4d2: {  	v52 =	vor.u32 v35, v50;
	v51 =	vld.idx.msk [tilespmem:v34+s21+$0x0], $0xffff  }
0x4d3: {  	v35 =	vld [tilespmem:$0x1FA90];
	v34 =	vor.u32 v16, v49;
	_ =	sdelay $0x3  }
0x4d4: {  	[tilespmem:v52+s28+$0x0] =	vst.idx.msk $0xffff, v51  }
0x4d5: {  	v52 =	vor.u32 v35, v50;
	v51 =	vld.idx.msk [tilespmem:v34+s21+$0x0], $0xffff  }
0x4d6: {  	v35 =	vld [tilespmem:$0x1FAA0];
	v34 =	vor.u32 v17, v49;
	_ =	sdelay $0x3  }
0x4d7: {  	[tilespmem:v52+s28+$0x0] =	vst.idx.msk $0xffff, v51  }
0x4d8: {  	v52 =	vor.u32 v35, v50;
	v51 =	vld.idx.msk [tilespmem:v34+s21+$0x0], $0xffff  }
0x4d9: {  	v35 =	vld [tilespmem:$0x1FAB0];
	v34 =	vor.u32 v18, v49;
	_ =	sdelay $0x3  }
0x4da: {  	[tilespmem:v52+s28+$0x0] =	vst.idx.msk $0xffff, v51  }
0x4db: {  	v52 =	vor.u32 v35, v50;
	v51 =	vld.idx.msk [tilespmem:v34+s21+$0x0], $0xffff  }
0x4dc: {  	v35 =	vld [tilespmem:$0x1FAC0];
	v34 =	vor.u32 v19, v49;
	_ =	sdelay $0x3  }
0x4dd: {  	[tilespmem:v52+s28+$0x0] =	vst.idx.msk $0xffff, v51  }
0x4de: {  	v52 =	vor.u32 v35, v50;
	v51 =	vld.idx.msk [tilespmem:v34+s21+$0x0], $0xffff  }
0x4df: {  	v35 =	vld [tilespmem:$0x1FAD0];
	v34 =	vor.u32 v20, v49;
	_ =	sdelay $0x3  }
0x4e0: {  	[tilespmem:v52+s28+$0x0] =	vst.idx.msk $0xffff, v51  }
0x4e1: {  	v52 =	vor.u32 v35, v50;
	v51 =	vld.idx.msk [tilespmem:v34+s21+$0x0], $0xffff  }
0x4e2: {  	v35 =	vld [tilespmem:$0x1FAE0];
	v34 =	vor.u32 v21, v49;
	_ =	sdelay $0x3  }
0x4e3: {  	[tilespmem:v52+s28+$0x0] =	vst.idx.msk $0xffff, v51  }
0x4e4: {  	v52 =	vor.u32 v35, v50;
	v51 =	vld.idx.msk [tilespmem:v34+s21+$0x0], $0xffff  }
0x4e5: {  	v35 =	vld [tilespmem:$0x1FAF0];
	v34 =	vor.u32 v22, v49;
	_ =	sdelay $0x3  }
0x4e6: {  	[tilespmem:v52+s28+$0x0] =	vst.idx.msk $0xffff, v51  }
0x4e7: {  	v52 =	vor.u32 v35, v50;
	v51 =	vld.idx.msk [tilespmem:v34+s21+$0x0], $0xffff  }
0x4e8: {  	v35 =	vld [tilespmem:$0x1FB00];
	v34 =	vor.u32 v23, v49;
	_ =	sdelay $0x3  }
0x4e9: {  	[tilespmem:v52+s28+$0x0] =	vst.idx.msk $0xffff, v51  }
0x4ea: {  	v52 =	vor.u32 v35, v50;
	v51 =	vld.idx.msk [tilespmem:v34+s21+$0x0], $0xffff  }
0x4eb: {  	v35 =	vld [tilespmem:$0x1FB10];
	v34 =	vor.u32 v24, v49;
	_ =	sdelay $0x3  }
0x4ec: {  	[tilespmem:v52+s28+$0x0] =	vst.idx.msk $0xffff, v51  }
0x4ed: {  	v52 =	vor.u32 v35, v50;
	v51 =	vld.idx.msk [tilespmem:v34+s21+$0x0], $0xffff  }
0x4ee: {  	v35 =	vld [tilespmem:$0x1FB20];
	v34 =	vor.u32 v25, v49;
	_ =	sdelay $0x3  }
0x4ef: {  	[tilespmem:v52+s28+$0x0] =	vst.idx.msk $0xffff, v51  }
0x4f0: {  	v52 =	vor.u32 v35, v50;
	v51 =	vld.idx.msk [tilespmem:v34+s21+$0x0], $0xffff  }
0x4f1: {  	v35 =	vld [tilespmem:$0x1FB30];
	v34 =	vor.u32 v26, v49;
	_ =	sdelay $0x3  }
0x4f2: {  	[tilespmem:v52+s28+$0x0] =	vst.idx.msk $0xffff, v51  }
0x4f3: {  	v52 =	vor.u32 v35, v50;
	v51 =	vld.idx.msk [tilespmem:v34+s21+$0x0], $0xffff  }
0x4f4: {  	v35 =	vld [tilespmem:$0x1FB40];
	v34 =	vor.u32 v27, v49;
	_ =	sdelay $0x3  }
0x4f5: {  	[tilespmem:v52+s28+$0x0] =	vst.idx.msk $0xffff, v51  }
0x4f6: {  	v52 =	vor.u32 v35, v50;
	v51 =	vld.idx.msk [tilespmem:v34+s21+$0x0], $0xffff  }
0x4f7: {  	v35 =	vld [tilespmem:$0x1FB50];
	v34 =	vor.u32 v28, v49;
	_ =	sdelay $0x3  }
0x4f8: {  	[tilespmem:v52+s28+$0x0] =	vst.idx.msk $0xffff, v51  }
0x4f9: {  	v52 =	vor.u32 v35, v50;
	v51 =	vld.idx.msk [tilespmem:v34+s21+$0x0], $0xffff  }
0x4fa: {  	v35 =	vld [tilespmem:$0x1FB60];
	v34 =	vor.u32 v29, v49;
	_ =	sdelay $0x3  }
0x4fb: {  	[tilespmem:v52+s28+$0x0] =	vst.idx.msk $0xffff, v51  }
0x4fc: {  	v52 =	vor.u32 v35, v50;
	v51 =	vld.idx.msk [tilespmem:v34+s21+$0x0], $0xffff  }
0x4fd: {  	v35 =	vld [tilespmem:$0x1FB70];
	v34 =	vor.u32 v30, v49;
	_ =	sdelay $0x3  }
0x4fe: {  	[tilespmem:v52+s28+$0x0] =	vst.idx.msk $0xffff, v51  }
0x4ff: {  	v52 =	vor.u32 v35, v50;
	v51 =	vld.idx.msk [tilespmem:v34+s21+$0x0], $0xffff  }
0x500: {  	v35 =	vld [tilespmem:$0x1FB80];
	v34 =	vor.u32 v31, v49;
	_ =	sdelay $0x3  }
0x501: {  	[tilespmem:v52+s28+$0x0] =	vst.idx.msk $0xffff, v51  }
0x502: {  	v52 =	vor.u32 v35, v50;
	v51 =	vld.idx.msk [tilespmem:v34+s21+$0x0], $0xffff  }
0x503: {  	v35 =	vld [tilespmem:$0x1FB90];
	v34 =	vor.u32 v36, v49;
	_ =	sdelay $0x3  }
0x504: {  	[tilespmem:v52+s28+$0x0] =	vst.idx.msk $0xffff, v51  }
0x505: {  	v52 =	vor.u32 v35, v50;
	v51 =	vld.idx.msk [tilespmem:v34+s21+$0x0], $0xffff  }
0x506: {  	v35 =	vld [tilespmem:$0x1FBB0];
	v34 =	vor.u32 v37, v49;
	_ =	sdelay $0x3  }
0x507: {  	[tilespmem:v52+s28+$0x0] =	vst.idx.msk $0xffff, v51  }
0x508: {  	v52 =	vor.u32 v35, v50;
	v51 =	vld.idx.msk [tilespmem:v34+s21+$0x0], $0xffff  }
0x509: {  	v35 =	vld [tilespmem:$0x1FBD0];
	v34 =	vor.u32 v38, v49;
	_ =	sdelay $0x3  }
0x50a: {  	[tilespmem:v52+s28+$0x0] =	vst.idx.msk $0xffff, v51  }
0x50b: {  	v52 =	vor.u32 v35, v50;
	v51 =	vld.idx.msk [tilespmem:v34+s21+$0x0], $0xffff  }
0x50c: {  	v35 =	vld [tilespmem:$0x1FBF0];
	v34 =	vor.u32 v39, v49;
	_ =	sdelay $0x3  }
0x50d: {  	[tilespmem:v52+s28+$0x0] =	vst.idx.msk $0xffff, v51  }
0x50e: {  	v52 =	vor.u32 v35, v50;
	v51 =	vld.idx.msk [tilespmem:v34+s21+$0x0], $0xffff  }
0x50f: {  	v35 =	vld [tilespmem:$0x1FC10];
	v34 =	vor.u32 v40, v49;
	_ =	sdelay $0x3  }
0x510: {  	[tilespmem:v52+s28+$0x0] =	vst.idx.msk $0xffff, v51  }
0x511: {  	v52 =	vor.u32 v35, v50;
	v51 =	vld.idx.msk [tilespmem:v34+s21+$0x0], $0xffff  }
0x512: {  	v35 =	vld [tilespmem:$0x1FC20];
	v34 =	vor.u32 v41, v49;
	_ =	sdelay $0x3  }
0x513: {  	[tilespmem:v52+s28+$0x0] =	vst.idx.msk $0xffff, v51  }
0x514: {  	v52 =	vor.u32 v35, v50;
	v51 =	vld.idx.msk [tilespmem:v34+s21+$0x0], $0xffff  }
0x515: {  	v35 =	vld [tilespmem:$0x1FC30];
	v34 =	vor.u32 v42, v49;
	_ =	sdelay $0x3  }
0x516: {  	[tilespmem:v52+s28+$0x0] =	vst.idx.msk $0xffff, v51  }
0x517: {  	v52 =	vor.u32 v35, v50;
	v51 =	vld.idx.msk [tilespmem:v34+s21+$0x0], $0xffff  }
0x518: {  	v35 =	vld [tilespmem:$0x1FC40];
	v34 =	vor.u32 v43, v49;
	_ =	sdelay $0x3  }
0x519: {  	[tilespmem:v52+s28+$0x0] =	vst.idx.msk $0xffff, v51  }
0x51a: {  	v52 =	vor.u32 v35, v50;
	v51 =	vld.idx.msk [tilespmem:v34+s21+$0x0], $0xffff  }
0x51b: {  	v35 =	vld [tilespmem:$0x1FC60];
	v34 =	vor.u32 v44, v49;
	_ =	sdelay $0x3  }
0x51c: {  	[tilespmem:v52+s28+$0x0] =	vst.idx.msk $0xffff, v51  }
0x51d: {  	v52 =	vor.u32 v35, v50;
	v51 =	vld.idx.msk [tilespmem:v34+s21+$0x0], $0xffff  }
0x51e: {  	v35 =	vld [tilespmem:$0x1FC80];
	v34 =	vor.u32 v45, v49;
	_ =	sdelay $0x3  }
0x51f: {  	[tilespmem:v52+s28+$0x0] =	vst.idx.msk $0xffff, v51  }
0x520: {  	v52 =	vor.u32 v35, v50;
	v51 =	vld.idx.msk [tilespmem:v34+s21+$0x0], $0xffff  }
0x521: {  	v35 =	vld [tilespmem:$0x1FCA0];
	v34 =	vor.u32 v46, v49;
	_ =	sdelay $0x3  }
0x522: {  	[tilespmem:v52+s28+$0x0] =	vst.idx.msk $0xffff, v51  }
0x523: {  	v52 =	vor.u32 v35, v50;
	v51 =	vld.idx.msk [tilespmem:v34+s21+$0x0], $0xffff  }
0x524: {  	v34 =	vor.u32 v47, v49;
	_ =	sdelay $0x3  }
0x525: {  	[tilespmem:v52+s28+$0x0] =	vst.idx.msk $0xffff, v51  }
0x526: {  	v35 =	vor.u32 v8, v50;
	v51 =	vld.idx.msk [tilespmem:v34+s21+$0x0], $0xffff  }
0x527: {  	v49 =	vor.u32 v48, v49;
	_ =	sdelay $0x3  }
0x528: {  	[tilespmem:v35+s28+$0x0] =	vst.idx.msk $0xffff, v51  }
0x529: {  	p0 =	sne.s32 s3, $0x70;
	v50 =	vor.u32 v9, v50;
	v49 =	vld.idx.msk [tilespmem:v49+s21+$0x0], $0xffff  }
.Ltmp1:
0x52a: {  	_ = 	snop;
	(pc) =	sbr.rel @p0 .LBB2_6-.Ltmp1, $2  }
0x52b: {  	_ =	sdelay $0x2  }
0x52c: {  	s8 =	sadd.s32 $0x320, s8;
	s3 =	sadd.s32 $0x10, s3;
	s5 =	sadd.s32 $0x10, s5;
	[tilespmem:v50+s28+$0x0] =	vst.idx.msk $0xffff, v49  }
0x52d: {  	s14 =	sadd.s32 $0x1, s14  }
0x52e: {  	s3 =	smul.u32 $0x1C0000, s31;
	p0 =	sne.s32 s14, $0x19  }
.Ltmp2:
0x52f: {  	_ = 	snop;
	(pc) =	sbr.rel @p0 .LBB2_3-.Ltmp2, $4  }
0x530: {  	v53 =	vmov v8;
	v8 =	vld [tilespmem:$0x1FFB0];
	s3 =	sadd.s32 s7, s3  }
0x531: {  	s3 =	sshrl.u32 s3, $0x3  }
0x532: {  	s4 =	sadd.s32 $0x2, s4;
	s9 =	sadd.s32 $0x2, s9;
	s3 =	sadd.s32 s0, s3  }
0x533: {  	v52 =	vmov v9;
	[hbm4b:s3+s24] =	stream.strided.scatter [tilespmem:s28], [sflag:$0x4], $0x3800, s25, s24, $0x38;
	[tilespmem:$0x179D0] =	vst v63  }
0x534: {  	s2 =	sadd.s32 $0x1, s2  }
0x535: {  	_ =	swait.ge [sflag:s29], $0x3800;
	p0 =	sne.s32 s2, $0x4  }
.Ltmp3:
0x536: {  	[sflag:s29] =	ssyncset.done $0x0;
	(pc) =	sbr.rel @p0 .LBB2_2-.Ltmp3, $4  }
0x537: {  	[sflag:s29] =	ssyncadd.s32 $0xFFFFC800  }
0x538: {  	_ =	swait.ge [sflag:s30], $0x3800  }
0x539: {  	[sflag:s30] =	ssyncset.done $0x0  }
0x53a: {  	[sflag:s30] =	ssyncadd.s32 $0xFFFFC800  }
0x53b: {  	s3 =	rddreg [dreg:$0x9]  }
0x53c: {  	s2 =	rddreg [dreg:$0x8];
	s3 =	sadd.s32 $0x1, s3  }
0x53d: {  	p0 =	sne.s32 s3, s2  }
.Ltmp4:
0x53e: {  	_ = 	snop;
	(pc) =	sbr.rel @p0 .LBB2_1-.Ltmp4, $1  }
0x53f: {  	_ =	sdelay $0x3  }
0x540: {  	_ =	sfence.sel $0x180000  }
0x541: {  	[bflag:$0x0] =	sbarrier.arrive $0xFFFF  }
0x542: {  	_ =	strace $0x90000047  }
0x543: {  	s0 =	stileid.u32;
	[bflag:$0x2] =	sbarrier.arrive $0xFFFF  }
0x544: {  	p0 =	sne.s32 s0, $0x0;
	s0 =	rddreg [dreg:$0x2]  }
0x545: {  	s0 =	sadd.s32 @!p0 $0x100000, s0  }
0x546: {  	[sflag:s0] =	ssyncadd.tile.s32 @!p0 $0x1;
	_ =	shalt  }
.Lfunc_end2:
_tile_overlayer_lowered:
.L_overlay_start_2:
0x547: {  	(tag) =	ssettag $0x2  }
0x548: {  	s0 =	rddreg [dreg:$0x0];
	s2 =	stileid.u32  }
0x549: {  	s1 =	rddreg [dreg:$0x1];
	p0 =	sne.s32 s2, $0x0  }
0x54a: {  	s3 =	rddreg [dreg:$0x2];
	[bflag:$0x3] =	sbarrier.arrive $0xFFFF;
	s2 =	simm.s32 @!p0 $0x1C05  }
0x54b: {  	[timem:s3], [sflag:s2] =	dma.local @!p0 [hbm:s0], s1  }
0x54c: {  	s0 =	simm.s32 @!p0 $0x5  }
0x54d: {  	_ =	swait.ge @!p0 [sflag:s0], s1  }
0x54e: {  	s1 =	ssub.s32 @!p0 $0x0, s1;
	[sflag:s0] =	ssyncset.done @!p0 $0x0  }
0x54f: {  	[sflag:s0] =	ssyncadd.s32 @!p0 s1  }
0x550: {  	[bflag:$0x3] =	sbarrier.arrive $0xFFFF  }
0x551: {  	_ =	shalt  }

</sc_bundles>
